<compile_context>
chip_gen: v7x
topology: tpu7x:2x2x1
jax: 0.10.2.dev20260603
libtpu: 0.0.44.dev20260713+nightly
codegen_flags: <defaults>
</compile_context>

<pallas_src>
import functools

import jax
import jax.numpy as jnp
from jax import lax
from jax.experimental import pallas as pl
from jax.experimental.pallas import tpu as pltpu
from jax.experimental.pallas import tpu_sc as plsc

N = 10000
D = 128
OUT = 128
E = 320000

NC = 2
NS = 16
NW = NC * NS
C = 128

E3 = 3 * E
CHUNKS_PER_W = 236
EPW = CHUNKS_PER_W * C
ET = EPW * NW
NP = 10240
ROWS_PER_TILE = NP // NS


def _mm_body(x_ref, wt_ref, o_ref):
    o_ref[0] = jnp.dot(x_ref[...], wt_ref[0], preferred_element_type=jnp.float32)


def _make_table(x, wt):
    bn = 1000
    return pl.pallas_call(
        _mm_body,
        grid=(2, N // bn),
        in_specs=[
            pl.BlockSpec((bn, D), lambda w, i: (i, 0)),
            pl.BlockSpec((1, D, OUT), lambda w, i: (w, 0, 0)),
        ],
        out_specs=pl.BlockSpec((1, bn, OUT), lambda w, i: (w, i, 0)),
        out_shape=jax.ShapeDtypeStruct((2, N, OUT), jnp.float32),
    )(x, wt)


def _fin_body(p_ref, b_ref, o_ref):
    o_ref[...] = jnp.maximum(p_ref[0] + p_ref[1] + b_ref[...], 0.0)


def _finish(part, bias2d):
    bn = 1000
    return pl.pallas_call(
        _fin_body,
        grid=(N // bn,),
        in_specs=[
            pl.BlockSpec((2, bn, OUT), lambda i: (0, i, 0)),
            pl.BlockSpec((1, OUT), lambda i: (0, 0)),
        ],
        out_specs=pl.BlockSpec((bn, OUT), lambda i: (i, 0)),
        out_shape=jax.ShapeDtypeStruct((N, OUT), jnp.float32),
    )(part, bias2d)


def _sc_body(table_hbm, dst_hbm, src_hbm, val_hbm, part_hbm,
             dstv0, srcv0, valv0, dstv1, srcv1, valv1,
             rows0, rows1, acc, semg0, semg1, semi0, semi1):
    c = lax.axis_index("c")
    s = lax.axis_index("s")
    wid = c * NS + s

    def zrow(i, carry):
        for j in range(8):
            rows0[i, pl.ds(16 * j, 16)] = jnp.zeros((16,), jnp.float32)
        return carry
    lax.fori_loop(0, C, zrow, 0)
    for k in range(ROWS_PER_TILE // C):
        pltpu.sync_copy(rows0,
                        acc.at[pl.ds(ROWS_PER_TILE * s + C * k, C)])
    plsc.subcore_barrier()

    base0 = wid * EPW

    def load_idx(k, dstv, srcv, valv, semi):
        base = base0 + k * C
        pltpu.async_copy(dst_hbm.at[pl.ds(base, C)], dstv, semi)
        pltpu.async_copy(src_hbm.at[pl.ds(base, C)], srcv, semi)
        pltpu.async_copy(val_hbm.at[pl.ds(base, C)], valv, semi)

    def wait_idx(dstv, srcv, valv, semi):
        pltpu.make_async_copy(dst_hbm.at[pl.ds(0, C)], dstv, semi).wait()
        pltpu.make_async_copy(src_hbm.at[pl.ds(0, C)], srcv, semi).wait()
        pltpu.make_async_copy(val_hbm.at[pl.ds(0, C)], valv, semi).wait()

    def scale_scatter(rows, dstv, valv):
        def scale(g, cc):
            vvec = valv[pl.ds(16 * g, 16)]
            for l in range(16):
                vv = jnp.take_along_axis(
                    vvec, jnp.full((16,), l, jnp.int32), axis=0)
                i = 16 * g + l
                for j in range(8):
                    sl = pl.ds(16 * j, 16)
                    rows[i, sl] = rows[i, sl] * vv
            return cc
        lax.fori_loop(0, C // 16, scale, 0)
        pltpu.sync_copy(rows, acc.at[dstv], add=True)

    load_idx(0, dstv0, srcv0, valv0, semi0)
    wait_idx(dstv0, srcv0, valv0, semi0)
    pltpu.async_copy(table_hbm.at[srcv0], rows0, semg0)
    load_idx(1, dstv1, srcv1, valv1, semi1)
    wait_idx(dstv1, srcv1, valv1, semi1)
    pltpu.async_copy(table_hbm.at[srcv1], rows1, semg1)

    def pair(i, carry):
        k = 2 * i
        pltpu.make_async_copy(table_hbm.at[srcv0], rows0, semg0).wait()
        scale_scatter(rows0, dstv0, valv0)

        @pl.when(k + 2 < CHUNKS_PER_W)
        def _():
            load_idx(k + 2, dstv0, srcv0, valv0, semi0)
            wait_idx(dstv0, srcv0, valv0, semi0)
            pltpu.async_copy(table_hbm.at[srcv0], rows0, semg0)

        pltpu.make_async_copy(table_hbm.at[srcv1], rows1, semg1).wait()
        scale_scatter(rows1, dstv1, valv1)

        @pl.when(k + 3 < CHUNKS_PER_W)
        def _():
            load_idx(k + 3, dstv1, srcv1, valv1, semi1)
            wait_idx(dstv1, srcv1, valv1, semi1)
            pltpu.async_copy(table_hbm.at[srcv1], rows1, semg1)
        return carry
    lax.fori_loop(0, CHUNKS_PER_W // 2, pair, 0)
    plsc.subcore_barrier()

    pltpu.sync_copy(acc.at[pl.ds(ROWS_PER_TILE * s, ROWS_PER_TILE)],
                    part_hbm.at[c, pl.ds(ROWS_PER_TILE * s, ROWS_PER_TILE)])


_sc_spmm = pl.kernel(
    _sc_body,
    out_type=jax.ShapeDtypeStruct((2, NP, OUT), jnp.float32),
    mesh=plsc.VectorSubcoreMesh(core_axis_name="c", subcore_axis_name="s"),
    scratch_types=[
        pltpu.VMEM((C,), jnp.int32),
        pltpu.VMEM((C,), jnp.int32),
        pltpu.VMEM((C,), jnp.float32),
        pltpu.VMEM((C,), jnp.int32),
        pltpu.VMEM((C,), jnp.int32),
        pltpu.VMEM((C,), jnp.float32),
        pltpu.VMEM((C, OUT), jnp.float32),
        pltpu.VMEM((C, OUT), jnp.float32),
        pltpu.VMEM_SHARED((NP, OUT), jnp.float32),
        pltpu.SemaphoreType.DMA,
        pltpu.SemaphoreType.DMA,
        pltpu.SemaphoreType.DMA,
        pltpu.SemaphoreType.DMA,
    ],
)


def kernel(x, L_hgnn_idx, L_hgnn_val, L_sym_idx, L_sym_val, L_rw_idx, L_rw_val,
           W_weight, W_bias):
    wt = jnp.stack([W_weight[:, :D].T, 0.5 * W_weight[:, D:].T])
    table = _make_table(x, wt).reshape(2 * N, OUT)

    pad = ET - E3
    dst = jnp.concatenate([
        L_hgnn_idx[0], L_sym_idx[0], L_rw_idx[0],
        jnp.zeros((pad,), jnp.int32)])
    src = jnp.concatenate([
        L_hgnn_idx[1], L_sym_idx[1] + N, L_rw_idx[1] + N,
        jnp.zeros((pad,), jnp.int32)])
    val = jnp.concatenate([
        L_hgnn_val, L_sym_val, L_rw_val,
        jnp.zeros((pad,), jnp.float32)])

    part = _sc_spmm(table, dst, src, val)
    return _finish(part, W_bias.reshape(1, OUT))

# --- scband reference (transcript-rebuilt; emitter-appended) ---
"""Pipeline reference for scband-hgspectral-net-67619965108638 (READ-ONLY COPY).

The authoritative reference and input builder live on the scoring server;
editing this copy changes nothing except your own understanding.
"""

import jax, jax.numpy as jnp
import numpy as np

N = 10000
E = 320000
D = 128
OUT = 128


def spmm(idx, val, x):
    # sparse (COO) matmul: rows=idx[0], cols=idx[1]
    gathered = x[idx[1]] * val[:, None]
    return jax.ops.segment_sum(gathered, idx[0], num_segments=x.shape[0])


def setup_inputs(seed: int = 0) -> dict:
    key = jax.random.key(seed)
    ks = jax.random.split(key, 10)
    x = jax.random.normal(ks[0], (N, D), dtype=jnp.float32)
    L_hgnn_idx = jax.random.randint(ks[1], (2, E), 0, N, dtype=jnp.int32)
    L_hgnn_val = jax.random.uniform(ks[2], (E,), dtype=jnp.float32)
    L_sym_idx = jax.random.randint(ks[3], (2, E), 0, N, dtype=jnp.int32)
    L_sym_val = jax.random.uniform(ks[4], (E,), dtype=jnp.float32)
    L_rw_idx = jax.random.randint(ks[5], (2, E), 0, N, dtype=jnp.int32)
    L_rw_val = jax.random.uniform(ks[6], (E,), dtype=jnp.float32)
    # nn.Linear(in_channels*2, out_channels) params: weight [OUT, 2*D], bias [OUT]
    bound = 1.0 / np.sqrt(2 * D)
    W_weight = jax.random.uniform(ks[7], (OUT, 2 * D), dtype=jnp.float32, minval=-bound, maxval=bound)
    W_bias = jax.random.uniform(ks[8], (OUT,), dtype=jnp.float32, minval=-bound, maxval=bound)
    return {"x": x, "L_hgnn_idx": L_hgnn_idx, "L_hgnn_val": L_hgnn_val,
            "L_sym_idx": L_sym_idx, "L_sym_val": L_sym_val,
            "L_rw_idx": L_rw_idx, "L_rw_val": L_rw_val,
            "W_weight": W_weight, "W_bias": W_bias}


def reference(x, L_hgnn_idx, L_hgnn_val, L_sym_idx, L_sym_val, L_rw_idx, L_rw_val, W_weight, W_bias):
    X_hgnn = spmm(L_hgnn_idx, L_hgnn_val, x)
    X_sym = spmm(L_sym_idx, L_sym_val, x)
    X_rw = spmm(L_rw_idx, L_rw_val, x)
    X_sym_rw = (X_sym + X_rw) / 2.0
    X_spectral = jnp.concatenate([X_hgnn, X_sym_rw], axis=1)
    X = jax.nn.relu(X_spectral @ W_weight.T + W_bias)
    # dropout is identity in eval mode
    return X

if __name__ == "__main__":
    import jax
    _d = setup_inputs()
    print(jax.jit(kernel)(*tuple(_d.values())))

</pallas_src>

<mosaic_0001>
#map = affine_map<(d0, d1) -> (0, 0)>
#map1 = affine_map<(d0, d1) -> (0)>
#map2 = affine_map<(d0, d1) -> (0, 0, 0)>
module attributes {stable_mosaic.version = 14 : i64} {
  func.func @_sc_body(%arg0: i32, %arg1: i32, %arg2: memref<20000x128xf32, #tpu.memory_space<hbm>>, %arg3: memref<966656xi32, #tpu.memory_space<hbm>>, %arg4: memref<966656xi32, #tpu.memory_space<hbm>>, %arg5: memref<966656xf32, #tpu.memory_space<hbm>>, %arg6: memref<2x10240x128xf32, #tpu.memory_space<hbm>>, %arg7: memref<128xi32, #tpu.memory_space<vmem>>, %arg8: memref<128xi32, #tpu.memory_space<vmem>>, %arg9: memref<128xf32, #tpu.memory_space<vmem>>, %arg10: memref<128xi32, #tpu.memory_space<vmem>>, %arg11: memref<128xi32, #tpu.memory_space<vmem>>, %arg12: memref<128xf32, #tpu.memory_space<vmem>>, %arg13: memref<128x128xf32, #tpu.memory_space<vmem>>, %arg14: memref<128x128xf32, #tpu.memory_space<vmem>>, %arg15: memref<10240x128xf32, #tpu.memory_space<vmem_shared>>, %arg16: memref<!tpu.dma_semaphore, #tpu.memory_space<semaphore_mem>>, %arg17: memref<!tpu.dma_semaphore, #tpu.memory_space<semaphore_mem>>, %arg18: memref<!tpu.dma_semaphore, #tpu.memory_space<semaphore_mem>>, %arg19: memref<!tpu.dma_semaphore, #tpu.memory_space<semaphore_mem>>) attributes {dimension_semantics = [#tpu.dimension_semantics<core_parallel>, #tpu.dimension_semantics<subcore_parallel>], iteration_bounds = array<i64: 2, 16>, scalar_prefetch = 0 : i64, scratch_operands = 13 : i64, tpu.core_type = #tpu.core_type<sc_vector_subcore>, window_params = [{transform_indices = #map}, {transform_indices = #map1}, {transform_indices = #map1}, {transform_indices = #map1}, {transform_indices = #map2}]} {
    %mul3A = arith.constant 16 : i32
    %mul3A_0 = arith.muli %arg0, %mul3A : i32
    %add3A = arith.addi %mul3A_0, %arg1 : i32
    %scan3A = arith.constant 0 : i32
    %scan3A_1 = arith.constant 0 : i32
    %scan3A_2 = arith.constant 128 : i32
    %scan3A_3 = arith.addi %scan3A_1, %scan3A_2 : i32
    %scan3A_4 = arith.constant 1 : i32
    scf.for %scan3A_83 = %scan3A_1 to %scan3A_3 step %scan3A_4  : i32 {
      %broadcast_in_dim3A = arith.constant 0.000000e+00 : f32
      %broadcast_in_dim3A_84 = vector.broadcast %broadcast_in_dim3A : f32 to vector<16xf32>
      %swap3A = arith.index_cast %scan3A_83 : i32 to index
      %swap3A_85 = arith.constant 0 : index
      %swap3A_86 = tpu.vector_load %arg13[%swap3A, %swap3A_85] {strides = array<i32>} : memref<128x128xf32, #tpu.memory_space<vmem>>, vector<1x16xf32>,
      %swap3A_87 = vector.shape_cast %swap3A_86 : vector<1x16xf32> to vector<16xf32>
      %swap3A_88 = vector.shape_cast %broadcast_in_dim3A_84 : vector<16xf32> to vector<1x16xf32>
      tpu.vector_store %arg13[%swap3A, %swap3A_85], %swap3A_88 {strides = array<i32>} : memref<128x128xf32, #tpu.memory_space<vmem>>, vector<1x16xf32>,
      %broadcast_in_dim3A_89 = arith.constant 0.000000e+00 : f32
      %broadcast_in_dim3A_90 = vector.broadcast %broadcast_in_dim3A_89 : f32 to vector<16xf32>
      %swap3A_91 = arith.index_cast %scan3A_83 : i32 to index
      %swap3A_92 = arith.constant 16 : index
      %swap3A_93 = tpu.vector_load %arg13[%swap3A_91, %swap3A_92] {strides = array<i32>} : memref<128x128xf32, #tpu.memory_space<vmem>>, vector<1x16xf32>,
      %swap3A_94 = vector.shape_cast %swap3A_93 : vector<1x16xf32> to vector<16xf32>
      %swap3A_95 = vector.shape_cast %broadcast_in_dim3A_90 : vector<16xf32> to vector<1x16xf32>
      tpu.vector_store %arg13[%swap3A_91, %swap3A_92], %swap3A_95 {strides = array<i32>} : memref<128x128xf32, #tpu.memory_space<vmem>>, vector<1x16xf32>,
      %broadcast_in_dim3A_96 = arith.constant 0.000000e+00 : f32
      %broadcast_in_dim3A_97 = vector.broadcast %broadcast_in_dim3A_96 : f32 to vector<16xf32>
      %swap3A_98 = arith.index_cast %scan3A_83 : i32 to index
      %swap3A_99 = arith.constant 32 : index
      %swap3A_100 = tpu.vector_load %arg13[%swap3A_98, %swap3A_99] {strides = array<i32>} : memref<128x128xf32, #tpu.memory_space<vmem>>, vector<1x16xf32>,
      %swap3A_101 = vector.shape_cast %swap3A_100 : vector<1x16xf32> to vector<16xf32>
      %swap3A_102 = vector.shape_cast %broadcast_in_dim3A_97 : vector<16xf32> to vector<1x16xf32>
      tpu.vector_store %arg13[%swap3A_98, %swap3A_99], %swap3A_102 {strides = array<i32>} : memref<128x128xf32, #tpu.memory_space<vmem>>, vector<1x16xf32>,
      %broadcast_in_dim3A_103 = arith.constant 0.000000e+00 : f32
      %broadcast_in_dim3A_104 = vector.broadcast %broadcast_in_dim3A_103 : f32 to vector<16xf32>
      %swap3A_105 = arith.index_cast %scan3A_83 : i32 to index
      %swap3A_106 = arith.constant 48 : index
      %swap3A_107 = tpu.vector_load %arg13[%swap3A_105, %swap3A_106] {strides = array<i32>} : memref<128x128xf32, #tpu.memory_space<vmem>>, vector<1x16xf32>,
      %swap3A_108 = vector.shape_cast %swap3A_107 : vector<1x16xf32> to vector<16xf32>
      %swap3A_109 = vector.shape_cast %broadcast_in_dim3A_104 : vector<16xf32> to vector<1x16xf32>
      tpu.vector_store %arg13[%swap3A_105, %swap3A_106], %swap3A_109 {strides = array<i32>} : memref<128x128xf32, #tpu.memory_space<vmem>>, vector<1x16xf32>,
      %broadcast_in_dim3A_110 = arith.constant 0.000000e+00 : f32
      %broadcast_in_dim3A_111 = vector.broadcast %broadcast_in_dim3A_110 : f32 to vector<16xf32>
      %swap3A_112 = arith.index_cast %scan3A_83 : i32 to index
      %swap3A_113 = arith.constant 64 : index
      %swap3A_114 = tpu.vector_load %arg13[%swap3A_112, %swap3A_113] {strides = array<i32>} : memref<128x128xf32, #tpu.memory_space<vmem>>, vector<1x16xf32>,
      %swap3A_115 = vector.shape_cast %swap3A_114 : vector<1x16xf32> to vector<16xf32>
      %swap3A_116 = vector.shape_cast %broadcast_in_dim3A_111 : vector<16xf32> to vector<1x16xf32>
      tpu.vector_store %arg13[%swap3A_112, %swap3A_113], %swap3A_116 {strides = array<i32>} : memref<128x128xf32, #tpu.memory_space<vmem>>, vector<1x16xf32>,
      %broadcast_in_dim3A_117 = arith.constant 0.000000e+00 : f32
      %broadcast_in_dim3A_118 = vector.broadcast %broadcast_in_dim3A_117 : f32 to vector<16xf32>
      %swap3A_119 = arith.index_cast %scan3A_83 : i32 to index
      %swap3A_120 = arith.constant 80 : index
      %swap3A_121 = tpu.vector_load %arg13[%swap3A_119, %swap3A_120] {strides = array<i32>} : memref<128x128xf32, #tpu.memory_space<vmem>>, vector<1x16xf32>,
      %swap3A_122 = vector.shape_cast %swap3A_121 : vector<1x16xf32> to vector<16xf32>
      %swap3A_123 = vector.shape_cast %broadcast_in_dim3A_118 : vector<16xf32> to vector<1x16xf32>
      tpu.vector_store %arg13[%swap3A_119, %swap3A_120], %swap3A_123 {strides = array<i32>} : memref<128x128xf32, #tpu.memory_space<vmem>>, vector<1x16xf32>,
      %broadcast_in_dim3A_124 = arith.constant 0.000000e+00 : f32
      %broadcast_in_dim3A_125 = vector.broadcast %broadcast_in_dim3A_124 : f32 to vector<16xf32>
      %swap3A_126 = arith.index_cast %scan3A_83 : i32 to index
      %swap3A_127 = arith.constant 96 : index
      %swap3A_128 = tpu.vector_load %arg13[%swap3A_126, %swap3A_127] {strides = array<i32>} : memref<128x128xf32, #tpu.memory_space<vmem>>, vector<1x16xf32>,
      %swap3A_129 = vector.shape_cast %swap3A_128 : vector<1x16xf32> to vector<16xf32>
      %swap3A_130 = vector.shape_cast %broadcast_in_dim3A_125 : vector<16xf32> to vector<1x16xf32>
      tpu.vector_store %arg13[%swap3A_126, %swap3A_127], %swap3A_130 {strides = array<i32>} : memref<128x128xf32, #tpu.memory_space<vmem>>, vector<1x16xf32>,
      %broadcast_in_dim3A_131 = arith.constant 0.000000e+00 : f32
      %broadcast_in_dim3A_132 = vector.broadcast %broadcast_in_dim3A_131 : f32 to vector<16xf32>
      %swap3A_133 = arith.index_cast %scan3A_83 : i32 to index
      %swap3A_134 = arith.constant 112 : index
      %swap3A_135 = tpu.vector_load %arg13[%swap3A_133, %swap3A_134] {strides = array<i32>} : memref<128x128xf32, #tpu.memory_space<vmem>>, vector<1x16xf32>,
      %swap3A_136 = vector.shape_cast %swap3A_135 : vector<1x16xf32> to vector<16xf32>
      %swap3A_137 = vector.shape_cast %broadcast_in_dim3A_132 : vector<16xf32> to vector<1x16xf32>
      tpu.vector_store %arg13[%swap3A_133, %swap3A_134], %swap3A_137 {strides = array<i32>} : memref<128x128xf32, #tpu.memory_space<vmem>>, vector<1x16xf32>,
    }
    %scan3A_5 = arith.constant 128 : i32
    %mul3A_6 = arith.constant 640 : i32
    %mul3A_7 = arith.muli %mul3A_6, %arg1 : i32
    %add3A_8 = arith.constant 0 : i32
    %add3A_9 = arith.addi %mul3A_7, %add3A_8 : i32
    "tpu.region"() ({
      %run_scoped3A = tpu.sem_alloc : memref<!tpu.dma_semaphore, #tpu.memory_space<semaphore_mem>>
      %dma_start3A_83 = arith.constant 0 : i32
      %dma_start3A_84 = tpu.memref_slice %arg15[%add3A_9, %dma_start3A_83] : memref<10240x128xf32, #tpu.memory_space<vmem_shared>> -> memref<128x128xf32, #tpu.memory_space<vmem_shared>>
      %dma_start3A_85 = arith.constant 0 : i32
      %dma_start3A_86 = tpu.memref_slice %arg15[%add3A_9, %dma_start3A_85] : memref<10240x128xf32, #tpu.memory_space<vmem_shared>> -> memref<128x128xf32, #tpu.memory_space<vmem_shared>>
      tpu.enqueue_dma source(%arg13 : memref<128x128xf32, #tpu.memory_space<vmem>>) target(%dma_start3A_86 : memref<128x128xf32, #tpu.memory_space<vmem_shared>>) target_semaphore(%run_scoped3A : memref<!tpu.dma_semaphore, #tpu.memory_space<semaphore_mem>>)
      %dma_wait3A_87 = arith.constant 0 : i32
      %dma_wait3A_88 = tpu.memref_slice %arg15[%add3A_9, %dma_wait3A_87] : memref<10240x128xf32, #tpu.memory_space<vmem_shared>> -> memref<128x128xf32, #tpu.memory_space<vmem_shared>>
      %dma_wait3A_89 = arith.constant 0 : i32
      %dma_wait3A_90 = tpu.memref_slice %arg15[%add3A_9, %dma_wait3A_89] : memref<10240x128xf32, #tpu.memory_space<vmem_shared>> -> memref<128x128xf32, #tpu.memory_space<vmem_shared>>
      tpu.wait_dma2 semaphore(%run_scoped3A : memref<!tpu.dma_semaphore, #tpu.memory_space<semaphore_mem>>) src(%arg13 : memref<128x128xf32, #tpu.memory_space<vmem>>) dst(%dma_wait3A_90 : memref<128x128xf32, #tpu.memory_space<vmem_shared>>)
      tpu.yield
    }) : () -> ()
    %mul3A_10 = arith.constant 640 : i32
    %mul3A_11 = arith.muli %mul3A_10, %arg1 : i32
    %add3A_12 = arith.constant 128 : i32
    %add3A_13 = arith.addi %mul3A_11, %add3A_12 : i32
    "tpu.region"() ({
      %run_scoped3A = tpu.sem_alloc : memref<!tpu.dma_semaphore, #tpu.memory_space<semaphore_mem>>
      %dma_start3A_83 = arith.constant 0 : i32
      %dma_start3A_84 = tpu.memref_slice %arg15[%add3A_13, %dma_start3A_83] : memref<10240x128xf32, #tpu.memory_space<vmem_shared>> -> memref<128x128xf32, #tpu.memory_space<vmem_shared>>
      %dma_start3A_85 = arith.constant 0 : i32
      %dma_start3A_86 = tpu.memref_slice %arg15[%add3A_13, %dma_start3A_85] : memref<10240x128xf32, #tpu.memory_space<vmem_shared>> -> memref<128x128xf32, #tpu.memory_space<vmem_shared>>
      tpu.enqueue_dma source(%arg13 : memref<128x128xf32, #tpu.memory_space<vmem>>) target(%dma_start3A_86 : memref<128x128xf32, #tpu.memory_space<vmem_shared>>) target_semaphore(%run_scoped3A : memref<!tpu.dma_semaphore, #tpu.memory_space<semaphore_mem>>)
      %dma_wait3A_87 = arith.constant 0 : i32
      %dma_wait3A_88 = tpu.memref_slice %arg15[%add3A_13, %dma_wait3A_87] : memref<10240x128xf32, #tpu.memory_space<vmem_shared>> -> memref<128x128xf32, #tpu.memory_space<vmem_shared>>
      %dma_wait3A_89 = arith.constant 0 : i32
      %dma_wait3A_90 = tpu.memref_slice %arg15[%add3A_13, %dma_wait3A_89] : memref<10240x128xf32, #tpu.memory_space<vmem_shared>> -> memref<128x128xf32, #tpu.memory_space<vmem_shared>>
      tpu.wait_dma2 semaphore(%run_scoped3A : memref<!tpu.dma_semaphore, #tpu.memory_space<semaphore_mem>>) src(%arg13 : memref<128x128xf32, #tpu.memory_space<vmem>>) dst(%dma_wait3A_90 : memref<128x128xf32, #tpu.memory_space<vmem_shared>>)
      tpu.yield
    }) : () -> ()
    %mul3A_14 = arith.constant 640 : i32
    %mul3A_15 = arith.muli %mul3A_14, %arg1 : i32
    %add3A_16 = arith.constant 256 : i32
    %add3A_17 = arith.addi %mul3A_15, %add3A_16 : i32
    "tpu.region"() ({
      %run_scoped3A = tpu.sem_alloc : memref<!tpu.dma_semaphore, #tpu.memory_space<semaphore_mem>>
      %dma_start3A_83 = arith.constant 0 : i32
      %dma_start3A_84 = tpu.memref_slice %arg15[%add3A_17, %dma_start3A_83] : memref<10240x128xf32, #tpu.memory_space<vmem_shared>> -> memref<128x128xf32, #tpu.memory_space<vmem_shared>>
      %dma_start3A_85 = arith.constant 0 : i32
      %dma_start3A_86 = tpu.memref_slice %arg15[%add3A_17, %dma_start3A_85] : memref<10240x128xf32, #tpu.memory_space<vmem_shared>> -> memref<128x128xf32, #tpu.memory_space<vmem_shared>>
      tpu.enqueue_dma source(%arg13 : memref<128x128xf32, #tpu.memory_space<vmem>>) target(%dma_start3A_86 : memref<128x128xf32, #tpu.memory_space<vmem_shared>>) target_semaphore(%run_scoped3A : memref<!tpu.dma_semaphore, #tpu.memory_space<semaphore_mem>>)
      %dma_wait3A_87 = arith.constant 0 : i32
      %dma_wait3A_88 = tpu.memref_slice %arg15[%add3A_17, %dma_wait3A_87] : memref<10240x128xf32, #tpu.memory_space<vmem_shared>> -> memref<128x128xf32, #tpu.memory_space<vmem_shared>>
      %dma_wait3A_89 = arith.constant 0 : i32
      %dma_wait3A_90 = tpu.memref_slice %arg15[%add3A_17, %dma_wait3A_89] : memref<10240x128xf32, #tpu.memory_space<vmem_shared>> -> memref<128x128xf32, #tpu.memory_space<vmem_shared>>
      tpu.wait_dma2 semaphore(%run_scoped3A : memref<!tpu.dma_semaphore, #tpu.memory_space<semaphore_mem>>) src(%arg13 : memref<128x128xf32, #tpu.memory_space<vmem>>) dst(%dma_wait3A_90 : memref<128x128xf32, #tpu.memory_space<vmem_shared>>)
      tpu.yield
    }) : () -> ()
    %mul3A_18 = arith.constant 640 : i32
    %mul3A_19 = arith.muli %mul3A_18, %arg1 : i32
    %add3A_20 = arith.constant 384 : i32
    %add3A_21 = arith.addi %mul3A_19, %add3A_20 : i32
    "tpu.region"() ({
      %run_scoped3A = tpu.sem_alloc : memref<!tpu.dma_semaphore, #tpu.memory_space<semaphore_mem>>
      %dma_start3A_83 = arith.constant 0 : i32
      %dma_start3A_84 = tpu.memref_slice %arg15[%add3A_21, %dma_start3A_83] : memref<10240x128xf32, #tpu.memory_space<vmem_shared>> -> memref<128x128xf32, #tpu.memory_space<vmem_shared>>
      %dma_start3A_85 = arith.constant 0 : i32
      %dma_start3A_86 = tpu.memref_slice %arg15[%add3A_21, %dma_start3A_85] : memref<10240x128xf32, #tpu.memory_space<vmem_shared>> -> memref<128x128xf32, #tpu.memory_space<vmem_shared>>
      tpu.enqueue_dma source(%arg13 : memref<128x128xf32, #tpu.memory_space<vmem>>) target(%dma_start3A_86 : memref<128x128xf32, #tpu.memory_space<vmem_shared>>) target_semaphore(%run_scoped3A : memref<!tpu.dma_semaphore, #tpu.memory_space<semaphore_mem>>)
      %dma_wait3A_87 = arith.constant 0 : i32
      %dma_wait3A_88 = tpu.memref_slice %arg15[%add3A_21, %dma_wait3A_87] : memref<10240x128xf32, #tpu.memory_space<vmem_shared>> -> memref<128x128xf32, #tpu.memory_space<vmem_shared>>
      %dma_wait3A_89 = arith.constant 0 : i32
      %dma_wait3A_90 = tpu.memref_slice %arg15[%add3A_21, %dma_wait3A_89] : memref<10240x128xf32, #tpu.memory_space<vmem_shared>> -> memref<128x128xf32, #tpu.memory_space<vmem_shared>>
      tpu.wait_dma2 semaphore(%run_scoped3A : memref<!tpu.dma_semaphore, #tpu.memory_space<semaphore_mem>>) src(%arg13 : memref<128x128xf32, #tpu.memory_space<vmem>>) dst(%dma_wait3A_90 : memref<128x128xf32, #tpu.memory_space<vmem_shared>>)
      tpu.yield
    }) : () -> ()
    %mul3A_22 = arith.constant 640 : i32
    %mul3A_23 = arith.muli %mul3A_22, %arg1 : i32
    %add3A_24 = arith.constant 512 : i32
    %add3A_25 = arith.addi %mul3A_23, %add3A_24 : i32
    "tpu.region"() ({
      %run_scoped3A = tpu.sem_alloc : memref<!tpu.dma_semaphore, #tpu.memory_space<semaphore_mem>>
      %dma_start3A_83 = arith.constant 0 : i32
      %dma_start3A_84 = tpu.memref_slice %arg15[%add3A_25, %dma_start3A_83] : memref<10240x128xf32, #tpu.memory_space<vmem_shared>> -> memref<128x128xf32, #tpu.memory_space<vmem_shared>>
      %dma_start3A_85 = arith.constant 0 : i32
      %dma_start3A_86 = tpu.memref_slice %arg15[%add3A_25, %dma_start3A_85] : memref<10240x128xf32, #tpu.memory_space<vmem_shared>> -> memref<128x128xf32, #tpu.memory_space<vmem_shared>>
      tpu.enqueue_dma source(%arg13 : memref<128x128xf32, #tpu.memory_space<vmem>>) target(%dma_start3A_86 : memref<128x128xf32, #tpu.memory_space<vmem_shared>>) target_semaphore(%run_scoped3A : memref<!tpu.dma_semaphore, #tpu.memory_space<semaphore_mem>>)
      %dma_wait3A_87 = arith.constant 0 : i32
      %dma_wait3A_88 = tpu.memref_slice %arg15[%add3A_25, %dma_wait3A_87] : memref<10240x128xf32, #tpu.memory_space<vmem_shared>> -> memref<128x128xf32, #tpu.memory_space<vmem_shared>>
      %dma_wait3A_89 = arith.constant 0 : i32
      %dma_wait3A_90 = tpu.memref_slice %arg15[%add3A_25, %dma_wait3A_89] : memref<10240x128xf32, #tpu.memory_space<vmem_shared>> -> memref<128x128xf32, #tpu.memory_space<vmem_shared>>
      tpu.wait_dma2 semaphore(%run_scoped3A : memref<!tpu.dma_semaphore, #tpu.memory_space<semaphore_mem>>) src(%arg13 : memref<128x128xf32, #tpu.memory_space<vmem>>) dst(%dma_wait3A_90 : memref<128x128xf32, #tpu.memory_space<vmem_shared>>)
      tpu.yield
    }) : () -> ()
    %barrier3A = arith.constant 0 : index
    tpu.barrier barrier_id(%barrier3A)
    %mul3A_26 = arith.constant 30208 : i32
    %mul3A_27 = arith.muli %add3A, %mul3A_26 : i32
    %add3A_28 = arith.constant 0 : i32
    %add3A_29 = arith.addi %mul3A_27, %add3A_28 : i32
    %dma_start3A = tpu.memref_slice %arg3[%add3A_29] : memref<966656xi32, #tpu.memory_space<hbm>> -> memref<128xi32, #tpu.memory_space<hbm>>
    %dma_start3A_30 = tpu.memref_slice %arg3[%add3A_29] : memref<966656xi32, #tpu.memory_space<hbm>> -> memref<128xi32, #tpu.memory_space<hbm>>
    tpu.enqueue_dma source(%dma_start3A_30 : memref<128xi32, #tpu.memory_space<hbm>>) target(%arg7 : memref<128xi32, #tpu.memory_space<vmem>>) target_semaphore(%arg18 : memref<!tpu.dma_semaphore, #tpu.memory_space<semaphore_mem>>)
    %dma_start3A_31 = tpu.memref_slice %arg4[%add3A_29] : memref<966656xi32, #tpu.memory_space<hbm>> -> memref<128xi32, #tpu.memory_space<hbm>>
    %dma_start3A_32 = tpu.memref_slice %arg4[%add3A_29] : memref<966656xi32, #tpu.memory_space<hbm>> -> memref<128xi32, #tpu.memory_space<hbm>>
    tpu.enqueue_dma source(%dma_start3A_32 : memref<128xi32, #tpu.memory_space<hbm>>) target(%arg8 : memref<128xi32, #tpu.memory_space<vmem>>) target_semaphore(%arg18 : memref<!tpu.dma_semaphore, #tpu.memory_space<semaphore_mem>>)
    %dma_start3A_33 = tpu.memref_slice %arg5[%add3A_29] : memref<966656xf32, #tpu.memory_space<hbm>> -> memref<128xf32, #tpu.memory_space<hbm>>
    %dma_start3A_34 = tpu.memref_slice %arg5[%add3A_29] : memref<966656xf32, #tpu.memory_space<hbm>> -> memref<128xf32, #tpu.memory_space<hbm>>
    tpu.enqueue_dma source(%dma_start3A_34 : memref<128xf32, #tpu.memory_space<hbm>>) target(%arg9 : memref<128xf32, #tpu.memory_space<vmem>>) target_semaphore(%arg18 : memref<!tpu.dma_semaphore, #tpu.memory_space<semaphore_mem>>)
    %dma_wait3A = arith.constant 0 : i32
    %dma_wait3A_35 = tpu.memref_slice %arg3[%dma_wait3A] : memref<966656xi32, #tpu.memory_space<hbm>> -> memref<128xi32, #tpu.memory_space<hbm>>
    %dma_wait3A_36 = arith.constant 0 : i32
    %dma_wait3A_37 = tpu.memref_slice %arg3[%dma_wait3A_36] : memref<966656xi32, #tpu.memory_space<hbm>> -> memref<128xi32, #tpu.memory_space<hbm>>
    tpu.wait_dma2 semaphore(%arg18 : memref<!tpu.dma_semaphore, #tpu.memory_space<semaphore_mem>>) src(%dma_wait3A_37 : memref<128xi32, #tpu.memory_space<hbm>>) dst(%arg7 : memref<128xi32, #tpu.memory_space<vmem>>)
    %dma_wait3A_38 = arith.constant 0 : i32
    %dma_wait3A_39 = tpu.memref_slice %arg4[%dma_wait3A_38] : memref<966656xi32, #tpu.memory_space<hbm>> -> memref<128xi32, #tpu.memory_space<hbm>>
    %dma_wait3A_40 = arith.constant 0 : i32
    %dma_wait3A_41 = tpu.memref_slice %arg4[%dma_wait3A_40] : memref<966656xi32, #tpu.memory_space<hbm>> -> memref<128xi32, #tpu.memory_space<hbm>>
    tpu.wait_dma2 semaphore(%arg18 : memref<!tpu.dma_semaphore, #tpu.memory_space<semaphore_mem>>) src(%dma_wait3A_41 : memref<128xi32, #tpu.memory_space<hbm>>) dst(%arg8 : memref<128xi32, #tpu.memory_space<vmem>>)
    %dma_wait3A_42 = arith.constant 0 : i32
    %dma_wait3A_43 = tpu.memref_slice %arg5[%dma_wait3A_42] : memref<966656xf32, #tpu.memory_space<hbm>> -> memref<128xf32, #tpu.memory_space<hbm>>
    %dma_wait3A_44 = arith.constant 0 : i32
    %dma_wait3A_45 = tpu.memref_slice %arg5[%dma_wait3A_44] : memref<966656xf32, #tpu.memory_space<hbm>> -> memref<128xf32, #tpu.memory_space<hbm>>
    tpu.wait_dma2 semaphore(%arg18 : memref<!tpu.dma_semaphore, #tpu.memory_space<semaphore_mem>>) src(%dma_wait3A_45 : memref<128xf32, #tpu.memory_space<hbm>>) dst(%arg9 : memref<128xf32, #tpu.memory_space<vmem>>)
    %dma_start3A_46 = arith.constant 0 : i32
    %dma_start3A_47 = arith.constant 0 : i32
    %dma_start3A_48 = tpu.memref_slice %arg2[%dma_start3A_46, %dma_start3A_47] : memref<20000x128xf32, #tpu.memory_space<hbm>> -> memref<20000x128xf32, #tpu.memory_space<hbm>>
    tpu.enqueue_indirect_dma source(%dma_start3A_48 : memref<20000x128xf32, #tpu.memory_space<hbm>>) target(%arg13 : memref<128x128xf32, #tpu.memory_space<vmem>>) offsets(%arg8 : memref<128xi32, #tpu.memory_space<vmem>>) semaphore(%arg16 : memref<!tpu.dma_semaphore, #tpu.memory_space<semaphore_mem>>)
    %add3A_49 = arith.constant 128 : i32
    %add3A_50 = arith.addi %mul3A_27, %add3A_49 : i32
    %dma_start3A_51 = tpu.memref_slice %arg3[%add3A_50] : memref<966656xi32, #tpu.memory_space<hbm>> -> memref<128xi32, #tpu.memory_space<hbm>>
    %dma_start3A_52 = tpu.memref_slice %arg3[%add3A_50] : memref<966656xi32, #tpu.memory_space<hbm>> -> memref<128xi32, #tpu.memory_space<hbm>>
    tpu.enqueue_dma source(%dma_start3A_52 : memref<128xi32, #tpu.memory_space<hbm>>) target(%arg10 : memref<128xi32, #tpu.memory_space<vmem>>) target_semaphore(%arg19 : memref<!tpu.dma_semaphore, #tpu.memory_space<semaphore_mem>>)
    %dma_start3A_53 = tpu.memref_slice %arg4[%add3A_50] : memref<966656xi32, #tpu.memory_space<hbm>> -> memref<128xi32, #tpu.memory_space<hbm>>
    %dma_start3A_54 = tpu.memref_slice %arg4[%add3A_50] : memref<966656xi32, #tpu.memory_space<hbm>> -> memref<128xi32, #tpu.memory_space<hbm>>
    tpu.enqueue_dma source(%dma_start3A_54 : memref<128xi32, #tpu.memory_space<hbm>>) target(%arg11 : memref<128xi32, #tpu.memory_space<vmem>>) target_semaphore(%arg19 : memref<!tpu.dma_semaphore, #tpu.memory_space<semaphore_mem>>)
    %dma_start3A_55 = tpu.memref_slice %arg5[%add3A_50] : memref<966656xf32, #tpu.memory_space<hbm>> -> memref<128xf32, #tpu.memory_space<hbm>>
    %dma_start3A_56 = tpu.memref_slice %arg5[%add3A_50] : memref<966656xf32, #tpu.memory_space<hbm>> -> memref<128xf32, #tpu.memory_space<hbm>>
    tpu.enqueue_dma source(%dma_start3A_56 : memref<128xf32, #tpu.memory_space<hbm>>) target(%arg12 : memref<128xf32, #tpu.memory_space<vmem>>) target_semaphore(%arg19 : memref<!tpu.dma_semaphore, #tpu.memory_space<semaphore_mem>>)
    %dma_wait3A_57 = arith.constant 0 : i32
    %dma_wait3A_58 = tpu.memref_slice %arg3[%dma_wait3A_57] : memref<966656xi32, #tpu.memory_space<hbm>> -> memref<128xi32, #tpu.memory_space<hbm>>
    %dma_wait3A_59 = arith.constant 0 : i32
    %dma_wait3A_60 = tpu.memref_slice %arg3[%dma_wait3A_59] : memref<966656xi32, #tpu.memory_space<hbm>> -> memref<128xi32, #tpu.memory_space<hbm>>
    tpu.wait_dma2 semaphore(%arg19 : memref<!tpu.dma_semaphore, #tpu.memory_space<semaphore_mem>>) src(%dma_wait3A_60 : memref<128xi32, #tpu.memory_space<hbm>>) dst(%arg10 : memref<128xi32, #tpu.memory_space<vmem>>)
    %dma_wait3A_61 = arith.constant 0 : i32
    %dma_wait3A_62 = tpu.memref_slice %arg4[%dma_wait3A_61] : memref<966656xi32, #tpu.memory_space<hbm>> -> memref<128xi32, #tpu.memory_space<hbm>>
    %dma_wait3A_63 = arith.constant 0 : i32
    %dma_wait3A_64 = tpu.memref_slice %arg4[%dma_wait3A_63] : memref<966656xi32, #tpu.memory_space<hbm>> -> memref<128xi32, #tpu.memory_space<hbm>>
    tpu.wait_dma2 semaphore(%arg19 : memref<!tpu.dma_semaphore, #tpu.memory_space<semaphore_mem>>) src(%dma_wait3A_64 : memref<128xi32, #tpu.memory_space<hbm>>) dst(%arg11 : memref<128xi32, #tpu.memory_space<vmem>>)
    %dma_wait3A_65 = arith.constant 0 : i32
    %dma_wait3A_66 = tpu.memref_slice %arg5[%dma_wait3A_65] : memref<966656xf32, #tpu.memory_space<hbm>> -> memref<128xf32, #tpu.memory_space<hbm>>
    %dma_wait3A_67 = arith.constant 0 : i32
    %dma_wait3A_68 = tpu.memref_slice %arg5[%dma_wait3A_67] : memref<966656xf32, #tpu.memory_space<hbm>> -> memref<128xf32, #tpu.memory_space<hbm>>
    tpu.wait_dma2 semaphore(%arg19 : memref<!tpu.dma_semaphore, #tpu.memory_space<semaphore_mem>>) src(%dma_wait3A_68 : memref<128xf32, #tpu.memory_space<hbm>>) dst(%arg12 : memref<128xf32, #tpu.memory_space<vmem>>)
    %dma_start3A_69 = arith.constant 0 : i32
    %dma_start3A_70 = arith.constant 0 : i32
    %dma_start3A_71 = tpu.memref_slice %arg2[%dma_start3A_69, %dma_start3A_70] : memref<20000x128xf32, #tpu.memory_space<hbm>> -> memref<20000x128xf32, #tpu.memory_space<hbm>>
    tpu.enqueue_indirect_dma source(%dma_start3A_71 : memref<20000x128xf32, #tpu.memory_space<hbm>>) target(%arg14 : memref<128x128xf32, #tpu.memory_space<vmem>>) offsets(%arg11 : memref<128xi32, #tpu.memory_space<vmem>>) semaphore(%arg17 : memref<!tpu.dma_semaphore, #tpu.memory_space<semaphore_mem>>)
    %scan3A_72 = arith.constant 0 : i32
    %scan3A_73 = arith.constant 0 : i32
    %scan3A_74 = arith.constant 118 : i32
    %scan3A_75 = arith.addi %scan3A_73, %scan3A_74 : i32
    %scan3A_76 = arith.constant 1 : i32
    scf.for %scan3A_83 = %scan3A_73 to %scan3A_75 step %scan3A_76  : i32 {
      %mul3A_84 = arith.constant 2 : i32
      %mul3A_85 = arith.muli %mul3A_84, %scan3A_83 : i32
      %dma_wait3A_86 = arith.constant 0 : i32
      %dma_wait3A_87 = arith.constant 0 : i32
      %dma_wait3A_88 = tpu.memref_slice %arg2[%dma_wait3A_86, %dma_wait3A_87] : memref<20000x128xf32, #tpu.memory_space<hbm>> -> memref<20000x128xf32, #tpu.memory_space<hbm>>
      tpu.wait_indirect_dma semaphore(%arg16 : memref<!tpu.dma_semaphore, #tpu.memory_space<semaphore_mem>>) src(%dma_wait3A_88 : memref<20000x128xf32, #tpu.memory_space<hbm>>) dst(%arg13 : memref<128x128xf32, #tpu.memory_space<vmem>>)
      %scan3A_89 = arith.constant 0 : i32
      %scan3A_90 = arith.constant 0 : i32
      %scan3A_91 = arith.constant 8 : i32
      %scan3A_92 = arith.addi %scan3A_90, %scan3A_91 : i32
      %scan3A_93 = arith.constant 1 : i32
      scf.for %scan3A_115 = %scan3A_90 to %scan3A_92 step %scan3A_93  : i32 {
        %mul3A_116 = arith.constant 16 : i32
        %mul3A_117 = arith.muli %mul3A_116, %scan3A_115 : i32
        %get3A = arith.index_cast %mul3A_117 : i32 to index
        %get3A_118 = tpu.vector_load %arg9[%get3A] {strides = array<i32>} : memref<128xf32, #tpu.memory_space<vmem>>, vector<16xf32>,
        %get3A_119 = vector.shape_cast %get3A_118 : vector<16xf32> to vector<16xf32>
        %broadcast_in_dim3A = arith.constant 0 : i32
        %broadcast_in_dim3A_120 = vector.broadcast %broadcast_in_dim3A : i32 to vector<16xi32>
        %lt3A_121 = arith.constant 0 : i32
        %lt3A_122 = vector.broadcast %lt3A_121 : i32 to vector<16xi32>
        %lt3A_123 = arith.cmpi slt, %broadcast_in_dim3A_120, %lt3A_122 : vector<16xi32>
        %add3A_124 = arith.constant 16 : i32
        %add3A_125 = vector.broadcast %add3A_124 : i32 to vector<16xi32>
        %add3A_126 = arith.addi %broadcast_in_dim3A_120, %add3A_125 : vector<16xi32>
        %select_n3A = arith.select %lt3A_123, %add3A_126, %broadcast_in_dim3A_120 : vector<16xi1>, vector<16xi32>
        %reshape3A = vector.shape_cast %select_n3A : vector<16xi32> to vector<16x1xi32>
        %gather3A = vector.shape_cast %reshape3A : vector<16x1xi32> to vector<16xi32>
        %gather3A_127 = tpu.dynamic_gather %get3A_119[%gather3A] in [0] : vector<16xf32>, vector<16xi32> -> vector<16xf32>
        %mul3A_128 = arith.constant 16 : i32
        %mul3A_129 = arith.muli %mul3A_128, %scan3A_115 : i32
        %add3A_130 = arith.constant 0 : i32
        %add3A_131 = arith.addi %mul3A_129, %add3A_130 : i32
        %get3A_132 = arith.index_cast %add3A_131 : i32 to index
        %get3A_133 = arith.constant 0 : index
        %get3A_134 = tpu.vector_load %arg13[%get3A_132, %get3A_133] {strides = array<i32>} : memref<128x128xf32, #tpu.memory_space<vmem>>, vector<1x16xf32>,
        %get3A_135 = vector.shape_cast %get3A_134 : vector<1x16xf32> to vector<16xf32>
        %mul3A_136 = arith.mulf %get3A_135, %gather3A_127 : vector<16xf32>
        %swap3A = arith.index_cast %add3A_131 : i32 to index
        %swap3A_137 = arith.constant 0 : index
        %swap3A_138 = tpu.vector_load %arg13[%swap3A, %swap3A_137] {strides = array<i32>} : memref<128x128xf32, #tpu.memory_space<vmem>>, vector<1x16xf32>,
        %swap3A_139 = vector.shape_cast %swap3A_138 : vector<1x16xf32> to vector<16xf32>
        %swap3A_140 = vector.shape_cast %mul3A_136 : vector<16xf32> to vector<1x16xf32>
        tpu.vector_store %arg13[%swap3A, %swap3A_137], %swap3A_140 {strides = array<i32>} : memref<128x128xf32, #tpu.memory_space<vmem>>, vector<1x16xf32>,
        %get3A_141 = arith.index_cast %add3A_131 : i32 to index
        %get3A_142 = arith.constant 16 : index
        %get3A_143 = tpu.vector_load %arg13[%get3A_141, %get3A_142] {strides = array<i32>} : memref<128x128xf32, #tpu.memory_space<vmem>>, vector<1x16xf32>,
        %get3A_144 = vector.shape_cast %get3A_143 : vector<1x16xf32> to vector<16xf32>
        %mul3A_145 = arith.mulf %get3A_144, %gather3A_127 : vector<16xf32>
        %swap3A_146 = arith.index_cast %add3A_131 : i32 to index
        %swap3A_147 = arith.constant 16 : index
        %swap3A_148 = tpu.vector_load %arg13[%swap3A_146, %swap3A_147] {strides = array<i32>} : memref<128x128xf32, #tpu.memory_space<vmem>>, vector<1x16xf32>,
        %swap3A_149 = vector.shape_cast %swap3A_148 : vector<1x16xf32> to vector<16xf32>
        %swap3A_150 = vector.shape_cast %mul3A_145 : vector<16xf32> to vector<1x16xf32>
        tpu.vector_store %arg13[%swap3A_146, %swap3A_147], %swap3A_150 {strides = array<i32>} : memref<128x128xf32, #tpu.memory_space<vmem>>, vector<1x16xf32>,
        %get3A_151 = arith.index_cast %add3A_131 : i32 to index
        %get3A_152 = arith.constant 32 : index
        %get3A_153 = tpu.vector_load %arg13[%get3A_151, %get3A_152] {strides = array<i32>} : memref<128x128xf32, #tpu.memory_space<vmem>>, vector<1x16xf32>,
        %get3A_154 = vector.shape_cast %get3A_153 : vector<1x16xf32> to vector<16xf32>
        %mul3A_155 = arith.mulf %get3A_154, %gather3A_127 : vector<16xf32>
        %swap3A_156 = arith.index_cast %add3A_131 : i32 to index
        %swap3A_157 = arith.constant 32 : index
        %swap3A_158 = tpu.vector_load %arg13[%swap3A_156, %swap3A_157] {strides = array<i32>} : memref<128x128xf32, #tpu.memory_space<vmem>>, vector<1x16xf32>,
        %swap3A_159 = vector.shape_cast %swap3A_158 : vector<1x16xf32> to vector<16xf32>
        %swap3A_160 = vector.shape_cast %mul3A_155 : vector<16xf32> to vector<1x16xf32>
        tpu.vector_store %arg13[%swap3A_156, %swap3A_157], %swap3A_160 {strides = array<i32>} : memref<128x128xf32, #tpu.memory_space<vmem>>, vector<1x16xf32>,
        %get3A_161 = arith.index_cast %add3A_131 : i32 to index
        %get3A_162 = arith.constant 48 : index
        %get3A_163 = tpu.vector_load %arg13[%get3A_161, %get3A_162] {strides = array<i32>} : memref<128x128xf32, #tpu.memory_space<vmem>>, vector<1x16xf32>,
        %get3A_164 = vector.shape_cast %get3A_163 : vector<1x16xf32> to vector<16xf32>
        %mul3A_165 = arith.mulf %get3A_164, %gather3A_127 : vector<16xf32>
        %swap3A_166 = arith.index_cast %add3A_131 : i32 to index
        %swap3A_167 = arith.constant 48 : index
        %swap3A_168 = tpu.vector_load %arg13[%swap3A_166, %swap3A_167] {strides = array<i32>} : memref<128x128xf32, #tpu.memory_space<vmem>>, vector<1x16xf32>,
        %swap3A_169 = vector.shape_cast %swap3A_168 : vector<1x16xf32> to vector<16xf32>
        %swap3A_170 = vector.shape_cast %mul3A_165 : vector<16xf32> to vector<1x16xf32>
        tpu.vector_store %arg13[%swap3A_166, %swap3A_167], %swap3A_170 {strides = array<i32>} : memref<128x128xf32, #tpu.memory_space<vmem>>, vector<1x16xf32>,
        %get3A_171 = arith.index_cast %add3A_131 : i32 to index
        %get3A_172 = arith.constant 64 : index
        %get3A_173 = tpu.vector_load %arg13[%get3A_171, %get3A_172] {strides = array<i32>} : memref<128x128xf32, #tpu.memory_space<vmem>>, vector<1x16xf32>,
        %get3A_174 = vector.shape_cast %get3A_173 : vector<1x16xf32> to vector<16xf32>
        %mul3A_175 = arith.mulf %get3A_174, %gather3A_127 : vector<16xf32>
        %swap3A_176 = arith.index_cast %add3A_131 : i32 to index
        %swap3A_177 = arith.constant 64 : index
        %swap3A_178 = tpu.vector_load %arg13[%swap3A_176, %swap3A_177] {strides = array<i32>} : memref<128x128xf32, #tpu.memory_space<vmem>>, vector<1x16xf32>,
        %swap3A_179 = vector.shape_cast %swap3A_178 : vector<1x16xf32> to vector<16xf32>
        %swap3A_180 = vector.shape_cast %mul3A_175 : vector<16xf32> to vector<1x16xf32>
        tpu.vector_store %arg13[%swap3A_176, %swap3A_177], %swap3A_180 {strides = array<i32>} : memref<128x128xf32, #tpu.memory_space<vmem>>, vector<1x16xf32>,
        %get3A_181 = arith.index_cast %add3A_131 : i32 to index
        %get3A_182 = arith.constant 80 : index
        %get3A_183 = tpu.vector_load %arg13[%get3A_181, %get3A_182] {strides = array<i32>} : memref<128x128xf32, #tpu.memory_space<vmem>>, vector<1x16xf32>,
        %get3A_184 = vector.shape_cast %get3A_183 : vector<1x16xf32> to vector<16xf32>
        %mul3A_185 = arith.mulf %get3A_184, %gather3A_127 : vector<16xf32>
        %swap3A_186 = arith.index_cast %add3A_131 : i32 to index
        %swap3A_187 = arith.constant 80 : index
        %swap3A_188 = tpu.vector_load %arg13[%swap3A_186, %swap3A_187] {strides = array<i32>} : memref<128x128xf32, #tpu.memory_space<vmem>>, vector<1x16xf32>,
        %swap3A_189 = vector.shape_cast %swap3A_188 : vector<1x16xf32> to vector<16xf32>
        %swap3A_190 = vector.shape_cast %mul3A_185 : vector<16xf32> to vector<1x16xf32>
        tpu.vector_store %arg13[%swap3A_186, %swap3A_187], %swap3A_190 {strides = array<i32>} : memref<128x128xf32, #tpu.memory_space<vmem>>, vector<1x16xf32>,
        %get3A_191 = arith.index_cast %add3A_131 : i32 to index
        %get3A_192 = arith.constant 96 : index
        %get3A_193 = tpu.vector_load %arg13[%get3A_191, %get3A_192] {strides = array<i32>} : memref<128x128xf32, #tpu.memory_space<vmem>>, vector<1x16xf32>,
        %get3A_194 = vector.shape_cast %get3A_193 : vector<1x16xf32> to vector<16xf32>
        %mul3A_195 = arith.mulf %get3A_194, %gather3A_127 : vector<16xf32>
        %swap3A_196 = arith.index_cast %add3A_131 : i32 to index
        %swap3A_197 = arith.constant 96 : index
        %swap3A_198 = tpu.vector_load %arg13[%swap3A_196, %swap3A_197] {strides = array<i32>} : memref<128x128xf32, #tpu.memory_space<vmem>>, vector<1x16xf32>,
        %swap3A_199 = vector.shape_cast %swap3A_198 : vector<1x16xf32> to vector<16xf32>
        %swap3A_200 = vector.shape_cast %mul3A_195 : vector<16xf32> to vector<1x16xf32>
        tpu.vector_store %arg13[%swap3A_196, %swap3A_197], %swap3A_200 {strides = array<i32>} : memref<128x128xf32, #tpu.memory_space<vmem>>, vector<1x16xf32>,
        %get3A_201 = arith.index_cast %add3A_131 : i32 to index
        %get3A_202 = arith.constant 112 : index
        %get3A_203 = tpu.vector_load %arg13[%get3A_201, %get3A_202] {strides = array<i32>} : memref<128x128xf32, #tpu.memory_space<vmem>>, vector<1x16xf32>,
        %get3A_204 = vector.shape_cast %get3A_203 : vector<1x16xf32> to vector<16xf32>
        %mul3A_205 = arith.mulf %get3A_204, %gather3A_127 : vector<16xf32>
        %swap3A_206 = arith.index_cast %add3A_131 : i32 to index
        %swap3A_207 = arith.constant 112 : index
        %swap3A_208 = tpu.vector_load %arg13[%swap3A_206, %swap3A_207] {strides = array<i32>} : memref<128x128xf32, #tpu.memory_space<vmem>>, vector<1x16xf32>,
        %swap3A_209 = vector.shape_cast %swap3A_208 : vector<1x16xf32> to vector<16xf32>
        %swap3A_210 = vector.shape_cast %mul3A_205 : vector<16xf32> to vector<1x16xf32>
        tpu.vector_store %arg13[%swap3A_206, %swap3A_207], %swap3A_210 {strides = array<i32>} : memref<128x128xf32, #tpu.memory_space<vmem>>, vector<1x16xf32>,
        %broadcast_in_dim3A_211 = arith.constant 1 : i32
        %broadcast_in_dim3A_212 = vector.broadcast %broadcast_in_dim3A_211 : i32 to vector<16xi32>
        %lt3A_213 = arith.constant 0 : i32
        %lt3A_214 = vector.broadcast %lt3A_213 : i32 to vector<16xi32>
        %lt3A_215 = arith.cmpi slt, %broadcast_in_dim3A_212, %lt3A_214 : vector<16xi32>
        %add3A_216 = arith.constant 16 : i32
        %add3A_217 = vector.broadcast %add3A_216 : i32 to vector<16xi32>
        %add3A_218 = arith.addi %broadcast_in_dim3A_212, %add3A_217 : vector<16xi32>
        %select_n3A_219 = arith.select %lt3A_215, %add3A_218, %broadcast_in_dim3A_212 : vector<16xi1>, vector<16xi32>
        %reshape3A_220 = vector.shape_cast %select_n3A_219 : vector<16xi32> to vector<16x1xi32>
        %gather3A_221 = vector.shape_cast %reshape3A_220 : vector<16x1xi32> to vector<16xi32>
        %gather3A_222 = tpu.dynamic_gather %get3A_119[%gather3A_221] in [0] : vector<16xf32>, vector<16xi32> -> vector<16xf32>
        %mul3A_223 = arith.constant 16 : i32
        %mul3A_224 = arith.muli %mul3A_223, %scan3A_115 : i32
        %add3A_225 = arith.constant 1 : i32
        %add3A_226 = arith.addi %mul3A_224, %add3A_225 : i32
        %get3A_227 = arith.index_cast %add3A_226 : i32 to index
        %get3A_228 = arith.constant 0 : index
        %get3A_229 = tpu.vector_load %arg13[%get3A_227, %get3A_228] {strides = array<i32>} : memref<128x128xf32, #tpu.memory_space<vmem>>, vector<1x16xf32>,
        %get3A_230 = vector.shape_cast %get3A_229 : vector<1x16xf32> to vector<16xf32>
        %mul3A_231 = arith.mulf %get3A_230, %gather3A_222 : vector<16xf32>
        %swap3A_232 = arith.index_cast %add3A_226 : i32 to index
        %swap3A_233 = arith.constant 0 : index
        %swap3A_234 = tpu.vector_load %arg13[%swap3A_232, %swap3A_233] {strides = array<i32>} : memref<128x128xf32, #tpu.memory_space<vmem>>, vector<1x16xf32>,
        %swap3A_235 = vector.shape_cast %swap3A_234 : vector<1x16xf32> to vector<16xf32>
        %swap3A_236 = vector.shape_cast %mul3A_231 : vector<16xf32> to vector<1x16xf32>
        tpu.vector_store %arg13[%swap3A_232, %swap3A_233], %swap3A_236 {strides = array<i32>} : memref<128x128xf32, #tpu.memory_space<vmem>>, vector<1x16xf32>,
        %get3A_237 = arith.index_cast %add3A_226 : i32 to index
        %get3A_238 = arith.constant 16 : index
        %get3A_239 = tpu.vector_load %arg13[%get3A_237, %get3A_238] {strides = array<i32>} : memref<128x128xf32, #tpu.memory_space<vmem>>, vector<1x16xf32>,
        %get3A_240 = vector.shape_cast %get3A_239 : vector<1x16xf32> to vector<16xf32>
        %mul3A_241 = arith.mulf %get3A_240, %gather3A_222 : vector<16xf32>
        %swap3A_242 = arith.index_cast %add3A_226 : i32 to index
        %swap3A_243 = arith.constant 16 : index
        %swap3A_244 = tpu.vector_load %arg13[%swap3A_242, %swap3A_243] {strides = array<i32>} : memref<128x128xf32, #tpu.memory_space<vmem>>, vector<1x16xf32>,
        %swap3A_245 = vector.shape_cast %swap3A_244 : vector<1x16xf32> to vector<16xf32>
        %swap3A_246 = vector.shape_cast %mul3A_241 : vector<16xf32> to vector<1x16xf32>
        tpu.vector_store %arg13[%swap3A_242, %swap3A_243], %swap3A_246 {strides = array<i32>} : memref<128x128xf32, #tpu.memory_space<vmem>>, vector<1x16xf32>,
        %get3A_247 = arith.index_cast %add3A_226 : i32 to index
        %get3A_248 = arith.constant 32 : index
        %get3A_249 = tpu.vector_load %arg13[%get3A_247, %get3A_248] {strides = array<i32>} : memref<128x128xf32, #tpu.memory_space<vmem>>, vector<1x16xf32>,
        %get3A_250 = vector.shape_cast %get3A_249 : vector<1x16xf32> to vector<16xf32>
        %mul3A_251 = arith.mulf %get3A_250, %gather3A_222 : vector<16xf32>
        %swap3A_252 = arith.index_cast %add3A_226 : i32 to index
        %swap3A_253 = arith.constant 32 : index
        %swap3A_254 = tpu.vector_load %arg13[%swap3A_252, %swap3A_253] {strides = array<i32>} : memref<128x128xf32, #tpu.memory_space<vmem>>, vector<1x16xf32>,
        %swap3A_255 = vector.shape_cast %swap3A_254 : vector<1x16xf32> to vector<16xf32>
        %swap3A_256 = vector.shape_cast %mul3A_251 : vector<16xf32> to vector<1x16xf32>
        tpu.vector_store %arg13[%swap3A_252, %swap3A_253], %swap3A_256 {strides = array<i32>} : memref<128x128xf32, #tpu.memory_space<vmem>>, vector<1x16xf32>,
        %get3A_257 = arith.index_cast %add3A_226 : i32 to index
        %get3A_258 = arith.constant 48 : index
        %get3A_259 = tpu.vector_load %arg13[%get3A_257, %get3A_258] {strides = array<i32>} : memref<128x128xf32, #tpu.memory_space<vmem>>, vector<1x16xf32>,
        %get3A_260 = vector.shape_cast %get3A_259 : vector<1x16xf32> to vector<16xf32>
        %mul3A_261 = arith.mulf %get3A_260, %gather3A_222 : vector<16xf32>
        %swap3A_262 = arith.index_cast %add3A_226 : i32 to index
        %swap3A_263 = arith.constant 48 : index
        %swap3A_264 = tpu.vector_load %arg13[%swap3A_262, %swap3A_263] {strides = array<i32>} : memref<128x128xf32, #tpu.memory_space<vmem>>, vector<1x16xf32>,
        %swap3A_265 = vector.shape_cast %swap3A_264 : vector<1x16xf32> to vector<16xf32>
        %swap3A_266 = vector.shape_cast %mul3A_261 : vector<16xf32> to vector<1x16xf32>
        tpu.vector_store %arg13[%swap3A_262, %swap3A_263], %swap3A_266 {strides = array<i32>} : memref<128x128xf32, #tpu.memory_space<vmem>>, vector<1x16xf32>,
        %get3A_267 = arith.index_cast %add3A_226 : i32 to index
        %get3A_268 = arith.constant 64 : index
        %get3A_269 = tpu.vector_load %arg13[%get3A_267, %get3A_268] {strides = array<i32>} : memref<128x128xf32, #tpu.memory_space<vmem>>, vector<1x16xf32>,
        %get3A_270 = vector.shape_cast %get3A_269 : vector<1x16xf32> to vector<16xf32>
        %mul3A_271 = arith.mulf %get3A_270, %gather3A_222 : vector<16xf32>
        %swap3A_272 = arith.index_cast %add3A_226 : i32 to index
        %swap3A_273 = arith.constant 64 : index
        %swap3A_274 = tpu.vector_load %arg13[%swap3A_272, %swap3A_273] {strides = array<i32>} : memref<128x128xf32, #tpu.memory_space<vmem>>, vector<1x16xf32>,
        %swap3A_275 = vector.shape_cast %swap3A_274 : vector<1x16xf32> to vector<16xf32>
        %swap3A_276 = vector.shape_cast %mul3A_271 : vector<16xf32> to vector<1x16xf32>
        tpu.vector_store %arg13[%swap3A_272, %swap3A_273], %swap3A_276 {strides = array<i32>} : memref<128x128xf32, #tpu.memory_space<vmem>>, vector<1x16xf32>,
        %get3A_277 = arith.index_cast %add3A_226 : i32 to index
        %get3A_278 = arith.constant 80 : index
        %get3A_279 = tpu.vector_load %arg13[%get3A_277, %get3A_278] {strides = array<i32>} : memref<128x128xf32, #tpu.memory_space<vmem>>, vector<1x16xf32>,
        %get3A_280 = vector.shape_cast %get3A_279 : vector<1x16xf32> to vector<16xf32>
        %mul3A_281 = arith.mulf %get3A_280, %gather3A_222 : vector<16xf32>
        %swap3A_282 = arith.index_cast %add3A_226 : i32 to index
        %swap3A_283 = arith.constant 80 : index
        %swap3A_284 = tpu.vector_load %arg13[%swap3A_282, %swap3A_283] {strides = array<i32>} : memref<128x128xf32, #tpu.memory_space<vmem>>, vector<1x16xf32>,
        %swap3A_285 = vector.shape_cast %swap3A_284 : vector<1x16xf32> to vector<16xf32>
        %swap3A_286 = vector.shape_cast %mul3A_281 : vector<16xf32> to vector<1x16xf32>
        tpu.vector_store %arg13[%swap3A_282, %swap3A_283], %swap3A_286 {strides = array<i32>} : memref<128x128xf32, #tpu.memory_space<vmem>>, vector<1x16xf32>,
        %get3A_287 = arith.index_cast %add3A_226 : i32 to index
        %get3A_288 = arith.constant 96 : index
        %get3A_289 = tpu.vector_load %arg13[%get3A_287, %get3A_288] {strides = array<i32>} : memref<128x128xf32, #tpu.memory_space<vmem>>, vector<1x16xf32>,
        %get3A_290 = vector.shape_cast %get3A_289 : vector<1x16xf32> to vector<16xf32>
        %mul3A_291 = arith.mulf %get3A_290, %gather3A_222 : vector<16xf32>
        %swap3A_292 = arith.index_cast %add3A_226 : i32 to index
        %swap3A_293 = arith.constant 96 : index
        %swap3A_294 = tpu.vector_load %arg13[%swap3A_292, %swap3A_293] {strides = array<i32>} : memref<128x128xf32, #tpu.memory_space<vmem>>, vector<1x16xf32>,
        %swap3A_295 = vector.shape_cast %swap3A_294 : vector<1x16xf32> to vector<16xf32>
        %swap3A_296 = vector.shape_cast %mul3A_291 : vector<16xf32> to vector<1x16xf32>
        tpu.vector_store %arg13[%swap3A_292, %swap3A_293], %swap3A_296 {strides = array<i32>} : memref<128x128xf32, #tpu.memory_space<vmem>>, vector<1x16xf32>,
        %get3A_297 = arith.index_cast %add3A_226 : i32 to index
        %get3A_298 = arith.constant 112 : index
        %get3A_299 = tpu.vector_load %arg13[%get3A_297, %get3A_298] {strides = array<i32>} : memref<128x128xf32, #tpu.memory_space<vmem>>, vector<1x16xf32>,
        %get3A_300 = vector.shape_cast %get3A_299 : vector<1x16xf32> to vector<16xf32>
        %mul3A_301 = arith.mulf %get3A_300, %gather3A_222 : vector<16xf32>
        %swap3A_302 = arith.index_cast %add3A_226 : i32 to index
        %swap3A_303 = arith.constant 112 : index
        %swap3A_304 = tpu.vector_load %arg13[%swap3A_302, %swap3A_303] {strides = array<i32>} : memref<128x128xf32, #tpu.memory_space<vmem>>, vector<1x16xf32>,
        %swap3A_305 = vector.shape_cast %swap3A_304 : vector<1x16xf32> to vector<16xf32>
        %swap3A_306 = vector.shape_cast %mul3A_301 : vector<16xf32> to vector<1x16xf32>
        tpu.vector_store %arg13[%swap3A_302, %swap3A_303], %swap3A_306 {strides = array<i32>} : memref<128x128xf32, #tpu.memory_space<vmem>>, vector<1x16xf32>,
        %broadcast_in_dim3A_307 = arith.constant 2 : i32
        %broadcast_in_dim3A_308 = vector.broadcast %broadcast_in_dim3A_307 : i32 to vector<16xi32>
        %lt3A_309 = arith.constant 0 : i32
        %lt3A_310 = vector.broadcast %lt3A_309 : i32 to vector<16xi32>
        %lt3A_311 = arith.cmpi slt, %broadcast_in_dim3A_308, %lt3A_310 : vector<16xi32>
        %add3A_312 = arith.constant 16 : i32
        %add3A_313 = vector.broadcast %add3A_312 : i32 to vector<16xi32>
        %add3A_314 = arith.addi %broadcast_in_dim3A_308, %add3A_313 : vector<16xi32>
        %select_n3A_315 = arith.select %lt3A_311, %add3A_314, %broadcast_in_dim3A_308 : vector<16xi1>, vector<16xi32>
        %reshape3A_316 = vector.shape_cast %select_n3A_315 : vector<16xi32> to vector<16x1xi32>
        %gather3A_317 = vector.shape_cast %reshape3A_316 : vector<16x1xi32> to vector<16xi32>
        %gather3A_318 = tpu.dynamic_gather %get3A_119[%gather3A_317] in [0] : vector<16xf32>, vector<16xi32> -> vector<16xf32>
        %mul3A_319 = arith.constant 16 : i32
        %mul3A_320 = arith.muli %mul3A_319, %scan3A_115 : i32
        %add3A_321 = arith.constant 2 : i32
        %add3A_322 = arith.addi %mul3A_320, %add3A_321 : i32
        %get3A_323 = arith.index_cast %add3A_322 : i32 to index
        %get3A_324 = arith.constant 0 : index
        %get3A_325 = tpu.vector_load %arg13[%get3A_323, %get3A_324] {strides = array<i32>} : memref<128x128xf32, #tpu.memory_space<vmem>>, vector<1x16xf32>,
        %get3A_326 = vector.shape_cast %get3A_325 : vector<1x16xf32> to vector<16xf32>
        %mul3A_327 = arith.mulf %get3A_326, %gather3A_318 : vector<16xf32>
        %swap3A_328 = arith.index_cast %add3A_322 : i32 to index
        %swap3A_329 = arith.constant 0 : index
        %swap3A_330 = tpu.vector_load %arg13[%swap3A_328, %swap3A_329] {strides = array<i32>} : memref<128x128xf32, #tpu.memory_space<vmem>>, vector<1x16xf32>,
        %swap3A_331 = vector.shape_cast %swap3A_330 : vector<1x16xf32> to vector<16xf32>
        %swap3A_332 = vector.shape_cast %mul3A_327 : vector<16xf32> to vector<1x16xf32>
        tpu.vector_store %arg13[%swap3A_328, %swap3A_329], %swap3A_332 {strides = array<i32>} : memref<128x128xf32, #tpu.memory_space<vmem>>, vector<1x16xf32>,
        %get3A_333 = arith.index_cast %add3A_322 : i32 to index
        %get3A_334 = arith.constant 16 : index
        %get3A_335 = tpu.vector_load %arg13[%get3A_333, %get3A_334] {strides = array<i32>} : memref<128x128xf32, #tpu.memory_space<vmem>>, vector<1x16xf32>,
        %get3A_336 = vector.shape_cast %get3A_335 : vector<1x16xf32> to vector<16xf32>
        %mul3A_337 = arith.mulf %get3A_336, %gather3A_318 : vector<16xf32>
        %swap3A_338 = arith.index_cast %add3A_322 : i32 to index
        %swap3A_339 = arith.constant 16 : index
        %swap3A_340 = tpu.vector_load %arg13[%swap3A_338, %swap3A_339] {strides = array<i32>} : memref<128x128xf32, #tpu.memory_space<vmem>>, vector<1x16xf32>,
        %swap3A_341 = vector.shape_cast %swap3A_340 : vector<1x16xf32> to vector<16xf32>
        %swap3A_342 = vector.shape_cast %mul3A_337 : vector<16xf32> to vector<1x16xf32>
        tpu.vector_store %arg13[%swap3A_338, %swap3A_339], %swap3A_342 {strides = array<i32>} : memref<128x128xf32, #tpu.memory_space<vmem>>, vector<1x16xf32>,
        %get3A_343 = arith.index_cast %add3A_322 : i32 to index
        %get3A_344 = arith.constant 32 : index
        %get3A_345 = tpu.vector_load %arg13[%get3A_343, %get3A_344] {strides = array<i32>} : memref<128x128xf32, #tpu.memory_space<vmem>>, vector<1x16xf32>,
        %get3A_346 = vector.shape_cast %get3A_345 : vector<1x16xf32> to vector<16xf32>
        %mul3A_347 = arith.mulf %get3A_346, %gather3A_318 : vector<16xf32>
        %swap3A_348 = arith.index_cast %add3A_322 : i32 to index
        %swap3A_349 = arith.constant 32 : index
        %swap3A_350 = tpu.vector_load %arg13[%swap3A_348, %swap3A_349] {strides = array<i32>} : memref<128x128xf32, #tpu.memory_space<vmem>>, vector<1x16xf32>,
        %swap3A_351 = vector.shape_cast %swap3A_350 : vector<1x16xf32> to vector<16xf32>
        %swap3A_352 = vector.shape_cast %mul3A_347 : vector<16xf32> to vector<1x16xf32>
        tpu.vector_store %arg13[%swap3A_348, %swap3A_349], %swap3A_352 {strides = array<i32>} : memref<128x128xf32, #tpu.memory_space<vmem>>, vector<1x16xf32>,
        %get3A_353 = arith.index_cast %add3A_322 : i32 to index
        %get3A_354 = arith.constant 48 : index
        %get3A_355 = tpu.vector_load %arg13[%get3A_353, %get3A_354] {strides = array<i32>} : memref<128x128xf32, #tpu.memory_space<vmem>>, vector<1x16xf32>,
        %get3A_356 = vector.shape_cast %get3A_355 : vector<1x16xf32> to vector<16xf32>
        %mul3A_357 = arith.mulf %get3A_356, %gather3A_318 : vector<16xf32>
        %swap3A_358 = arith.index_cast %add3A_322 : i32 to index
        %swap3A_359 = arith.constant 48 : index
        %swap3A_360 = tpu.vector_load %arg13[%swap3A_358, %swap3A_359] {strides = array<i32>} : memref<128x128xf32, #tpu.memory_space<vmem>>, vector<1x16xf32>,
        %swap3A_361 = vector.shape_cast %swap3A_360 : vector<1x16xf32> to vector<16xf32>
        %swap3A_362 = vector.shape_cast %mul3A_357 : vector<16xf32> to vector<1x16xf32>
        tpu.vector_store %arg13[%swap3A_358, %swap3A_359], %swap3A_362 {strides = array<i32>} : memref<128x128xf32, #tpu.memory_space<vmem>>, vector<1x16xf32>,
        %get3A_363 = arith.index_cast %add3A_322 : i32 to index
        %get3A_364 = arith.constant 64 : index
        %get3A_365 = tpu.vector_load %arg13[%get3A_363, %get3A_364] {strides = array<i32>} : memref<128x128xf32, #tpu.memory_space<vmem>>, vector<1x16xf32>,
        %get3A_366 = vector.shape_cast %get3A_365 : vector<1x16xf32> to vector<16xf32>
        %mul3A_367 = arith.mulf %get3A_366, %gather3A_318 : vector<16xf32>
        %swap3A_368 = arith.index_cast %add3A_322 : i32 to index
        %swap3A_369 = arith.constant 64 : index
        %swap3A_370 = tpu.vector_load %arg13[%swap3A_368, %swap3A_369] {strides = array<i32>} : memref<128x128xf32, #tpu.memory_space<vmem>>, vector<1x16xf32>,
        %swap3A_371 = vector.shape_cast %swap3A_370 : vector<1x16xf32> to vector<16xf32>
        %swap3A_372 = vector.shape_cast %mul3A_367 : vector<16xf32> to vector<1x16xf32>
        tpu.vector_store %arg13[%swap3A_368, %swap3A_369], %swap3A_372 {strides = array<i32>} : memref<128x128xf32, #tpu.memory_space<vmem>>, vector<1x16xf32>,
        %get3A_373 = arith.index_cast %add3A_322 : i32 to index
        %get3A_374 = arith.constant 80 : index
        %get3A_375 = tpu.vector_load %arg13[%get3A_373, %get3A_374] {strides = array<i32>} : memref<128x128xf32, #tpu.memory_space<vmem>>, vector<1x16xf32>,
        %get3A_376 = vector.shape_cast %get3A_375 : vector<1x16xf32> to vector<16xf32>
        %mul3A_377 = arith.mulf %get3A_376, %gather3A_318 : vector<16xf32>
        %swap3A_378 = arith.index_cast %add3A_322 : i32 to index
        %swap3A_379 = arith.constant 80 : index
        %swap3A_380 = tpu.vector_load %arg13[%swap3A_378, %swap3A_379] {strides = array<i32>} : memref<128x128xf32, #tpu.memory_space<vmem>>, vector<1x16xf32>,
        %swap3A_381 = vector.shape_cast %swap3A_380 : vector<1x16xf32> to vector<16xf32>
        %swap3A_382 = vector.shape_cast %mul3A_377 : vector<16xf32> to vector<1x16xf32>
        tpu.vector_store %arg13[%swap3A_378, %swap3A_379], %swap3A_382 {strides = array<i32>} : memref<128x128xf32, #tpu.memory_space<vmem>>, vector<1x16xf32>,
        %get3A_383 = arith.index_cast %add3A_322 : i32 to index
        %get3A_384 = arith.constant 96 : index
        %get3A_385 = tpu.vector_load %arg13[%get3A_383, %get3A_384] {strides = array<i32>} : memref<128x128xf32, #tpu.memory_space<vmem>>, vector<1x16xf32>,
        %get3A_386 = vector.shape_cast %get3A_385 : vector<1x16xf32> to vector<16xf32>
        %mul3A_387 = arith.mulf %get3A_386, %gather3A_318 : vector<16xf32>
        %swap3A_388 = arith.index_cast %add3A_322 : i32 to index
        %swap3A_389 = arith.constant 96 : index
        %swap3A_390 = tpu.vector_load %arg13[%swap3A_388, %swap3A_389] {strides = array<i32>} : memref<128x128xf32, #tpu.memory_space<vmem>>, vector<1x16xf32>,
        %swap3A_391 = vector.shape_cast %swap3A_390 : vector<1x16xf32> to vector<16xf32>
        %swap3A_392 = vector.shape_cast %mul3A_387 : vector<16xf32> to vector<1x16xf32>
        tpu.vector_store %arg13[%swap3A_388, %swap3A_389], %swap3A_392 {strides = array<i32>} : memref<128x128xf32, #tpu.memory_space<vmem>>, vector<1x16xf32>,
        %get3A_393 = arith.index_cast %add3A_322 : i32 to index
        %get3A_394 = arith.constant 112 : index
        %get3A_395 = tpu.vector_load %arg13[%get3A_393, %get3A_394] {strides = array<i32>} : memref<128x128xf32, #tpu.memory_space<vmem>>, vector<1x16xf32>,
        %get3A_396 = vector.shape_cast %get3A_395 : vector<1x16xf32> to vector<16xf32>
        %mul3A_397 = arith.mulf %get3A_396, %gather3A_318 : vector<16xf32>
        %swap3A_398 = arith.index_cast %add3A_322 : i32 to index
        %swap3A_399 = arith.constant 112 : index
        %swap3A_400 = tpu.vector_load %arg13[%swap3A_398, %swap3A_399] {strides = array<i32>} : memref<128x128xf32, #tpu.memory_space<vmem>>, vector<1x16xf32>,
        %swap3A_401 = vector.shape_cast %swap3A_400 : vector<1x16xf32> to vector<16xf32>
        %swap3A_402 = vector.shape_cast %mul3A_397 : vector<16xf32> to vector<1x16xf32>
        tpu.vector_store %arg13[%swap3A_398, %swap3A_399], %swap3A_402 {strides = array<i32>} : memref<128x128xf32, #tpu.memory_space<vmem>>, vector<1x16xf32>,
        %broadcast_in_dim3A_403 = arith.constant 3 : i32
        %broadcast_in_dim3A_404 = vector.broadcast %broadcast_in_dim3A_403 : i32 to vector<16xi32>
        %lt3A_405 = arith.constant 0 : i32
        %lt3A_406 = vector.broadcast %lt3A_405 : i32 to vector<16xi32>
        %lt3A_407 = arith.cmpi slt, %broadcast_in_dim3A_404, %lt3A_406 : vector<16xi32>
        %add3A_408 = arith.constant 16 : i32
        %add3A_409 = vector.broadcast %add3A_408 : i32 to vector<16xi32>
        %add3A_410 = arith.addi %broadcast_in_dim3A_404, %add3A_409 : vector<16xi32>
        %select_n3A_411 = arith.select %lt3A_407, %add3A_410, %broadcast_in_dim3A_404 : vector<16xi1>, vector<16xi32>
        %reshape3A_412 = vector.shape_cast %select_n3A_411 : vector<16xi32> to vector<16x1xi32>
        %gather3A_413 = vector.shape_cast %reshape3A_412 : vector<16x1xi32> to vector<16xi32>
        %gather3A_414 = tpu.dynamic_gather %get3A_119[%gather3A_413] in [0] : vector<16xf32>, vector<16xi32> -> vector<16xf32>
        %mul3A_415 = arith.constant 16 : i32
        %mul3A_416 = arith.muli %mul3A_415, %scan3A_115 : i32
        %add3A_417 = arith.constant 3 : i32
        %add3A_418 = arith.addi %mul3A_416, %add3A_417 : i32
        %get3A_419 = arith.index_cast %add3A_418 : i32 to index
        %get3A_420 = arith.constant 0 : index
        %get3A_421 = tpu.vector_load %arg13[%get3A_419, %get3A_420] {strides = array<i32>} : memref<128x128xf32, #tpu.memory_space<vmem>>, vector<1x16xf32>,
        %get3A_422 = vector.shape_cast %get3A_421 : vector<1x16xf32> to vector<16xf32>
        %mul3A_423 = arith.mulf %get3A_422, %gather3A_414 : vector<16xf32>
        %swap3A_424 = arith.index_cast %add3A_418 : i32 to index
        %swap3A_425 = arith.constant 0 : index
        %swap3A_426 = tpu.vector_load %arg13[%swap3A_424, %swap3A_425] {strides = array<i32>} : memref<128x128xf32, #tpu.memory_space<vmem>>, vector<1x16xf32>,
        %swap3A_427 = vector.shape_cast %swap3A_426 : vector<1x16xf32> to vector<16xf32>
        %swap3A_428 = vector.shape_cast %mul3A_423 : vector<16xf32> to vector<1x16xf32>
        tpu.vector_store %arg13[%swap3A_424, %swap3A_425], %swap3A_428 {strides = array<i32>} : memref<128x128xf32, #tpu.memory_space<vmem>>, vector<1x16xf32>,
        %get3A_429 = arith.index_cast %add3A_418 : i32 to index
        %get3A_430 = arith.constant 16 : index
        %get3A_431 = tpu.vector_load %arg13[%get3A_429, %get3A_430] {strides = array<i32>} : memref<128x128xf32, #tpu.memory_space<vmem>>, vector<1x16xf32>,
        %get3A_432 = vector.shape_cast %get3A_431 : vector<1x16xf32> to vector<16xf32>
        %mul3A_433 = arith.mulf %get3A_432, %gather3A_414 : vector<16xf32>
        %swap3A_434 = arith.index_cast %add3A_418 : i32 to index
        %swap3A_435 = arith.constant 16 : index
        %swap3A_436 = tpu.vector_load %arg13[%swap3A_434, %swap3A_435] {strides = array<i32>} : memref<128x128xf32, #tpu.memory_space<vmem>>, vector<1x16xf32>,
        %swap3A_437 = vector.shape_cast %swap3A_436 : vector<1x16xf32> to vector<16xf32>
        %swap3A_438 = vector.shape_cast %mul3A_433 : vector<16xf32> to vector<1x16xf32>
        tpu.vector_store %arg13[%swap3A_434, %swap3A_435], %swap3A_438 {strides = array<i32>} : memref<128x128xf32, #tpu.memory_space<vmem>>, vector<1x16xf32>,
        %get3A_439 = arith.index_cast %add3A_418 : i32 to index
        %get3A_440 = arith.constant 32 : index
        %get3A_441 = tpu.vector_load %arg13[%get3A_439, %get3A_440] {strides = array<i32>} : memref<128x128xf32, #tpu.memory_space<vmem>>, vector<1x16xf32>,
        %get3A_442 = vector.shape_cast %get3A_441 : vector<1x16xf32> to vector<16xf32>
        %mul3A_443 = arith.mulf %get3A_442, %gather3A_414 : vector<16xf32>
        %swap3A_444 = arith.index_cast %add3A_418 : i32 to index
        %swap3A_445 = arith.constant 32 : index
        %swap3A_446 = tpu.vector_load %arg13[%swap3A_444, %swap3A_445] {strides = array<i32>} : memref<128x128xf32, #tpu.memory_space<vmem>>, vector<1x16xf32>,
        %swap3A_447 = vector.shape_cast %swap3A_446 : vector<1x16xf32> to vector<16xf32>
        %swap3A_448 = vector.shape_cast %mul3A_443 : vector<16xf32> to vector<1x16xf32>
        tpu.vector_store %arg13[%swap3A_444, %swap3A_445], %swap3A_448 {strides = array<i32>} : memref<128x128xf32, #tpu.memory_space<vmem>>, vector<1x16xf32>,
        %get3A_449 = arith.index_cast %add3A_418 : i32 to index
        %get3A_450 = arith.constant 48 : index
        %get3A_451 = tpu.vector_load %arg13[%get3A_449, %get3A_450] {strides = array<i32>} : memref<128x128xf32, #tpu.memory_space<vmem>>, vector<1x16xf32>,
        %get3A_452 = vector.shape_cast %get3A_451 : vector<1x16xf32> to vector<16xf32>
        %mul3A_453 = arith.mulf %get3A_452, %gather3A_414 : vector<16xf32>
        %swap3A_454 = arith.index_cast %add3A_418 : i32 to index
        %swap3A_455 = arith.constant 48 : index
        %swap3A_456 = tpu.vector_load %arg13[%swap3A_454, %swap3A_455] {strides = array<i32>} : memref<128x128xf32, #tpu.memory_space<vmem>>, vector<1x16xf32>,
        %swap3A_457 = vector.shape_cast %swap3A_456 : vector<1x16xf32> to vector<16xf32>
        %swap3A_458 = vector.shape_cast %mul3A_453 : vector<16xf32> to vector<1x16xf32>
        tpu.vector_store %arg13[%swap3A_454, %swap3A_455], %swap3A_458 {strides = array<i32>} : memref<128x128xf32, #tpu.memory_space<vmem>>, vector<1x16xf32>,
        %get3A_459 = arith.index_cast %add3A_418 : i32 to index
        %get3A_460 = arith.constant 64 : index
        %get3A_461 = tpu.vector_load %arg13[%get3A_459, %get3A_460] {strides = array<i32>} : memref<128x128xf32, #tpu.memory_space<vmem>>, vector<1x16xf32>,
        %get3A_462 = vector.shape_cast %get3A_461 : vector<1x16xf32> to vector<16xf32>
        %mul3A_463 = arith.mulf %get3A_462, %gather3A_414 : vector<16xf32>
        %swap3A_464 = arith.index_cast %add3A_418 : i32 to index
        %swap3A_465 = arith.constant 64 : index
        %swap3A_466 = tpu.vector_load %arg13[%swap3A_464, %swap3A_465] {strides = array<i32>} : memref<128x128xf32, #tpu.memory_space<vmem>>, vector<1x16xf32>,
        %swap3A_467 = vector.shape_cast %swap3A_466 : vector<1x16xf32> to vector<16xf32>
        %swap3A_468 = vector.shape_cast %mul3A_463 : vector<16xf32> to vector<1x16xf32>
        tpu.vector_store %arg13[%swap3A_464, %swap3A_465], %swap3A_468 {strides = array<i32>} : memref<128x128xf32, #tpu.memory_space<vmem>>, vector<1x16xf32>,
        %get3A_469 = arith.index_cast %add3A_418 : i32 to index
        %get3A_470 = arith.constant 80 : index
        %get3A_471 = tpu.vector_load %arg13[%get3A_469, %get3A_470] {strides = array<i32>} : memref<128x128xf32, #tpu.memory_space<vmem>>, vector<1x16xf32>,
        %get3A_472 = vector.shape_cast %get3A_471 : vector<1x16xf32> to vector<16xf32>
        %mul3A_473 = arith.mulf %get3A_472, %gather3A_414 : vector<16xf32>
        %swap3A_474 = arith.index_cast %add3A_418 : i32 to index
        %swap3A_475 = arith.constant 80 : index
        %swap3A_476 = tpu.vector_load %arg13[%swap3A_474, %swap3A_475] {strides = array<i32>} : memref<128x128xf32, #tpu.memory_space<vmem>>, vector<1x16xf32>,
        %swap3A_477 = vector.shape_cast %swap3A_476 : vector<1x16xf32> to vector<16xf32>
        %swap3A_478 = vector.shape_cast %mul3A_473 : vector<16xf32> to vector<1x16xf32>
        tpu.vector_store %arg13[%swap3A_474, %swap3A_475], %swap3A_478 {strides = array<i32>} : memref<128x128xf32, #tpu.memory_space<vmem>>, vector<1x16xf32>,
        %get3A_479 = arith.index_cast %add3A_418 : i32 to index
        %get3A_480 = arith.constant 96 : index
        %get3A_481 = tpu.vector_load %arg13[%get3A_479, %get3A_480] {strides = array<i32>} : memref<128x128xf32, #tpu.memory_space<vmem>>, vector<1x16xf32>,
        %get3A_482 = vector.shape_cast %get3A_481 : vector<1x16xf32> to vector<16xf32>
        %mul3A_483 = arith.mulf %get3A_482, %gather3A_414 : vector<16xf32>
        %swap3A_484 = arith.index_cast %add3A_418 : i32 to index
        %swap3A_485 = arith.constant 96 : index
        %swap3A_486 = tpu.vector_load %arg13[%swap3A_484, %swap3A_485] {strides = array<i32>} : memref<128x128xf32, #tpu.memory_space<vmem>>, vector<1x16xf32>,
        %swap3A_487 = vector.shape_cast %swap3A_486 : vector<1x16xf32> to vector<16xf32>
        %swap3A_488 = vector.shape_cast %mul3A_483 : vector<16xf32> to vector<1x16xf32>
        tpu.vector_store %arg13[%swap3A_484, %swap3A_485], %swap3A_488 {strides = array<i32>} : memref<128x128xf32, #tpu.memory_space<vmem>>, vector<1x16xf32>,
        %get3A_489 = arith.index_cast %add3A_418 : i32 to index
        %get3A_490 = arith.constant 112 : index
        %get3A_491 = tpu.vector_load %arg13[%get3A_489, %get3A_490] {strides = array<i32>} : memref<128x128xf32, #tpu.memory_space<vmem>>, vector<1x16xf32>,
        %get3A_492 = vector.shape_cast %get3A_491 : vector<1x16xf32> to vector<16xf32>
        %mul3A_493 = arith.mulf %get3A_492, %gather3A_414 : vector<16xf32>
        %swap3A_494 = arith.index_cast %add3A_418 : i32 to index
        %swap3A_495 = arith.constant 112 : index
        %swap3A_496 = tpu.vector_load %arg13[%swap3A_494, %swap3A_495] {strides = array<i32>} : memref<128x128xf32, #tpu.memory_space<vmem>>, vector<1x16xf32>,
        %swap3A_497 = vector.shape_cast %swap3A_496 : vector<1x16xf32> to vector<16xf32>
        %swap3A_498 = vector.shape_cast %mul3A_493 : vector<16xf32> to vector<1x16xf32>
        tpu.vector_store %arg13[%swap3A_494, %swap3A_495], %swap3A_498 {strides = array<i32>} : memref<128x128xf32, #tpu.memory_space<vmem>>, vector<1x16xf32>,
        %broadcast_in_dim3A_499 = arith.constant 4 : i32
        %broadcast_in_dim3A_500 = vector.broadcast %broadcast_in_dim3A_499 : i32 to vector<16xi32>
        %lt3A_501 = arith.constant 0 : i32
        %lt3A_502 = vector.broadcast %lt3A_501 : i32 to vector<16xi32>
        %lt3A_503 = arith.cmpi slt, %broadcast_in_dim3A_500, %lt3A_502 : vector<16xi32>
        %add3A_504 = arith.constant 16 : i32
        %add3A_505 = vector.broadcast %add3A_504 : i32 to vector<16xi32>
        %add3A_506 = arith.addi %broadcast_in_dim3A_500, %add3A_505 : vector<16xi32>
        %select_n3A_507 = arith.select %lt3A_503, %add3A_506, %broadcast_in_dim3A_500 : vector<16xi1>, vector<16xi32>
        %reshape3A_508 = vector.shape_cast %select_n3A_507 : vector<16xi32> to vector<16x1xi32>
        %gather3A_509 = vector.shape_cast %reshape3A_508 : vector<16x1xi32> to vector<16xi32>
        %gather3A_510 = tpu.dynamic_gather %get3A_119[%gather3A_509] in [0] : vector<16xf32>, vector<16xi32> -> vector<16xf32>
        %mul3A_511 = arith.constant 16 : i32
        %mul3A_512 = arith.muli %mul3A_511, %scan3A_115 : i32
        %add3A_513 = arith.constant 4 : i32
        %add3A_514 = arith.addi %mul3A_512, %add3A_513 : i32
        %get3A_515 = arith.index_cast %add3A_514 : i32 to index
        %get3A_516 = arith.constant 0 : index
        %get3A_517 = tpu.vector_load %arg13[%get3A_515, %get3A_516] {strides = array<i32>} : memref<128x128xf32, #tpu.memory_space<vmem>>, vector<1x16xf32>,
        %get3A_518 = vector.shape_cast %get3A_517 : vector<1x16xf32> to vector<16xf32>
        %mul3A_519 = arith.mulf %get3A_518, %gather3A_510 : vector<16xf32>
        %swap3A_520 = arith.index_cast %add3A_514 : i32 to index
        %swap3A_521 = arith.constant 0 : index
        %swap3A_522 = tpu.vector_load %arg13[%swap3A_520, %swap3A_521] {strides = array<i32>} : memref<128x128xf32, #tpu.memory_space<vmem>>, vector<1x16xf32>,
        %swap3A_523 = vector.shape_cast %swap3A_522 : vector<1x16xf32> to vector<16xf32>
        %swap3A_524 = vector.shape_cast %mul3A_519 : vector<16xf32> to vector<1x16xf32>
        tpu.vector_store %arg13[%swap3A_520, %swap3A_521], %swap3A_524 {strides = array<i32>} : memref<128x128xf32, #tpu.memory_space<vmem>>, vector<1x16xf32>,
        %get3A_525 = arith.index_cast %add3A_514 : i32 to index
        %get3A_526 = arith.constant 16 : index
        %get3A_527 = tpu.vector_load %arg13[%get3A_525, %get3A_526] {strides = array<i32>} : memref<128x128xf32, #tpu.memory_space<vmem>>, vector<1x16xf32>,
        %get3A_528 = vector.shape_cast %get3A_527 : vector<1x16xf32> to vector<16xf32>
        %mul3A_529 = arith.mulf %get3A_528, %gather3A_510 : vector<16xf32>
        %swap3A_530 = arith.index_cast %add3A_514 : i32 to index
        %swap3A_531 = arith.constant 16 : index
        %swap3A_532 = tpu.vector_load %arg13[%swap3A_530, %swap3A_531] {strides = array<i32>} : memref<128x128xf32, #tpu.memory_space<vmem>>, vector<1x16xf32>,
        %swap3A_533 = vector.shape_cast %swap3A_532 : vector<1x16xf32> to vector<16xf32>
        %swap3A_534 = vector.shape_cast %mul3A_529 : vector<16xf32> to vector<1x16xf32>
        tpu.vector_store %arg13[%swap3A_530, %swap3A_531], %swap3A_534 {strides = array<i32>} : memref<128x128xf32, #tpu.memory_space<vmem>>, vector<1x16xf32>,
        %get3A_535 = arith.index_cast %add3A_514 : i32 to index
        %get3A_536 = arith.constant 32 : index
        %get3A_537 = tpu.vector_load %arg13[%get3A_535, %get3A_536] {strides = array<i32>} : memref<128x128xf32, #tpu.memory_space<vmem>>, vector<1x16xf32>,
        %get3A_538 = vector.shape_cast %get3A_537 : vector<1x16xf32> to vector<16xf32>
        %mul3A_539 = arith.mulf %get3A_538, %gather3A_510 : vector<16xf32>
        %swap3A_540 = arith.index_cast %add3A_514 : i32 to index
        %swap3A_541 = arith.constant 32 : index
        %swap3A_542 = tpu.vector_load %arg13[%swap3A_540, %swap3A_541] {strides = array<i32>} : memref<128x128xf32, #tpu.memory_space<vmem>>, vector<1x16xf32>,
        %swap3A_543 = vector.shape_cast %swap3A_542 : vector<1x16xf32> to vector<16xf32>
        %swap3A_544 = vector.shape_cast %mul3A_539 : vector<16xf32> to vector<1x16xf32>
        tpu.vector_store %arg13[%swap3A_540, %swap3A_541], %swap3A_544 {strides = array<i32>} : memref<128x128xf32, #tpu.memory_space<vmem>>, vector<1x16xf32>,
        %get3A_545 = arith.index_cast %add3A_514 : i32 to index
        %get3A_546 = arith.constant 48 : index
        %get3A_547 = tpu.vector_load %arg13[%get3A_545, %get3A_546] {strides = array<i32>} : memref<128x128xf32, #tpu.memory_space<vmem>>, vector<1x16xf32>,
        %get3A_548 = vector.shape_cast %get3A_547 : vector<1x16xf32> to vector<16xf32>
        %mul3A_549 = arith.mulf %get3A_548, %gather3A_510 : vector<16xf32>
        %swap3A_550 = arith.index_cast %add3A_514 : i32 to index
        %swap3A_551 = arith.constant 48 : index
        %swap3A_552 = tpu.vector_load %arg13[%swap3A_550, %swap3A_551] {strides = array<i32>} : memref<128x128xf32, #tpu.memory_space<vmem>>, vector<1x16xf32>,
        %swap3A_553 = vector.shape_cast %swap3A_552 : vector<1x16xf32> to vector<16xf32>
        %swap3A_554 = vector.shape_cast %mul3A_549 : vector<16xf32> to vector<1x16xf32>
        tpu.vector_store %arg13[%swap3A_550, %swap3A_551], %swap3A_554 {strides = array<i32>} : memref<128x128xf32, #tpu.memory_space<vmem>>, vector<1x16xf32>,
        %get3A_555 = arith.index_cast %add3A_514 : i32 to index
        %get3A_556 = arith.constant 64 : index
        %get3A_557 = tpu.vector_load %arg13[%get3A_555, %get3A_556] {strides = array<i32>} : memref<128x128xf32, #tpu.memory_space<vmem>>, vector<1x16xf32>,
        %get3A_558 = vector.shape_cast %get3A_557 : vector<1x16xf32> to vector<16xf32>
        %mul3A_559 = arith.mulf %get3A_558, %gather3A_510 : vector<16xf32>
        %swap3A_560 = arith.index_cast %add3A_514 : i32 to index
        %swap3A_561 = arith.constant 64 : index
        %swap3A_562 = tpu.vector_load %arg13[%swap3A_560, %swap3A_561] {strides = array<i32>} : memref<128x128xf32, #tpu.memory_space<vmem>>, vector<1x16xf32>,
        %swap3A_563 = vector.shape_cast %swap3A_562 : vector<1x16xf32> to vector<16xf32>
        %swap3A_564 = vector.shape_cast %mul3A_559 : vector<16xf32> to vector<1x16xf32>
        tpu.vector_store %arg13[%swap3A_560, %swap3A_561], %swap3A_564 {strides = array<i32>} : memref<128x128xf32, #tpu.memory_space<vmem>>, vector<1x16xf32>,
        %get3A_565 = arith.index_cast %add3A_514 : i32 to index
        %get3A_566 = arith.constant 80 : index
        %get3A_567 = tpu.vector_load %arg13[%get3A_565, %get3A_566] {strides = array<i32>} : memref<128x128xf32, #tpu.memory_space<vmem>>, vector<1x16xf32>,
        %get3A_568 = vector.shape_cast %get3A_567 : vector<1x16xf32> to vector<16xf32>
        %mul3A_569 = arith.mulf %get3A_568, %gather3A_510 : vector<16xf32>
        %swap3A_570 = arith.index_cast %add3A_514 : i32 to index
        %swap3A_571 = arith.constant 80 : index
        %swap3A_572 = tpu.vector_load %arg13[%swap3A_570, %swap3A_571] {strides = array<i32>} : memref<128x128xf32, #tpu.memory_space<vmem>>, vector<1x16xf32>,
        %swap3A_573 = vector.shape_cast %swap3A_572 : vector<1x16xf32> to vector<16xf32>
        %swap3A_574 = vector.shape_cast %mul3A_569 : vector<16xf32> to vector<1x16xf32>
        tpu.vector_store %arg13[%swap3A_570, %swap3A_571], %swap3A_574 {strides = array<i32>} : memref<128x128xf32, #tpu.memory_space<vmem>>, vector<1x16xf32>,
        %get3A_575 = arith.index_cast %add3A_514 : i32 to index
        %get3A_576 = arith.constant 96 : index
        %get3A_577 = tpu.vector_load %arg13[%get3A_575, %get3A_576] {strides = array<i32>} : memref<128x128xf32, #tpu.memory_space<vmem>>, vector<1x16xf32>,
        %get3A_578 = vector.shape_cast %get3A_577 : vector<1x16xf32> to vector<16xf32>
        %mul3A_579 = arith.mulf %get3A_578, %gather3A_510 : vector<16xf32>
        %swap3A_580 = arith.index_cast %add3A_514 : i32 to index
        %swap3A_581 = arith.constant 96 : index
        %swap3A_582 = tpu.vector_load %arg13[%swap3A_580, %swap3A_581] {strides = array<i32>} : memref<128x128xf32, #tpu.memory_space<vmem>>, vector<1x16xf32>,
        %swap3A_583 = vector.shape_cast %swap3A_582 : vector<1x16xf32> to vector<16xf32>
        %swap3A_584 = vector.shape_cast %mul3A_579 : vector<16xf32> to vector<1x16xf32>
        tpu.vector_store %arg13[%swap3A_580, %swap3A_581], %swap3A_584 {strides = array<i32>} : memref<128x128xf32, #tpu.memory_space<vmem>>, vector<1x16xf32>,
        %get3A_585 = arith.index_cast %add3A_514 : i32 to index
        %get3A_586 = arith.constant 112 : index
        %get3A_587 = tpu.vector_load %arg13[%get3A_585, %get3A_586] {strides = array<i32>} : memref<128x128xf32, #tpu.memory_space<vmem>>, vector<1x16xf32>,
        %get3A_588 = vector.shape_cast %get3A_587 : vector<1x16xf32> to vector<16xf32>
        %mul3A_589 = arith.mulf %get3A_588, %gather3A_510 : vector<16xf32>
        %swap3A_590 = arith.index_cast %add3A_514 : i32 to index
        %swap3A_591 = arith.constant 112 : index
        %swap3A_592 = tpu.vector_load %arg13[%swap3A_590, %swap3A_591] {strides = array<i32>} : memref<128x128xf32, #tpu.memory_space<vmem>>, vector<1x16xf32>,
        %swap3A_593 = vector.shape_cast %swap3A_592 : vector<1x16xf32> to vector<16xf32>
        %swap3A_594 = vector.shape_cast %mul3A_589 : vector<16xf32> to vector<1x16xf32>
        tpu.vector_store %arg13[%swap3A_590, %swap3A_591], %swap3A_594 {strides = array<i32>} : memref<128x128xf32, #tpu.memory_space<vmem>>, vector<1x16xf32>,
        %broadcast_in_dim3A_595 = arith.constant 5 : i32
        %broadcast_in_dim3A_596 = vector.broadcast %broadcast_in_dim3A_595 : i32 to vector<16xi32>
        %lt3A_597 = arith.constant 0 : i32
        %lt3A_598 = vector.broadcast %lt3A_597 : i32 to vector<16xi32>
        %lt3A_599 = arith.cmpi slt, %broadcast_in_dim3A_596, %lt3A_598 : vector<16xi32>
        %add3A_600 = arith.constant 16 : i32
        %add3A_601 = vector.broadcast %add3A_600 : i32 to vector<16xi32>
        %add3A_602 = arith.addi %broadcast_in_dim3A_596, %add3A_601 : vector<16xi32>
        %select_n3A_603 = arith.select %lt3A_599, %add3A_602, %broadcast_in_dim3A_596 : vector<16xi1>, vector<16xi32>
        %reshape3A_604 = vector.shape_cast %select_n3A_603 : vector<16xi32> to vector<16x1xi32>
        %gather3A_605 = vector.shape_cast %reshape3A_604 : vector<16x1xi32> to vector<16xi32>
        %gather3A_606 = tpu.dynamic_gather %get3A_119[%gather3A_605] in [0] : vector<16xf32>, vector<16xi32> -> vector<16xf32>
        %mul3A_607 = arith.constant 16 : i32
        %mul3A_608 = arith.muli %mul3A_607, %scan3A_115 : i32
        %add3A_609 = arith.constant 5 : i32
        %add3A_610 = arith.addi %mul3A_608, %add3A_609 : i32
        %get3A_611 = arith.index_cast %add3A_610 : i32 to index
        %get3A_612 = arith.constant 0 : index
        %get3A_613 = tpu.vector_load %arg13[%get3A_611, %get3A_612] {strides = array<i32>} : memref<128x128xf32, #tpu.memory_space<vmem>>, vector<1x16xf32>,
        %get3A_614 = vector.shape_cast %get3A_613 : vector<1x16xf32> to vector<16xf32>
        %mul3A_615 = arith.mulf %get3A_614, %gather3A_606 : vector<16xf32>
        %swap3A_616 = arith.index_cast %add3A_610 : i32 to index
        %swap3A_617 = arith.constant 0 : index
        %swap3A_618 = tpu.vector_load %arg13[%swap3A_616, %swap3A_617] {strides = array<i32>} : memref<128x128xf32, #tpu.memory_space<vmem>>, vector<1x16xf32>,
        %swap3A_619 = vector.shape_cast %swap3A_618 : vector<1x16xf32> to vector<16xf32>
        %swap3A_620 = vector.shape_cast %mul3A_615 : vector<16xf32> to vector<1x16xf32>
        tpu.vector_store %arg13[%swap3A_616, %swap3A_617], %swap3A_620 {strides = array<i32>} : memref<128x128xf32, #tpu.memory_space<vmem>>, vector<1x16xf32>,
        %get3A_621 = arith.index_cast %add3A_610 : i32 to index
        %get3A_622 = arith.constant 16 : index
        %get3A_623 = tpu.vector_load %arg13[%get3A_621, %get3A_622] {strides = array<i32>} : memref<128x128xf32, #tpu.memory_space<vmem>>, vector<1x16xf32>,
        %get3A_624 = vector.shape_cast %get3A_623 : vector<1x16xf32> to vector<16xf32>
        %mul3A_625 = arith.mulf %get3A_624, %gather3A_606 : vector<16xf32>
        %swap3A_626 = arith.index_cast %add3A_610 : i32 to index
        %swap3A_627 = arith.constant 16 : index
        %swap3A_628 = tpu.vector_load %arg13[%swap3A_626, %swap3A_627] {strides = array<i32>} : memref<128x128xf32, #tpu.memory_space<vmem>>, vector<1x16xf32>,
        %swap3A_629 = vector.shape_cast %swap3A_628 : vector<1x16xf32> to vector<16xf32>
        %swap3A_630 = vector.shape_cast %mul3A_625 : vector<16xf32> to vector<1x16xf32>
        tpu.vector_store %arg13[%swap3A_626, %swap3A_627], %swap3A_630 {strides = array<i32>} : memref<128x128xf32, #tpu.memory_space<vmem>>, vector<1x16xf32>,
        %get3A_631 = arith.index_cast %add3A_610 : i32 to index
        %get3A_632 = arith.constant 32 : index
        %get3A_633 = tpu.vector_load %arg13[%get3A_631, %get3A_632] {strides = array<i32>} : memref<128x128xf32, #tpu.memory_space<vmem>>, vector<1x16xf32>,
        %get3A_634 = vector.shape_cast %get3A_633 : vector<1x16xf32> to vector<16xf32>
        %mul3A_635 = arith.mulf %get3A_634, %gather3A_606 : vector<16xf32>
        %swap3A_636 = arith.index_cast %add3A_610 : i32 to index
        %swap3A_637 = arith.constant 32 : index
        %swap3A_638 = tpu.vector_load %arg13[%swap3A_636, %swap3A_637] {strides = array<i32>} : memref<128x128xf32, #tpu.memory_space<vmem>>, vector<1x16xf32>,
        %swap3A_639 = vector.shape_cast %swap3A_638 : vector<1x16xf32> to vector<16xf32>
        %swap3A_640 = vector.shape_cast %mul3A_635 : vector<16xf32> to vector<1x16xf32>
        tpu.vector_store %arg13[%swap3A_636, %swap3A_637], %swap3A_640 {strides = array<i32>} : memref<128x128xf32, #tpu.memory_space<vmem>>, vector<1x16xf32>,
        %get3A_641 = arith.index_cast %add3A_610 : i32 to index
        %get3A_642 = arith.constant 48 : index
        %get3A_643 = tpu.vector_load %arg13[%get3A_641, %get3A_642] {strides = array<i32>} : memref<128x128xf32, #tpu.memory_space<vmem>>, vector<1x16xf32>,
        %get3A_644 = vector.shape_cast %get3A_643 : vector<1x16xf32> to vector<16xf32>
        %mul3A_645 = arith.mulf %get3A_644, %gather3A_606 : vector<16xf32>
        %swap3A_646 = arith.index_cast %add3A_610 : i32 to index
        %swap3A_647 = arith.constant 48 : index
        %swap3A_648 = tpu.vector_load %arg13[%swap3A_646, %swap3A_647] {strides = array<i32>} : memref<128x128xf32, #tpu.memory_space<vmem>>, vector<1x16xf32>,
        %swap3A_649 = vector.shape_cast %swap3A_648 : vector<1x16xf32> to vector<16xf32>
        %swap3A_650 = vector.shape_cast %mul3A_645 : vector<16xf32> to vector<1x16xf32>
        tpu.vector_store %arg13[%swap3A_646, %swap3A_647], %swap3A_650 {strides = array<i32>} : memref<128x128xf32, #tpu.memory_space<vmem>>, vector<1x16xf32>,
        %get3A_651 = arith.index_cast %add3A_610 : i32 to index
        %get3A_652 = arith.constant 64 : index
        %get3A_653 = tpu.vector_load %arg13[%get3A_651, %get3A_652] {strides = array<i32>} : memref<128x128xf32, #tpu.memory_space<vmem>>, vector<1x16xf32>,
        %get3A_654 = vector.shape_cast %get3A_653 : vector<1x16xf32> to vector<16xf32>
        %mul3A_655 = arith.mulf %get3A_654, %gather3A_606 : vector<16xf32>
        %swap3A_656 = arith.index_cast %add3A_610 : i32 to index
        %swap3A_657 = arith.constant 64 : index
        %swap3A_658 = tpu.vector_load %arg13[%swap3A_656, %swap3A_657] {strides = array<i32>} : memref<128x128xf32, #tpu.memory_space<vmem>>, vector<1x16xf32>,
        %swap3A_659 = vector.shape_cast %swap3A_658 : vector<1x16xf32> to vector<16xf32>
        %swap3A_660 = vector.shape_cast %mul3A_655 : vector<16xf32> to vector<1x16xf32>
        tpu.vector_store %arg13[%swap3A_656, %swap3A_657], %swap3A_660 {strides = array<i32>} : memref<128x128xf32, #tpu.memory_space<vmem>>, vector<1x16xf32>,
        %get3A_661 = arith.index_cast %add3A_610 : i32 to index
        %get3A_662 = arith.constant 80 : index
        %get3A_663 = tpu.vector_load %arg13[%get3A_661, %get3A_662] {strides = array<i32>} : memref<128x128xf32, #tpu.memory_space<vmem>>, vector<1x16xf32>,
        %get3A_664 = vector.shape_cast %get3A_663 : vector<1x16xf32> to vector<16xf32>
        %mul3A_665 = arith.mulf %get3A_664, %gather3A_606 : vector<16xf32>
        %swap3A_666 = arith.index_cast %add3A_610 : i32 to index
        %swap3A_667 = arith.constant 80 : index
        %swap3A_668 = tpu.vector_load %arg13[%swap3A_666, %swap3A_667] {strides = array<i32>} : memref<128x128xf32, #tpu.memory_space<vmem>>, vector<1x16xf32>,
        %swap3A_669 = vector.shape_cast %swap3A_668 : vector<1x16xf32> to vector<16xf32>
        %swap3A_670 = vector.shape_cast %mul3A_665 : vector<16xf32> to vector<1x16xf32>
        tpu.vector_store %arg13[%swap3A_666, %swap3A_667], %swap3A_670 {strides = array<i32>} : memref<128x128xf32, #tpu.memory_space<vmem>>, vector<1x16xf32>,
        %get3A_671 = arith.index_cast %add3A_610 : i32 to index
        %get3A_672 = arith.constant 96 : index
        %get3A_673 = tpu.vector_load %arg13[%get3A_671, %get3A_672] {strides = array<i32>} : memref<128x128xf32, #tpu.memory_space<vmem>>, vector<1x16xf32>,
        %get3A_674 = vector.shape_cast %get3A_673 : vector<1x16xf32> to vector<16xf32>
        %mul3A_675 = arith.mulf %get3A_674, %gather3A_606 : vector<16xf32>
        %swap3A_676 = arith.index_cast %add3A_610 : i32 to index
        %swap3A_677 = arith.constant 96 : index
        %swap3A_678 = tpu.vector_load %arg13[%swap3A_676, %swap3A_677] {strides = array<i32>} : memref<128x128xf32, #tpu.memory_space<vmem>>, vector<1x16xf32>,
        %swap3A_679 = vector.shape_cast %swap3A_678 : vector<1x16xf32> to vector<16xf32>
        %swap3A_680 = vector.shape_cast %mul3A_675 : vector<16xf32> to vector<1x16xf32>
        tpu.vector_store %arg13[%swap3A_676, %swap3A_677], %swap3A_680 {strides = array<i32>} : memref<128x128xf32, #tpu.memory_space<vmem>>, vector<1x16xf32>,
        %get3A_681 = arith.index_cast %add3A_610 : i32 to index
        %get3A_682 = arith.constant 112 : index
        %get3A_683 = tpu.vector_load %arg13[%get3A_681, %get3A_682] {strides = array<i32>} : memref<128x128xf32, #tpu.memory_space<vmem>>, vector<1x16xf32>,
        %get3A_684 = vector.shape_cast %get3A_683 : vector<1x16xf32> to vector<16xf32>
        %mul3A_685 = arith.mulf %get3A_684, %gather3A_606 : vector<16xf32>
        %swap3A_686 = arith.index_cast %add3A_610 : i32 to index
        %swap3A_687 = arith.constant 112 : index
        %swap3A_688 = tpu.vector_load %arg13[%swap3A_686, %swap3A_687] {strides = array<i32>} : memref<128x128xf32, #tpu.memory_space<vmem>>, vector<1x16xf32>,
        %swap3A_689 = vector.shape_cast %swap3A_688 : vector<1x16xf32> to vector<16xf32>
        %swap3A_690 = vector.shape_cast %mul3A_685 : vector<16xf32> to vector<1x16xf32>
        tpu.vector_store %arg13[%swap3A_686, %swap3A_687], %swap3A_690 {strides = array<i32>} : memref<128x128xf32, #tpu.memory_space<vmem>>, vector<1x16xf32>,
        %broadcast_in_dim3A_691 = arith.constant 6 : i32
        %broadcast_in_dim3A_692 = vector.broadcast %broadcast_in_dim3A_691 : i32 to vector<16xi32>
        %lt3A_693 = arith.constant 0 : i32
        %lt3A_694 = vector.broadcast %lt3A_693 : i32 to vector<16xi32>
        %lt3A_695 = arith.cmpi slt, %broadcast_in_dim3A_692, %lt3A_694 : vector<16xi32>
        %add3A_696 = arith.constant 16 : i32
        %add3A_697 = vector.broadcast %add3A_696 : i32 to vector<16xi32>
        %add3A_698 = arith.addi %broadcast_in_dim3A_692, %add3A_697 : vector<16xi32>
        %select_n3A_699 = arith.select %lt3A_695, %add3A_698, %broadcast_in_dim3A_692 : vector<16xi1>, vector<16xi32>
        %reshape3A_700 = vector.shape_cast %select_n3A_699 : vector<16xi32> to vector<16x1xi32>
        %gather3A_701 = vector.shape_cast %reshape3A_700 : vector<16x1xi32> to vector<16xi32>
        %gather3A_702 = tpu.dynamic_gather %get3A_119[%gather3A_701] in [0] : vector<16xf32>, vector<16xi32> -> vector<16xf32>
        %mul3A_703 = arith.constant 16 : i32
        %mul3A_704 = arith.muli %mul3A_703, %scan3A_115 : i32
        %add3A_705 = arith.constant 6 : i32
        %add3A_706 = arith.addi %mul3A_704, %add3A_705 : i32
        %get3A_707 = arith.index_cast %add3A_706 : i32 to index
        %get3A_708 = arith.constant 0 : index
        %get3A_709 = tpu.vector_load %arg13[%get3A_707, %get3A_708] {strides = array<i32>} : memref<128x128xf32, #tpu.memory_space<vmem>>, vector<1x16xf32>,
        %get3A_710 = vector.shape_cast %get3A_709 : vector<1x16xf32> to vector<16xf32>
        %mul3A_711 = arith.mulf %get3A_710, %gather3A_702 : vector<16xf32>
        %swap3A_712 = arith.index_cast %add3A_706 : i32 to index
        %swap3A_713 = arith.constant 0 : index
        %swap3A_714 = tpu.vector_load %arg13[%swap3A_712, %swap3A_713] {strides = array<i32>} : memref<128x128xf32, #tpu.memory_space<vmem>>, vector<1x16xf32>,
        %swap3A_715 = vector.shape_cast %swap3A_714 : vector<1x16xf32> to vector<16xf32>
        %swap3A_716 = vector.shape_cast %mul3A_711 : vector<16xf32> to vector<1x16xf32>
        tpu.vector_store %arg13[%swap3A_712, %swap3A_713], %swap3A_716 {strides = array<i32>} : memref<128x128xf32, #tpu.memory_space<vmem>>, vector<1x16xf32>,
        %get3A_717 = arith.index_cast %add3A_706 : i32 to index
        %get3A_718 = arith.constant 16 : index
        %get3A_719 = tpu.vector_load %arg13[%get3A_717, %get3A_718] {strides = array<i32>} : memref<128x128xf32, #tpu.memory_space<vmem>>, vector<1x16xf32>,
        %get3A_720 = vector.shape_cast %get3A_719 : vector<1x16xf32> to vector<16xf32>
        %mul3A_721 = arith.mulf %get3A_720, %gather3A_702 : vector<16xf32>
        %swap3A_722 = arith.index_cast %add3A_706 : i32 to index
        %swap3A_723 = arith.constant 16 : index
        %swap3A_724 = tpu.vector_load %arg13[%swap3A_722, %swap3A_723] {strides = array<i32>} : memref<128x128xf32, #tpu.memory_space<vmem>>, vector<1x16xf32>,
        %swap3A_725 = vector.shape_cast %swap3A_724 : vector<1x16xf32> to vector<16xf32>
        %swap3A_726 = vector.shape_cast %mul3A_721 : vector<16xf32> to vector<1x16xf32>
        tpu.vector_store %arg13[%swap3A_722, %swap3A_723], %swap3A_726 {strides = array<i32>} : memref<128x128xf32, #tpu.memory_space<vmem>>, vector<1x16xf32>,
        %get3A_727 = arith.index_cast %add3A_706 : i32 to index
        %get3A_728 = arith.constant 32 : index
        %get3A_729 = tpu.vector_load %arg13[%get3A_727, %get3A_728] {strides = array<i32>} : memref<128x128xf32, #tpu.memory_space<vmem>>, vector<1x16xf32>,
        %get3A_730 = vector.shape_cast %get3A_729 : vector<1x16xf32> to vector<16xf32>
        %mul3A_731 = arith.mulf %get3A_730, %gather3A_702 : vector<16xf32>
        %swap3A_732 = arith.index_cast %add3A_706 : i32 to index
        %swap3A_733 = arith.constant 32 : index
        %swap3A_734 = tpu.vector_load %arg13[%swap3A_732, %swap3A_733] {strides = array<i32>} : memref<128x128xf32, #tpu.memory_space<vmem>>, vector<1x16xf32>,
        %swap3A_735 = vector.shape_cast %swap3A_734 : vector<1x16xf32> to vector<16xf32>
        %swap3A_736 = vector.shape_cast %mul3A_731 : vector<16xf32> to vector<1x16xf32>
        tpu.vector_store %arg13[%swap3A_732, %swap3A_733], %swap3A_736 {strides = array<i32>} : memref<128x128xf32, #tpu.memory_space<vmem>>, vector<1x16xf32>,
        %get3A_737 = arith.index_cast %add3A_706 : i32 to index
        %get3A_738 = arith.constant 48 : index
        %get3A_739 = tpu.vector_load %arg13[%get3A_737, %get3A_738] {strides = array<i32>} : memref<128x128xf32, #tpu.memory_space<vmem>>, vector<1x16xf32>,
        %get3A_740 = vector.shape_cast %get3A_739 : vector<1x16xf32> to vector<16xf32>
        %mul3A_741 = arith.mulf %get3A_740, %gather3A_702 : vector<16xf32>
        %swap3A_742 = arith.index_cast %add3A_706 : i32 to index
        %swap3A_743 = arith.constant 48 : index
        %swap3A_744 = tpu.vector_load %arg13[%swap3A_742, %swap3A_743] {strides = array<i32>} : memref<128x128xf32, #tpu.memory_space<vmem>>, vector<1x16xf32>,
        %swap3A_745 = vector.shape_cast %swap3A_744 : vector<1x16xf32> to vector<16xf32>
        %swap3A_746 = vector.shape_cast %mul3A_741 : vector<16xf32> to vector<1x16xf32>
        tpu.vector_store %arg13[%swap3A_742, %swap3A_743], %swap3A_746 {strides = array<i32>} : memref<128x128xf32, #tpu.memory_space<vmem>>, vector<1x16xf32>,
        %get3A_747 = arith.index_cast %add3A_706 : i32 to index
        %get3A_748 = arith.constant 64 : index
        %get3A_749 = tpu.vector_load %arg13[%get3A_747, %get3A_748] {strides = array<i32>} : memref<128x128xf32, #tpu.memory_space<vmem>>, vector<1x16xf32>,
        %get3A_750 = vector.shape_cast %get3A_749 : vector<1x16xf32> to vector<16xf32>
        %mul3A_751 = arith.mulf %get3A_750, %gather3A_702 : vector<16xf32>
        %swap3A_752 = arith.index_cast %add3A_706 : i32 to index
        %swap3A_753 = arith.constant 64 : index
        %swap3A_754 = tpu.vector_load %arg13[%swap3A_752, %swap3A_753] {strides = array<i32>} : memref<128x128xf32, #tpu.memory_space<vmem>>, vector<1x16xf32>,
        %swap3A_755 = vector.shape_cast %swap3A_754 : vector<1x16xf32> to vector<16xf32>
        %swap3A_756 = vector.shape_cast %mul3A_751 : vector<16xf32> to vector<1x16xf32>
        tpu.vector_store %arg13[%swap3A_752, %swap3A_753], %swap3A_756 {strides = array<i32>} : memref<128x128xf32, #tpu.memory_space<vmem>>, vector<1x16xf32>,
        %get3A_757 = arith.index_cast %add3A_706 : i32 to index
        %get3A_758 = arith.constant 80 : index
        %get3A_759 = tpu.vector_load %arg13[%get3A_757, %get3A_758] {strides = array<i32>} : memref<128x128xf32, #tpu.memory_space<vmem>>, vector<1x16xf32>,
        %get3A_760 = vector.shape_cast %get3A_759 : vector<1x16xf32> to vector<16xf32>
        %mul3A_761 = arith.mulf %get3A_760, %gather3A_702 : vector<16xf32>
        %swap3A_762 = arith.index_cast %add3A_706 : i32 to index
        %swap3A_763 = arith.constant 80 : index
        %swap3A_764 = tpu.vector_load %arg13[%swap3A_762, %swap3A_763] {strides = array<i32>} : memref<128x128xf32, #tpu.memory_space<vmem>>, vector<1x16xf32>,
        %swap3A_765 = vector.shape_cast %swap3A_764 : vector<1x16xf32> to vector<16xf32>
        %swap3A_766 = vector.shape_cast %mul3A_761 : vector<16xf32> to vector<1x16xf32>
        tpu.vector_store %arg13[%swap3A_762, %swap3A_763], %swap3A_766 {strides = array<i32>} : memref<128x128xf32, #tpu.memory_space<vmem>>, vector<1x16xf32>,
        %get3A_767 = arith.index_cast %add3A_706 : i32 to index
        %get3A_768 = arith.constant 96 : index
        %get3A_769 = tpu.vector_load %arg13[%get3A_767, %get3A_768] {strides = array<i32>} : memref<128x128xf32, #tpu.memory_space<vmem>>, vector<1x16xf32>,
        %get3A_770 = vector.shape_cast %get3A_769 : vector<1x16xf32> to vector<16xf32>
        %mul3A_771 = arith.mulf %get3A_770, %gather3A_702 : vector<16xf32>
        %swap3A_772 = arith.index_cast %add3A_706 : i32 to index
        %swap3A_773 = arith.constant 96 : index
        %swap3A_774 = tpu.vector_load %arg13[%swap3A_772, %swap3A_773] {strides = array<i32>} : memref<128x128xf32, #tpu.memory_space<vmem>>, vector<1x16xf32>,
        %swap3A_775 = vector.shape_cast %swap3A_774 : vector<1x16xf32> to vector<16xf32>
        %swap3A_776 = vector.shape_cast %mul3A_771 : vector<16xf32> to vector<1x16xf32>
        tpu.vector_store %arg13[%swap3A_772, %swap3A_773], %swap3A_776 {strides = array<i32>} : memref<128x128xf32, #tpu.memory_space<vmem>>, vector<1x16xf32>,
        %get3A_777 = arith.index_cast %add3A_706 : i32 to index
        %get3A_778 = arith.constant 112 : index
        %get3A_779 = tpu.vector_load %arg13[%get3A_777, %get3A_778] {strides = array<i32>} : memref<128x128xf32, #tpu.memory_space<vmem>>, vector<1x16xf32>,
        %get3A_780 = vector.shape_cast %get3A_779 : vector<1x16xf32> to vector<16xf32>
        %mul3A_781 = arith.mulf %get3A_780, %gather3A_702 : vector<16xf32>
        %swap3A_782 = arith.index_cast %add3A_706 : i32 to index
        %swap3A_783 = arith.constant 112 : index
        %swap3A_784 = tpu.vector_load %arg13[%swap3A_782, %swap3A_783] {strides = array<i32>} : memref<128x128xf32, #tpu.memory_space<vmem>>, vector<1x16xf32>,
        %swap3A_785 = vector.shape_cast %swap3A_784 : vector<1x16xf32> to vector<16xf32>
        %swap3A_786 = vector.shape_cast %mul3A_781 : vector<16xf32> to vector<1x16xf32>
        tpu.vector_store %arg13[%swap3A_782, %swap3A_783], %swap3A_786 {strides = array<i32>} : memref<128x128xf32, #tpu.memory_space<vmem>>, vector<1x16xf32>,
        %broadcast_in_dim3A_787 = arith.constant 7 : i32
        %broadcast_in_dim3A_788 = vector.broadcast %broadcast_in_dim3A_787 : i32 to vector<16xi32>
        %lt3A_789 = arith.constant 0 : i32
        %lt3A_790 = vector.broadcast %lt3A_789 : i32 to vector<16xi32>
        %lt3A_791 = arith.cmpi slt, %broadcast_in_dim3A_788, %lt3A_790 : vector<16xi32>
        %add3A_792 = arith.constant 16 : i32
        %add3A_793 = vector.broadcast %add3A_792 : i32 to vector<16xi32>
        %add3A_794 = arith.addi %broadcast_in_dim3A_788, %add3A_793 : vector<16xi32>
        %select_n3A_795 = arith.select %lt3A_791, %add3A_794, %broadcast_in_dim3A_788 : vector<16xi1>, vector<16xi32>
        %reshape3A_796 = vector.shape_cast %select_n3A_795 : vector<16xi32> to vector<16x1xi32>
        %gather3A_797 = vector.shape_cast %reshape3A_796 : vector<16x1xi32> to vector<16xi32>
        %gather3A_798 = tpu.dynamic_gather %get3A_119[%gather3A_797] in [0] : vector<16xf32>, vector<16xi32> -> vector<16xf32>
        %mul3A_799 = arith.constant 16 : i32
        %mul3A_800 = arith.muli %mul3A_799, %scan3A_115 : i32
        %add3A_801 = arith.constant 7 : i32
        %add3A_802 = arith.addi %mul3A_800, %add3A_801 : i32
        %get3A_803 = arith.index_cast %add3A_802 : i32 to index
        %get3A_804 = arith.constant 0 : index
        %get3A_805 = tpu.vector_load %arg13[%get3A_803, %get3A_804] {strides = array<i32>} : memref<128x128xf32, #tpu.memory_space<vmem>>, vector<1x16xf32>,
        %get3A_806 = vector.shape_cast %get3A_805 : vector<1x16xf32> to vector<16xf32>
        %mul3A_807 = arith.mulf %get3A_806, %gather3A_798 : vector<16xf32>
        %swap3A_808 = arith.index_cast %add3A_802 : i32 to index
        %swap3A_809 = arith.constant 0 : index
        %swap3A_810 = tpu.vector_load %arg13[%swap3A_808, %swap3A_809] {strides = array<i32>} : memref<128x128xf32, #tpu.memory_space<vmem>>, vector<1x16xf32>,
        %swap3A_811 = vector.shape_cast %swap3A_810 : vector<1x16xf32> to vector<16xf32>
        %swap3A_812 = vector.shape_cast %mul3A_807 : vector<16xf32> to vector<1x16xf32>
        tpu.vector_store %arg13[%swap3A_808, %swap3A_809], %swap3A_812 {strides = array<i32>} : memref<128x128xf32, #tpu.memory_space<vmem>>, vector<1x16xf32>,
        %get3A_813 = arith.index_cast %add3A_802 : i32 to index
        %get3A_814 = arith.constant 16 : index
        %get3A_815 = tpu.vector_load %arg13[%get3A_813, %get3A_814] {strides = array<i32>} : memref<128x128xf32, #tpu.memory_space<vmem>>, vector<1x16xf32>,
        %get3A_816 = vector.shape_cast %get3A_815 : vector<1x16xf32> to vector<16xf32>
        %mul3A_817 = arith.mulf %get3A_816, %gather3A_798 : vector<16xf32>
        %swap3A_818 = arith.index_cast %add3A_802 : i32 to index
        %swap3A_819 = arith.constant 16 : index
        %swap3A_820 = tpu.vector_load %arg13[%swap3A_818, %swap3A_819] {strides = array<i32>} : memref<128x128xf32, #tpu.memory_space<vmem>>, vector<1x16xf32>,
        %swap3A_821 = vector.shape_cast %swap3A_820 : vector<1x16xf32> to vector<16xf32>
        %swap3A_822 = vector.shape_cast %mul3A_817 : vector<16xf32> to vector<1x16xf32>
        tpu.vector_store %arg13[%swap3A_818, %swap3A_819], %swap3A_822 {strides = array<i32>} : memref<128x128xf32, #tpu.memory_space<vmem>>, vector<1x16xf32>,
        %get3A_823 = arith.index_cast %add3A_802 : i32 to index
        %get3A_824 = arith.constant 32 : index
        %get3A_825 = tpu.vector_load %arg13[%get3A_823, %get3A_824] {strides = array<i32>} : memref<128x128xf32, #tpu.memory_space<vmem>>, vector<1x16xf32>,
        %get3A_826 = vector.shape_cast %get3A_825 : vector<1x16xf32> to vector<16xf32>
        %mul3A_827 = arith.mulf %get3A_826, %gather3A_798 : vector<16xf32>
        %swap3A_828 = arith.index_cast %add3A_802 : i32 to index
        %swap3A_829 = arith.constant 32 : index
        %swap3A_830 = tpu.vector_load %arg13[%swap3A_828, %swap3A_829] {strides = array<i32>} : memref<128x128xf32, #tpu.memory_space<vmem>>, vector<1x16xf32>,
        %swap3A_831 = vector.shape_cast %swap3A_830 : vector<1x16xf32> to vector<16xf32>
        %swap3A_832 = vector.shape_cast %mul3A_827 : vector<16xf32> to vector<1x16xf32>
        tpu.vector_store %arg13[%swap3A_828, %swap3A_829], %swap3A_832 {strides = array<i32>} : memref<128x128xf32, #tpu.memory_space<vmem>>, vector<1x16xf32>,
        %get3A_833 = arith.index_cast %add3A_802 : i32 to index
        %get3A_834 = arith.constant 48 : index
        %get3A_835 = tpu.vector_load %arg13[%get3A_833, %get3A_834] {strides = array<i32>} : memref<128x128xf32, #tpu.memory_space<vmem>>, vector<1x16xf32>,
        %get3A_836 = vector.shape_cast %get3A_835 : vector<1x16xf32> to vector<16xf32>
        %mul3A_837 = arith.mulf %get3A_836, %gather3A_798 : vector<16xf32>
        %swap3A_838 = arith.index_cast %add3A_802 : i32 to index
        %swap3A_839 = arith.constant 48 : index
        %swap3A_840 = tpu.vector_load %arg13[%swap3A_838, %swap3A_839] {strides = array<i32>} : memref<128x128xf32, #tpu.memory_space<vmem>>, vector<1x16xf32>,
        %swap3A_841 = vector.shape_cast %swap3A_840 : vector<1x16xf32> to vector<16xf32>
        %swap3A_842 = vector.shape_cast %mul3A_837 : vector<16xf32> to vector<1x16xf32>
        tpu.vector_store %arg13[%swap3A_838, %swap3A_839], %swap3A_842 {strides = array<i32>} : memref<128x128xf32, #tpu.memory_space<vmem>>, vector<1x16xf32>,
        %get3A_843 = arith.index_cast %add3A_802 : i32 to index
        %get3A_844 = arith.constant 64 : index
        %get3A_845 = tpu.vector_load %arg13[%get3A_843, %get3A_844] {strides = array<i32>} : memref<128x128xf32, #tpu.memory_space<vmem>>, vector<1x16xf32>,
        %get3A_846 = vector.shape_cast %get3A_845 : vector<1x16xf32> to vector<16xf32>
        %mul3A_847 = arith.mulf %get3A_846, %gather3A_798 : vector<16xf32>
        %swap3A_848 = arith.index_cast %add3A_802 : i32 to index
        %swap3A_849 = arith.constant 64 : index
        %swap3A_850 = tpu.vector_load %arg13[%swap3A_848, %swap3A_849] {strides = array<i32>} : memref<128x128xf32, #tpu.memory_space<vmem>>, vector<1x16xf32>,
        %swap3A_851 = vector.shape_cast %swap3A_850 : vector<1x16xf32> to vector<16xf32>
        %swap3A_852 = vector.shape_cast %mul3A_847 : vector<16xf32> to vector<1x16xf32>
        tpu.vector_store %arg13[%swap3A_848, %swap3A_849], %swap3A_852 {strides = array<i32>} : memref<128x128xf32, #tpu.memory_space<vmem>>, vector<1x16xf32>,
        %get3A_853 = arith.index_cast %add3A_802 : i32 to index
        %get3A_854 = arith.constant 80 : index
        %get3A_855 = tpu.vector_load %arg13[%get3A_853, %get3A_854] {strides = array<i32>} : memref<128x128xf32, #tpu.memory_space<vmem>>, vector<1x16xf32>,
        %get3A_856 = vector.shape_cast %get3A_855 : vector<1x16xf32> to vector<16xf32>
        %mul3A_857 = arith.mulf %get3A_856, %gather3A_798 : vector<16xf32>
        %swap3A_858 = arith.index_cast %add3A_802 : i32 to index
        %swap3A_859 = arith.constant 80 : index
        %swap3A_860 = tpu.vector_load %arg13[%swap3A_858, %swap3A_859] {strides = array<i32>} : memref<128x128xf32, #tpu.memory_space<vmem>>, vector<1x16xf32>,
        %swap3A_861 = vector.shape_cast %swap3A_860 : vector<1x16xf32> to vector<16xf32>
        %swap3A_862 = vector.shape_cast %mul3A_857 : vector<16xf32> to vector<1x16xf32>
        tpu.vector_store %arg13[%swap3A_858, %swap3A_859], %swap3A_862 {strides = array<i32>} : memref<128x128xf32, #tpu.memory_space<vmem>>, vector<1x16xf32>,
        %get3A_863 = arith.index_cast %add3A_802 : i32 to index
        %get3A_864 = arith.constant 96 : index
        %get3A_865 = tpu.vector_load %arg13[%get3A_863, %get3A_864] {strides = array<i32>} : memref<128x128xf32, #tpu.memory_space<vmem>>, vector<1x16xf32>,
        %get3A_866 = vector.shape_cast %get3A_865 : vector<1x16xf32> to vector<16xf32>
        %mul3A_867 = arith.mulf %get3A_866, %gather3A_798 : vector<16xf32>
        %swap3A_868 = arith.index_cast %add3A_802 : i32 to index
        %swap3A_869 = arith.constant 96 : index
        %swap3A_870 = tpu.vector_load %arg13[%swap3A_868, %swap3A_869] {strides = array<i32>} : memref<128x128xf32, #tpu.memory_space<vmem>>, vector<1x16xf32>,
        %swap3A_871 = vector.shape_cast %swap3A_870 : vector<1x16xf32> to vector<16xf32>
        %swap3A_872 = vector.shape_cast %mul3A_867 : vector<16xf32> to vector<1x16xf32>
        tpu.vector_store %arg13[%swap3A_868, %swap3A_869], %swap3A_872 {strides = array<i32>} : memref<128x128xf32, #tpu.memory_space<vmem>>, vector<1x16xf32>,
        %get3A_873 = arith.index_cast %add3A_802 : i32 to index
        %get3A_874 = arith.constant 112 : index
        %get3A_875 = tpu.vector_load %arg13[%get3A_873, %get3A_874] {strides = array<i32>} : memref<128x128xf32, #tpu.memory_space<vmem>>, vector<1x16xf32>,
        %get3A_876 = vector.shape_cast %get3A_875 : vector<1x16xf32> to vector<16xf32>
        %mul3A_877 = arith.mulf %get3A_876, %gather3A_798 : vector<16xf32>
        %swap3A_878 = arith.index_cast %add3A_802 : i32 to index
        %swap3A_879 = arith.constant 112 : index
        %swap3A_880 = tpu.vector_load %arg13[%swap3A_878, %swap3A_879] {strides = array<i32>} : memref<128x128xf32, #tpu.memory_space<vmem>>, vector<1x16xf32>,
        %swap3A_881 = vector.shape_cast %swap3A_880 : vector<1x16xf32> to vector<16xf32>
        %swap3A_882 = vector.shape_cast %mul3A_877 : vector<16xf32> to vector<1x16xf32>
        tpu.vector_store %arg13[%swap3A_878, %swap3A_879], %swap3A_882 {strides = array<i32>} : memref<128x128xf32, #tpu.memory_space<vmem>>, vector<1x16xf32>,
        %broadcast_in_dim3A_883 = arith.constant 8 : i32
        %broadcast_in_dim3A_884 = vector.broadcast %broadcast_in_dim3A_883 : i32 to vector<16xi32>
        %lt3A_885 = arith.constant 0 : i32
        %lt3A_886 = vector.broadcast %lt3A_885 : i32 to vector<16xi32>
        %lt3A_887 = arith.cmpi slt, %broadcast_in_dim3A_884, %lt3A_886 : vector<16xi32>
        %add3A_888 = arith.constant 16 : i32
        %add3A_889 = vector.broadcast %add3A_888 : i32 to vector<16xi32>
        %add3A_890 = arith.addi %broadcast_in_dim3A_884, %add3A_889 : vector<16xi32>
        %select_n3A_891 = arith.select %lt3A_887, %add3A_890, %broadcast_in_dim3A_884 : vector<16xi1>, vector<16xi32>
        %reshape3A_892 = vector.shape_cast %select_n3A_891 : vector<16xi32> to vector<16x1xi32>
        %gather3A_893 = vector.shape_cast %reshape3A_892 : vector<16x1xi32> to vector<16xi32>
        %gather3A_894 = tpu.dynamic_gather %get3A_119[%gather3A_893] in [0] : vector<16xf32>, vector<16xi32> -> vector<16xf32>
        %mul3A_895 = arith.constant 16 : i32
        %mul3A_896 = arith.muli %mul3A_895, %scan3A_115 : i32
        %add3A_897 = arith.constant 8 : i32
        %add3A_898 = arith.addi %mul3A_896, %add3A_897 : i32
        %get3A_899 = arith.index_cast %add3A_898 : i32 to index
        %get3A_900 = arith.constant 0 : index
        %get3A_901 = tpu.vector_load %arg13[%get3A_899, %get3A_900] {strides = array<i32>} : memref<128x128xf32, #tpu.memory_space<vmem>>, vector<1x16xf32>,
        %get3A_902 = vector.shape_cast %get3A_901 : vector<1x16xf32> to vector<16xf32>
        %mul3A_903 = arith.mulf %get3A_902, %gather3A_894 : vector<16xf32>
        %swap3A_904 = arith.index_cast %add3A_898 : i32 to index
        %swap3A_905 = arith.constant 0 : index
        %swap3A_906 = tpu.vector_load %arg13[%swap3A_904, %swap3A_905] {strides = array<i32>} : memref<128x128xf32, #tpu.memory_space<vmem>>, vector<1x16xf32>,
        %swap3A_907 = vector.shape_cast %swap3A_906 : vector<1x16xf32> to vector<16xf32>
        %swap3A_908 = vector.shape_cast %mul3A_903 : vector<16xf32> to vector<1x16xf32>
        tpu.vector_store %arg13[%swap3A_904, %swap3A_905], %swap3A_908 {strides = array<i32>} : memref<128x128xf32, #tpu.memory_space<vmem>>, vector<1x16xf32>,
        %get3A_909 = arith.index_cast %add3A_898 : i32 to index
        %get3A_910 = arith.constant 16 : index
        %get3A_911 = tpu.vector_load %arg13[%get3A_909, %get3A_910] {strides = array<i32>} : memref<128x128xf32, #tpu.memory_space<vmem>>, vector<1x16xf32>,
        %get3A_912 = vector.shape_cast %get3A_911 : vector<1x16xf32> to vector<16xf32>
        %mul3A_913 = arith.mulf %get3A_912, %gather3A_894 : vector<16xf32>
        %swap3A_914 = arith.index_cast %add3A_898 : i32 to index
        %swap3A_915 = arith.constant 16 : index
        %swap3A_916 = tpu.vector_load %arg13[%swap3A_914, %swap3A_915] {strides = array<i32>} : memref<128x128xf32, #tpu.memory_space<vmem>>, vector<1x16xf32>,
        %swap3A_917 = vector.shape_cast %swap3A_916 : vector<1x16xf32> to vector<16xf32>
        %swap3A_918 = vector.shape_cast %mul3A_913 : vector<16xf32> to vector<1x16xf32>
        tpu.vector_store %arg13[%swap3A_914, %swap3A_915], %swap3A_918 {strides = array<i32>} : memref<128x128xf32, #tpu.memory_space<vmem>>, vector<1x16xf32>,
        %get3A_919 = arith.index_cast %add3A_898 : i32 to index
        %get3A_920 = arith.constant 32 : index
        %get3A_921 = tpu.vector_load %arg13[%get3A_919, %get3A_920] {strides = array<i32>} : memref<128x128xf32, #tpu.memory_space<vmem>>, vector<1x16xf32>,
        %get3A_922 = vector.shape_cast %get3A_921 : vector<1x16xf32> to vector<16xf32>
        %mul3A_923 = arith.mulf %get3A_922, %gather3A_894 : vector<16xf32>
        %swap3A_924 = arith.index_cast %add3A_898 : i32 to index
        %swap3A_925 = arith.constant 32 : index
        %swap3A_926 = tpu.vector_load %arg13[%swap3A_924, %swap3A_925] {strides = array<i32>} : memref<128x128xf32, #tpu.memory_space<vmem>>, vector<1x16xf32>,
        %swap3A_927 = vector.shape_cast %swap3A_926 : vector<1x16xf32> to vector<16xf32>
        %swap3A_928 = vector.shape_cast %mul3A_923 : vector<16xf32> to vector<1x16xf32>
        tpu.vector_store %arg13[%swap3A_924, %swap3A_925], %swap3A_928 {strides = array<i32>} : memref<128x128xf32, #tpu.memory_space<vmem>>, vector<1x16xf32>,
        %get3A_929 = arith.index_cast %add3A_898 : i32 to index
        %get3A_930 = arith.constant 48 : index
        %get3A_931 = tpu.vector_load %arg13[%get3A_929, %get3A_930] {strides = array<i32>} : memref<128x128xf32, #tpu.memory_space<vmem>>, vector<1x16xf32>,
        %get3A_932 = vector.shape_cast %get3A_931 : vector<1x16xf32> to vector<16xf32>
        %mul3A_933 = arith.mulf %get3A_932, %gather3A_894 : vector<16xf32>
        %swap3A_934 = arith.index_cast %add3A_898 : i32 to index
        %swap3A_935 = arith.constant 48 : index
        %swap3A_936 = tpu.vector_load %arg13[%swap3A_934, %swap3A_935] {strides = array<i32>} : memref<128x128xf32, #tpu.memory_space<vmem>>, vector<1x16xf32>,
        %swap3A_937 = vector.shape_cast %swap3A_936 : vector<1x16xf32> to vector<16xf32>
        %swap3A_938 = vector.shape_cast %mul3A_933 : vector<16xf32> to vector<1x16xf32>
        tpu.vector_store %arg13[%swap3A_934, %swap3A_935], %swap3A_938 {strides = array<i32>} : memref<128x128xf32, #tpu.memory_space<vmem>>, vector<1x16xf32>,
        %get3A_939 = arith.index_cast %add3A_898 : i32 to index
        %get3A_940 = arith.constant 64 : index
        %get3A_941 = tpu.vector_load %arg13[%get3A_939, %get3A_940] {strides = array<i32>} : memref<128x128xf32, #tpu.memory_space<vmem>>, vector<1x16xf32>,
        %get3A_942 = vector.shape_cast %get3A_941 : vector<1x16xf32> to vector<16xf32>
        %mul3A_943 = arith.mulf %get3A_942, %gather3A_894 : vector<16xf32>
        %swap3A_944 = arith.index_cast %add3A_898 : i32 to index
        %swap3A_945 = arith.constant 64 : index
        %swap3A_946 = tpu.vector_load %arg13[%swap3A_944, %swap3A_945] {strides = array<i32>} : memref<128x128xf32, #tpu.memory_space<vmem>>, vector<1x16xf32>,
        %swap3A_947 = vector.shape_cast %swap3A_946 : vector<1x16xf32> to vector<16xf32>
        %swap3A_948 = vector.shape_cast %mul3A_943 : vector<16xf32> to vector<1x16xf32>
        tpu.vector_store %arg13[%swap3A_944, %swap3A_945], %swap3A_948 {strides = array<i32>} : memref<128x128xf32, #tpu.memory_space<vmem>>, vector<1x16xf32>,
        %get3A_949 = arith.index_cast %add3A_898 : i32 to index
        %get3A_950 = arith.constant 80 : index
        %get3A_951 = tpu.vector_load %arg13[%get3A_949, %get3A_950] {strides = array<i32>} : memref<128x128xf32, #tpu.memory_space<vmem>>, vector<1x16xf32>,
        %get3A_952 = vector.shape_cast %get3A_951 : vector<1x16xf32> to vector<16xf32>
        %mul3A_953 = arith.mulf %get3A_952, %gather3A_894 : vector<16xf32>
        %swap3A_954 = arith.index_cast %add3A_898 : i32 to index
        %swap3A_955 = arith.constant 80 : index
        %swap3A_956 = tpu.vector_load %arg13[%swap3A_954, %swap3A_955] {strides = array<i32>} : memref<128x128xf32, #tpu.memory_space<vmem>>, vector<1x16xf32>,
        %swap3A_957 = vector.shape_cast %swap3A_956 : vector<1x16xf32> to vector<16xf32>
        %swap3A_958 = vector.shape_cast %mul3A_953 : vector<16xf32> to vector<1x16xf32>
        tpu.vector_store %arg13[%swap3A_954, %swap3A_955], %swap3A_958 {strides = array<i32>} : memref<128x128xf32, #tpu.memory_space<vmem>>, vector<1x16xf32>,
        %get3A_959 = arith.index_cast %add3A_898 : i32 to index
        %get3A_960 = arith.constant 96 : index
        %get3A_961 = tpu.vector_load %arg13[%get3A_959, %get3A_960] {strides = array<i32>} : memref<128x128xf32, #tpu.memory_space<vmem>>, vector<1x16xf32>,
        %get3A_962 = vector.shape_cast %get3A_961 : vector<1x16xf32> to vector<16xf32>
        %mul3A_963 = arith.mulf %get3A_962, %gather3A_894 : vector<16xf32>
        %swap3A_964 = arith.index_cast %add3A_898 : i32 to index
        %swap3A_965 = arith.constant 96 : index
        %swap3A_966 = tpu.vector_load %arg13[%swap3A_964, %swap3A_965] {strides = array<i32>} : memref<128x128xf32, #tpu.memory_space<vmem>>, vector<1x16xf32>,
        %swap3A_967 = vector.shape_cast %swap3A_966 : vector<1x16xf32> to vector<16xf32>
        %swap3A_968 = vector.shape_cast %mul3A_963 : vector<16xf32> to vector<1x16xf32>
        tpu.vector_store %arg13[%swap3A_964, %swap3A_965], %swap3A_968 {strides = array<i32>} : memref<128x128xf32, #tpu.memory_space<vmem>>, vector<1x16xf32>,
        %get3A_969 = arith.index_cast %add3A_898 : i32 to index
        %get3A_970 = arith.constant 112 : index
        %get3A_971 = tpu.vector_load %arg13[%get3A_969, %get3A_970] {strides = array<i32>} : memref<128x128xf32, #tpu.memory_space<vmem>>, vector<1x16xf32>,
        %get3A_972 = vector.shape_cast %get3A_971 : vector<1x16xf32> to vector<16xf32>
        %mul3A_973 = arith.mulf %get3A_972, %gather3A_894 : vector<16xf32>
        %swap3A_974 = arith.index_cast %add3A_898 : i32 to index
        %swap3A_975 = arith.constant 112 : index
        %swap3A_976 = tpu.vector_load %arg13[%swap3A_974, %swap3A_975] {strides = array<i32>} : memref<128x128xf32, #tpu.memory_space<vmem>>, vector<1x16xf32>,
        %swap3A_977 = vector.shape_cast %swap3A_976 : vector<1x16xf32> to vector<16xf32>
        %swap3A_978 = vector.shape_cast %mul3A_973 : vector<16xf32> to vector<1x16xf32>
        tpu.vector_store %arg13[%swap3A_974, %swap3A_975], %swap3A_978 {strides = array<i32>} : memref<128x128xf32, #tpu.memory_space<vmem>>, vector<1x16xf32>,
        %broadcast_in_dim3A_979 = arith.constant 9 : i32
        %broadcast_in_dim3A_980 = vector.broadcast %broadcast_in_dim3A_979 : i32 to vector<16xi32>
        %lt3A_981 = arith.constant 0 : i32
        %lt3A_982 = vector.broadcast %lt3A_981 : i32 to vector<16xi32>
        %lt3A_983 = arith.cmpi slt, %broadcast_in_dim3A_980, %lt3A_982 : vector<16xi32>
        %add3A_984 = arith.constant 16 : i32
        %add3A_985 = vector.broadcast %add3A_984 : i32 to vector<16xi32>
        %add3A_986 = arith.addi %broadcast_in_dim3A_980, %add3A_985 : vector<16xi32>
        %select_n3A_987 = arith.select %lt3A_983, %add3A_986, %broadcast_in_dim3A_980 : vector<16xi1>, vector<16xi32>
        %reshape3A_988 = vector.shape_cast %select_n3A_987 : vector<16xi32> to vector<16x1xi32>
        %gather3A_989 = vector.shape_cast %reshape3A_988 : vector<16x1xi32> to vector<16xi32>
        %gather3A_990 = tpu.dynamic_gather %get3A_119[%gather3A_989] in [0] : vector<16xf32>, vector<16xi32> -> vector<16xf32>
        %mul3A_991 = arith.constant 16 : i32
        %mul3A_992 = arith.muli %mul3A_991, %scan3A_115 : i32
        %add3A_993 = arith.constant 9 : i32
        %add3A_994 = arith.addi %mul3A_992, %add3A_993 : i32
        %get3A_995 = arith.index_cast %add3A_994 : i32 to index
        %get3A_996 = arith.constant 0 : index
        %get3A_997 = tpu.vector_load %arg13[%get3A_995, %get3A_996] {strides = array<i32>} : memref<128x128xf32, #tpu.memory_space<vmem>>, vector<1x16xf32>,
        %get3A_998 = vector.shape_cast %get3A_997 : vector<1x16xf32> to vector<16xf32>
        %mul3A_999 = arith.mulf %get3A_998, %gather3A_990 : vector<16xf32>
        %swap3A_1000 = arith.index_cast %add3A_994 : i32 to index
        %swap3A_1001 = arith.constant 0 : index
        %swap3A_1002 = tpu.vector_load %arg13[%swap3A_1000, %swap3A_1001] {strides = array<i32>} : memref<128x128xf32, #tpu.memory_space<vmem>>, vector<1x16xf32>,
        %swap3A_1003 = vector.shape_cast %swap3A_1002 : vector<1x16xf32> to vector<16xf32>
        %swap3A_1004 = vector.shape_cast %mul3A_999 : vector<16xf32> to vector<1x16xf32>
        tpu.vector_store %arg13[%swap3A_1000, %swap3A_1001], %swap3A_1004 {strides = array<i32>} : memref<128x128xf32, #tpu.memory_space<vmem>>, vector<1x16xf32>,
        %get3A_1005 = arith.index_cast %add3A_994 : i32 to index
        %get3A_1006 = arith.constant 16 : index
        %get3A_1007 = tpu.vector_load %arg13[%get3A_1005, %get3A_1006] {strides = array<i32>} : memref<128x128xf32, #tpu.memory_space<vmem>>, vector<1x16xf32>,
        %get3A_1008 = vector.shape_cast %get3A_1007 : vector<1x16xf32> to vector<16xf32>
        %mul3A_1009 = arith.mulf %get3A_1008, %gather3A_990 : vector<16xf32>
        %swap3A_1010 = arith.index_cast %add3A_994 : i32 to index
        %swap3A_1011 = arith.constant 16 : index
        %swap3A_1012 = tpu.vector_load %arg13[%swap3A_1010, %swap3A_1011] {strides = array<i32>} : memref<128x128xf32, #tpu.memory_space<vmem>>, vector<1x16xf32>,
        %swap3A_1013 = vector.shape_cast %swap3A_1012 : vector<1x16xf32> to vector<16xf32>
        %swap3A_1014 = vector.shape_cast %mul3A_1009 : vector<16xf32> to vector<1x16xf32>
        tpu.vector_store %arg13[%swap3A_1010, %swap3A_1011], %swap3A_1014 {strides = array<i32>} : memref<128x128xf32, #tpu.memory_space<vmem>>, vector<1x16xf32>,
        %get3A_1015 = arith.index_cast %add3A_994 : i32 to index
        %get3A_1016 = arith.constant 32 : index
        %get3A_1017 = tpu.vector_load %arg13[%get3A_1015, %get3A_1016] {strides = array<i32>} : memref<128x128xf32, #tpu.memory_space<vmem>>, vector<1x16xf32>,
        %get3A_1018 = vector.shape_cast %get3A_1017 : vector<1x16xf32> to vector<16xf32>
        %mul3A_1019 = arith.mulf %get3A_1018, %gather3A_990 : vector<16xf32>
        %swap3A_1020 = arith.index_cast %add3A_994 : i32 to index
        %swap3A_1021 = arith.constant 32 : index
        %swap3A_1022 = tpu.vector_load %arg13[%swap3A_1020, %swap3A_1021] {strides = array<i32>} : memref<128x128xf32, #tpu.memory_space<vmem>>, vector<1x16xf32>,
        %swap3A_1023 = vector.shape_cast %swap3A_1022 : vector<1x16xf32> to vector<16xf32>
        %swap3A_1024 = vector.shape_cast %mul3A_1019 : vector<16xf32> to vector<1x16xf32>
        tpu.vector_store %arg13[%swap3A_1020, %swap3A_1021], %swap3A_1024 {strides = array<i32>} : memref<128x128xf32, #tpu.memory_space<vmem>>, vector<1x16xf32>,
        %get3A_1025 = arith.index_cast %add3A_994 : i32 to index
        %get3A_1026 = arith.constant 48 : index
        %get3A_1027 = tpu.vector_load %arg13[%get3A_1025, %get3A_1026] {strides = array<i32>} : memref<128x128xf32, #tpu.memory_space<vmem>>, vector<1x16xf32>,
        %get3A_1028 = vector.shape_cast %get3A_1027 : vector<1x16xf32> to vector<16xf32>
        %mul3A_1029 = arith.mulf %get3A_1028, %gather3A_990 : vector<16xf32>
        %swap3A_1030 = arith.index_cast %add3A_994 : i32 to index
        %swap3A_1031 = arith.constant 48 : index
        %swap3A_1032 = tpu.vector_load %arg13[%swap3A_1030, %swap3A_1031] {strides = array<i32>} : memref<128x128xf32, #tpu.memory_space<vmem>>, vector<1x16xf32>,
        %swap3A_1033 = vector.shape_cast %swap3A_1032 : vector<1x16xf32> to vector<16xf32>
        %swap3A_1034 = vector.shape_cast %mul3A_1029 : vector<16xf32> to vector<1x16xf32>
        tpu.vector_store %arg13[%swap3A_1030, %swap3A_1031], %swap3A_1034 {strides = array<i32>} : memref<128x128xf32, #tpu.memory_space<vmem>>, vector<1x16xf32>,
        %get3A_1035 = arith.index_cast %add3A_994 : i32 to index
        %get3A_1036 = arith.constant 64 : index
        %get3A_1037 = tpu.vector_load %arg13[%get3A_1035, %get3A_1036] {strides = array<i32>} : memref<128x128xf32, #tpu.memory_space<vmem>>, vector<1x16xf32>,
        %get3A_1038 = vector.shape_cast %get3A_1037 : vector<1x16xf32> to vector<16xf32>
        %mul3A_1039 = arith.mulf %get3A_1038, %gather3A_990 : vector<16xf32>
        %swap3A_1040 = arith.index_cast %add3A_994 : i32 to index
        %swap3A_1041 = arith.constant 64 : index
        %swap3A_1042 = tpu.vector_load %arg13[%swap3A_1040, %swap3A_1041] {strides = array<i32>} : memref<128x128xf32, #tpu.memory_space<vmem>>, vector<1x16xf32>,
        %swap3A_1043 = vector.shape_cast %swap3A_1042 : vector<1x16xf32> to vector<16xf32>
        %swap3A_1044 = vector.shape_cast %mul3A_1039 : vector<16xf32> to vector<1x16xf32>
        tpu.vector_store %arg13[%swap3A_1040, %swap3A_1041], %swap3A_1044 {strides = array<i32>} : memref<128x128xf32, #tpu.memory_space<vmem>>, vector<1x16xf32>,
        %get3A_1045 = arith.index_cast %add3A_994 : i32 to index
        %get3A_1046 = arith.constant 80 : index
        %get3A_1047 = tpu.vector_load %arg13[%get3A_1045, %get3A_1046] {strides = array<i32>} : memref<128x128xf32, #tpu.memory_space<vmem>>, vector<1x16xf32>,
        %get3A_1048 = vector.shape_cast %get3A_1047 : vector<1x16xf32> to vector<16xf32>
        %mul3A_1049 = arith.mulf %get3A_1048, %gather3A_990 : vector<16xf32>
        %swap3A_1050 = arith.index_cast %add3A_994 : i32 to index
        %swap3A_1051 = arith.constant 80 : index
        %swap3A_1052 = tpu.vector_load %arg13[%swap3A_1050, %swap3A_1051] {strides = array<i32>} : memref<128x128xf32, #tpu.memory_space<vmem>>, vector<1x16xf32>,
        %swap3A_1053 = vector.shape_cast %swap3A_1052 : vector<1x16xf32> to vector<16xf32>
        %swap3A_1054 = vector.shape_cast %mul3A_1049 : vector<16xf32> to vector<1x16xf32>
        tpu.vector_store %arg13[%swap3A_1050, %swap3A_1051], %swap3A_1054 {strides = array<i32>} : memref<128x128xf32, #tpu.memory_space<vmem>>, vector<1x16xf32>,
        %get3A_1055 = arith.index_cast %add3A_994 : i32 to index
        %get3A_1056 = arith.constant 96 : index
        %get3A_1057 = tpu.vector_load %arg13[%get3A_1055, %get3A_1056] {strides = array<i32>} : memref<128x128xf32, #tpu.memory_space<vmem>>, vector<1x16xf32>,
        %get3A_1058 = vector.shape_cast %get3A_1057 : vector<1x16xf32> to vector<16xf32>
        %mul3A_1059 = arith.mulf %get3A_1058, %gather3A_990 : vector<16xf32>
        %swap3A_1060 = arith.index_cast %add3A_994 : i32 to index
        %swap3A_1061 = arith.constant 96 : index
        %swap3A_1062 = tpu.vector_load %arg13[%swap3A_1060, %swap3A_1061] {strides = array<i32>} : memref<128x128xf32, #tpu.memory_space<vmem>>, vector<1x16xf32>,
        %swap3A_1063 = vector.shape_cast %swap3A_1062 : vector<1x16xf32> to vector<16xf32>
        %swap3A_1064 = vector.shape_cast %mul3A_1059 : vector<16xf32> to vector<1x16xf32>
        tpu.vector_store %arg13[%swap3A_1060, %swap3A_1061], %swap3A_1064 {strides = array<i32>} : memref<128x128xf32, #tpu.memory_space<vmem>>, vector<1x16xf32>,
        %get3A_1065 = arith.index_cast %add3A_994 : i32 to index
        %get3A_1066 = arith.constant 112 : index
        %get3A_1067 = tpu.vector_load %arg13[%get3A_1065, %get3A_1066] {strides = array<i32>} : memref<128x128xf32, #tpu.memory_space<vmem>>, vector<1x16xf32>,
        %get3A_1068 = vector.shape_cast %get3A_1067 : vector<1x16xf32> to vector<16xf32>
        %mul3A_1069 = arith.mulf %get3A_1068, %gather3A_990 : vector<16xf32>
        %swap3A_1070 = arith.index_cast %add3A_994 : i32 to index
        %swap3A_1071 = arith.constant 112 : index
        %swap3A_1072 = tpu.vector_load %arg13[%swap3A_1070, %swap3A_1071] {strides = array<i32>} : memref<128x128xf32, #tpu.memory_space<vmem>>, vector<1x16xf32>,
        %swap3A_1073 = vector.shape_cast %swap3A_1072 : vector<1x16xf32> to vector<16xf32>
        %swap3A_1074 = vector.shape_cast %mul3A_1069 : vector<16xf32> to vector<1x16xf32>
        tpu.vector_store %arg13[%swap3A_1070, %swap3A_1071], %swap3A_1074 {strides = array<i32>} : memref<128x128xf32, #tpu.memory_space<vmem>>, vector<1x16xf32>,
        %broadcast_in_dim3A_1075 = arith.constant 10 : i32
        %broadcast_in_dim3A_1076 = vector.broadcast %broadcast_in_dim3A_1075 : i32 to vector<16xi32>
        %lt3A_1077 = arith.constant 0 : i32
        %lt3A_1078 = vector.broadcast %lt3A_1077 : i32 to vector<16xi32>
        %lt3A_1079 = arith.cmpi slt, %broadcast_in_dim3A_1076, %lt3A_1078 : vector<16xi32>
        %add3A_1080 = arith.constant 16 : i32
        %add3A_1081 = vector.broadcast %add3A_1080 : i32 to vector<16xi32>
        %add3A_1082 = arith.addi %broadcast_in_dim3A_1076, %add3A_1081 : vector<16xi32>
        %select_n3A_1083 = arith.select %lt3A_1079, %add3A_1082, %broadcast_in_dim3A_1076 : vector<16xi1>, vector<16xi32>
        %reshape3A_1084 = vector.shape_cast %select_n3A_1083 : vector<16xi32> to vector<16x1xi32>
        %gather3A_1085 = vector.shape_cast %reshape3A_1084 : vector<16x1xi32> to vector<16xi32>
        %gather3A_1086 = tpu.dynamic_gather %get3A_119[%gather3A_1085] in [0] : vector<16xf32>, vector<16xi32> -> vector<16xf32>
        %mul3A_1087 = arith.constant 16 : i32
        %mul3A_1088 = arith.muli %mul3A_1087, %scan3A_115 : i32
        %add3A_1089 = arith.constant 10 : i32
        %add3A_1090 = arith.addi %mul3A_1088, %add3A_1089 : i32
        %get3A_1091 = arith.index_cast %add3A_1090 : i32 to index
        %get3A_1092 = arith.constant 0 : index
        %get3A_1093 = tpu.vector_load %arg13[%get3A_1091, %get3A_1092] {strides = array<i32>} : memref<128x128xf32, #tpu.memory_space<vmem>>, vector<1x16xf32>,
        %get3A_1094 = vector.shape_cast %get3A_1093 : vector<1x16xf32> to vector<16xf32>
        %mul3A_1095 = arith.mulf %get3A_1094, %gather3A_1086 : vector<16xf32>
        %swap3A_1096 = arith.index_cast %add3A_1090 : i32 to index
        %swap3A_1097 = arith.constant 0 : index
        %swap3A_1098 = tpu.vector_load %arg13[%swap3A_1096, %swap3A_1097] {strides = array<i32>} : memref<128x128xf32, #tpu.memory_space<vmem>>, vector<1x16xf32>,
        %swap3A_1099 = vector.shape_cast %swap3A_1098 : vector<1x16xf32> to vector<16xf32>
        %swap3A_1100 = vector.shape_cast %mul3A_1095 : vector<16xf32> to vector<1x16xf32>
        tpu.vector_store %arg13[%swap3A_1096, %swap3A_1097], %swap3A_1100 {strides = array<i32>} : memref<128x128xf32, #tpu.memory_space<vmem>>, vector<1x16xf32>,
        %get3A_1101 = arith.index_cast %add3A_1090 : i32 to index
        %get3A_1102 = arith.constant 16 : index
        %get3A_1103 = tpu.vector_load %arg13[%get3A_1101, %get3A_1102] {strides = array<i32>} : memref<128x128xf32, #tpu.memory_space<vmem>>, vector<1x16xf32>,
        %get3A_1104 = vector.shape_cast %get3A_1103 : vector<1x16xf32> to vector<16xf32>
        %mul3A_1105 = arith.mulf %get3A_1104, %gather3A_1086 : vector<16xf32>
        %swap3A_1106 = arith.index_cast %add3A_1090 : i32 to index
        %swap3A_1107 = arith.constant 16 : index
        %swap3A_1108 = tpu.vector_load %arg13[%swap3A_1106, %swap3A_1107] {strides = array<i32>} : memref<128x128xf32, #tpu.memory_space<vmem>>, vector<1x16xf32>,
        %swap3A_1109 = vector.shape_cast %swap3A_1108 : vector<1x16xf32> to vector<16xf32>
        %swap3A_1110 = vector.shape_cast %mul3A_1105 : vector<16xf32> to vector<1x16xf32>
        tpu.vector_store %arg13[%swap3A_1106, %swap3A_1107], %swap3A_1110 {strides = array<i32>} : memref<128x128xf32, #tpu.memory_space<vmem>>, vector<1x16xf32>,
        %get3A_1111 = arith.index_cast %add3A_1090 : i32 to index
        %get3A_1112 = arith.constant 32 : index
        %get3A_1113 = tpu.vector_load %arg13[%get3A_1111, %get3A_1112] {strides = array<i32>} : memref<128x128xf32, #tpu.memory_space<vmem>>, vector<1x16xf32>,
        %get3A_1114 = vector.shape_cast %get3A_1113 : vector<1x16xf32> to vector<16xf32>
        %mul3A_1115 = arith.mulf %get3A_1114, %gather3A_1086 : vector<16xf32>
        %swap3A_1116 = arith.index_cast %add3A_1090 : i32 to index
        %swap3A_1117 = arith.constant 32 : index
        %swap3A_1118 = tpu.vector_load %arg13[%swap3A_1116, %swap3A_1117] {strides = array<i32>} : memref<128x128xf32, #tpu.memory_space<vmem>>, vector<1x16xf32>,
        %swap3A_1119 = vector.shape_cast %swap3A_1118 : vector<1x16xf32> to vector<16xf32>
        %swap3A_1120 = vector.shape_cast %mul3A_1115 : vector<16xf32> to vector<1x16xf32>
        tpu.vector_store %arg13[%swap3A_1116, %swap3A_1117], %swap3A_1120 {strides = array<i32>} : memref<128x128xf32, #tpu.memory_space<vmem>>, vector<1x16xf32>,
        %get3A_1121 = arith.index_cast %add3A_1090 : i32 to index
        %get3A_1122 = arith.constant 48 : index
        %get3A_1123 = tpu.vector_load %arg13[%get3A_1121, %get3A_1122] {strides = array<i32>} : memref<128x128xf32, #tpu.memory_space<vmem>>, vector<1x16xf32>,
        %get3A_1124 = vector.shape_cast %get3A_1123 : vector<1x16xf32> to vector<16xf32>
        %mul3A_1125 = arith.mulf %get3A_1124, %gather3A_1086 : vector<16xf32>
        %swap3A_1126 = arith.index_cast %add3A_1090 : i32 to index
        %swap3A_1127 = arith.constant 48 : index
        %swap3A_1128 = tpu.vector_load %arg13[%swap3A_1126, %swap3A_1127] {strides = array<i32>} : memref<128x128xf32, #tpu.memory_space<vmem>>, vector<1x16xf32>,
        %swap3A_1129 = vector.shape_cast %swap3A_1128 : vector<1x16xf32> to vector<16xf32>
        %swap3A_1130 = vector.shape_cast %mul3A_1125 : vector<16xf32> to vector<1x16xf32>
        tpu.vector_store %arg13[%swap3A_1126, %swap3A_1127], %swap3A_1130 {strides = array<i32>} : memref<128x128xf32, #tpu.memory_space<vmem>>, vector<1x16xf32>,
        %get3A_1131 = arith.index_cast %add3A_1090 : i32 to index
        %get3A_1132 = arith.constant 64 : index
        %get3A_1133 = tpu.vector_load %arg13[%get3A_1131, %get3A_1132] {strides = array<i32>} : memref<128x128xf32, #tpu.memory_space<vmem>>, vector<1x16xf32>,
        %get3A_1134 = vector.shape_cast %get3A_1133 : vector<1x16xf32> to vector<16xf32>
        %mul3A_1135 = arith.mulf %get3A_1134, %gather3A_1086 : vector<16xf32>
        %swap3A_1136 = arith.index_cast %add3A_1090 : i32 to index
        %swap3A_1137 = arith.constant 64 : index
        %swap3A_1138 = tpu.vector_load %arg13[%swap3A_1136, %swap3A_1137] {strides = array<i32>} : memref<128x128xf32, #tpu.memory_space<vmem>>, vector<1x16xf32>,
        %swap3A_1139 = vector.shape_cast %swap3A_1138 : vector<1x16xf32> to vector<16xf32>
        %swap3A_1140 = vector.shape_cast %mul3A_1135 : vector<16xf32> to vector<1x16xf32>
        tpu.vector_store %arg13[%swap3A_1136, %swap3A_1137], %swap3A_1140 {strides = array<i32>} : memref<128x128xf32, #tpu.memory_space<vmem>>, vector<1x16xf32>,
        %get3A_1141 = arith.index_cast %add3A_1090 : i32 to index
        %get3A_1142 = arith.constant 80 : index
        %get3A_1143 = tpu.vector_load %arg13[%get3A_1141, %get3A_1142] {strides = array<i32>} : memref<128x128xf32, #tpu.memory_space<vmem>>, vector<1x16xf32>,
        %get3A_1144 = vector.shape_cast %get3A_1143 : vector<1x16xf32> to vector<16xf32>
        %mul3A_1145 = arith.mulf %get3A_1144, %gather3A_1086 : vector<16xf32>
        %swap3A_1146 = arith.index_cast %add3A_1090 : i32 to index
        %swap3A_1147 = arith.constant 80 : index
        %swap3A_1148 = tpu.vector_load %arg13[%swap3A_1146, %swap3A_1147] {strides = array<i32>} : memref<128x128xf32, #tpu.memory_space<vmem>>, vector<1x16xf32>,
        %swap3A_1149 = vector.shape_cast %swap3A_1148 : vector<1x16xf32> to vector<16xf32>
        %swap3A_1150 = vector.shape_cast %mul3A_1145 : vector<16xf32> to vector<1x16xf32>
        tpu.vector_store %arg13[%swap3A_1146, %swap3A_1147], %swap3A_1150 {strides = array<i32>} : memref<128x128xf32, #tpu.memory_space<vmem>>, vector<1x16xf32>,
        %get3A_1151 = arith.index_cast %add3A_1090 : i32 to index
        %get3A_1152 = arith.constant 96 : index
        %get3A_1153 = tpu.vector_load %arg13[%get3A_1151, %get3A_1152] {strides = array<i32>} : memref<128x128xf32, #tpu.memory_space<vmem>>, vector<1x16xf32>,
        %get3A_1154 = vector.shape_cast %get3A_1153 : vector<1x16xf32> to vector<16xf32>
        %mul3A_1155 = arith.mulf %get3A_1154, %gather3A_1086 : vector<16xf32>
        %swap3A_1156 = arith.index_cast %add3A_1090 : i32 to index
        %swap3A_1157 = arith.constant 96 : index
        %swap3A_1158 = tpu.vector_load %arg13[%swap3A_1156, %swap3A_1157] {strides = array<i32>} : memref<128x128xf32, #tpu.memory_space<vmem>>, vector<1x16xf32>,
        %swap3A_1159 = vector.shape_cast %swap3A_1158 : vector<1x16xf32> to vector<16xf32>
        %swap3A_1160 = vector.shape_cast %mul3A_1155 : vector<16xf32> to vector<1x16xf32>
        tpu.vector_store %arg13[%swap3A_1156, %swap3A_1157], %swap3A_1160 {strides = array<i32>} : memref<128x128xf32, #tpu.memory_space<vmem>>, vector<1x16xf32>,
        %get3A_1161 = arith.index_cast %add3A_1090 : i32 to index
        %get3A_1162 = arith.constant 112 : index
        %get3A_1163 = tpu.vector_load %arg13[%get3A_1161, %get3A_1162] {strides = array<i32>} : memref<128x128xf32, #tpu.memory_space<vmem>>, vector<1x16xf32>,
        %get3A_1164 = vector.shape_cast %get3A_1163 : vector<1x16xf32> to vector<16xf32>
        %mul3A_1165 = arith.mulf %get3A_1164, %gather3A_1086 : vector<16xf32>
        %swap3A_1166 = arith.index_cast %add3A_1090 : i32 to index
        %swap3A_1167 = arith.constant 112 : index
        %swap3A_1168 = tpu.vector_load %arg13[%swap3A_1166, %swap3A_1167] {strides = array<i32>} : memref<128x128xf32, #tpu.memory_space<vmem>>, vector<1x16xf32>,
        %swap3A_1169 = vector.shape_cast %swap3A_1168 : vector<1x16xf32> to vector<16xf32>
        %swap3A_1170 = vector.shape_cast %mul3A_1165 : vector<16xf32> to vector<1x16xf32>
        tpu.vector_store %arg13[%swap3A_1166, %swap3A_1167], %swap3A_1170 {strides = array<i32>} : memref<128x128xf32, #tpu.memory_space<vmem>>, vector<1x16xf32>,
        %broadcast_in_dim3A_1171 = arith.constant 11 : i32
        %broadcast_in_dim3A_1172 = vector.broadcast %broadcast_in_dim3A_1171 : i32 to vector<16xi32>
        %lt3A_1173 = arith.constant 0 : i32
        %lt3A_1174 = vector.broadcast %lt3A_1173 : i32 to vector<16xi32>
        %lt3A_1175 = arith.cmpi slt, %broadcast_in_dim3A_1172, %lt3A_1174 : vector<16xi32>
        %add3A_1176 = arith.constant 16 : i32
        %add3A_1177 = vector.broadcast %add3A_1176 : i32 to vector<16xi32>
        %add3A_1178 = arith.addi %broadcast_in_dim3A_1172, %add3A_1177 : vector<16xi32>
        %select_n3A_1179 = arith.select %lt3A_1175, %add3A_1178, %broadcast_in_dim3A_1172 : vector<16xi1>, vector<16xi32>
        %reshape3A_1180 = vector.shape_cast %select_n3A_1179 : vector<16xi32> to vector<16x1xi32>
        %gather3A_1181 = vector.shape_cast %reshape3A_1180 : vector<16x1xi32> to vector<16xi32>
        %gather3A_1182 = tpu.dynamic_gather %get3A_119[%gather3A_1181] in [0] : vector<16xf32>, vector<16xi32> -> vector<16xf32>
        %mul3A_1183 = arith.constant 16 : i32
        %mul3A_1184 = arith.muli %mul3A_1183, %scan3A_115 : i32
        %add3A_1185 = arith.constant 11 : i32
        %add3A_1186 = arith.addi %mul3A_1184, %add3A_1185 : i32
        %get3A_1187 = arith.index_cast %add3A_1186 : i32 to index
        %get3A_1188 = arith.constant 0 : index
        %get3A_1189 = tpu.vector_load %arg13[%get3A_1187, %get3A_1188] {strides = array<i32>} : memref<128x128xf32, #tpu.memory_space<vmem>>, vector<1x16xf32>,
        %get3A_1190 = vector.shape_cast %get3A_1189 : vector<1x16xf32> to vector<16xf32>
        %mul3A_1191 = arith.mulf %get3A_1190, %gather3A_1182 : vector<16xf32>
        %swap3A_1192 = arith.index_cast %add3A_1186 : i32 to index
        %swap3A_1193 = arith.constant 0 : index
        %swap3A_1194 = tpu.vector_load %arg13[%swap3A_1192, %swap3A_1193] {strides = array<i32>} : memref<128x128xf32, #tpu.memory_space<vmem>>, vector<1x16xf32>,
        %swap3A_1195 = vector.shape_cast %swap3A_1194 : vector<1x16xf32> to vector<16xf32>
        %swap3A_1196 = vector.shape_cast %mul3A_1191 : vector<16xf32> to vector<1x16xf32>
        tpu.vector_store %arg13[%swap3A_1192, %swap3A_1193], %swap3A_1196 {strides = array<i32>} : memref<128x128xf32, #tpu.memory_space<vmem>>, vector<1x16xf32>,
        %get3A_1197 = arith.index_cast %add3A_1186 : i32 to index
        %get3A_1198 = arith.constant 16 : index
        %get3A_1199 = tpu.vector_load %arg13[%get3A_1197, %get3A_1198] {strides = array<i32>} : memref<128x128xf32, #tpu.memory_space<vmem>>, vector<1x16xf32>,
        %get3A_1200 = vector.shape_cast %get3A_1199 : vector<1x16xf32> to vector<16xf32>
        %mul3A_1201 = arith.mulf %get3A_1200, %gather3A_1182 : vector<16xf32>
        %swap3A_1202 = arith.index_cast %add3A_1186 : i32 to index
        %swap3A_1203 = arith.constant 16 : index
        %swap3A_1204 = tpu.vector_load %arg13[%swap3A_1202, %swap3A_1203] {strides = array<i32>} : memref<128x128xf32, #tpu.memory_space<vmem>>, vector<1x16xf32>,
        %swap3A_1205 = vector.shape_cast %swap3A_1204 : vector<1x16xf32> to vector<16xf32>
        %swap3A_1206 = vector.shape_cast %mul3A_1201 : vector<16xf32> to vector<1x16xf32>
        tpu.vector_store %arg13[%swap3A_1202, %swap3A_1203], %swap3A_1206 {strides = array<i32>} : memref<128x128xf32, #tpu.memory_space<vmem>>, vector<1x16xf32>,
        %get3A_1207 = arith.index_cast %add3A_1186 : i32 to index
        %get3A_1208 = arith.constant 32 : index
        %get3A_1209 = tpu.vector_load %arg13[%get3A_1207, %get3A_1208] {strides = array<i32>} : memref<128x128xf32, #tpu.memory_space<vmem>>, vector<1x16xf32>,
        %get3A_1210 = vector.shape_cast %get3A_1209 : vector<1x16xf32> to vector<16xf32>
        %mul3A_1211 = arith.mulf %get3A_1210, %gather3A_1182 : vector<16xf32>
        %swap3A_1212 = arith.index_cast %add3A_1186 : i32 to index
        %swap3A_1213 = arith.constant 32 : index
        %swap3A_1214 = tpu.vector_load %arg13[%swap3A_1212, %swap3A_1213] {strides = array<i32>} : memref<128x128xf32, #tpu.memory_space<vmem>>, vector<1x16xf32>,
        %swap3A_1215 = vector.shape_cast %swap3A_1214 : vector<1x16xf32> to vector<16xf32>
        %swap3A_1216 = vector.shape_cast %mul3A_1211 : vector<16xf32> to vector<1x16xf32>
        tpu.vector_store %arg13[%swap3A_1212, %swap3A_1213], %swap3A_1216 {strides = array<i32>} : memref<128x128xf32, #tpu.memory_space<vmem>>, vector<1x16xf32>,
        %get3A_1217 = arith.index_cast %add3A_1186 : i32 to index
        %get3A_1218 = arith.constant 48 : index
        %get3A_1219 = tpu.vector_load %arg13[%get3A_1217, %get3A_1218] {strides = array<i32>} : memref<128x128xf32, #tpu.memory_space<vmem>>, vector<1x16xf32>,
        %get3A_1220 = vector.shape_cast %get3A_1219 : vector<1x16xf32> to vector<16xf32>
        %mul3A_1221 = arith.mulf %get3A_1220, %gather3A_1182 : vector<16xf32>
        %swap3A_1222 = arith.index_cast %add3A_1186 : i32 to index
        %swap3A_1223 = arith.constant 48 : index
        %swap3A_1224 = tpu.vector_load %arg13[%swap3A_1222, %swap3A_1223] {strides = array<i32>} : memref<128x128xf32, #tpu.memory_space<vmem>>, vector<1x16xf32>,
        %swap3A_1225 = vector.shape_cast %swap3A_1224 : vector<1x16xf32> to vector<16xf32>
        %swap3A_1226 = vector.shape_cast %mul3A_1221 : vector<16xf32> to vector<1x16xf32>
        tpu.vector_store %arg13[%swap3A_1222, %swap3A_1223], %swap3A_1226 {strides = array<i32>} : memref<128x128xf32, #tpu.memory_space<vmem>>, vector<1x16xf32>,
        %get3A_1227 = arith.index_cast %add3A_1186 : i32 to index
        %get3A_1228 = arith.constant 64 : index
        %get3A_1229 = tpu.vector_load %arg13[%get3A_1227, %get3A_1228] {strides = array<i32>} : memref<128x128xf32, #tpu.memory_space<vmem>>, vector<1x16xf32>,
        %get3A_1230 = vector.shape_cast %get3A_1229 : vector<1x16xf32> to vector<16xf32>
        %mul3A_1231 = arith.mulf %get3A_1230, %gather3A_1182 : vector<16xf32>
        %swap3A_1232 = arith.index_cast %add3A_1186 : i32 to index
        %swap3A_1233 = arith.constant 64 : index
        %swap3A_1234 = tpu.vector_load %arg13[%swap3A_1232, %swap3A_1233] {strides = array<i32>} : memref<128x128xf32, #tpu.memory_space<vmem>>, vector<1x16xf32>,
        %swap3A_1235 = vector.shape_cast %swap3A_1234 : vector<1x16xf32> to vector<16xf32>
        %swap3A_1236 = vector.shape_cast %mul3A_1231 : vector<16xf32> to vector<1x16xf32>
        tpu.vector_store %arg13[%swap3A_1232, %swap3A_1233], %swap3A_1236 {strides = array<i32>} : memref<128x128xf32, #tpu.memory_space<vmem>>, vector<1x16xf32>,
        %get3A_1237 = arith.index_cast %add3A_1186 : i32 to index
        %get3A_1238 = arith.constant 80 : index
        %get3A_1239 = tpu.vector_load %arg13[%get3A_1237, %get3A_1238] {strides = array<i32>} : memref<128x128xf32, #tpu.memory_space<vmem>>, vector<1x16xf32>,
        %get3A_1240 = vector.shape_cast %get3A_1239 : vector<1x16xf32> to vector<16xf32>
        %mul3A_1241 = arith.mulf %get3A_1240, %gather3A_1182 : vector<16xf32>
        %swap3A_1242 = arith.index_cast %add3A_1186 : i32 to index
        %swap3A_1243 = arith.constant 80 : index
        %swap3A_1244 = tpu.vector_load %arg13[%swap3A_1242, %swap3A_1243] {strides = array<i32>} : memref<128x128xf32, #tpu.memory_space<vmem>>, vector<1x16xf32>,
        %swap3A_1245 = vector.shape_cast %swap3A_1244 : vector<1x16xf32> to vector<16xf32>
        %swap3A_1246 = vector.shape_cast %mul3A_1241 : vector<16xf32> to vector<1x16xf32>
        tpu.vector_store %arg13[%swap3A_1242, %swap3A_1243], %swap3A_1246 {strides = array<i32>} : memref<128x128xf32, #tpu.memory_space<vmem>>, vector<1x16xf32>,
        %get3A_1247 = arith.index_cast %add3A_1186 : i32 to index
        %get3A_1248 = arith.constant 96 : index
        %get3A_1249 = tpu.vector_load %arg13[%get3A_1247, %get3A_1248] {strides = array<i32>} : memref<128x128xf32, #tpu.memory_space<vmem>>, vector<1x16xf32>,
        %get3A_1250 = vector.shape_cast %get3A_1249 : vector<1x16xf32> to vector<16xf32>
        %mul3A_1251 = arith.mulf %get3A_1250, %gather3A_1182 : vector<16xf32>
        %swap3A_1252 = arith.index_cast %add3A_1186 : i32 to index
        %swap3A_1253 = arith.constant 96 : index
        %swap3A_1254 = tpu.vector_load %arg13[%swap3A_1252, %swap3A_1253] {strides = array<i32>} : memref<128x128xf32, #tpu.memory_space<vmem>>, vector<1x16xf32>,
        %swap3A_1255 = vector.shape_cast %swap3A_1254 : vector<1x16xf32> to vector<16xf32>
        %swap3A_1256 = vector.shape_cast %mul3A_1251 : vector<16xf32> to vector<1x16xf32>
        tpu.vector_store %arg13[%swap3A_1252, %swap3A_1253], %swap3A_1256 {strides = array<i32>} : memref<128x128xf32, #tpu.memory_space<vmem>>, vector<1x16xf32>,
        %get3A_1257 = arith.index_cast %add3A_1186 : i32 to index
        %get3A_1258 = arith.constant 112 : index
        %get3A_1259 = tpu.vector_load %arg13[%get3A_1257, %get3A_1258] {strides = array<i32>} : memref<128x128xf32, #tpu.memory_space<vmem>>, vector<1x16xf32>,
        %get3A_1260 = vector.shape_cast %get3A_1259 : vector<1x16xf32> to vector<16xf32>
        %mul3A_1261 = arith.mulf %get3A_1260, %gather3A_1182 : vector<16xf32>
        %swap3A_1262 = arith.index_cast %add3A_1186 : i32 to index
        %swap3A_1263 = arith.constant 112 : index
        %swap3A_1264 = tpu.vector_load %arg13[%swap3A_1262, %swap3A_1263] {strides = array<i32>} : memref<128x128xf32, #tpu.memory_space<vmem>>, vector<1x16xf32>,
        %swap3A_1265 = vector.shape_cast %swap3A_1264 : vector<1x16xf32> to vector<16xf32>
        %swap3A_1266 = vector.shape_cast %mul3A_1261 : vector<16xf32> to vector<1x16xf32>
        tpu.vector_store %arg13[%swap3A_1262, %swap3A_1263], %swap3A_1266 {strides = array<i32>} : memref<128x128xf32, #tpu.memory_space<vmem>>, vector<1x16xf32>,
        %broadcast_in_dim3A_1267 = arith.constant 12 : i32
        %broadcast_in_dim3A_1268 = vector.broadcast %broadcast_in_dim3A_1267 : i32 to vector<16xi32>
        %lt3A_1269 = arith.constant 0 : i32
        %lt3A_1270 = vector.broadcast %lt3A_1269 : i32 to vector<16xi32>
        %lt3A_1271 = arith.cmpi slt, %broadcast_in_dim3A_1268, %lt3A_1270 : vector<16xi32>
        %add3A_1272 = arith.constant 16 : i32
        %add3A_1273 = vector.broadcast %add3A_1272 : i32 to vector<16xi32>
        %add3A_1274 = arith.addi %broadcast_in_dim3A_1268, %add3A_1273 : vector<16xi32>
        %select_n3A_1275 = arith.select %lt3A_1271, %add3A_1274, %broadcast_in_dim3A_1268 : vector<16xi1>, vector<16xi32>
        %reshape3A_1276 = vector.shape_cast %select_n3A_1275 : vector<16xi32> to vector<16x1xi32>
        %gather3A_1277 = vector.shape_cast %reshape3A_1276 : vector<16x1xi32> to vector<16xi32>
        %gather3A_1278 = tpu.dynamic_gather %get3A_119[%gather3A_1277] in [0] : vector<16xf32>, vector<16xi32> -> vector<16xf32>
        %mul3A_1279 = arith.constant 16 : i32
        %mul3A_1280 = arith.muli %mul3A_1279, %scan3A_115 : i32
        %add3A_1281 = arith.constant 12 : i32
        %add3A_1282 = arith.addi %mul3A_1280, %add3A_1281 : i32
        %get3A_1283 = arith.index_cast %add3A_1282 : i32 to index
        %get3A_1284 = arith.constant 0 : index
        %get3A_1285 = tpu.vector_load %arg13[%get3A_1283, %get3A_1284] {strides = array<i32>} : memref<128x128xf32, #tpu.memory_space<vmem>>, vector<1x16xf32>,
        %get3A_1286 = vector.shape_cast %get3A_1285 : vector<1x16xf32> to vector<16xf32>
        %mul3A_1287 = arith.mulf %get3A_1286, %gather3A_1278 : vector<16xf32>
        %swap3A_1288 = arith.index_cast %add3A_1282 : i32 to index
        %swap3A_1289 = arith.constant 0 : index
        %swap3A_1290 = tpu.vector_load %arg13[%swap3A_1288, %swap3A_1289] {strides = array<i32>} : memref<128x128xf32, #tpu.memory_space<vmem>>, vector<1x16xf32>,
        %swap3A_1291 = vector.shape_cast %swap3A_1290 : vector<1x16xf32> to vector<16xf32>
        %swap3A_1292 = vector.shape_cast %mul3A_1287 : vector<16xf32> to vector<1x16xf32>
        tpu.vector_store %arg13[%swap3A_1288, %swap3A_1289], %swap3A_1292 {strides = array<i32>} : memref<128x128xf32, #tpu.memory_space<vmem>>, vector<1x16xf32>,
        %get3A_1293 = arith.index_cast %add3A_1282 : i32 to index
        %get3A_1294 = arith.constant 16 : index
        %get3A_1295 = tpu.vector_load %arg13[%get3A_1293, %get3A_1294] {strides = array<i32>} : memref<128x128xf32, #tpu.memory_space<vmem>>, vector<1x16xf32>,
        %get3A_1296 = vector.shape_cast %get3A_1295 : vector<1x16xf32> to vector<16xf32>
        %mul3A_1297 = arith.mulf %get3A_1296, %gather3A_1278 : vector<16xf32>
        %swap3A_1298 = arith.index_cast %add3A_1282 : i32 to index
        %swap3A_1299 = arith.constant 16 : index
        %swap3A_1300 = tpu.vector_load %arg13[%swap3A_1298, %swap3A_1299] {strides = array<i32>} : memref<128x128xf32, #tpu.memory_space<vmem>>, vector<1x16xf32>,
        %swap3A_1301 = vector.shape_cast %swap3A_1300 : vector<1x16xf32> to vector<16xf32>
        %swap3A_1302 = vector.shape_cast %mul3A_1297 : vector<16xf32> to vector<1x16xf32>
        tpu.vector_store %arg13[%swap3A_1298, %swap3A_1299], %swap3A_1302 {strides = array<i32>} : memref<128x128xf32, #tpu.memory_space<vmem>>, vector<1x16xf32>,
        %get3A_1303 = arith.index_cast %add3A_1282 : i32 to index
        %get3A_1304 = arith.constant 32 : index
        %get3A_1305 = tpu.vector_load %arg13[%get3A_1303, %get3A_1304] {strides = array<i32>} : memref<128x128xf32, #tpu.memory_space<vmem>>, vector<1x16xf32>,
        %get3A_1306 = vector.shape_cast %get3A_1305 : vector<1x16xf32> to vector<16xf32>
        %mul3A_1307 = arith.mulf %get3A_1306, %gather3A_1278 : vector<16xf32>
        %swap3A_1308 = arith.index_cast %add3A_1282 : i32 to index
        %swap3A_1309 = arith.constant 32 : index
        %swap3A_1310 = tpu.vector_load %arg13[%swap3A_1308, %swap3A_1309] {strides = array<i32>} : memref<128x128xf32, #tpu.memory_space<vmem>>, vector<1x16xf32>,
        %swap3A_1311 = vector.shape_cast %swap3A_1310 : vector<1x16xf32> to vector<16xf32>
        %swap3A_1312 = vector.shape_cast %mul3A_1307 : vector<16xf32> to vector<1x16xf32>
        tpu.vector_store %arg13[%swap3A_1308, %swap3A_1309], %swap3A_1312 {strides = array<i32>} : memref<128x128xf32, #tpu.memory_space<vmem>>, vector<1x16xf32>,
        %get3A_1313 = arith.index_cast %add3A_1282 : i32 to index
        %get3A_1314 = arith.constant 48 : index
        %get3A_1315 = tpu.vector_load %arg13[%get3A_1313, %get3A_1314] {strides = array<i32>} : memref<128x128xf32, #tpu.memory_space<vmem>>, vector<1x16xf32>,
        %get3A_1316 = vector.shape_cast %get3A_1315 : vector<1x16xf32> to vector<16xf32>
        %mul3A_1317 = arith.mulf %get3A_1316, %gather3A_1278 : vector<16xf32>
        %swap3A_1318 = arith.index_cast %add3A_1282 : i32 to index
        %swap3A_1319 = arith.constant 48 : index
        %swap3A_1320 = tpu.vector_load %arg13[%swap3A_1318, %swap3A_1319] {strides = array<i32>} : memref<128x128xf32, #tpu.memory_space<vmem>>, vector<1x16xf32>,
        %swap3A_1321 = vector.shape_cast %swap3A_1320 : vector<1x16xf32> to vector<16xf32>
        %swap3A_1322 = vector.shape_cast %mul3A_1317 : vector<16xf32> to vector<1x16xf32>
        tpu.vector_store %arg13[%swap3A_1318, %swap3A_1319], %swap3A_1322 {strides = array<i32>} : memref<128x128xf32, #tpu.memory_space<vmem>>, vector<1x16xf32>,
        %get3A_1323 = arith.index_cast %add3A_1282 : i32 to index
        %get3A_1324 = arith.constant 64 : index
        %get3A_1325 = tpu.vector_load %arg13[%get3A_1323, %get3A_1324] {strides = array<i32>} : memref<128x128xf32, #tpu.memory_space<vmem>>, vector<1x16xf32>,
        %get3A_1326 = vector.shape_cast %get3A_1325 : vector<1x16xf32> to vector<16xf32>
        %mul3A_1327 = arith.mulf %get3A_1326, %gather3A_1278 : vector<16xf32>
        %swap3A_1328 = arith.index_cast %add3A_1282 : i32 to index
        %swap3A_1329 = arith.constant 64 : index
        %swap3A_1330 = tpu.vector_load %arg13[%swap3A_1328, %swap3A_1329] {strides = array<i32>} : memref<128x128xf32, #tpu.memory_space<vmem>>, vector<1x16xf32>,
        %swap3A_1331 = vector.shape_cast %swap3A_1330 : vector<1x16xf32> to vector<16xf32>
        %swap3A_1332 = vector.shape_cast %mul3A_1327 : vector<16xf32> to vector<1x16xf32>
        tpu.vector_store %arg13[%swap3A_1328, %swap3A_1329], %swap3A_1332 {strides = array<i32>} : memref<128x128xf32, #tpu.memory_space<vmem>>, vector<1x16xf32>,
        %get3A_1333 = arith.index_cast %add3A_1282 : i32 to index
        %get3A_1334 = arith.constant 80 : index
        %get3A_1335 = tpu.vector_load %arg13[%get3A_1333, %get3A_1334] {strides = array<i32>} : memref<128x128xf32, #tpu.memory_space<vmem>>, vector<1x16xf32>,
        %get3A_1336 = vector.shape_cast %get3A_1335 : vector<1x16xf32> to vector<16xf32>
        %mul3A_1337 = arith.mulf %get3A_1336, %gather3A_1278 : vector<16xf32>
        %swap3A_1338 = arith.index_cast %add3A_1282 : i32 to index
        %swap3A_1339 = arith.constant 80 : index
        %swap3A_1340 = tpu.vector_load %arg13[%swap3A_1338, %swap3A_1339] {strides = array<i32>} : memref<128x128xf32, #tpu.memory_space<vmem>>, vector<1x16xf32>,
        %swap3A_1341 = vector.shape_cast %swap3A_1340 : vector<1x16xf32> to vector<16xf32>
        %swap3A_1342 = vector.shape_cast %mul3A_1337 : vector<16xf32> to vector<1x16xf32>
        tpu.vector_store %arg13[%swap3A_1338, %swap3A_1339], %swap3A_1342 {strides = array<i32>} : memref<128x128xf32, #tpu.memory_space<vmem>>, vector<1x16xf32>,
        %get3A_1343 = arith.index_cast %add3A_1282 : i32 to index
        %get3A_1344 = arith.constant 96 : index
        %get3A_1345 = tpu.vector_load %arg13[%get3A_1343, %get3A_1344] {strides = array<i32>} : memref<128x128xf32, #tpu.memory_space<vmem>>, vector<1x16xf32>,
        %get3A_1346 = vector.shape_cast %get3A_1345 : vector<1x16xf32> to vector<16xf32>
        %mul3A_1347 = arith.mulf %get3A_1346, %gather3A_1278 : vector<16xf32>
        %swap3A_1348 = arith.index_cast %add3A_1282 : i32 to index
        %swap3A_1349 = arith.constant 96 : index
        %swap3A_1350 = tpu.vector_load %arg13[%swap3A_1348, %swap3A_1349] {strides = array<i32>} : memref<128x128xf32, #tpu.memory_space<vmem>>, vector<1x16xf32>,
        %swap3A_1351 = vector.shape_cast %swap3A_1350 : vector<1x16xf32> to vector<16xf32>
        %swap3A_1352 = vector.shape_cast %mul3A_1347 : vector<16xf32> to vector<1x16xf32>
        tpu.vector_store %arg13[%swap3A_1348, %swap3A_1349], %swap3A_1352 {strides = array<i32>} : memref<128x128xf32, #tpu.memory_space<vmem>>, vector<1x16xf32>,
        %get3A_1353 = arith.index_cast %add3A_1282 : i32 to index
        %get3A_1354 = arith.constant 112 : index
        %get3A_1355 = tpu.vector_load %arg13[%get3A_1353, %get3A_1354] {strides = array<i32>} : memref<128x128xf32, #tpu.memory_space<vmem>>, vector<1x16xf32>,
        %get3A_1356 = vector.shape_cast %get3A_1355 : vector<1x16xf32> to vector<16xf32>
        %mul3A_1357 = arith.mulf %get3A_1356, %gather3A_1278 : vector<16xf32>
        %swap3A_1358 = arith.index_cast %add3A_1282 : i32 to index
        %swap3A_1359 = arith.constant 112 : index
        %swap3A_1360 = tpu.vector_load %arg13[%swap3A_1358, %swap3A_1359] {strides = array<i32>} : memref<128x128xf32, #tpu.memory_space<vmem>>, vector<1x16xf32>,
        %swap3A_1361 = vector.shape_cast %swap3A_1360 : vector<1x16xf32> to vector<16xf32>
        %swap3A_1362 = vector.shape_cast %mul3A_1357 : vector<16xf32> to vector<1x16xf32>
        tpu.vector_store %arg13[%swap3A_1358, %swap3A_1359], %swap3A_1362 {strides = array<i32>} : memref<128x128xf32, #tpu.memory_space<vmem>>, vector<1x16xf32>,
        %broadcast_in_dim3A_1363 = arith.constant 13 : i32
        %broadcast_in_dim3A_1364 = vector.broadcast %broadcast_in_dim3A_1363 : i32 to vector<16xi32>
        %lt3A_1365 = arith.constant 0 : i32
        %lt3A_1366 = vector.broadcast %lt3A_1365 : i32 to vector<16xi32>
        %lt3A_1367 = arith.cmpi slt, %broadcast_in_dim3A_1364, %lt3A_1366 : vector<16xi32>
        %add3A_1368 = arith.constant 16 : i32
        %add3A_1369 = vector.broadcast %add3A_1368 : i32 to vector<16xi32>
        %add3A_1370 = arith.addi %broadcast_in_dim3A_1364, %add3A_1369 : vector<16xi32>
        %select_n3A_1371 = arith.select %lt3A_1367, %add3A_1370, %broadcast_in_dim3A_1364 : vector<16xi1>, vector<16xi32>
        %reshape3A_1372 = vector.shape_cast %select_n3A_1371 : vector<16xi32> to vector<16x1xi32>
        %gather3A_1373 = vector.shape_cast %reshape3A_1372 : vector<16x1xi32> to vector<16xi32>
        %gather3A_1374 = tpu.dynamic_gather %get3A_119[%gather3A_1373] in [0] : vector<16xf32>, vector<16xi32> -> vector<16xf32>
        %mul3A_1375 = arith.constant 16 : i32
        %mul3A_1376 = arith.muli %mul3A_1375, %scan3A_115 : i32
        %add3A_1377 = arith.constant 13 : i32
        %add3A_1378 = arith.addi %mul3A_1376, %add3A_1377 : i32
        %get3A_1379 = arith.index_cast %add3A_1378 : i32 to index
        %get3A_1380 = arith.constant 0 : index
        %get3A_1381 = tpu.vector_load %arg13[%get3A_1379, %get3A_1380] {strides = array<i32>} : memref<128x128xf32, #tpu.memory_space<vmem>>, vector<1x16xf32>,
        %get3A_1382 = vector.shape_cast %get3A_1381 : vector<1x16xf32> to vector<16xf32>
        %mul3A_1383 = arith.mulf %get3A_1382, %gather3A_1374 : vector<16xf32>
        %swap3A_1384 = arith.index_cast %add3A_1378 : i32 to index
        %swap3A_1385 = arith.constant 0 : index
        %swap3A_1386 = tpu.vector_load %arg13[%swap3A_1384, %swap3A_1385] {strides = array<i32>} : memref<128x128xf32, #tpu.memory_space<vmem>>, vector<1x16xf32>,
        %swap3A_1387 = vector.shape_cast %swap3A_1386 : vector<1x16xf32> to vector<16xf32>
        %swap3A_1388 = vector.shape_cast %mul3A_1383 : vector<16xf32> to vector<1x16xf32>
        tpu.vector_store %arg13[%swap3A_1384, %swap3A_1385], %swap3A_1388 {strides = array<i32>} : memref<128x128xf32, #tpu.memory_space<vmem>>, vector<1x16xf32>,
        %get3A_1389 = arith.index_cast %add3A_1378 : i32 to index
        %get3A_1390 = arith.constant 16 : index
        %get3A_1391 = tpu.vector_load %arg13[%get3A_1389, %get3A_1390] {strides = array<i32>} : memref<128x128xf32, #tpu.memory_space<vmem>>, vector<1x16xf32>,
        %get3A_1392 = vector.shape_cast %get3A_1391 : vector<1x16xf32> to vector<16xf32>
        %mul3A_1393 = arith.mulf %get3A_1392, %gather3A_1374 : vector<16xf32>
        %swap3A_1394 = arith.index_cast %add3A_1378 : i32 to index
        %swap3A_1395 = arith.constant 16 : index
        %swap3A_1396 = tpu.vector_load %arg13[%swap3A_1394, %swap3A_1395] {strides = array<i32>} : memref<128x128xf32, #tpu.memory_space<vmem>>, vector<1x16xf32>,
        %swap3A_1397 = vector.shape_cast %swap3A_1396 : vector<1x16xf32> to vector<16xf32>
        %swap3A_1398 = vector.shape_cast %mul3A_1393 : vector<16xf32> to vector<1x16xf32>
        tpu.vector_store %arg13[%swap3A_1394, %swap3A_1395], %swap3A_1398 {strides = array<i32>} : memref<128x128xf32, #tpu.memory_space<vmem>>, vector<1x16xf32>,
        %get3A_1399 = arith.index_cast %add3A_1378 : i32 to index
        %get3A_1400 = arith.constant 32 : index
        %get3A_1401 = tpu.vector_load %arg13[%get3A_1399, %get3A_1400] {strides = array<i32>} : memref<128x128xf32, #tpu.memory_space<vmem>>, vector<1x16xf32>,
        %get3A_1402 = vector.shape_cast %get3A_1401 : vector<1x16xf32> to vector<16xf32>
        %mul3A_1403 = arith.mulf %get3A_1402, %gather3A_1374 : vector<16xf32>
        %swap3A_1404 = arith.index_cast %add3A_1378 : i32 to index
        %swap3A_1405 = arith.constant 32 : index
        %swap3A_1406 = tpu.vector_load %arg13[%swap3A_1404, %swap3A_1405] {strides = array<i32>} : memref<128x128xf32, #tpu.memory_space<vmem>>, vector<1x16xf32>,
        %swap3A_1407 = vector.shape_cast %swap3A_1406 : vector<1x16xf32> to vector<16xf32>
        %swap3A_1408 = vector.shape_cast %mul3A_1403 : vector<16xf32> to vector<1x16xf32>
        tpu.vector_store %arg13[%swap3A_1404, %swap3A_1405], %swap3A_1408 {strides = array<i32>} : memref<128x128xf32, #tpu.memory_space<vmem>>, vector<1x16xf32>,
        %get3A_1409 = arith.index_cast %add3A_1378 : i32 to index
        %get3A_1410 = arith.constant 48 : index
        %get3A_1411 = tpu.vector_load %arg13[%get3A_1409, %get3A_1410] {strides = array<i32>} : memref<128x128xf32, #tpu.memory_space<vmem>>, vector<1x16xf32>,
        %get3A_1412 = vector.shape_cast %get3A_1411 : vector<1x16xf32> to vector<16xf32>
        %mul3A_1413 = arith.mulf %get3A_1412, %gather3A_1374 : vector<16xf32>
        %swap3A_1414 = arith.index_cast %add3A_1378 : i32 to index
        %swap3A_1415 = arith.constant 48 : index
        %swap3A_1416 = tpu.vector_load %arg13[%swap3A_1414, %swap3A_1415] {strides = array<i32>} : memref<128x128xf32, #tpu.memory_space<vmem>>, vector<1x16xf32>,
        %swap3A_1417 = vector.shape_cast %swap3A_1416 : vector<1x16xf32> to vector<16xf32>
        %swap3A_1418 = vector.shape_cast %mul3A_1413 : vector<16xf32> to vector<1x16xf32>
        tpu.vector_store %arg13[%swap3A_1414, %swap3A_1415], %swap3A_1418 {strides = array<i32>} : memref<128x128xf32, #tpu.memory_space<vmem>>, vector<1x16xf32>,
        %get3A_1419 = arith.index_cast %add3A_1378 : i32 to index
        %get3A_1420 = arith.constant 64 : index
        %get3A_1421 = tpu.vector_load %arg13[%get3A_1419, %get3A_1420] {strides = array<i32>} : memref<128x128xf32, #tpu.memory_space<vmem>>, vector<1x16xf32>,
        %get3A_1422 = vector.shape_cast %get3A_1421 : vector<1x16xf32> to vector<16xf32>
        %mul3A_1423 = arith.mulf %get3A_1422, %gather3A_1374 : vector<16xf32>
        %swap3A_1424 = arith.index_cast %add3A_1378 : i32 to index
        %swap3A_1425 = arith.constant 64 : index
        %swap3A_1426 = tpu.vector_load %arg13[%swap3A_1424, %swap3A_1425] {strides = array<i32>} : memref<128x128xf32, #tpu.memory_space<vmem>>, vector<1x16xf32>,
        %swap3A_1427 = vector.shape_cast %swap3A_1426 : vector<1x16xf32> to vector<16xf32>
        %swap3A_1428 = vector.shape_cast %mul3A_1423 : vector<16xf32> to vector<1x16xf32>
        tpu.vector_store %arg13[%swap3A_1424, %swap3A_1425], %swap3A_1428 {strides = array<i32>} : memref<128x128xf32, #tpu.memory_space<vmem>>, vector<1x16xf32>,
        %get3A_1429 = arith.index_cast %add3A_1378 : i32 to index
        %get3A_1430 = arith.constant 80 : index
        %get3A_1431 = tpu.vector_load %arg13[%get3A_1429, %get3A_1430] {strides = array<i32>} : memref<128x128xf32, #tpu.memory_space<vmem>>, vector<1x16xf32>,
        %get3A_1432 = vector.shape_cast %get3A_1431 : vector<1x16xf32> to vector<16xf32>
        %mul3A_1433 = arith.mulf %get3A_1432, %gather3A_1374 : vector<16xf32>
        %swap3A_1434 = arith.index_cast %add3A_1378 : i32 to index
        %swap3A_1435 = arith.constant 80 : index
        %swap3A_1436 = tpu.vector_load %arg13[%swap3A_1434, %swap3A_1435] {strides = array<i32>} : memref<128x128xf32, #tpu.memory_space<vmem>>, vector<1x16xf32>,
        %swap3A_1437 = vector.shape_cast %swap3A_1436 : vector<1x16xf32> to vector<16xf32>
        %swap3A_1438 = vector.shape_cast %mul3A_1433 : vector<16xf32> to vector<1x16xf32>
        tpu.vector_store %arg13[%swap3A_1434, %swap3A_1435], %swap3A_1438 {strides = array<i32>} : memref<128x128xf32, #tpu.memory_space<vmem>>, vector<1x16xf32>,
        %get3A_1439 = arith.index_cast %add3A_1378 : i32 to index
        %get3A_1440 = arith.constant 96 : index
        %get3A_1441 = tpu.vector_load %arg13[%get3A_1439, %get3A_1440] {strides = array<i32>} : memref<128x128xf32, #tpu.memory_space<vmem>>, vector<1x16xf32>,
        %get3A_1442 = vector.shape_cast %get3A_1441 : vector<1x16xf32> to vector<16xf32>
        %mul3A_1443 = arith.mulf %get3A_1442, %gather3A_1374 : vector<16xf32>
        %swap3A_1444 = arith.index_cast %add3A_1378 : i32 to index
        %swap3A_1445 = arith.constant 96 : index
        %swap3A_1446 = tpu.vector_load %arg13[%swap3A_1444, %swap3A_1445] {strides = array<i32>} : memref<128x128xf32, #tpu.memory_space<vmem>>, vector<1x16xf32>,
        %swap3A_1447 = vector.shape_cast %swap3A_1446 : vector<1x16xf32> to vector<16xf32>
        %swap3A_1448 = vector.shape_cast %mul3A_1443 : vector<16xf32> to vector<1x16xf32>
        tpu.vector_store %arg13[%swap3A_1444, %swap3A_1445], %swap3A_1448 {strides = array<i32>} : memref<128x128xf32, #tpu.memory_space<vmem>>, vector<1x16xf32>,
        %get3A_1449 = arith.index_cast %add3A_1378 : i32 to index
        %get3A_1450 = arith.constant 112 : index
        %get3A_1451 = tpu.vector_load %arg13[%get3A_1449, %get3A_1450] {strides = array<i32>} : memref<128x128xf32, #tpu.memory_space<vmem>>, vector<1x16xf32>,
        %get3A_1452 = vector.shape_cast %get3A_1451 : vector<1x16xf32> to vector<16xf32>
        %mul3A_1453 = arith.mulf %get3A_1452, %gather3A_1374 : vector<16xf32>
        %swap3A_1454 = arith.index_cast %add3A_1378 : i32 to index
        %swap3A_1455 = arith.constant 112 : index
        %swap3A_1456 = tpu.vector_load %arg13[%swap3A_1454, %swap3A_1455] {strides = array<i32>} : memref<128x128xf32, #tpu.memory_space<vmem>>, vector<1x16xf32>,
        %swap3A_1457 = vector.shape_cast %swap3A_1456 : vector<1x16xf32> to vector<16xf32>
        %swap3A_1458 = vector.shape_cast %mul3A_1453 : vector<16xf32> to vector<1x16xf32>
        tpu.vector_store %arg13[%swap3A_1454, %swap3A_1455], %swap3A_1458 {strides = array<i32>} : memref<128x128xf32, #tpu.memory_space<vmem>>, vector<1x16xf32>,
        %broadcast_in_dim3A_1459 = arith.constant 14 : i32
        %broadcast_in_dim3A_1460 = vector.broadcast %broadcast_in_dim3A_1459 : i32 to vector<16xi32>
        %lt3A_1461 = arith.constant 0 : i32
        %lt3A_1462 = vector.broadcast %lt3A_1461 : i32 to vector<16xi32>
        %lt3A_1463 = arith.cmpi slt, %broadcast_in_dim3A_1460, %lt3A_1462 : vector<16xi32>
        %add3A_1464 = arith.constant 16 : i32
        %add3A_1465 = vector.broadcast %add3A_1464 : i32 to vector<16xi32>
        %add3A_1466 = arith.addi %broadcast_in_dim3A_1460, %add3A_1465 : vector<16xi32>
        %select_n3A_1467 = arith.select %lt3A_1463, %add3A_1466, %broadcast_in_dim3A_1460 : vector<16xi1>, vector<16xi32>
        %reshape3A_1468 = vector.shape_cast %select_n3A_1467 : vector<16xi32> to vector<16x1xi32>
        %gather3A_1469 = vector.shape_cast %reshape3A_1468 : vector<16x1xi32> to vector<16xi32>
        %gather3A_1470 = tpu.dynamic_gather %get3A_119[%gather3A_1469] in [0] : vector<16xf32>, vector<16xi32> -> vector<16xf32>
        %mul3A_1471 = arith.constant 16 : i32
        %mul3A_1472 = arith.muli %mul3A_1471, %scan3A_115 : i32
        %add3A_1473 = arith.constant 14 : i32
        %add3A_1474 = arith.addi %mul3A_1472, %add3A_1473 : i32
        %get3A_1475 = arith.index_cast %add3A_1474 : i32 to index
        %get3A_1476 = arith.constant 0 : index
        %get3A_1477 = tpu.vector_load %arg13[%get3A_1475, %get3A_1476] {strides = array<i32>} : memref<128x128xf32, #tpu.memory_space<vmem>>, vector<1x16xf32>,
        %get3A_1478 = vector.shape_cast %get3A_1477 : vector<1x16xf32> to vector<16xf32>
        %mul3A_1479 = arith.mulf %get3A_1478, %gather3A_1470 : vector<16xf32>
        %swap3A_1480 = arith.index_cast %add3A_1474 : i32 to index
        %swap3A_1481 = arith.constant 0 : index
        %swap3A_1482 = tpu.vector_load %arg13[%swap3A_1480, %swap3A_1481] {strides = array<i32>} : memref<128x128xf32, #tpu.memory_space<vmem>>, vector<1x16xf32>,
        %swap3A_1483 = vector.shape_cast %swap3A_1482 : vector<1x16xf32> to vector<16xf32>
        %swap3A_1484 = vector.shape_cast %mul3A_1479 : vector<16xf32> to vector<1x16xf32>
        tpu.vector_store %arg13[%swap3A_1480, %swap3A_1481], %swap3A_1484 {strides = array<i32>} : memref<128x128xf32, #tpu.memory_space<vmem>>, vector<1x16xf32>,
        %get3A_1485 = arith.index_cast %add3A_1474 : i32 to index
        %get3A_1486 = arith.constant 16 : index
        %get3A_1487 = tpu.vector_load %arg13[%get3A_1485, %get3A_1486] {strides = array<i32>} : memref<128x128xf32, #tpu.memory_space<vmem>>, vector<1x16xf32>,
        %get3A_1488 = vector.shape_cast %get3A_1487 : vector<1x16xf32> to vector<16xf32>
        %mul3A_1489 = arith.mulf %get3A_1488, %gather3A_1470 : vector<16xf32>
        %swap3A_1490 = arith.index_cast %add3A_1474 : i32 to index
        %swap3A_1491 = arith.constant 16 : index
        %swap3A_1492 = tpu.vector_load %arg13[%swap3A_1490, %swap3A_1491] {strides = array<i32>} : memref<128x128xf32, #tpu.memory_space<vmem>>, vector<1x16xf32>,
        %swap3A_1493 = vector.shape_cast %swap3A_1492 : vector<1x16xf32> to vector<16xf32>
        %swap3A_1494 = vector.shape_cast %mul3A_1489 : vector<16xf32> to vector<1x16xf32>
        tpu.vector_store %arg13[%swap3A_1490, %swap3A_1491], %swap3A_1494 {strides = array<i32>} : memref<128x128xf32, #tpu.memory_space<vmem>>, vector<1x16xf32>,
        %get3A_1495 = arith.index_cast %add3A_1474 : i32 to index
        %get3A_1496 = arith.constant 32 : index
        %get3A_1497 = tpu.vector_load %arg13[%get3A_1495, %get3A_1496] {strides = array<i32>} : memref<128x128xf32, #tpu.memory_space<vmem>>, vector<1x16xf32>,
        %get3A_1498 = vector.shape_cast %get3A_1497 : vector<1x16xf32> to vector<16xf32>
        %mul3A_1499 = arith.mulf %get3A_1498, %gather3A_1470 : vector<16xf32>
        %swap3A_1500 = arith.index_cast %add3A_1474 : i32 to index
        %swap3A_1501 = arith.constant 32 : index
        %swap3A_1502 = tpu.vector_load %arg13[%swap3A_1500, %swap3A_1501] {strides = array<i32>} : memref<128x128xf32, #tpu.memory_space<vmem>>, vector<1x16xf32>,
        %swap3A_1503 = vector.shape_cast %swap3A_1502 : vector<1x16xf32> to vector<16xf32>
        %swap3A_1504 = vector.shape_cast %mul3A_1499 : vector<16xf32> to vector<1x16xf32>
        tpu.vector_store %arg13[%swap3A_1500, %swap3A_1501], %swap3A_1504 {strides = array<i32>} : memref<128x128xf32, #tpu.memory_space<vmem>>, vector<1x16xf32>,
        %get3A_1505 = arith.index_cast %add3A_1474 : i32 to index
        %get3A_1506 = arith.constant 48 : index
        %get3A_1507 = tpu.vector_load %arg13[%get3A_1505, %get3A_1506] {strides = array<i32>} : memref<128x128xf32, #tpu.memory_space<vmem>>, vector<1x16xf32>,
        %get3A_1508 = vector.shape_cast %get3A_1507 : vector<1x16xf32> to vector<16xf32>
        %mul3A_1509 = arith.mulf %get3A_1508, %gather3A_1470 : vector<16xf32>
        %swap3A_1510 = arith.index_cast %add3A_1474 : i32 to index
        %swap3A_1511 = arith.constant 48 : index
        %swap3A_1512 = tpu.vector_load %arg13[%swap3A_1510, %swap3A_1511] {strides = array<i32>} : memref<128x128xf32, #tpu.memory_space<vmem>>, vector<1x16xf32>,
        %swap3A_1513 = vector.shape_cast %swap3A_1512 : vector<1x16xf32> to vector<16xf32>
        %swap3A_1514 = vector.shape_cast %mul3A_1509 : vector<16xf32> to vector<1x16xf32>
        tpu.vector_store %arg13[%swap3A_1510, %swap3A_1511], %swap3A_1514 {strides = array<i32>} : memref<128x128xf32, #tpu.memory_space<vmem>>, vector<1x16xf32>,
        %get3A_1515 = arith.index_cast %add3A_1474 : i32 to index
        %get3A_1516 = arith.constant 64 : index
        %get3A_1517 = tpu.vector_load %arg13[%get3A_1515, %get3A_1516] {strides = array<i32>} : memref<128x128xf32, #tpu.memory_space<vmem>>, vector<1x16xf32>,
        %get3A_1518 = vector.shape_cast %get3A_1517 : vector<1x16xf32> to vector<16xf32>
        %mul3A_1519 = arith.mulf %get3A_1518, %gather3A_1470 : vector<16xf32>
        %swap3A_1520 = arith.index_cast %add3A_1474 : i32 to index
        %swap3A_1521 = arith.constant 64 : index
        %swap3A_1522 = tpu.vector_load %arg13[%swap3A_1520, %swap3A_1521] {strides = array<i32>} : memref<128x128xf32, #tpu.memory_space<vmem>>, vector<1x16xf32>,
        %swap3A_1523 = vector.shape_cast %swap3A_1522 : vector<1x16xf32> to vector<16xf32>
        %swap3A_1524 = vector.shape_cast %mul3A_1519 : vector<16xf32> to vector<1x16xf32>
        tpu.vector_store %arg13[%swap3A_1520, %swap3A_1521], %swap3A_1524 {strides = array<i32>} : memref<128x128xf32, #tpu.memory_space<vmem>>, vector<1x16xf32>,
        %get3A_1525 = arith.index_cast %add3A_1474 : i32 to index
        %get3A_1526 = arith.constant 80 : index
        %get3A_1527 = tpu.vector_load %arg13[%get3A_1525, %get3A_1526] {strides = array<i32>} : memref<128x128xf32, #tpu.memory_space<vmem>>, vector<1x16xf32>,
        %get3A_1528 = vector.shape_cast %get3A_1527 : vector<1x16xf32> to vector<16xf32>
        %mul3A_1529 = arith.mulf %get3A_1528, %gather3A_1470 : vector<16xf32>
        %swap3A_1530 = arith.index_cast %add3A_1474 : i32 to index
        %swap3A_1531 = arith.constant 80 : index
        %swap3A_1532 = tpu.vector_load %arg13[%swap3A_1530, %swap3A_1531] {strides = array<i32>} : memref<128x128xf32, #tpu.memory_space<vmem>>, vector<1x16xf32>,
        %swap3A_1533 = vector.shape_cast %swap3A_1532 : vector<1x16xf32> to vector<16xf32>
        %swap3A_1534 = vector.shape_cast %mul3A_1529 : vector<16xf32> to vector<1x16xf32>
        tpu.vector_store %arg13[%swap3A_1530, %swap3A_1531], %swap3A_1534 {strides = array<i32>} : memref<128x128xf32, #tpu.memory_space<vmem>>, vector<1x16xf32>,
        %get3A_1535 = arith.index_cast %add3A_1474 : i32 to index
        %get3A_1536 = arith.constant 96 : index
        %get3A_1537 = tpu.vector_load %arg13[%get3A_1535, %get3A_1536] {strides = array<i32>} : memref<128x128xf32, #tpu.memory_space<vmem>>, vector<1x16xf32>,
        %get3A_1538 = vector.shape_cast %get3A_1537 : vector<1x16xf32> to vector<16xf32>
        %mul3A_1539 = arith.mulf %get3A_1538, %gather3A_1470 : vector<16xf32>
        %swap3A_1540 = arith.index_cast %add3A_1474 : i32 to index
        %swap3A_1541 = arith.constant 96 : index
        %swap3A_1542 = tpu.vector_load %arg13[%swap3A_1540, %swap3A_1541] {strides = array<i32>} : memref<128x128xf32, #tpu.memory_space<vmem>>, vector<1x16xf32>,
        %swap3A_1543 = vector.shape_cast %swap3A_1542 : vector<1x16xf32> to vector<16xf32>
        %swap3A_1544 = vector.shape_cast %mul3A_1539 : vector<16xf32> to vector<1x16xf32>
        tpu.vector_store %arg13[%swap3A_1540, %swap3A_1541], %swap3A_1544 {strides = array<i32>} : memref<128x128xf32, #tpu.memory_space<vmem>>, vector<1x16xf32>,
        %get3A_1545 = arith.index_cast %add3A_1474 : i32 to index
        %get3A_1546 = arith.constant 112 : index
        %get3A_1547 = tpu.vector_load %arg13[%get3A_1545, %get3A_1546] {strides = array<i32>} : memref<128x128xf32, #tpu.memory_space<vmem>>, vector<1x16xf32>,
        %get3A_1548 = vector.shape_cast %get3A_1547 : vector<1x16xf32> to vector<16xf32>
        %mul3A_1549 = arith.mulf %get3A_1548, %gather3A_1470 : vector<16xf32>
        %swap3A_1550 = arith.index_cast %add3A_1474 : i32 to index
        %swap3A_1551 = arith.constant 112 : index
        %swap3A_1552 = tpu.vector_load %arg13[%swap3A_1550, %swap3A_1551] {strides = array<i32>} : memref<128x128xf32, #tpu.memory_space<vmem>>, vector<1x16xf32>,
        %swap3A_1553 = vector.shape_cast %swap3A_1552 : vector<1x16xf32> to vector<16xf32>
        %swap3A_1554 = vector.shape_cast %mul3A_1549 : vector<16xf32> to vector<1x16xf32>
        tpu.vector_store %arg13[%swap3A_1550, %swap3A_1551], %swap3A_1554 {strides = array<i32>} : memref<128x128xf32, #tpu.memory_space<vmem>>, vector<1x16xf32>,
        %broadcast_in_dim3A_1555 = arith.constant 15 : i32
        %broadcast_in_dim3A_1556 = vector.broadcast %broadcast_in_dim3A_1555 : i32 to vector<16xi32>
        %lt3A_1557 = arith.constant 0 : i32
        %lt3A_1558 = vector.broadcast %lt3A_1557 : i32 to vector<16xi32>
        %lt3A_1559 = arith.cmpi slt, %broadcast_in_dim3A_1556, %lt3A_1558 : vector<16xi32>
        %add3A_1560 = arith.constant 16 : i32
        %add3A_1561 = vector.broadcast %add3A_1560 : i32 to vector<16xi32>
        %add3A_1562 = arith.addi %broadcast_in_dim3A_1556, %add3A_1561 : vector<16xi32>
        %select_n3A_1563 = arith.select %lt3A_1559, %add3A_1562, %broadcast_in_dim3A_1556 : vector<16xi1>, vector<16xi32>
        %reshape3A_1564 = vector.shape_cast %select_n3A_1563 : vector<16xi32> to vector<16x1xi32>
        %gather3A_1565 = vector.shape_cast %reshape3A_1564 : vector<16x1xi32> to vector<16xi32>
        %gather3A_1566 = tpu.dynamic_gather %get3A_119[%gather3A_1565] in [0] : vector<16xf32>, vector<16xi32> -> vector<16xf32>
        %mul3A_1567 = arith.constant 16 : i32
        %mul3A_1568 = arith.muli %mul3A_1567, %scan3A_115 : i32
        %add3A_1569 = arith.constant 15 : i32
        %add3A_1570 = arith.addi %mul3A_1568, %add3A_1569 : i32
        %get3A_1571 = arith.index_cast %add3A_1570 : i32 to index
        %get3A_1572 = arith.constant 0 : index
        %get3A_1573 = tpu.vector_load %arg13[%get3A_1571, %get3A_1572] {strides = array<i32>} : memref<128x128xf32, #tpu.memory_space<vmem>>, vector<1x16xf32>,
        %get3A_1574 = vector.shape_cast %get3A_1573 : vector<1x16xf32> to vector<16xf32>
        %mul3A_1575 = arith.mulf %get3A_1574, %gather3A_1566 : vector<16xf32>
        %swap3A_1576 = arith.index_cast %add3A_1570 : i32 to index
        %swap3A_1577 = arith.constant 0 : index
        %swap3A_1578 = tpu.vector_load %arg13[%swap3A_1576, %swap3A_1577] {strides = array<i32>} : memref<128x128xf32, #tpu.memory_space<vmem>>, vector<1x16xf32>,
        %swap3A_1579 = vector.shape_cast %swap3A_1578 : vector<1x16xf32> to vector<16xf32>
        %swap3A_1580 = vector.shape_cast %mul3A_1575 : vector<16xf32> to vector<1x16xf32>
        tpu.vector_store %arg13[%swap3A_1576, %swap3A_1577], %swap3A_1580 {strides = array<i32>} : memref<128x128xf32, #tpu.memory_space<vmem>>, vector<1x16xf32>,
        %get3A_1581 = arith.index_cast %add3A_1570 : i32 to index
        %get3A_1582 = arith.constant 16 : index
        %get3A_1583 = tpu.vector_load %arg13[%get3A_1581, %get3A_1582] {strides = array<i32>} : memref<128x128xf32, #tpu.memory_space<vmem>>, vector<1x16xf32>,
        %get3A_1584 = vector.shape_cast %get3A_1583 : vector<1x16xf32> to vector<16xf32>
        %mul3A_1585 = arith.mulf %get3A_1584, %gather3A_1566 : vector<16xf32>
        %swap3A_1586 = arith.index_cast %add3A_1570 : i32 to index
        %swap3A_1587 = arith.constant 16 : index
        %swap3A_1588 = tpu.vector_load %arg13[%swap3A_1586, %swap3A_1587] {strides = array<i32>} : memref<128x128xf32, #tpu.memory_space<vmem>>, vector<1x16xf32>,
        %swap3A_1589 = vector.shape_cast %swap3A_1588 : vector<1x16xf32> to vector<16xf32>
        %swap3A_1590 = vector.shape_cast %mul3A_1585 : vector<16xf32> to vector<1x16xf32>
        tpu.vector_store %arg13[%swap3A_1586, %swap3A_1587], %swap3A_1590 {strides = array<i32>} : memref<128x128xf32, #tpu.memory_space<vmem>>, vector<1x16xf32>,
        %get3A_1591 = arith.index_cast %add3A_1570 : i32 to index
        %get3A_1592 = arith.constant 32 : index
        %get3A_1593 = tpu.vector_load %arg13[%get3A_1591, %get3A_1592] {strides = array<i32>} : memref<128x128xf32, #tpu.memory_space<vmem>>, vector<1x16xf32>,
        %get3A_1594 = vector.shape_cast %get3A_1593 : vector<1x16xf32> to vector<16xf32>
        %mul3A_1595 = arith.mulf %get3A_1594, %gather3A_1566 : vector<16xf32>
        %swap3A_1596 = arith.index_cast %add3A_1570 : i32 to index
        %swap3A_1597 = arith.constant 32 : index
        %swap3A_1598 = tpu.vector_load %arg13[%swap3A_1596, %swap3A_1597] {strides = array<i32>} : memref<128x128xf32, #tpu.memory_space<vmem>>, vector<1x16xf32>,
        %swap3A_1599 = vector.shape_cast %swap3A_1598 : vector<1x16xf32> to vector<16xf32>
        %swap3A_1600 = vector.shape_cast %mul3A_1595 : vector<16xf32> to vector<1x16xf32>
        tpu.vector_store %arg13[%swap3A_1596, %swap3A_1597], %swap3A_1600 {strides = array<i32>} : memref<128x128xf32, #tpu.memory_space<vmem>>, vector<1x16xf32>,
        %get3A_1601 = arith.index_cast %add3A_1570 : i32 to index
        %get3A_1602 = arith.constant 48 : index
        %get3A_1603 = tpu.vector_load %arg13[%get3A_1601, %get3A_1602] {strides = array<i32>} : memref<128x128xf32, #tpu.memory_space<vmem>>, vector<1x16xf32>,
        %get3A_1604 = vector.shape_cast %get3A_1603 : vector<1x16xf32> to vector<16xf32>
        %mul3A_1605 = arith.mulf %get3A_1604, %gather3A_1566 : vector<16xf32>
        %swap3A_1606 = arith.index_cast %add3A_1570 : i32 to index
        %swap3A_1607 = arith.constant 48 : index
        %swap3A_1608 = tpu.vector_load %arg13[%swap3A_1606, %swap3A_1607] {strides = array<i32>} : memref<128x128xf32, #tpu.memory_space<vmem>>, vector<1x16xf32>,
        %swap3A_1609 = vector.shape_cast %swap3A_1608 : vector<1x16xf32> to vector<16xf32>
        %swap3A_1610 = vector.shape_cast %mul3A_1605 : vector<16xf32> to vector<1x16xf32>
        tpu.vector_store %arg13[%swap3A_1606, %swap3A_1607], %swap3A_1610 {strides = array<i32>} : memref<128x128xf32, #tpu.memory_space<vmem>>, vector<1x16xf32>,
        %get3A_1611 = arith.index_cast %add3A_1570 : i32 to index
        %get3A_1612 = arith.constant 64 : index
        %get3A_1613 = tpu.vector_load %arg13[%get3A_1611, %get3A_1612] {strides = array<i32>} : memref<128x128xf32, #tpu.memory_space<vmem>>, vector<1x16xf32>,
        %get3A_1614 = vector.shape_cast %get3A_1613 : vector<1x16xf32> to vector<16xf32>
        %mul3A_1615 = arith.mulf %get3A_1614, %gather3A_1566 : vector<16xf32>
        %swap3A_1616 = arith.index_cast %add3A_1570 : i32 to index
        %swap3A_1617 = arith.constant 64 : index
        %swap3A_1618 = tpu.vector_load %arg13[%swap3A_1616, %swap3A_1617] {strides = array<i32>} : memref<128x128xf32, #tpu.memory_space<vmem>>, vector<1x16xf32>,
        %swap3A_1619 = vector.shape_cast %swap3A_1618 : vector<1x16xf32> to vector<16xf32>
        %swap3A_1620 = vector.shape_cast %mul3A_1615 : vector<16xf32> to vector<1x16xf32>
        tpu.vector_store %arg13[%swap3A_1616, %swap3A_1617], %swap3A_1620 {strides = array<i32>} : memref<128x128xf32, #tpu.memory_space<vmem>>, vector<1x16xf32>,
        %get3A_1621 = arith.index_cast %add3A_1570 : i32 to index
        %get3A_1622 = arith.constant 80 : index
        %get3A_1623 = tpu.vector_load %arg13[%get3A_1621, %get3A_1622] {strides = array<i32>} : memref<128x128xf32, #tpu.memory_space<vmem>>, vector<1x16xf32>,
        %get3A_1624 = vector.shape_cast %get3A_1623 : vector<1x16xf32> to vector<16xf32>
        %mul3A_1625 = arith.mulf %get3A_1624, %gather3A_1566 : vector<16xf32>
        %swap3A_1626 = arith.index_cast %add3A_1570 : i32 to index
        %swap3A_1627 = arith.constant 80 : index
        %swap3A_1628 = tpu.vector_load %arg13[%swap3A_1626, %swap3A_1627] {strides = array<i32>} : memref<128x128xf32, #tpu.memory_space<vmem>>, vector<1x16xf32>,
        %swap3A_1629 = vector.shape_cast %swap3A_1628 : vector<1x16xf32> to vector<16xf32>
        %swap3A_1630 = vector.shape_cast %mul3A_1625 : vector<16xf32> to vector<1x16xf32>
        tpu.vector_store %arg13[%swap3A_1626, %swap3A_1627], %swap3A_1630 {strides = array<i32>} : memref<128x128xf32, #tpu.memory_space<vmem>>, vector<1x16xf32>,
        %get3A_1631 = arith.index_cast %add3A_1570 : i32 to index
        %get3A_1632 = arith.constant 96 : index
        %get3A_1633 = tpu.vector_load %arg13[%get3A_1631, %get3A_1632] {strides = array<i32>} : memref<128x128xf32, #tpu.memory_space<vmem>>, vector<1x16xf32>,
        %get3A_1634 = vector.shape_cast %get3A_1633 : vector<1x16xf32> to vector<16xf32>
        %mul3A_1635 = arith.mulf %get3A_1634, %gather3A_1566 : vector<16xf32>
        %swap3A_1636 = arith.index_cast %add3A_1570 : i32 to index
        %swap3A_1637 = arith.constant 96 : index
        %swap3A_1638 = tpu.vector_load %arg13[%swap3A_1636, %swap3A_1637] {strides = array<i32>} : memref<128x128xf32, #tpu.memory_space<vmem>>, vector<1x16xf32>,
        %swap3A_1639 = vector.shape_cast %swap3A_1638 : vector<1x16xf32> to vector<16xf32>
        %swap3A_1640 = vector.shape_cast %mul3A_1635 : vector<16xf32> to vector<1x16xf32>
        tpu.vector_store %arg13[%swap3A_1636, %swap3A_1637], %swap3A_1640 {strides = array<i32>} : memref<128x128xf32, #tpu.memory_space<vmem>>, vector<1x16xf32>,
        %get3A_1641 = arith.index_cast %add3A_1570 : i32 to index
        %get3A_1642 = arith.constant 112 : index
        %get3A_1643 = tpu.vector_load %arg13[%get3A_1641, %get3A_1642] {strides = array<i32>} : memref<128x128xf32, #tpu.memory_space<vmem>>, vector<1x16xf32>,
        %get3A_1644 = vector.shape_cast %get3A_1643 : vector<1x16xf32> to vector<16xf32>
        %mul3A_1645 = arith.mulf %get3A_1644, %gather3A_1566 : vector<16xf32>
        %swap3A_1646 = arith.index_cast %add3A_1570 : i32 to index
        %swap3A_1647 = arith.constant 112 : index
        %swap3A_1648 = tpu.vector_load %arg13[%swap3A_1646, %swap3A_1647] {strides = array<i32>} : memref<128x128xf32, #tpu.memory_space<vmem>>, vector<1x16xf32>,
        %swap3A_1649 = vector.shape_cast %swap3A_1648 : vector<1x16xf32> to vector<16xf32>
        %swap3A_1650 = vector.shape_cast %mul3A_1645 : vector<16xf32> to vector<1x16xf32>
        tpu.vector_store %arg13[%swap3A_1646, %swap3A_1647], %swap3A_1650 {strides = array<i32>} : memref<128x128xf32, #tpu.memory_space<vmem>>, vector<1x16xf32>,
      }
      %scan3A_94 = arith.constant 8 : i32
      "tpu.region"() ({
        %run_scoped3A = tpu.sem_alloc : memref<!tpu.dma_semaphore, #tpu.memory_space<semaphore_mem>>
        %dma_start3A_115 = arith.constant 0 : i32
        %dma_start3A_116 = arith.constant 0 : i32
        %dma_start3A_117 = tpu.memref_slice %arg15[%dma_start3A_115, %dma_start3A_116] : memref<10240x128xf32, #tpu.memory_space<vmem_shared>> -> memref<10240x128xf32, #tpu.memory_space<vmem_shared>>
        tpu.enqueue_indirect_dma source(%arg13 : memref<128x128xf32, #tpu.memory_space<vmem>>) target(%dma_start3A_117 : memref<10240x128xf32, #tpu.memory_space<vmem_shared>>) offsets(%arg7 : memref<128xi32, #tpu.memory_space<vmem>>) semaphore(%run_scoped3A : memref<!tpu.dma_semaphore, #tpu.memory_space<semaphore_mem>>) {add = true}
        %dma_wait3A_118 = arith.constant 0 : i32
        %dma_wait3A_119 = arith.constant 0 : i32
        %dma_wait3A_120 = tpu.memref_slice %arg15[%dma_wait3A_118, %dma_wait3A_119] : memref<10240x128xf32, #tpu.memory_space<vmem_shared>> -> memref<10240x128xf32, #tpu.memory_space<vmem_shared>>
        tpu.wait_indirect_dma semaphore(%run_scoped3A : memref<!tpu.dma_semaphore, #tpu.memory_space<semaphore_mem>>) src(%arg13 : memref<128x128xf32, #tpu.memory_space<vmem>>) dst(%dma_wait3A_120 : memref<10240x128xf32, #tpu.memory_space<vmem_shared>>)
        tpu.yield
      }) : () -> ()
      %add3A_95 = arith.constant 2 : i32
      %add3A_96 = arith.addi %mul3A_85, %add3A_95 : i32
      %lt3A = arith.constant 236 : i32
      %lt3A_97 = arith.cmpi slt, %add3A_96, %lt3A : i32
      %convert_element_type3A = arith.extui %lt3A_97 : i1 to i32
      %cond3A = arith.constant 0 : i32
      %cond3A_98 = arith.cmpi ne, %convert_element_type3A, %cond3A : i32
      scf.if %cond3A_98 {
        %add3A_115 = arith.constant 2 : i32
        %add3A_116 = arith.addi %mul3A_85, %add3A_115 : i32
        %mul3A_117 = arith.constant 128 : i32
        %mul3A_118 = arith.muli %add3A_116, %mul3A_117 : i32
        %add3A_119 = arith.addi %mul3A_27, %mul3A_118 : i32
        %dma_start3A_120 = tpu.memref_slice %arg3[%add3A_119] : memref<966656xi32, #tpu.memory_space<hbm>> -> memref<128xi32, #tpu.memory_space<hbm>>
        %dma_start3A_121 = tpu.memref_slice %arg3[%add3A_119] : memref<966656xi32, #tpu.memory_space<hbm>> -> memref<128xi32, #tpu.memory_space<hbm>>
        tpu.enqueue_dma source(%dma_start3A_121 : memref<128xi32, #tpu.memory_space<hbm>>) target(%arg7 : memref<128xi32, #tpu.memory_space<vmem>>) target_semaphore(%arg18 : memref<!tpu.dma_semaphore, #tpu.memory_space<semaphore_mem>>)
        %dma_start3A_122 = tpu.memref_slice %arg4[%add3A_119] : memref<966656xi32, #tpu.memory_space<hbm>> -> memref<128xi32, #tpu.memory_space<hbm>>
        %dma_start3A_123 = tpu.memref_slice %arg4[%add3A_119] : memref<966656xi32, #tpu.memory_space<hbm>> -> memref<128xi32, #tpu.memory_space<hbm>>
        tpu.enqueue_dma source(%dma_start3A_123 : memref<128xi32, #tpu.memory_space<hbm>>) target(%arg8 : memref<128xi32, #tpu.memory_space<vmem>>) target_semaphore(%arg18 : memref<!tpu.dma_semaphore, #tpu.memory_space<semaphore_mem>>)
        %dma_start3A_124 = tpu.memref_slice %arg5[%add3A_119] : memref<966656xf32, #tpu.memory_space<hbm>> -> memref<128xf32, #tpu.memory_space<hbm>>
        %dma_start3A_125 = tpu.memref_slice %arg5[%add3A_119] : memref<966656xf32, #tpu.memory_space<hbm>> -> memref<128xf32, #tpu.memory_space<hbm>>
        tpu.enqueue_dma source(%dma_start3A_125 : memref<128xf32, #tpu.memory_space<hbm>>) target(%arg9 : memref<128xf32, #tpu.memory_space<vmem>>) target_semaphore(%arg18 : memref<!tpu.dma_semaphore, #tpu.memory_space<semaphore_mem>>)
        %dma_wait3A_126 = arith.constant 0 : i32
        %dma_wait3A_127 = tpu.memref_slice %arg3[%dma_wait3A_126] : memref<966656xi32, #tpu.memory_space<hbm>> -> memref<128xi32, #tpu.memory_space<hbm>>
        %dma_wait3A_128 = arith.constant 0 : i32
        %dma_wait3A_129 = tpu.memref_slice %arg3[%dma_wait3A_128] : memref<966656xi32, #tpu.memory_space<hbm>> -> memref<128xi32, #tpu.memory_space<hbm>>
        tpu.wait_dma2 semaphore(%arg18 : memref<!tpu.dma_semaphore, #tpu.memory_space<semaphore_mem>>) src(%dma_wait3A_129 : memref<128xi32, #tpu.memory_space<hbm>>) dst(%arg7 : memref<128xi32, #tpu.memory_space<vmem>>)
        %dma_wait3A_130 = arith.constant 0 : i32
        %dma_wait3A_131 = tpu.memref_slice %arg4[%dma_wait3A_130] : memref<966656xi32, #tpu.memory_space<hbm>> -> memref<128xi32, #tpu.memory_space<hbm>>
        %dma_wait3A_132 = arith.constant 0 : i32
        %dma_wait3A_133 = tpu.memref_slice %arg4[%dma_wait3A_132] : memref<966656xi32, #tpu.memory_space<hbm>> -> memref<128xi32, #tpu.memory_space<hbm>>
        tpu.wait_dma2 semaphore(%arg18 : memref<!tpu.dma_semaphore, #tpu.memory_space<semaphore_mem>>) src(%dma_wait3A_133 : memref<128xi32, #tpu.memory_space<hbm>>) dst(%arg8 : memref<128xi32, #tpu.memory_space<vmem>>)
        %dma_wait3A_134 = arith.constant 0 : i32
        %dma_wait3A_135 = tpu.memref_slice %arg5[%dma_wait3A_134] : memref<966656xf32, #tpu.memory_space<hbm>> -> memref<128xf32, #tpu.memory_space<hbm>>
        %dma_wait3A_136 = arith.constant 0 : i32
        %dma_wait3A_137 = tpu.memref_slice %arg5[%dma_wait3A_136] : memref<966656xf32, #tpu.memory_space<hbm>> -> memref<128xf32, #tpu.memory_space<hbm>>
        tpu.wait_dma2 semaphore(%arg18 : memref<!tpu.dma_semaphore, #tpu.memory_space<semaphore_mem>>) src(%dma_wait3A_137 : memref<128xf32, #tpu.memory_space<hbm>>) dst(%arg9 : memref<128xf32, #tpu.memory_space<vmem>>)
        %dma_start3A_138 = arith.constant 0 : i32
        %dma_start3A_139 = arith.constant 0 : i32
        %dma_start3A_140 = tpu.memref_slice %arg2[%dma_start3A_138, %dma_start3A_139] : memref<20000x128xf32, #tpu.memory_space<hbm>> -> memref<20000x128xf32, #tpu.memory_space<hbm>>
        tpu.enqueue_indirect_dma source(%dma_start3A_140 : memref<20000x128xf32, #tpu.memory_space<hbm>>) target(%arg13 : memref<128x128xf32, #tpu.memory_space<vmem>>) offsets(%arg8 : memref<128xi32, #tpu.memory_space<vmem>>) semaphore(%arg16 : memref<!tpu.dma_semaphore, #tpu.memory_space<semaphore_mem>>)
      } else {
      }
      %dma_wait3A_99 = arith.constant 0 : i32
      %dma_wait3A_100 = arith.constant 0 : i32
      %dma_wait3A_101 = tpu.memref_slice %arg2[%dma_wait3A_99, %dma_wait3A_100] : memref<20000x128xf32, #tpu.memory_space<hbm>> -> memref<20000x128xf32, #tpu.memory_space<hbm>>
      tpu.wait_indirect_dma semaphore(%arg17 : memref<!tpu.dma_semaphore, #tpu.memory_space<semaphore_mem>>) src(%dma_wait3A_101 : memref<20000x128xf32, #tpu.memory_space<hbm>>) dst(%arg14 : memref<128x128xf32, #tpu.memory_space<vmem>>)
      %scan3A_102 = arith.constant 0 : i32
      %scan3A_103 = arith.constant 0 : i32
      %scan3A_104 = arith.constant 8 : i32
      %scan3A_105 = arith.addi %scan3A_103, %scan3A_104 : i32
      %scan3A_106 = arith.constant 1 : i32
      scf.for %scan3A_115 = %scan3A_103 to %scan3A_105 step %scan3A_106  : i32 {
        %mul3A_116 = arith.constant 16 : i32
        %mul3A_117 = arith.muli %mul3A_116, %scan3A_115 : i32
        %get3A = arith.index_cast %mul3A_117 : i32 to index
        %get3A_118 = tpu.vector_load %arg12[%get3A] {strides = array<i32>} : memref<128xf32, #tpu.memory_space<vmem>>, vector<16xf32>,
        %get3A_119 = vector.shape_cast %get3A_118 : vector<16xf32> to vector<16xf32>
        %broadcast_in_dim3A = arith.constant 0 : i32
        %broadcast_in_dim3A_120 = vector.broadcast %broadcast_in_dim3A : i32 to vector<16xi32>
        %lt3A_121 = arith.constant 0 : i32
        %lt3A_122 = vector.broadcast %lt3A_121 : i32 to vector<16xi32>
        %lt3A_123 = arith.cmpi slt, %broadcast_in_dim3A_120, %lt3A_122 : vector<16xi32>
        %add3A_124 = arith.constant 16 : i32
        %add3A_125 = vector.broadcast %add3A_124 : i32 to vector<16xi32>
        %add3A_126 = arith.addi %broadcast_in_dim3A_120, %add3A_125 : vector<16xi32>
        %select_n3A = arith.select %lt3A_123, %add3A_126, %broadcast_in_dim3A_120 : vector<16xi1>, vector<16xi32>
        %reshape3A = vector.shape_cast %select_n3A : vector<16xi32> to vector<16x1xi32>
        %gather3A = vector.shape_cast %reshape3A : vector<16x1xi32> to vector<16xi32>
        %gather3A_127 = tpu.dynamic_gather %get3A_119[%gather3A] in [0] : vector<16xf32>, vector<16xi32> -> vector<16xf32>
        %mul3A_128 = arith.constant 16 : i32
        %mul3A_129 = arith.muli %mul3A_128, %scan3A_115 : i32
        %add3A_130 = arith.constant 0 : i32
        %add3A_131 = arith.addi %mul3A_129, %add3A_130 : i32
        %get3A_132 = arith.index_cast %add3A_131 : i32 to index
        %get3A_133 = arith.constant 0 : index
        %get3A_134 = tpu.vector_load %arg14[%get3A_132, %get3A_133] {strides = array<i32>} : memref<128x128xf32, #tpu.memory_space<vmem>>, vector<1x16xf32>,
        %get3A_135 = vector.shape_cast %get3A_134 : vector<1x16xf32> to vector<16xf32>
        %mul3A_136 = arith.mulf %get3A_135, %gather3A_127 : vector<16xf32>
        %swap3A = arith.index_cast %add3A_131 : i32 to index
        %swap3A_137 = arith.constant 0 : index
        %swap3A_138 = tpu.vector_load %arg14[%swap3A, %swap3A_137] {strides = array<i32>} : memref<128x128xf32, #tpu.memory_space<vmem>>, vector<1x16xf32>,
        %swap3A_139 = vector.shape_cast %swap3A_138 : vector<1x16xf32> to vector<16xf32>
        %swap3A_140 = vector.shape_cast %mul3A_136 : vector<16xf32> to vector<1x16xf32>
        tpu.vector_store %arg14[%swap3A, %swap3A_137], %swap3A_140 {strides = array<i32>} : memref<128x128xf32, #tpu.memory_space<vmem>>, vector<1x16xf32>,
        %get3A_141 = arith.index_cast %add3A_131 : i32 to index
        %get3A_142 = arith.constant 16 : index
        %get3A_143 = tpu.vector_load %arg14[%get3A_141, %get3A_142] {strides = array<i32>} : memref<128x128xf32, #tpu.memory_space<vmem>>, vector<1x16xf32>,
        %get3A_144 = vector.shape_cast %get3A_143 : vector<1x16xf32> to vector<16xf32>
        %mul3A_145 = arith.mulf %get3A_144, %gather3A_127 : vector<16xf32>
        %swap3A_146 = arith.index_cast %add3A_131 : i32 to index
        %swap3A_147 = arith.constant 16 : index
        %swap3A_148 = tpu.vector_load %arg14[%swap3A_146, %swap3A_147] {strides = array<i32>} : memref<128x128xf32, #tpu.memory_space<vmem>>, vector<1x16xf32>,
        %swap3A_149 = vector.shape_cast %swap3A_148 : vector<1x16xf32> to vector<16xf32>
        %swap3A_150 = vector.shape_cast %mul3A_145 : vector<16xf32> to vector<1x16xf32>
        tpu.vector_store %arg14[%swap3A_146, %swap3A_147], %swap3A_150 {strides = array<i32>} : memref<128x128xf32, #tpu.memory_space<vmem>>, vector<1x16xf32>,
        %get3A_151 = arith.index_cast %add3A_131 : i32 to index
        %get3A_152 = arith.constant 32 : index
        %get3A_153 = tpu.vector_load %arg14[%get3A_151, %get3A_152] {strides = array<i32>} : memref<128x128xf32, #tpu.memory_space<vmem>>, vector<1x16xf32>,
        %get3A_154 = vector.shape_cast %get3A_153 : vector<1x16xf32> to vector<16xf32>
        %mul3A_155 = arith.mulf %get3A_154, %gather3A_127 : vector<16xf32>
        %swap3A_156 = arith.index_cast %add3A_131 : i32 to index
        %swap3A_157 = arith.constant 32 : index
        %swap3A_158 = tpu.vector_load %arg14[%swap3A_156, %swap3A_157] {strides = array<i32>} : memref<128x128xf32, #tpu.memory_space<vmem>>, vector<1x16xf32>,
        %swap3A_159 = vector.shape_cast %swap3A_158 : vector<1x16xf32> to vector<16xf32>
        %swap3A_160 = vector.shape_cast %mul3A_155 : vector<16xf32> to vector<1x16xf32>
        tpu.vector_store %arg14[%swap3A_156, %swap3A_157], %swap3A_160 {strides = array<i32>} : memref<128x128xf32, #tpu.memory_space<vmem>>, vector<1x16xf32>,
        %get3A_161 = arith.index_cast %add3A_131 : i32 to index
        %get3A_162 = arith.constant 48 : index
        %get3A_163 = tpu.vector_load %arg14[%get3A_161, %get3A_162] {strides = array<i32>} : memref<128x128xf32, #tpu.memory_space<vmem>>, vector<1x16xf32>,
        %get3A_164 = vector.shape_cast %get3A_163 : vector<1x16xf32> to vector<16xf32>
        %mul3A_165 = arith.mulf %get3A_164, %gather3A_127 : vector<16xf32>
        %swap3A_166 = arith.index_cast %add3A_131 : i32 to index
        %swap3A_167 = arith.constant 48 : index
        %swap3A_168 = tpu.vector_load %arg14[%swap3A_166, %swap3A_167] {strides = array<i32>} : memref<128x128xf32, #tpu.memory_space<vmem>>, vector<1x16xf32>,
        %swap3A_169 = vector.shape_cast %swap3A_168 : vector<1x16xf32> to vector<16xf32>
        %swap3A_170 = vector.shape_cast %mul3A_165 : vector<16xf32> to vector<1x16xf32>
        tpu.vector_store %arg14[%swap3A_166, %swap3A_167], %swap3A_170 {strides = array<i32>} : memref<128x128xf32, #tpu.memory_space<vmem>>, vector<1x16xf32>,
        %get3A_171 = arith.index_cast %add3A_131 : i32 to index
        %get3A_172 = arith.constant 64 : index
        %get3A_173 = tpu.vector_load %arg14[%get3A_171, %get3A_172] {strides = array<i32>} : memref<128x128xf32, #tpu.memory_space<vmem>>, vector<1x16xf32>,
        %get3A_174 = vector.shape_cast %get3A_173 : vector<1x16xf32> to vector<16xf32>
        %mul3A_175 = arith.mulf %get3A_174, %gather3A_127 : vector<16xf32>
        %swap3A_176 = arith.index_cast %add3A_131 : i32 to index
        %swap3A_177 = arith.constant 64 : index
        %swap3A_178 = tpu.vector_load %arg14[%swap3A_176, %swap3A_177] {strides = array<i32>} : memref<128x128xf32, #tpu.memory_space<vmem>>, vector<1x16xf32>,
        %swap3A_179 = vector.shape_cast %swap3A_178 : vector<1x16xf32> to vector<16xf32>
        %swap3A_180 = vector.shape_cast %mul3A_175 : vector<16xf32> to vector<1x16xf32>
        tpu.vector_store %arg14[%swap3A_176, %swap3A_177], %swap3A_180 {strides = array<i32>} : memref<128x128xf32, #tpu.memory_space<vmem>>, vector<1x16xf32>,
        %get3A_181 = arith.index_cast %add3A_131 : i32 to index
        %get3A_182 = arith.constant 80 : index
        %get3A_183 = tpu.vector_load %arg14[%get3A_181, %get3A_182] {strides = array<i32>} : memref<128x128xf32, #tpu.memory_space<vmem>>, vector<1x16xf32>,
        %get3A_184 = vector.shape_cast %get3A_183 : vector<1x16xf32> to vector<16xf32>
        %mul3A_185 = arith.mulf %get3A_184, %gather3A_127 : vector<16xf32>
        %swap3A_186 = arith.index_cast %add3A_131 : i32 to index
        %swap3A_187 = arith.constant 80 : index
        %swap3A_188 = tpu.vector_load %arg14[%swap3A_186, %swap3A_187] {strides = array<i32>} : memref<128x128xf32, #tpu.memory_space<vmem>>, vector<1x16xf32>,
        %swap3A_189 = vector.shape_cast %swap3A_188 : vector<1x16xf32> to vector<16xf32>
        %swap3A_190 = vector.shape_cast %mul3A_185 : vector<16xf32> to vector<1x16xf32>
        tpu.vector_store %arg14[%swap3A_186, %swap3A_187], %swap3A_190 {strides = array<i32>} : memref<128x128xf32, #tpu.memory_space<vmem>>, vector<1x16xf32>,
        %get3A_191 = arith.index_cast %add3A_131 : i32 to index
        %get3A_192 = arith.constant 96 : index
        %get3A_193 = tpu.vector_load %arg14[%get3A_191, %get3A_192] {strides = array<i32>} : memref<128x128xf32, #tpu.memory_space<vmem>>, vector<1x16xf32>,
        %get3A_194 = vector.shape_cast %get3A_193 : vector<1x16xf32> to vector<16xf32>
        %mul3A_195 = arith.mulf %get3A_194, %gather3A_127 : vector<16xf32>
        %swap3A_196 = arith.index_cast %add3A_131 : i32 to index
        %swap3A_197 = arith.constant 96 : index
        %swap3A_198 = tpu.vector_load %arg14[%swap3A_196, %swap3A_197] {strides = array<i32>} : memref<128x128xf32, #tpu.memory_space<vmem>>, vector<1x16xf32>,
        %swap3A_199 = vector.shape_cast %swap3A_198 : vector<1x16xf32> to vector<16xf32>
        %swap3A_200 = vector.shape_cast %mul3A_195 : vector<16xf32> to vector<1x16xf32>
        tpu.vector_store %arg14[%swap3A_196, %swap3A_197], %swap3A_200 {strides = array<i32>} : memref<128x128xf32, #tpu.memory_space<vmem>>, vector<1x16xf32>,
        %get3A_201 = arith.index_cast %add3A_131 : i32 to index
        %get3A_202 = arith.constant 112 : index
        %get3A_203 = tpu.vector_load %arg14[%get3A_201, %get3A_202] {strides = array<i32>} : memref<128x128xf32, #tpu.memory_space<vmem>>, vector<1x16xf32>,
        %get3A_204 = vector.shape_cast %get3A_203 : vector<1x16xf32> to vector<16xf32>
        %mul3A_205 = arith.mulf %get3A_204, %gather3A_127 : vector<16xf32>
        %swap3A_206 = arith.index_cast %add3A_131 : i32 to index
        %swap3A_207 = arith.constant 112 : index
        %swap3A_208 = tpu.vector_load %arg14[%swap3A_206, %swap3A_207] {strides = array<i32>} : memref<128x128xf32, #tpu.memory_space<vmem>>, vector<1x16xf32>,
        %swap3A_209 = vector.shape_cast %swap3A_208 : vector<1x16xf32> to vector<16xf32>
        %swap3A_210 = vector.shape_cast %mul3A_205 : vector<16xf32> to vector<1x16xf32>
        tpu.vector_store %arg14[%swap3A_206, %swap3A_207], %swap3A_210 {strides = array<i32>} : memref<128x128xf32, #tpu.memory_space<vmem>>, vector<1x16xf32>,
        %broadcast_in_dim3A_211 = arith.constant 1 : i32
        %broadcast_in_dim3A_212 = vector.broadcast %broadcast_in_dim3A_211 : i32 to vector<16xi32>
        %lt3A_213 = arith.constant 0 : i32
        %lt3A_214 = vector.broadcast %lt3A_213 : i32 to vector<16xi32>
        %lt3A_215 = arith.cmpi slt, %broadcast_in_dim3A_212, %lt3A_214 : vector<16xi32>
        %add3A_216 = arith.constant 16 : i32
        %add3A_217 = vector.broadcast %add3A_216 : i32 to vector<16xi32>
        %add3A_218 = arith.addi %broadcast_in_dim3A_212, %add3A_217 : vector<16xi32>
        %select_n3A_219 = arith.select %lt3A_215, %add3A_218, %broadcast_in_dim3A_212 : vector<16xi1>, vector<16xi32>
        %reshape3A_220 = vector.shape_cast %select_n3A_219 : vector<16xi32> to vector<16x1xi32>
        %gather3A_221 = vector.shape_cast %reshape3A_220 : vector<16x1xi32> to vector<16xi32>
        %gather3A_222 = tpu.dynamic_gather %get3A_119[%gather3A_221] in [0] : vector<16xf32>, vector<16xi32> -> vector<16xf32>
        %mul3A_223 = arith.constant 16 : i32
        %mul3A_224 = arith.muli %mul3A_223, %scan3A_115 : i32
        %add3A_225 = arith.constant 1 : i32
        %add3A_226 = arith.addi %mul3A_224, %add3A_225 : i32
        %get3A_227 = arith.index_cast %add3A_226 : i32 to index
        %get3A_228 = arith.constant 0 : index
        %get3A_229 = tpu.vector_load %arg14[%get3A_227, %get3A_228] {strides = array<i32>} : memref<128x128xf32, #tpu.memory_space<vmem>>, vector<1x16xf32>,
        %get3A_230 = vector.shape_cast %get3A_229 : vector<1x16xf32> to vector<16xf32>
        %mul3A_231 = arith.mulf %get3A_230, %gather3A_222 : vector<16xf32>
        %swap3A_232 = arith.index_cast %add3A_226 : i32 to index
        %swap3A_233 = arith.constant 0 : index
        %swap3A_234 = tpu.vector_load %arg14[%swap3A_232, %swap3A_233] {strides = array<i32>} : memref<128x128xf32, #tpu.memory_space<vmem>>, vector<1x16xf32>,
        %swap3A_235 = vector.shape_cast %swap3A_234 : vector<1x16xf32> to vector<16xf32>
        %swap3A_236 = vector.shape_cast %mul3A_231 : vector<16xf32> to vector<1x16xf32>
        tpu.vector_store %arg14[%swap3A_232, %swap3A_233], %swap3A_236 {strides = array<i32>} : memref<128x128xf32, #tpu.memory_space<vmem>>, vector<1x16xf32>,
        %get3A_237 = arith.index_cast %add3A_226 : i32 to index
        %get3A_238 = arith.constant 16 : index
        %get3A_239 = tpu.vector_load %arg14[%get3A_237, %get3A_238] {strides = array<i32>} : memref<128x128xf32, #tpu.memory_space<vmem>>, vector<1x16xf32>,
        %get3A_240 = vector.shape_cast %get3A_239 : vector<1x16xf32> to vector<16xf32>
        %mul3A_241 = arith.mulf %get3A_240, %gather3A_222 : vector<16xf32>
        %swap3A_242 = arith.index_cast %add3A_226 : i32 to index
        %swap3A_243 = arith.constant 16 : index
        %swap3A_244 = tpu.vector_load %arg14[%swap3A_242, %swap3A_243] {strides = array<i32>} : memref<128x128xf32, #tpu.memory_space<vmem>>, vector<1x16xf32>,
        %swap3A_245 = vector.shape_cast %swap3A_244 : vector<1x16xf32> to vector<16xf32>
        %swap3A_246 = vector.shape_cast %mul3A_241 : vector<16xf32> to vector<1x16xf32>
        tpu.vector_store %arg14[%swap3A_242, %swap3A_243], %swap3A_246 {strides = array<i32>} : memref<128x128xf32, #tpu.memory_space<vmem>>, vector<1x16xf32>,
        %get3A_247 = arith.index_cast %add3A_226 : i32 to index
        %get3A_248 = arith.constant 32 : index
        %get3A_249 = tpu.vector_load %arg14[%get3A_247, %get3A_248] {strides = array<i32>} : memref<128x128xf32, #tpu.memory_space<vmem>>, vector<1x16xf32>,
        %get3A_250 = vector.shape_cast %get3A_249 : vector<1x16xf32> to vector<16xf32>
        %mul3A_251 = arith.mulf %get3A_250, %gather3A_222 : vector<16xf32>
        %swap3A_252 = arith.index_cast %add3A_226 : i32 to index
        %swap3A_253 = arith.constant 32 : index
        %swap3A_254 = tpu.vector_load %arg14[%swap3A_252, %swap3A_253] {strides = array<i32>} : memref<128x128xf32, #tpu.memory_space<vmem>>, vector<1x16xf32>,
        %swap3A_255 = vector.shape_cast %swap3A_254 : vector<1x16xf32> to vector<16xf32>
        %swap3A_256 = vector.shape_cast %mul3A_251 : vector<16xf32> to vector<1x16xf32>
        tpu.vector_store %arg14[%swap3A_252, %swap3A_253], %swap3A_256 {strides = array<i32>} : memref<128x128xf32, #tpu.memory_space<vmem>>, vector<1x16xf32>,
        %get3A_257 = arith.index_cast %add3A_226 : i32 to index
        %get3A_258 = arith.constant 48 : index
        %get3A_259 = tpu.vector_load %arg14[%get3A_257, %get3A_258] {strides = array<i32>} : memref<128x128xf32, #tpu.memory_space<vmem>>, vector<1x16xf32>,
        %get3A_260 = vector.shape_cast %get3A_259 : vector<1x16xf32> to vector<16xf32>
        %mul3A_261 = arith.mulf %get3A_260, %gather3A_222 : vector<16xf32>
        %swap3A_262 = arith.index_cast %add3A_226 : i32 to index
        %swap3A_263 = arith.constant 48 : index
        %swap3A_264 = tpu.vector_load %arg14[%swap3A_262, %swap3A_263] {strides = array<i32>} : memref<128x128xf32, #tpu.memory_space<vmem>>, vector<1x16xf32>,
        %swap3A_265 = vector.shape_cast %swap3A_264 : vector<1x16xf32> to vector<16xf32>
        %swap3A_266 = vector.shape_cast %mul3A_261 : vector<16xf32> to vector<1x16xf32>
        tpu.vector_store %arg14[%swap3A_262, %swap3A_263], %swap3A_266 {strides = array<i32>} : memref<128x128xf32, #tpu.memory_space<vmem>>, vector<1x16xf32>,
        %get3A_267 = arith.index_cast %add3A_226 : i32 to index
        %get3A_268 = arith.constant 64 : index
        %get3A_269 = tpu.vector_load %arg14[%get3A_267, %get3A_268] {strides = array<i32>} : memref<128x128xf32, #tpu.memory_space<vmem>>, vector<1x16xf32>,
        %get3A_270 = vector.shape_cast %get3A_269 : vector<1x16xf32> to vector<16xf32>
        %mul3A_271 = arith.mulf %get3A_270, %gather3A_222 : vector<16xf32>
        %swap3A_272 = arith.index_cast %add3A_226 : i32 to index
        %swap3A_273 = arith.constant 64 : index
        %swap3A_274 = tpu.vector_load %arg14[%swap3A_272, %swap3A_273] {strides = array<i32>} : memref<128x128xf32, #tpu.memory_space<vmem>>, vector<1x16xf32>,
        %swap3A_275 = vector.shape_cast %swap3A_274 : vector<1x16xf32> to vector<16xf32>
        %swap3A_276 = vector.shape_cast %mul3A_271 : vector<16xf32> to vector<1x16xf32>
        tpu.vector_store %arg14[%swap3A_272, %swap3A_273], %swap3A_276 {strides = array<i32>} : memref<128x128xf32, #tpu.memory_space<vmem>>, vector<1x16xf32>,
        %get3A_277 = arith.index_cast %add3A_226 : i32 to index
        %get3A_278 = arith.constant 80 : index
        %get3A_279 = tpu.vector_load %arg14[%get3A_277, %get3A_278] {strides = array<i32>} : memref<128x128xf32, #tpu.memory_space<vmem>>, vector<1x16xf32>,
        %get3A_280 = vector.shape_cast %get3A_279 : vector<1x16xf32> to vector<16xf32>
        %mul3A_281 = arith.mulf %get3A_280, %gather3A_222 : vector<16xf32>
        %swap3A_282 = arith.index_cast %add3A_226 : i32 to index
        %swap3A_283 = arith.constant 80 : index
        %swap3A_284 = tpu.vector_load %arg14[%swap3A_282, %swap3A_283] {strides = array<i32>} : memref<128x128xf32, #tpu.memory_space<vmem>>, vector<1x16xf32>,
        %swap3A_285 = vector.shape_cast %swap3A_284 : vector<1x16xf32> to vector<16xf32>
        %swap3A_286 = vector.shape_cast %mul3A_281 : vector<16xf32> to vector<1x16xf32>
        tpu.vector_store %arg14[%swap3A_282, %swap3A_283], %swap3A_286 {strides = array<i32>} : memref<128x128xf32, #tpu.memory_space<vmem>>, vector<1x16xf32>,
        %get3A_287 = arith.index_cast %add3A_226 : i32 to index
        %get3A_288 = arith.constant 96 : index
        %get3A_289 = tpu.vector_load %arg14[%get3A_287, %get3A_288] {strides = array<i32>} : memref<128x128xf32, #tpu.memory_space<vmem>>, vector<1x16xf32>,
        %get3A_290 = vector.shape_cast %get3A_289 : vector<1x16xf32> to vector<16xf32>
        %mul3A_291 = arith.mulf %get3A_290, %gather3A_222 : vector<16xf32>
        %swap3A_292 = arith.index_cast %add3A_226 : i32 to index
        %swap3A_293 = arith.constant 96 : index
        %swap3A_294 = tpu.vector_load %arg14[%swap3A_292, %swap3A_293] {strides = array<i32>} : memref<128x128xf32, #tpu.memory_space<vmem>>, vector<1x16xf32>,
        %swap3A_295 = vector.shape_cast %swap3A_294 : vector<1x16xf32> to vector<16xf32>
        %swap3A_296 = vector.shape_cast %mul3A_291 : vector<16xf32> to vector<1x16xf32>
        tpu.vector_store %arg14[%swap3A_292, %swap3A_293], %swap3A_296 {strides = array<i32>} : memref<128x128xf32, #tpu.memory_space<vmem>>, vector<1x16xf32>,
        %get3A_297 = arith.index_cast %add3A_226 : i32 to index
        %get3A_298 = arith.constant 112 : index
        %get3A_299 = tpu.vector_load %arg14[%get3A_297, %get3A_298] {strides = array<i32>} : memref<128x128xf32, #tpu.memory_space<vmem>>, vector<1x16xf32>,
        %get3A_300 = vector.shape_cast %get3A_299 : vector<1x16xf32> to vector<16xf32>
        %mul3A_301 = arith.mulf %get3A_300, %gather3A_222 : vector<16xf32>
        %swap3A_302 = arith.index_cast %add3A_226 : i32 to index
        %swap3A_303 = arith.constant 112 : index
        %swap3A_304 = tpu.vector_load %arg14[%swap3A_302, %swap3A_303] {strides = array<i32>} : memref<128x128xf32, #tpu.memory_space<vmem>>, vector<1x16xf32>,
        %swap3A_305 = vector.shape_cast %swap3A_304 : vector<1x16xf32> to vector<16xf32>
        %swap3A_306 = vector.shape_cast %mul3A_301 : vector<16xf32> to vector<1x16xf32>
        tpu.vector_store %arg14[%swap3A_302, %swap3A_303], %swap3A_306 {strides = array<i32>} : memref<128x128xf32, #tpu.memory_space<vmem>>, vector<1x16xf32>,
        %broadcast_in_dim3A_307 = arith.constant 2 : i32
        %broadcast_in_dim3A_308 = vector.broadcast %broadcast_in_dim3A_307 : i32 to vector<16xi32>
        %lt3A_309 = arith.constant 0 : i32
        %lt3A_310 = vector.broadcast %lt3A_309 : i32 to vector<16xi32>
        %lt3A_311 = arith.cmpi slt, %broadcast_in_dim3A_308, %lt3A_310 : vector<16xi32>
        %add3A_312 = arith.constant 16 : i32
        %add3A_313 = vector.broadcast %add3A_312 : i32 to vector<16xi32>
        %add3A_314 = arith.addi %broadcast_in_dim3A_308, %add3A_313 : vector<16xi32>
        %select_n3A_315 = arith.select %lt3A_311, %add3A_314, %broadcast_in_dim3A_308 : vector<16xi1>, vector<16xi32>
        %reshape3A_316 = vector.shape_cast %select_n3A_315 : vector<16xi32> to vector<16x1xi32>
        %gather3A_317 = vector.shape_cast %reshape3A_316 : vector<16x1xi32> to vector<16xi32>
        %gather3A_318 = tpu.dynamic_gather %get3A_119[%gather3A_317] in [0] : vector<16xf32>, vector<16xi32> -> vector<16xf32>
        %mul3A_319 = arith.constant 16 : i32
        %mul3A_320 = arith.muli %mul3A_319, %scan3A_115 : i32
        %add3A_321 = arith.constant 2 : i32
        %add3A_322 = arith.addi %mul3A_320, %add3A_321 : i32
        %get3A_323 = arith.index_cast %add3A_322 : i32 to index
        %get3A_324 = arith.constant 0 : index
        %get3A_325 = tpu.vector_load %arg14[%get3A_323, %get3A_324] {strides = array<i32>} : memref<128x128xf32, #tpu.memory_space<vmem>>, vector<1x16xf32>,
        %get3A_326 = vector.shape_cast %get3A_325 : vector<1x16xf32> to vector<16xf32>
        %mul3A_327 = arith.mulf %get3A_326, %gather3A_318 : vector<16xf32>
        %swap3A_328 = arith.index_cast %add3A_322 : i32 to index
        %swap3A_329 = arith.constant 0 : index
        %swap3A_330 = tpu.vector_load %arg14[%swap3A_328, %swap3A_329] {strides = array<i32>} : memref<128x128xf32, #tpu.memory_space<vmem>>, vector<1x16xf32>,
        %swap3A_331 = vector.shape_cast %swap3A_330 : vector<1x16xf32> to vector<16xf32>
        %swap3A_332 = vector.shape_cast %mul3A_327 : vector<16xf32> to vector<1x16xf32>
        tpu.vector_store %arg14[%swap3A_328, %swap3A_329], %swap3A_332 {strides = array<i32>} : memref<128x128xf32, #tpu.memory_space<vmem>>, vector<1x16xf32>,
        %get3A_333 = arith.index_cast %add3A_322 : i32 to index
        %get3A_334 = arith.constant 16 : index
        %get3A_335 = tpu.vector_load %arg14[%get3A_333, %get3A_334] {strides = array<i32>} : memref<128x128xf32, #tpu.memory_space<vmem>>, vector<1x16xf32>,
        %get3A_336 = vector.shape_cast %get3A_335 : vector<1x16xf32> to vector<16xf32>
        %mul3A_337 = arith.mulf %get3A_336, %gather3A_318 : vector<16xf32>
        %swap3A_338 = arith.index_cast %add3A_322 : i32 to index
        %swap3A_339 = arith.constant 16 : index
        %swap3A_340 = tpu.vector_load %arg14[%swap3A_338, %swap3A_339] {strides = array<i32>} : memref<128x128xf32, #tpu.memory_space<vmem>>, vector<1x16xf32>,
        %swap3A_341 = vector.shape_cast %swap3A_340 : vector<1x16xf32> to vector<16xf32>
        %swap3A_342 = vector.shape_cast %mul3A_337 : vector<16xf32> to vector<1x16xf32>
        tpu.vector_store %arg14[%swap3A_338, %swap3A_339], %swap3A_342 {strides = array<i32>} : memref<128x128xf32, #tpu.memory_space<vmem>>, vector<1x16xf32>,
        %get3A_343 = arith.index_cast %add3A_322 : i32 to index
        %get3A_344 = arith.constant 32 : index
        %get3A_345 = tpu.vector_load %arg14[%get3A_343, %get3A_344] {strides = array<i32>} : memref<128x128xf32, #tpu.memory_space<vmem>>, vector<1x16xf32>,
        %get3A_346 = vector.shape_cast %get3A_345 : vector<1x16xf32> to vector<16xf32>
        %mul3A_347 = arith.mulf %get3A_346, %gather3A_318 : vector<16xf32>
        %swap3A_348 = arith.index_cast %add3A_322 : i32 to index
        %swap3A_349 = arith.constant 32 : index
        %swap3A_350 = tpu.vector_load %arg14[%swap3A_348, %swap3A_349] {strides = array<i32>} : memref<128x128xf32, #tpu.memory_space<vmem>>, vector<1x16xf32>,
        %swap3A_351 = vector.shape_cast %swap3A_350 : vector<1x16xf32> to vector<16xf32>
        %swap3A_352 = vector.shape_cast %mul3A_347 : vector<16xf32> to vector<1x16xf32>
        tpu.vector_store %arg14[%swap3A_348, %swap3A_349], %swap3A_352 {strides = array<i32>} : memref<128x128xf32, #tpu.memory_space<vmem>>, vector<1x16xf32>,
        %get3A_353 = arith.index_cast %add3A_322 : i32 to index
        %get3A_354 = arith.constant 48 : index
        %get3A_355 = tpu.vector_load %arg14[%get3A_353, %get3A_354] {strides = array<i32>} : memref<128x128xf32, #tpu.memory_space<vmem>>, vector<1x16xf32>,
        %get3A_356 = vector.shape_cast %get3A_355 : vector<1x16xf32> to vector<16xf32>
        %mul3A_357 = arith.mulf %get3A_356, %gather3A_318 : vector<16xf32>
        %swap3A_358 = arith.index_cast %add3A_322 : i32 to index
        %swap3A_359 = arith.constant 48 : index
        %swap3A_360 = tpu.vector_load %arg14[%swap3A_358, %swap3A_359] {strides = array<i32>} : memref<128x128xf32, #tpu.memory_space<vmem>>, vector<1x16xf32>,
        %swap3A_361 = vector.shape_cast %swap3A_360 : vector<1x16xf32> to vector<16xf32>
        %swap3A_362 = vector.shape_cast %mul3A_357 : vector<16xf32> to vector<1x16xf32>
        tpu.vector_store %arg14[%swap3A_358, %swap3A_359], %swap3A_362 {strides = array<i32>} : memref<128x128xf32, #tpu.memory_space<vmem>>, vector<1x16xf32>,
        %get3A_363 = arith.index_cast %add3A_322 : i32 to index
        %get3A_364 = arith.constant 64 : index
        %get3A_365 = tpu.vector_load %arg14[%get3A_363, %get3A_364] {strides = array<i32>} : memref<128x128xf32, #tpu.memory_space<vmem>>, vector<1x16xf32>,
        %get3A_366 = vector.shape_cast %get3A_365 : vector<1x16xf32> to vector<16xf32>
        %mul3A_367 = arith.mulf %get3A_366, %gather3A_318 : vector<16xf32>
        %swap3A_368 = arith.index_cast %add3A_322 : i32 to index
        %swap3A_369 = arith.constant 64 : index
        %swap3A_370 = tpu.vector_load %arg14[%swap3A_368, %swap3A_369] {strides = array<i32>} : memref<128x128xf32, #tpu.memory_space<vmem>>, vector<1x16xf32>,
        %swap3A_371 = vector.shape_cast %swap3A_370 : vector<1x16xf32> to vector<16xf32>
        %swap3A_372 = vector.shape_cast %mul3A_367 : vector<16xf32> to vector<1x16xf32>
        tpu.vector_store %arg14[%swap3A_368, %swap3A_369], %swap3A_372 {strides = array<i32>} : memref<128x128xf32, #tpu.memory_space<vmem>>, vector<1x16xf32>,
        %get3A_373 = arith.index_cast %add3A_322 : i32 to index
        %get3A_374 = arith.constant 80 : index
        %get3A_375 = tpu.vector_load %arg14[%get3A_373, %get3A_374] {strides = array<i32>} : memref<128x128xf32, #tpu.memory_space<vmem>>, vector<1x16xf32>,
        %get3A_376 = vector.shape_cast %get3A_375 : vector<1x16xf32> to vector<16xf32>
        %mul3A_377 = arith.mulf %get3A_376, %gather3A_318 : vector<16xf32>
        %swap3A_378 = arith.index_cast %add3A_322 : i32 to index
        %swap3A_379 = arith.constant 80 : index
        %swap3A_380 = tpu.vector_load %arg14[%swap3A_378, %swap3A_379] {strides = array<i32>} : memref<128x128xf32, #tpu.memory_space<vmem>>, vector<1x16xf32>,
        %swap3A_381 = vector.shape_cast %swap3A_380 : vector<1x16xf32> to vector<16xf32>
        %swap3A_382 = vector.shape_cast %mul3A_377 : vector<16xf32> to vector<1x16xf32>
        tpu.vector_store %arg14[%swap3A_378, %swap3A_379], %swap3A_382 {strides = array<i32>} : memref<128x128xf32, #tpu.memory_space<vmem>>, vector<1x16xf32>,
        %get3A_383 = arith.index_cast %add3A_322 : i32 to index
        %get3A_384 = arith.constant 96 : index
        %get3A_385 = tpu.vector_load %arg14[%get3A_383, %get3A_384] {strides = array<i32>} : memref<128x128xf32, #tpu.memory_space<vmem>>, vector<1x16xf32>,
        %get3A_386 = vector.shape_cast %get3A_385 : vector<1x16xf32> to vector<16xf32>
        %mul3A_387 = arith.mulf %get3A_386, %gather3A_318 : vector<16xf32>
        %swap3A_388 = arith.index_cast %add3A_322 : i32 to index
        %swap3A_389 = arith.constant 96 : index
        %swap3A_390 = tpu.vector_load %arg14[%swap3A_388, %swap3A_389] {strides = array<i32>} : memref<128x128xf32, #tpu.memory_space<vmem>>, vector<1x16xf32>,
        %swap3A_391 = vector.shape_cast %swap3A_390 : vector<1x16xf32> to vector<16xf32>
        %swap3A_392 = vector.shape_cast %mul3A_387 : vector<16xf32> to vector<1x16xf32>
        tpu.vector_store %arg14[%swap3A_388, %swap3A_389], %swap3A_392 {strides = array<i32>} : memref<128x128xf32, #tpu.memory_space<vmem>>, vector<1x16xf32>,
        %get3A_393 = arith.index_cast %add3A_322 : i32 to index
        %get3A_394 = arith.constant 112 : index
        %get3A_395 = tpu.vector_load %arg14[%get3A_393, %get3A_394] {strides = array<i32>} : memref<128x128xf32, #tpu.memory_space<vmem>>, vector<1x16xf32>,
        %get3A_396 = vector.shape_cast %get3A_395 : vector<1x16xf32> to vector<16xf32>
        %mul3A_397 = arith.mulf %get3A_396, %gather3A_318 : vector<16xf32>
        %swap3A_398 = arith.index_cast %add3A_322 : i32 to index
        %swap3A_399 = arith.constant 112 : index
        %swap3A_400 = tpu.vector_load %arg14[%swap3A_398, %swap3A_399] {strides = array<i32>} : memref<128x128xf32, #tpu.memory_space<vmem>>, vector<1x16xf32>,
        %swap3A_401 = vector.shape_cast %swap3A_400 : vector<1x16xf32> to vector<16xf32>
        %swap3A_402 = vector.shape_cast %mul3A_397 : vector<16xf32> to vector<1x16xf32>
        tpu.vector_store %arg14[%swap3A_398, %swap3A_399], %swap3A_402 {strides = array<i32>} : memref<128x128xf32, #tpu.memory_space<vmem>>, vector<1x16xf32>,
        %broadcast_in_dim3A_403 = arith.constant 3 : i32
        %broadcast_in_dim3A_404 = vector.broadcast %broadcast_in_dim3A_403 : i32 to vector<16xi32>
        %lt3A_405 = arith.constant 0 : i32
        %lt3A_406 = vector.broadcast %lt3A_405 : i32 to vector<16xi32>
        %lt3A_407 = arith.cmpi slt, %broadcast_in_dim3A_404, %lt3A_406 : vector<16xi32>
        %add3A_408 = arith.constant 16 : i32
        %add3A_409 = vector.broadcast %add3A_408 : i32 to vector<16xi32>
        %add3A_410 = arith.addi %broadcast_in_dim3A_404, %add3A_409 : vector<16xi32>
        %select_n3A_411 = arith.select %lt3A_407, %add3A_410, %broadcast_in_dim3A_404 : vector<16xi1>, vector<16xi32>
        %reshape3A_412 = vector.shape_cast %select_n3A_411 : vector<16xi32> to vector<16x1xi32>
        %gather3A_413 = vector.shape_cast %reshape3A_412 : vector<16x1xi32> to vector<16xi32>
        %gather3A_414 = tpu.dynamic_gather %get3A_119[%gather3A_413] in [0] : vector<16xf32>, vector<16xi32> -> vector<16xf32>
        %mul3A_415 = arith.constant 16 : i32
        %mul3A_416 = arith.muli %mul3A_415, %scan3A_115 : i32
        %add3A_417 = arith.constant 3 : i32
        %add3A_418 = arith.addi %mul3A_416, %add3A_417 : i32
        %get3A_419 = arith.index_cast %add3A_418 : i32 to index
        %get3A_420 = arith.constant 0 : index
        %get3A_421 = tpu.vector_load %arg14[%get3A_419, %get3A_420] {strides = array<i32>} : memref<128x128xf32, #tpu.memory_space<vmem>>, vector<1x16xf32>,
        %get3A_422 = vector.shape_cast %get3A_421 : vector<1x16xf32> to vector<16xf32>
        %mul3A_423 = arith.mulf %get3A_422, %gather3A_414 : vector<16xf32>
        %swap3A_424 = arith.index_cast %add3A_418 : i32 to index
        %swap3A_425 = arith.constant 0 : index
        %swap3A_426 = tpu.vector_load %arg14[%swap3A_424, %swap3A_425] {strides = array<i32>} : memref<128x128xf32, #tpu.memory_space<vmem>>, vector<1x16xf32>,
        %swap3A_427 = vector.shape_cast %swap3A_426 : vector<1x16xf32> to vector<16xf32>
        %swap3A_428 = vector.shape_cast %mul3A_423 : vector<16xf32> to vector<1x16xf32>
        tpu.vector_store %arg14[%swap3A_424, %swap3A_425], %swap3A_428 {strides = array<i32>} : memref<128x128xf32, #tpu.memory_space<vmem>>, vector<1x16xf32>,
        %get3A_429 = arith.index_cast %add3A_418 : i32 to index
        %get3A_430 = arith.constant 16 : index
        %get3A_431 = tpu.vector_load %arg14[%get3A_429, %get3A_430] {strides = array<i32>} : memref<128x128xf32, #tpu.memory_space<vmem>>, vector<1x16xf32>,
        %get3A_432 = vector.shape_cast %get3A_431 : vector<1x16xf32> to vector<16xf32>
        %mul3A_433 = arith.mulf %get3A_432, %gather3A_414 : vector<16xf32>
        %swap3A_434 = arith.index_cast %add3A_418 : i32 to index
        %swap3A_435 = arith.constant 16 : index
        %swap3A_436 = tpu.vector_load %arg14[%swap3A_434, %swap3A_435] {strides = array<i32>} : memref<128x128xf32, #tpu.memory_space<vmem>>, vector<1x16xf32>,
        %swap3A_437 = vector.shape_cast %swap3A_436 : vector<1x16xf32> to vector<16xf32>
        %swap3A_438 = vector.shape_cast %mul3A_433 : vector<16xf32> to vector<1x16xf32>
        tpu.vector_store %arg14[%swap3A_434, %swap3A_435], %swap3A_438 {strides = array<i32>} : memref<128x128xf32, #tpu.memory_space<vmem>>, vector<1x16xf32>,
        %get3A_439 = arith.index_cast %add3A_418 : i32 to index
        %get3A_440 = arith.constant 32 : index
        %get3A_441 = tpu.vector_load %arg14[%get3A_439, %get3A_440] {strides = array<i32>} : memref<128x128xf32, #tpu.memory_space<vmem>>, vector<1x16xf32>,
        %get3A_442 = vector.shape_cast %get3A_441 : vector<1x16xf32> to vector<16xf32>
        %mul3A_443 = arith.mulf %get3A_442, %gather3A_414 : vector<16xf32>
        %swap3A_444 = arith.index_cast %add3A_418 : i32 to index
        %swap3A_445 = arith.constant 32 : index
        %swap3A_446 = tpu.vector_load %arg14[%swap3A_444, %swap3A_445] {strides = array<i32>} : memref<128x128xf32, #tpu.memory_space<vmem>>, vector<1x16xf32>,
        %swap3A_447 = vector.shape_cast %swap3A_446 : vector<1x16xf32> to vector<16xf32>
        %swap3A_448 = vector.shape_cast %mul3A_443 : vector<16xf32> to vector<1x16xf32>
        tpu.vector_store %arg14[%swap3A_444, %swap3A_445], %swap3A_448 {strides = array<i32>} : memref<128x128xf32, #tpu.memory_space<vmem>>, vector<1x16xf32>,
        %get3A_449 = arith.index_cast %add3A_418 : i32 to index
        %get3A_450 = arith.constant 48 : index
        %get3A_451 = tpu.vector_load %arg14[%get3A_449, %get3A_450] {strides = array<i32>} : memref<128x128xf32, #tpu.memory_space<vmem>>, vector<1x16xf32>,
        %get3A_452 = vector.shape_cast %get3A_451 : vector<1x16xf32> to vector<16xf32>
        %mul3A_453 = arith.mulf %get3A_452, %gather3A_414 : vector<16xf32>
        %swap3A_454 = arith.index_cast %add3A_418 : i32 to index
        %swap3A_455 = arith.constant 48 : index
        %swap3A_456 = tpu.vector_load %arg14[%swap3A_454, %swap3A_455] {strides = array<i32>} : memref<128x128xf32, #tpu.memory_space<vmem>>, vector<1x16xf32>,
        %swap3A_457 = vector.shape_cast %swap3A_456 : vector<1x16xf32> to vector<16xf32>
        %swap3A_458 = vector.shape_cast %mul3A_453 : vector<16xf32> to vector<1x16xf32>
        tpu.vector_store %arg14[%swap3A_454, %swap3A_455], %swap3A_458 {strides = array<i32>} : memref<128x128xf32, #tpu.memory_space<vmem>>, vector<1x16xf32>,
        %get3A_459 = arith.index_cast %add3A_418 : i32 to index
        %get3A_460 = arith.constant 64 : index
        %get3A_461 = tpu.vector_load %arg14[%get3A_459, %get3A_460] {strides = array<i32>} : memref<128x128xf32, #tpu.memory_space<vmem>>, vector<1x16xf32>,
        %get3A_462 = vector.shape_cast %get3A_461 : vector<1x16xf32> to vector<16xf32>
        %mul3A_463 = arith.mulf %get3A_462, %gather3A_414 : vector<16xf32>
        %swap3A_464 = arith.index_cast %add3A_418 : i32 to index
        %swap3A_465 = arith.constant 64 : index
        %swap3A_466 = tpu.vector_load %arg14[%swap3A_464, %swap3A_465] {strides = array<i32>} : memref<128x128xf32, #tpu.memory_space<vmem>>, vector<1x16xf32>,
        %swap3A_467 = vector.shape_cast %swap3A_466 : vector<1x16xf32> to vector<16xf32>
        %swap3A_468 = vector.shape_cast %mul3A_463 : vector<16xf32> to vector<1x16xf32>
        tpu.vector_store %arg14[%swap3A_464, %swap3A_465], %swap3A_468 {strides = array<i32>} : memref<128x128xf32, #tpu.memory_space<vmem>>, vector<1x16xf32>,
        %get3A_469 = arith.index_cast %add3A_418 : i32 to index
        %get3A_470 = arith.constant 80 : index
        %get3A_471 = tpu.vector_load %arg14[%get3A_469, %get3A_470] {strides = array<i32>} : memref<128x128xf32, #tpu.memory_space<vmem>>, vector<1x16xf32>,
        %get3A_472 = vector.shape_cast %get3A_471 : vector<1x16xf32> to vector<16xf32>
        %mul3A_473 = arith.mulf %get3A_472, %gather3A_414 : vector<16xf32>
        %swap3A_474 = arith.index_cast %add3A_418 : i32 to index
        %swap3A_475 = arith.constant 80 : index
        %swap3A_476 = tpu.vector_load %arg14[%swap3A_474, %swap3A_475] {strides = array<i32>} : memref<128x128xf32, #tpu.memory_space<vmem>>, vector<1x16xf32>,
        %swap3A_477 = vector.shape_cast %swap3A_476 : vector<1x16xf32> to vector<16xf32>
        %swap3A_478 = vector.shape_cast %mul3A_473 : vector<16xf32> to vector<1x16xf32>
        tpu.vector_store %arg14[%swap3A_474, %swap3A_475], %swap3A_478 {strides = array<i32>} : memref<128x128xf32, #tpu.memory_space<vmem>>, vector<1x16xf32>,
        %get3A_479 = arith.index_cast %add3A_418 : i32 to index
        %get3A_480 = arith.constant 96 : index
        %get3A_481 = tpu.vector_load %arg14[%get3A_479, %get3A_480] {strides = array<i32>} : memref<128x128xf32, #tpu.memory_space<vmem>>, vector<1x16xf32>,
        %get3A_482 = vector.shape_cast %get3A_481 : vector<1x16xf32> to vector<16xf32>
        %mul3A_483 = arith.mulf %get3A_482, %gather3A_414 : vector<16xf32>
        %swap3A_484 = arith.index_cast %add3A_418 : i32 to index
        %swap3A_485 = arith.constant 96 : index
        %swap3A_486 = tpu.vector_load %arg14[%swap3A_484, %swap3A_485] {strides = array<i32>} : memref<128x128xf32, #tpu.memory_space<vmem>>, vector<1x16xf32>,
        %swap3A_487 = vector.shape_cast %swap3A_486 : vector<1x16xf32> to vector<16xf32>
        %swap3A_488 = vector.shape_cast %mul3A_483 : vector<16xf32> to vector<1x16xf32>
        tpu.vector_store %arg14[%swap3A_484, %swap3A_485], %swap3A_488 {strides = array<i32>} : memref<128x128xf32, #tpu.memory_space<vmem>>, vector<1x16xf32>,
        %get3A_489 = arith.index_cast %add3A_418 : i32 to index
        %get3A_490 = arith.constant 112 : index
        %get3A_491 = tpu.vector_load %arg14[%get3A_489, %get3A_490] {strides = array<i32>} : memref<128x128xf32, #tpu.memory_space<vmem>>, vector<1x16xf32>,
        %get3A_492 = vector.shape_cast %get3A_491 : vector<1x16xf32> to vector<16xf32>
        %mul3A_493 = arith.mulf %get3A_492, %gather3A_414 : vector<16xf32>
        %swap3A_494 = arith.index_cast %add3A_418 : i32 to index
        %swap3A_495 = arith.constant 112 : index
        %swap3A_496 = tpu.vector_load %arg14[%swap3A_494, %swap3A_495] {strides = array<i32>} : memref<128x128xf32, #tpu.memory_space<vmem>>, vector<1x16xf32>,
        %swap3A_497 = vector.shape_cast %swap3A_496 : vector<1x16xf32> to vector<16xf32>
        %swap3A_498 = vector.shape_cast %mul3A_493 : vector<16xf32> to vector<1x16xf32>
        tpu.vector_store %arg14[%swap3A_494, %swap3A_495], %swap3A_498 {strides = array<i32>} : memref<128x128xf32, #tpu.memory_space<vmem>>, vector<1x16xf32>,
        %broadcast_in_dim3A_499 = arith.constant 4 : i32
        %broadcast_in_dim3A_500 = vector.broadcast %broadcast_in_dim3A_499 : i32 to vector<16xi32>
        %lt3A_501 = arith.constant 0 : i32
        %lt3A_502 = vector.broadcast %lt3A_501 : i32 to vector<16xi32>
        %lt3A_503 = arith.cmpi slt, %broadcast_in_dim3A_500, %lt3A_502 : vector<16xi32>
        %add3A_504 = arith.constant 16 : i32
        %add3A_505 = vector.broadcast %add3A_504 : i32 to vector<16xi32>
        %add3A_506 = arith.addi %broadcast_in_dim3A_500, %add3A_505 : vector<16xi32>
        %select_n3A_507 = arith.select %lt3A_503, %add3A_506, %broadcast_in_dim3A_500 : vector<16xi1>, vector<16xi32>
        %reshape3A_508 = vector.shape_cast %select_n3A_507 : vector<16xi32> to vector<16x1xi32>
        %gather3A_509 = vector.shape_cast %reshape3A_508 : vector<16x1xi32> to vector<16xi32>
        %gather3A_510 = tpu.dynamic_gather %get3A_119[%gather3A_509] in [0] : vector<16xf32>, vector<16xi32> -> vector<16xf32>
        %mul3A_511 = arith.constant 16 : i32
        %mul3A_512 = arith.muli %mul3A_511, %scan3A_115 : i32
        %add3A_513 = arith.constant 4 : i32
        %add3A_514 = arith.addi %mul3A_512, %add3A_513 : i32
        %get3A_515 = arith.index_cast %add3A_514 : i32 to index
        %get3A_516 = arith.constant 0 : index
        %get3A_517 = tpu.vector_load %arg14[%get3A_515, %get3A_516] {strides = array<i32>} : memref<128x128xf32, #tpu.memory_space<vmem>>, vector<1x16xf32>,
        %get3A_518 = vector.shape_cast %get3A_517 : vector<1x16xf32> to vector<16xf32>
        %mul3A_519 = arith.mulf %get3A_518, %gather3A_510 : vector<16xf32>
        %swap3A_520 = arith.index_cast %add3A_514 : i32 to index
        %swap3A_521 = arith.constant 0 : index
        %swap3A_522 = tpu.vector_load %arg14[%swap3A_520, %swap3A_521] {strides = array<i32>} : memref<128x128xf32, #tpu.memory_space<vmem>>, vector<1x16xf32>,
        %swap3A_523 = vector.shape_cast %swap3A_522 : vector<1x16xf32> to vector<16xf32>
        %swap3A_524 = vector.shape_cast %mul3A_519 : vector<16xf32> to vector<1x16xf32>
        tpu.vector_store %arg14[%swap3A_520, %swap3A_521], %swap3A_524 {strides = array<i32>} : memref<128x128xf32, #tpu.memory_space<vmem>>, vector<1x16xf32>,
        %get3A_525 = arith.index_cast %add3A_514 : i32 to index
        %get3A_526 = arith.constant 16 : index
        %get3A_527 = tpu.vector_load %arg14[%get3A_525, %get3A_526] {strides = array<i32>} : memref<128x128xf32, #tpu.memory_space<vmem>>, vector<1x16xf32>,
        %get3A_528 = vector.shape_cast %get3A_527 : vector<1x16xf32> to vector<16xf32>
        %mul3A_529 = arith.mulf %get3A_528, %gather3A_510 : vector<16xf32>
        %swap3A_530 = arith.index_cast %add3A_514 : i32 to index
        %swap3A_531 = arith.constant 16 : index
        %swap3A_532 = tpu.vector_load %arg14[%swap3A_530, %swap3A_531] {strides = array<i32>} : memref<128x128xf32, #tpu.memory_space<vmem>>, vector<1x16xf32>,
        %swap3A_533 = vector.shape_cast %swap3A_532 : vector<1x16xf32> to vector<16xf32>
        %swap3A_534 = vector.shape_cast %mul3A_529 : vector<16xf32> to vector<1x16xf32>
        tpu.vector_store %arg14[%swap3A_530, %swap3A_531], %swap3A_534 {strides = array<i32>} : memref<128x128xf32, #tpu.memory_space<vmem>>, vector<1x16xf32>,
        %get3A_535 = arith.index_cast %add3A_514 : i32 to index
        %get3A_536 = arith.constant 32 : index
        %get3A_537 = tpu.vector_load %arg14[%get3A_535, %get3A_536] {strides = array<i32>} : memref<128x128xf32, #tpu.memory_space<vmem>>, vector<1x16xf32>,
        %get3A_538 = vector.shape_cast %get3A_537 : vector<1x16xf32> to vector<16xf32>
        %mul3A_539 = arith.mulf %get3A_538, %gather3A_510 : vector<16xf32>
        %swap3A_540 = arith.index_cast %add3A_514 : i32 to index
        %swap3A_541 = arith.constant 32 : index
        %swap3A_542 = tpu.vector_load %arg14[%swap3A_540, %swap3A_541] {strides = array<i32>} : memref<128x128xf32, #tpu.memory_space<vmem>>, vector<1x16xf32>,
        %swap3A_543 = vector.shape_cast %swap3A_542 : vector<1x16xf32> to vector<16xf32>
        %swap3A_544 = vector.shape_cast %mul3A_539 : vector<16xf32> to vector<1x16xf32>
        tpu.vector_store %arg14[%swap3A_540, %swap3A_541], %swap3A_544 {strides = array<i32>} : memref<128x128xf32, #tpu.memory_space<vmem>>, vector<1x16xf32>,
        %get3A_545 = arith.index_cast %add3A_514 : i32 to index
        %get3A_546 = arith.constant 48 : index
        %get3A_547 = tpu.vector_load %arg14[%get3A_545, %get3A_546] {strides = array<i32>} : memref<128x128xf32, #tpu.memory_space<vmem>>, vector<1x16xf32>,
        %get3A_548 = vector.shape_cast %get3A_547 : vector<1x16xf32> to vector<16xf32>
        %mul3A_549 = arith.mulf %get3A_548, %gather3A_510 : vector<16xf32>
        %swap3A_550 = arith.index_cast %add3A_514 : i32 to index
        %swap3A_551 = arith.constant 48 : index
        %swap3A_552 = tpu.vector_load %arg14[%swap3A_550, %swap3A_551] {strides = array<i32>} : memref<128x128xf32, #tpu.memory_space<vmem>>, vector<1x16xf32>,
        %swap3A_553 = vector.shape_cast %swap3A_552 : vector<1x16xf32> to vector<16xf32>
        %swap3A_554 = vector.shape_cast %mul3A_549 : vector<16xf32> to vector<1x16xf32>
        tpu.vector_store %arg14[%swap3A_550, %swap3A_551], %swap3A_554 {strides = array<i32>} : memref<128x128xf32, #tpu.memory_space<vmem>>, vector<1x16xf32>,
        %get3A_555 = arith.index_cast %add3A_514 : i32 to index
        %get3A_556 = arith.constant 64 : index
        %get3A_557 = tpu.vector_load %arg14[%get3A_555, %get3A_556] {strides = array<i32>} : memref<128x128xf32, #tpu.memory_space<vmem>>, vector<1x16xf32>,
        %get3A_558 = vector.shape_cast %get3A_557 : vector<1x16xf32> to vector<16xf32>
        %mul3A_559 = arith.mulf %get3A_558, %gather3A_510 : vector<16xf32>
        %swap3A_560 = arith.index_cast %add3A_514 : i32 to index
        %swap3A_561 = arith.constant 64 : index
        %swap3A_562 = tpu.vector_load %arg14[%swap3A_560, %swap3A_561] {strides = array<i32>} : memref<128x128xf32, #tpu.memory_space<vmem>>, vector<1x16xf32>,
        %swap3A_563 = vector.shape_cast %swap3A_562 : vector<1x16xf32> to vector<16xf32>
        %swap3A_564 = vector.shape_cast %mul3A_559 : vector<16xf32> to vector<1x16xf32>
        tpu.vector_store %arg14[%swap3A_560, %swap3A_561], %swap3A_564 {strides = array<i32>} : memref<128x128xf32, #tpu.memory_space<vmem>>, vector<1x16xf32>,
        %get3A_565 = arith.index_cast %add3A_514 : i32 to index
        %get3A_566 = arith.constant 80 : index
        %get3A_567 = tpu.vector_load %arg14[%get3A_565, %get3A_566] {strides = array<i32>} : memref<128x128xf32, #tpu.memory_space<vmem>>, vector<1x16xf32>,
        %get3A_568 = vector.shape_cast %get3A_567 : vector<1x16xf32> to vector<16xf32>
        %mul3A_569 = arith.mulf %get3A_568, %gather3A_510 : vector<16xf32>
        %swap3A_570 = arith.index_cast %add3A_514 : i32 to index
        %swap3A_571 = arith.constant 80 : index
        %swap3A_572 = tpu.vector_load %arg14[%swap3A_570, %swap3A_571] {strides = array<i32>} : memref<128x128xf32, #tpu.memory_space<vmem>>, vector<1x16xf32>,
        %swap3A_573 = vector.shape_cast %swap3A_572 : vector<1x16xf32> to vector<16xf32>
        %swap3A_574 = vector.shape_cast %mul3A_569 : vector<16xf32> to vector<1x16xf32>
        tpu.vector_store %arg14[%swap3A_570, %swap3A_571], %swap3A_574 {strides = array<i32>} : memref<128x128xf32, #tpu.memory_space<vmem>>, vector<1x16xf32>,
        %get3A_575 = arith.index_cast %add3A_514 : i32 to index
        %get3A_576 = arith.constant 96 : index
        %get3A_577 = tpu.vector_load %arg14[%get3A_575, %get3A_576] {strides = array<i32>} : memref<128x128xf32, #tpu.memory_space<vmem>>, vector<1x16xf32>,
        %get3A_578 = vector.shape_cast %get3A_577 : vector<1x16xf32> to vector<16xf32>
        %mul3A_579 = arith.mulf %get3A_578, %gather3A_510 : vector<16xf32>
        %swap3A_580 = arith.index_cast %add3A_514 : i32 to index
        %swap3A_581 = arith.constant 96 : index
        %swap3A_582 = tpu.vector_load %arg14[%swap3A_580, %swap3A_581] {strides = array<i32>} : memref<128x128xf32, #tpu.memory_space<vmem>>, vector<1x16xf32>,
        %swap3A_583 = vector.shape_cast %swap3A_582 : vector<1x16xf32> to vector<16xf32>
        %swap3A_584 = vector.shape_cast %mul3A_579 : vector<16xf32> to vector<1x16xf32>
        tpu.vector_store %arg14[%swap3A_580, %swap3A_581], %swap3A_584 {strides = array<i32>} : memref<128x128xf32, #tpu.memory_space<vmem>>, vector<1x16xf32>,
        %get3A_585 = arith.index_cast %add3A_514 : i32 to index
        %get3A_586 = arith.constant 112 : index
        %get3A_587 = tpu.vector_load %arg14[%get3A_585, %get3A_586] {strides = array<i32>} : memref<128x128xf32, #tpu.memory_space<vmem>>, vector<1x16xf32>,
        %get3A_588 = vector.shape_cast %get3A_587 : vector<1x16xf32> to vector<16xf32>
        %mul3A_589 = arith.mulf %get3A_588, %gather3A_510 : vector<16xf32>
        %swap3A_590 = arith.index_cast %add3A_514 : i32 to index
        %swap3A_591 = arith.constant 112 : index
        %swap3A_592 = tpu.vector_load %arg14[%swap3A_590, %swap3A_591] {strides = array<i32>} : memref<128x128xf32, #tpu.memory_space<vmem>>, vector<1x16xf32>,
        %swap3A_593 = vector.shape_cast %swap3A_592 : vector<1x16xf32> to vector<16xf32>
        %swap3A_594 = vector.shape_cast %mul3A_589 : vector<16xf32> to vector<1x16xf32>
        tpu.vector_store %arg14[%swap3A_590, %swap3A_591], %swap3A_594 {strides = array<i32>} : memref<128x128xf32, #tpu.memory_space<vmem>>, vector<1x16xf32>,
        %broadcast_in_dim3A_595 = arith.constant 5 : i32
        %broadcast_in_dim3A_596 = vector.broadcast %broadcast_in_dim3A_595 : i32 to vector<16xi32>
        %lt3A_597 = arith.constant 0 : i32
        %lt3A_598 = vector.broadcast %lt3A_597 : i32 to vector<16xi32>
        %lt3A_599 = arith.cmpi slt, %broadcast_in_dim3A_596, %lt3A_598 : vector<16xi32>
        %add3A_600 = arith.constant 16 : i32
        %add3A_601 = vector.broadcast %add3A_600 : i32 to vector<16xi32>
        %add3A_602 = arith.addi %broadcast_in_dim3A_596, %add3A_601 : vector<16xi32>
        %select_n3A_603 = arith.select %lt3A_599, %add3A_602, %broadcast_in_dim3A_596 : vector<16xi1>, vector<16xi32>
        %reshape3A_604 = vector.shape_cast %select_n3A_603 : vector<16xi32> to vector<16x1xi32>
        %gather3A_605 = vector.shape_cast %reshape3A_604 : vector<16x1xi32> to vector<16xi32>
        %gather3A_606 = tpu.dynamic_gather %get3A_119[%gather3A_605] in [0] : vector<16xf32>, vector<16xi32> -> vector<16xf32>
        %mul3A_607 = arith.constant 16 : i32
        %mul3A_608 = arith.muli %mul3A_607, %scan3A_115 : i32
        %add3A_609 = arith.constant 5 : i32
        %add3A_610 = arith.addi %mul3A_608, %add3A_609 : i32
        %get3A_611 = arith.index_cast %add3A_610 : i32 to index
        %get3A_612 = arith.constant 0 : index
        %get3A_613 = tpu.vector_load %arg14[%get3A_611, %get3A_612] {strides = array<i32>} : memref<128x128xf32, #tpu.memory_space<vmem>>, vector<1x16xf32>,
        %get3A_614 = vector.shape_cast %get3A_613 : vector<1x16xf32> to vector<16xf32>
        %mul3A_615 = arith.mulf %get3A_614, %gather3A_606 : vector<16xf32>
        %swap3A_616 = arith.index_cast %add3A_610 : i32 to index
        %swap3A_617 = arith.constant 0 : index
        %swap3A_618 = tpu.vector_load %arg14[%swap3A_616, %swap3A_617] {strides = array<i32>} : memref<128x128xf32, #tpu.memory_space<vmem>>, vector<1x16xf32>,
        %swap3A_619 = vector.shape_cast %swap3A_618 : vector<1x16xf32> to vector<16xf32>
        %swap3A_620 = vector.shape_cast %mul3A_615 : vector<16xf32> to vector<1x16xf32>
        tpu.vector_store %arg14[%swap3A_616, %swap3A_617], %swap3A_620 {strides = array<i32>} : memref<128x128xf32, #tpu.memory_space<vmem>>, vector<1x16xf32>,
        %get3A_621 = arith.index_cast %add3A_610 : i32 to index
        %get3A_622 = arith.constant 16 : index
        %get3A_623 = tpu.vector_load %arg14[%get3A_621, %get3A_622] {strides = array<i32>} : memref<128x128xf32, #tpu.memory_space<vmem>>, vector<1x16xf32>,
        %get3A_624 = vector.shape_cast %get3A_623 : vector<1x16xf32> to vector<16xf32>
        %mul3A_625 = arith.mulf %get3A_624, %gather3A_606 : vector<16xf32>
        %swap3A_626 = arith.index_cast %add3A_610 : i32 to index
        %swap3A_627 = arith.constant 16 : index
        %swap3A_628 = tpu.vector_load %arg14[%swap3A_626, %swap3A_627] {strides = array<i32>} : memref<128x128xf32, #tpu.memory_space<vmem>>, vector<1x16xf32>,
        %swap3A_629 = vector.shape_cast %swap3A_628 : vector<1x16xf32> to vector<16xf32>
        %swap3A_630 = vector.shape_cast %mul3A_625 : vector<16xf32> to vector<1x16xf32>
        tpu.vector_store %arg14[%swap3A_626, %swap3A_627], %swap3A_630 {strides = array<i32>} : memref<128x128xf32, #tpu.memory_space<vmem>>, vector<1x16xf32>,
        %get3A_631 = arith.index_cast %add3A_610 : i32 to index
        %get3A_632 = arith.constant 32 : index
        %get3A_633 = tpu.vector_load %arg14[%get3A_631, %get3A_632] {strides = array<i32>} : memref<128x128xf32, #tpu.memory_space<vmem>>, vector<1x16xf32>,
        %get3A_634 = vector.shape_cast %get3A_633 : vector<1x16xf32> to vector<16xf32>
        %mul3A_635 = arith.mulf %get3A_634, %gather3A_606 : vector<16xf32>
        %swap3A_636 = arith.index_cast %add3A_610 : i32 to index
        %swap3A_637 = arith.constant 32 : index
        %swap3A_638 = tpu.vector_load %arg14[%swap3A_636, %swap3A_637] {strides = array<i32>} : memref<128x128xf32, #tpu.memory_space<vmem>>, vector<1x16xf32>,
        %swap3A_639 = vector.shape_cast %swap3A_638 : vector<1x16xf32> to vector<16xf32>
        %swap3A_640 = vector.shape_cast %mul3A_635 : vector<16xf32> to vector<1x16xf32>
        tpu.vector_store %arg14[%swap3A_636, %swap3A_637], %swap3A_640 {strides = array<i32>} : memref<128x128xf32, #tpu.memory_space<vmem>>, vector<1x16xf32>,
        %get3A_641 = arith.index_cast %add3A_610 : i32 to index
        %get3A_642 = arith.constant 48 : index
        %get3A_643 = tpu.vector_load %arg14[%get3A_641, %get3A_642] {strides = array<i32>} : memref<128x128xf32, #tpu.memory_space<vmem>>, vector<1x16xf32>,
        %get3A_644 = vector.shape_cast %get3A_643 : vector<1x16xf32> to vector<16xf32>
        %mul3A_645 = arith.mulf %get3A_644, %gather3A_606 : vector<16xf32>
        %swap3A_646 = arith.index_cast %add3A_610 : i32 to index
        %swap3A_647 = arith.constant 48 : index
        %swap3A_648 = tpu.vector_load %arg14[%swap3A_646, %swap3A_647] {strides = array<i32>} : memref<128x128xf32, #tpu.memory_space<vmem>>, vector<1x16xf32>,
        %swap3A_649 = vector.shape_cast %swap3A_648 : vector<1x16xf32> to vector<16xf32>
        %swap3A_650 = vector.shape_cast %mul3A_645 : vector<16xf32> to vector<1x16xf32>
        tpu.vector_store %arg14[%swap3A_646, %swap3A_647], %swap3A_650 {strides = array<i32>} : memref<128x128xf32, #tpu.memory_space<vmem>>, vector<1x16xf32>,
        %get3A_651 = arith.index_cast %add3A_610 : i32 to index
        %get3A_652 = arith.constant 64 : index
        %get3A_653 = tpu.vector_load %arg14[%get3A_651, %get3A_652] {strides = array<i32>} : memref<128x128xf32, #tpu.memory_space<vmem>>, vector<1x16xf32>,
        %get3A_654 = vector.shape_cast %get3A_653 : vector<1x16xf32> to vector<16xf32>
        %mul3A_655 = arith.mulf %get3A_654, %gather3A_606 : vector<16xf32>
        %swap3A_656 = arith.index_cast %add3A_610 : i32 to index
        %swap3A_657 = arith.constant 64 : index
        %swap3A_658 = tpu.vector_load %arg14[%swap3A_656, %swap3A_657] {strides = array<i32>} : memref<128x128xf32, #tpu.memory_space<vmem>>, vector<1x16xf32>,
        %swap3A_659 = vector.shape_cast %swap3A_658 : vector<1x16xf32> to vector<16xf32>
        %swap3A_660 = vector.shape_cast %mul3A_655 : vector<16xf32> to vector<1x16xf32>
        tpu.vector_store %arg14[%swap3A_656, %swap3A_657], %swap3A_660 {strides = array<i32>} : memref<128x128xf32, #tpu.memory_space<vmem>>, vector<1x16xf32>,
        %get3A_661 = arith.index_cast %add3A_610 : i32 to index
        %get3A_662 = arith.constant 80 : index
        %get3A_663 = tpu.vector_load %arg14[%get3A_661, %get3A_662] {strides = array<i32>} : memref<128x128xf32, #tpu.memory_space<vmem>>, vector<1x16xf32>,
        %get3A_664 = vector.shape_cast %get3A_663 : vector<1x16xf32> to vector<16xf32>
        %mul3A_665 = arith.mulf %get3A_664, %gather3A_606 : vector<16xf32>
        %swap3A_666 = arith.index_cast %add3A_610 : i32 to index
        %swap3A_667 = arith.constant 80 : index
        %swap3A_668 = tpu.vector_load %arg14[%swap3A_666, %swap3A_667] {strides = array<i32>} : memref<128x128xf32, #tpu.memory_space<vmem>>, vector<1x16xf32>,
        %swap3A_669 = vector.shape_cast %swap3A_668 : vector<1x16xf32> to vector<16xf32>
        %swap3A_670 = vector.shape_cast %mul3A_665 : vector<16xf32> to vector<1x16xf32>
        tpu.vector_store %arg14[%swap3A_666, %swap3A_667], %swap3A_670 {strides = array<i32>} : memref<128x128xf32, #tpu.memory_space<vmem>>, vector<1x16xf32>,
        %get3A_671 = arith.index_cast %add3A_610 : i32 to index
        %get3A_672 = arith.constant 96 : index
        %get3A_673 = tpu.vector_load %arg14[%get3A_671, %get3A_672] {strides = array<i32>} : memref<128x128xf32, #tpu.memory_space<vmem>>, vector<1x16xf32>,
        %get3A_674 = vector.shape_cast %get3A_673 : vector<1x16xf32> to vector<16xf32>
        %mul3A_675 = arith.mulf %get3A_674, %gather3A_606 : vector<16xf32>
        %swap3A_676 = arith.index_cast %add3A_610 : i32 to index
        %swap3A_677 = arith.constant 96 : index
        %swap3A_678 = tpu.vector_load %arg14[%swap3A_676, %swap3A_677] {strides = array<i32>} : memref<128x128xf32, #tpu.memory_space<vmem>>, vector<1x16xf32>,
        %swap3A_679 = vector.shape_cast %swap3A_678 : vector<1x16xf32> to vector<16xf32>
        %swap3A_680 = vector.shape_cast %mul3A_675 : vector<16xf32> to vector<1x16xf32>
        tpu.vector_store %arg14[%swap3A_676, %swap3A_677], %swap3A_680 {strides = array<i32>} : memref<128x128xf32, #tpu.memory_space<vmem>>, vector<1x16xf32>,
        %get3A_681 = arith.index_cast %add3A_610 : i32 to index
        %get3A_682 = arith.constant 112 : index
        %get3A_683 = tpu.vector_load %arg14[%get3A_681, %get3A_682] {strides = array<i32>} : memref<128x128xf32, #tpu.memory_space<vmem>>, vector<1x16xf32>,
        %get3A_684 = vector.shape_cast %get3A_683 : vector<1x16xf32> to vector<16xf32>
        %mul3A_685 = arith.mulf %get3A_684, %gather3A_606 : vector<16xf32>
        %swap3A_686 = arith.index_cast %add3A_610 : i32 to index
        %swap3A_687 = arith.constant 112 : index
        %swap3A_688 = tpu.vector_load %arg14[%swap3A_686, %swap3A_687] {strides = array<i32>} : memref<128x128xf32, #tpu.memory_space<vmem>>, vector<1x16xf32>,
        %swap3A_689 = vector.shape_cast %swap3A_688 : vector<1x16xf32> to vector<16xf32>
        %swap3A_690 = vector.shape_cast %mul3A_685 : vector<16xf32> to vector<1x16xf32>
        tpu.vector_store %arg14[%swap3A_686, %swap3A_687], %swap3A_690 {strides = array<i32>} : memref<128x128xf32, #tpu.memory_space<vmem>>, vector<1x16xf32>,
        %broadcast_in_dim3A_691 = arith.constant 6 : i32
        %broadcast_in_dim3A_692 = vector.broadcast %broadcast_in_dim3A_691 : i32 to vector<16xi32>
        %lt3A_693 = arith.constant 0 : i32
        %lt3A_694 = vector.broadcast %lt3A_693 : i32 to vector<16xi32>
        %lt3A_695 = arith.cmpi slt, %broadcast_in_dim3A_692, %lt3A_694 : vector<16xi32>
        %add3A_696 = arith.constant 16 : i32
        %add3A_697 = vector.broadcast %add3A_696 : i32 to vector<16xi32>
        %add3A_698 = arith.addi %broadcast_in_dim3A_692, %add3A_697 : vector<16xi32>
        %select_n3A_699 = arith.select %lt3A_695, %add3A_698, %broadcast_in_dim3A_692 : vector<16xi1>, vector<16xi32>
        %reshape3A_700 = vector.shape_cast %select_n3A_699 : vector<16xi32> to vector<16x1xi32>
        %gather3A_701 = vector.shape_cast %reshape3A_700 : vector<16x1xi32> to vector<16xi32>
        %gather3A_702 = tpu.dynamic_gather %get3A_119[%gather3A_701] in [0] : vector<16xf32>, vector<16xi32> -> vector<16xf32>
        %mul3A_703 = arith.constant 16 : i32
        %mul3A_704 = arith.muli %mul3A_703, %scan3A_115 : i32
        %add3A_705 = arith.constant 6 : i32
        %add3A_706 = arith.addi %mul3A_704, %add3A_705 : i32
        %get3A_707 = arith.index_cast %add3A_706 : i32 to index
        %get3A_708 = arith.constant 0 : index
        %get3A_709 = tpu.vector_load %arg14[%get3A_707, %get3A_708] {strides = array<i32>} : memref<128x128xf32, #tpu.memory_space<vmem>>, vector<1x16xf32>,
        %get3A_710 = vector.shape_cast %get3A_709 : vector<1x16xf32> to vector<16xf32>
        %mul3A_711 = arith.mulf %get3A_710, %gather3A_702 : vector<16xf32>
        %swap3A_712 = arith.index_cast %add3A_706 : i32 to index
        %swap3A_713 = arith.constant 0 : index
        %swap3A_714 = tpu.vector_load %arg14[%swap3A_712, %swap3A_713] {strides = array<i32>} : memref<128x128xf32, #tpu.memory_space<vmem>>, vector<1x16xf32>,
        %swap3A_715 = vector.shape_cast %swap3A_714 : vector<1x16xf32> to vector<16xf32>
        %swap3A_716 = vector.shape_cast %mul3A_711 : vector<16xf32> to vector<1x16xf32>
        tpu.vector_store %arg14[%swap3A_712, %swap3A_713], %swap3A_716 {strides = array<i32>} : memref<128x128xf32, #tpu.memory_space<vmem>>, vector<1x16xf32>,
        %get3A_717 = arith.index_cast %add3A_706 : i32 to index
        %get3A_718 = arith.constant 16 : index
        %get3A_719 = tpu.vector_load %arg14[%get3A_717, %get3A_718] {strides = array<i32>} : memref<128x128xf32, #tpu.memory_space<vmem>>, vector<1x16xf32>,
        %get3A_720 = vector.shape_cast %get3A_719 : vector<1x16xf32> to vector<16xf32>
        %mul3A_721 = arith.mulf %get3A_720, %gather3A_702 : vector<16xf32>
        %swap3A_722 = arith.index_cast %add3A_706 : i32 to index
        %swap3A_723 = arith.constant 16 : index
        %swap3A_724 = tpu.vector_load %arg14[%swap3A_722, %swap3A_723] {strides = array<i32>} : memref<128x128xf32, #tpu.memory_space<vmem>>, vector<1x16xf32>,
        %swap3A_725 = vector.shape_cast %swap3A_724 : vector<1x16xf32> to vector<16xf32>
        %swap3A_726 = vector.shape_cast %mul3A_721 : vector<16xf32> to vector<1x16xf32>
        tpu.vector_store %arg14[%swap3A_722, %swap3A_723], %swap3A_726 {strides = array<i32>} : memref<128x128xf32, #tpu.memory_space<vmem>>, vector<1x16xf32>,
        %get3A_727 = arith.index_cast %add3A_706 : i32 to index
        %get3A_728 = arith.constant 32 : index
        %get3A_729 = tpu.vector_load %arg14[%get3A_727, %get3A_728] {strides = array<i32>} : memref<128x128xf32, #tpu.memory_space<vmem>>, vector<1x16xf32>,
        %get3A_730 = vector.shape_cast %get3A_729 : vector<1x16xf32> to vector<16xf32>
        %mul3A_731 = arith.mulf %get3A_730, %gather3A_702 : vector<16xf32>
        %swap3A_732 = arith.index_cast %add3A_706 : i32 to index
        %swap3A_733 = arith.constant 32 : index
        %swap3A_734 = tpu.vector_load %arg14[%swap3A_732, %swap3A_733] {strides = array<i32>} : memref<128x128xf32, #tpu.memory_space<vmem>>, vector<1x16xf32>,
        %swap3A_735 = vector.shape_cast %swap3A_734 : vector<1x16xf32> to vector<16xf32>
        %swap3A_736 = vector.shape_cast %mul3A_731 : vector<16xf32> to vector<1x16xf32>
        tpu.vector_store %arg14[%swap3A_732, %swap3A_733], %swap3A_736 {strides = array<i32>} : memref<128x128xf32, #tpu.memory_space<vmem>>, vector<1x16xf32>,
        %get3A_737 = arith.index_cast %add3A_706 : i32 to index
        %get3A_738 = arith.constant 48 : index
        %get3A_739 = tpu.vector_load %arg14[%get3A_737, %get3A_738] {strides = array<i32>} : memref<128x128xf32, #tpu.memory_space<vmem>>, vector<1x16xf32>,
        %get3A_740 = vector.shape_cast %get3A_739 : vector<1x16xf32> to vector<16xf32>
        %mul3A_741 = arith.mulf %get3A_740, %gather3A_702 : vector<16xf32>
        %swap3A_742 = arith.index_cast %add3A_706 : i32 to index
        %swap3A_743 = arith.constant 48 : index
        %swap3A_744 = tpu.vector_load %arg14[%swap3A_742, %swap3A_743] {strides = array<i32>} : memref<128x128xf32, #tpu.memory_space<vmem>>, vector<1x16xf32>,
        %swap3A_745 = vector.shape_cast %swap3A_744 : vector<1x16xf32> to vector<16xf32>
        %swap3A_746 = vector.shape_cast %mul3A_741 : vector<16xf32> to vector<1x16xf32>
        tpu.vector_store %arg14[%swap3A_742, %swap3A_743], %swap3A_746 {strides = array<i32>} : memref<128x128xf32, #tpu.memory_space<vmem>>, vector<1x16xf32>,
        %get3A_747 = arith.index_cast %add3A_706 : i32 to index
        %get3A_748 = arith.constant 64 : index
        %get3A_749 = tpu.vector_load %arg14[%get3A_747, %get3A_748] {strides = array<i32>} : memref<128x128xf32, #tpu.memory_space<vmem>>, vector<1x16xf32>,
        %get3A_750 = vector.shape_cast %get3A_749 : vector<1x16xf32> to vector<16xf32>
        %mul3A_751 = arith.mulf %get3A_750, %gather3A_702 : vector<16xf32>
        %swap3A_752 = arith.index_cast %add3A_706 : i32 to index
        %swap3A_753 = arith.constant 64 : index
        %swap3A_754 = tpu.vector_load %arg14[%swap3A_752, %swap3A_753] {strides = array<i32>} : memref<128x128xf32, #tpu.memory_space<vmem>>, vector<1x16xf32>,
        %swap3A_755 = vector.shape_cast %swap3A_754 : vector<1x16xf32> to vector<16xf32>
        %swap3A_756 = vector.shape_cast %mul3A_751 : vector<16xf32> to vector<1x16xf32>
        tpu.vector_store %arg14[%swap3A_752, %swap3A_753], %swap3A_756 {strides = array<i32>} : memref<128x128xf32, #tpu.memory_space<vmem>>, vector<1x16xf32>,
        %get3A_757 = arith.index_cast %add3A_706 : i32 to index
        %get3A_758 = arith.constant 80 : index
        %get3A_759 = tpu.vector_load %arg14[%get3A_757, %get3A_758] {strides = array<i32>} : memref<128x128xf32, #tpu.memory_space<vmem>>, vector<1x16xf32>,
        %get3A_760 = vector.shape_cast %get3A_759 : vector<1x16xf32> to vector<16xf32>
        %mul3A_761 = arith.mulf %get3A_760, %gather3A_702 : vector<16xf32>
        %swap3A_762 = arith.index_cast %add3A_706 : i32 to index
        %swap3A_763 = arith.constant 80 : index
        %swap3A_764 = tpu.vector_load %arg14[%swap3A_762, %swap3A_763] {strides = array<i32>} : memref<128x128xf32, #tpu.memory_space<vmem>>, vector<1x16xf32>,
        %swap3A_765 = vector.shape_cast %swap3A_764 : vector<1x16xf32> to vector<16xf32>
        %swap3A_766 = vector.shape_cast %mul3A_761 : vector<16xf32> to vector<1x16xf32>
        tpu.vector_store %arg14[%swap3A_762, %swap3A_763], %swap3A_766 {strides = array<i32>} : memref<128x128xf32, #tpu.memory_space<vmem>>, vector<1x16xf32>,
        %get3A_767 = arith.index_cast %add3A_706 : i32 to index
        %get3A_768 = arith.constant 96 : index
        %get3A_769 = tpu.vector_load %arg14[%get3A_767, %get3A_768] {strides = array<i32>} : memref<128x128xf32, #tpu.memory_space<vmem>>, vector<1x16xf32>,
        %get3A_770 = vector.shape_cast %get3A_769 : vector<1x16xf32> to vector<16xf32>
        %mul3A_771 = arith.mulf %get3A_770, %gather3A_702 : vector<16xf32>
        %swap3A_772 = arith.index_cast %add3A_706 : i32 to index
        %swap3A_773 = arith.constant 96 : index
        %swap3A_774 = tpu.vector_load %arg14[%swap3A_772, %swap3A_773] {strides = array<i32>} : memref<128x128xf32, #tpu.memory_space<vmem>>, vector<1x16xf32>,
        %swap3A_775 = vector.shape_cast %swap3A_774 : vector<1x16xf32> to vector<16xf32>
        %swap3A_776 = vector.shape_cast %mul3A_771 : vector<16xf32> to vector<1x16xf32>
        tpu.vector_store %arg14[%swap3A_772, %swap3A_773], %swap3A_776 {strides = array<i32>} : memref<128x128xf32, #tpu.memory_space<vmem>>, vector<1x16xf32>,
        %get3A_777 = arith.index_cast %add3A_706 : i32 to index
        %get3A_778 = arith.constant 112 : index
        %get3A_779 = tpu.vector_load %arg14[%get3A_777, %get3A_778] {strides = array<i32>} : memref<128x128xf32, #tpu.memory_space<vmem>>, vector<1x16xf32>,
        %get3A_780 = vector.shape_cast %get3A_779 : vector<1x16xf32> to vector<16xf32>
        %mul3A_781 = arith.mulf %get3A_780, %gather3A_702 : vector<16xf32>
        %swap3A_782 = arith.index_cast %add3A_706 : i32 to index
        %swap3A_783 = arith.constant 112 : index
        %swap3A_784 = tpu.vector_load %arg14[%swap3A_782, %swap3A_783] {strides = array<i32>} : memref<128x128xf32, #tpu.memory_space<vmem>>, vector<1x16xf32>,
        %swap3A_785 = vector.shape_cast %swap3A_784 : vector<1x16xf32> to vector<16xf32>
        %swap3A_786 = vector.shape_cast %mul3A_781 : vector<16xf32> to vector<1x16xf32>
        tpu.vector_store %arg14[%swap3A_782, %swap3A_783], %swap3A_786 {strides = array<i32>} : memref<128x128xf32, #tpu.memory_space<vmem>>, vector<1x16xf32>,
        %broadcast_in_dim3A_787 = arith.constant 7 : i32
        %broadcast_in_dim3A_788 = vector.broadcast %broadcast_in_dim3A_787 : i32 to vector<16xi32>
        %lt3A_789 = arith.constant 0 : i32
        %lt3A_790 = vector.broadcast %lt3A_789 : i32 to vector<16xi32>
        %lt3A_791 = arith.cmpi slt, %broadcast_in_dim3A_788, %lt3A_790 : vector<16xi32>
        %add3A_792 = arith.constant 16 : i32
        %add3A_793 = vector.broadcast %add3A_792 : i32 to vector<16xi32>
        %add3A_794 = arith.addi %broadcast_in_dim3A_788, %add3A_793 : vector<16xi32>
        %select_n3A_795 = arith.select %lt3A_791, %add3A_794, %broadcast_in_dim3A_788 : vector<16xi1>, vector<16xi32>
        %reshape3A_796 = vector.shape_cast %select_n3A_795 : vector<16xi32> to vector<16x1xi32>
        %gather3A_797 = vector.shape_cast %reshape3A_796 : vector<16x1xi32> to vector<16xi32>
        %gather3A_798 = tpu.dynamic_gather %get3A_119[%gather3A_797] in [0] : vector<16xf32>, vector<16xi32> -> vector<16xf32>
        %mul3A_799 = arith.constant 16 : i32
        %mul3A_800 = arith.muli %mul3A_799, %scan3A_115 : i32
        %add3A_801 = arith.constant 7 : i32
        %add3A_802 = arith.addi %mul3A_800, %add3A_801 : i32
        %get3A_803 = arith.index_cast %add3A_802 : i32 to index
        %get3A_804 = arith.constant 0 : index
        %get3A_805 = tpu.vector_load %arg14[%get3A_803, %get3A_804] {strides = array<i32>} : memref<128x128xf32, #tpu.memory_space<vmem>>, vector<1x16xf32>,
        %get3A_806 = vector.shape_cast %get3A_805 : vector<1x16xf32> to vector<16xf32>
        %mul3A_807 = arith.mulf %get3A_806, %gather3A_798 : vector<16xf32>
        %swap3A_808 = arith.index_cast %add3A_802 : i32 to index
        %swap3A_809 = arith.constant 0 : index
        %swap3A_810 = tpu.vector_load %arg14[%swap3A_808, %swap3A_809] {strides = array<i32>} : memref<128x128xf32, #tpu.memory_space<vmem>>, vector<1x16xf32>,
        %swap3A_811 = vector.shape_cast %swap3A_810 : vector<1x16xf32> to vector<16xf32>
        %swap3A_812 = vector.shape_cast %mul3A_807 : vector<16xf32> to vector<1x16xf32>
        tpu.vector_store %arg14[%swap3A_808, %swap3A_809], %swap3A_812 {strides = array<i32>} : memref<128x128xf32, #tpu.memory_space<vmem>>, vector<1x16xf32>,
        %get3A_813 = arith.index_cast %add3A_802 : i32 to index
        %get3A_814 = arith.constant 16 : index
        %get3A_815 = tpu.vector_load %arg14[%get3A_813, %get3A_814] {strides = array<i32>} : memref<128x128xf32, #tpu.memory_space<vmem>>, vector<1x16xf32>,
        %get3A_816 = vector.shape_cast %get3A_815 : vector<1x16xf32> to vector<16xf32>
        %mul3A_817 = arith.mulf %get3A_816, %gather3A_798 : vector<16xf32>
        %swap3A_818 = arith.index_cast %add3A_802 : i32 to index
        %swap3A_819 = arith.constant 16 : index
        %swap3A_820 = tpu.vector_load %arg14[%swap3A_818, %swap3A_819] {strides = array<i32>} : memref<128x128xf32, #tpu.memory_space<vmem>>, vector<1x16xf32>,
        %swap3A_821 = vector.shape_cast %swap3A_820 : vector<1x16xf32> to vector<16xf32>
        %swap3A_822 = vector.shape_cast %mul3A_817 : vector<16xf32> to vector<1x16xf32>
        tpu.vector_store %arg14[%swap3A_818, %swap3A_819], %swap3A_822 {strides = array<i32>} : memref<128x128xf32, #tpu.memory_space<vmem>>, vector<1x16xf32>,
        %get3A_823 = arith.index_cast %add3A_802 : i32 to index
        %get3A_824 = arith.constant 32 : index
        %get3A_825 = tpu.vector_load %arg14[%get3A_823, %get3A_824] {strides = array<i32>} : memref<128x128xf32, #tpu.memory_space<vmem>>, vector<1x16xf32>,
        %get3A_826 = vector.shape_cast %get3A_825 : vector<1x16xf32> to vector<16xf32>
        %mul3A_827 = arith.mulf %get3A_826, %gather3A_798 : vector<16xf32>
        %swap3A_828 = arith.index_cast %add3A_802 : i32 to index
        %swap3A_829 = arith.constant 32 : index
        %swap3A_830 = tpu.vector_load %arg14[%swap3A_828, %swap3A_829] {strides = array<i32>} : memref<128x128xf32, #tpu.memory_space<vmem>>, vector<1x16xf32>,
        %swap3A_831 = vector.shape_cast %swap3A_830 : vector<1x16xf32> to vector<16xf32>
        %swap3A_832 = vector.shape_cast %mul3A_827 : vector<16xf32> to vector<1x16xf32>
        tpu.vector_store %arg14[%swap3A_828, %swap3A_829], %swap3A_832 {strides = array<i32>} : memref<128x128xf32, #tpu.memory_space<vmem>>, vector<1x16xf32>,
        %get3A_833 = arith.index_cast %add3A_802 : i32 to index
        %get3A_834 = arith.constant 48 : index
        %get3A_835 = tpu.vector_load %arg14[%get3A_833, %get3A_834] {strides = array<i32>} : memref<128x128xf32, #tpu.memory_space<vmem>>, vector<1x16xf32>,
        %get3A_836 = vector.shape_cast %get3A_835 : vector<1x16xf32> to vector<16xf32>
        %mul3A_837 = arith.mulf %get3A_836, %gather3A_798 : vector<16xf32>
        %swap3A_838 = arith.index_cast %add3A_802 : i32 to index
        %swap3A_839 = arith.constant 48 : index
        %swap3A_840 = tpu.vector_load %arg14[%swap3A_838, %swap3A_839] {strides = array<i32>} : memref<128x128xf32, #tpu.memory_space<vmem>>, vector<1x16xf32>,
        %swap3A_841 = vector.shape_cast %swap3A_840 : vector<1x16xf32> to vector<16xf32>
        %swap3A_842 = vector.shape_cast %mul3A_837 : vector<16xf32> to vector<1x16xf32>
        tpu.vector_store %arg14[%swap3A_838, %swap3A_839], %swap3A_842 {strides = array<i32>} : memref<128x128xf32, #tpu.memory_space<vmem>>, vector<1x16xf32>,
        %get3A_843 = arith.index_cast %add3A_802 : i32 to index
        %get3A_844 = arith.constant 64 : index
        %get3A_845 = tpu.vector_load %arg14[%get3A_843, %get3A_844] {strides = array<i32>} : memref<128x128xf32, #tpu.memory_space<vmem>>, vector<1x16xf32>,
        %get3A_846 = vector.shape_cast %get3A_845 : vector<1x16xf32> to vector<16xf32>
        %mul3A_847 = arith.mulf %get3A_846, %gather3A_798 : vector<16xf32>
        %swap3A_848 = arith.index_cast %add3A_802 : i32 to index
        %swap3A_849 = arith.constant 64 : index
        %swap3A_850 = tpu.vector_load %arg14[%swap3A_848, %swap3A_849] {strides = array<i32>} : memref<128x128xf32, #tpu.memory_space<vmem>>, vector<1x16xf32>,
        %swap3A_851 = vector.shape_cast %swap3A_850 : vector<1x16xf32> to vector<16xf32>
        %swap3A_852 = vector.shape_cast %mul3A_847 : vector<16xf32> to vector<1x16xf32>
        tpu.vector_store %arg14[%swap3A_848, %swap3A_849], %swap3A_852 {strides = array<i32>} : memref<128x128xf32, #tpu.memory_space<vmem>>, vector<1x16xf32>,
        %get3A_853 = arith.index_cast %add3A_802 : i32 to index
        %get3A_854 = arith.constant 80 : index
        %get3A_855 = tpu.vector_load %arg14[%get3A_853, %get3A_854] {strides = array<i32>} : memref<128x128xf32, #tpu.memory_space<vmem>>, vector<1x16xf32>,
        %get3A_856 = vector.shape_cast %get3A_855 : vector<1x16xf32> to vector<16xf32>
        %mul3A_857 = arith.mulf %get3A_856, %gather3A_798 : vector<16xf32>
        %swap3A_858 = arith.index_cast %add3A_802 : i32 to index
        %swap3A_859 = arith.constant 80 : index
        %swap3A_860 = tpu.vector_load %arg14[%swap3A_858, %swap3A_859] {strides = array<i32>} : memref<128x128xf32, #tpu.memory_space<vmem>>, vector<1x16xf32>,
        %swap3A_861 = vector.shape_cast %swap3A_860 : vector<1x16xf32> to vector<16xf32>
        %swap3A_862 = vector.shape_cast %mul3A_857 : vector<16xf32> to vector<1x16xf32>
        tpu.vector_store %arg14[%swap3A_858, %swap3A_859], %swap3A_862 {strides = array<i32>} : memref<128x128xf32, #tpu.memory_space<vmem>>, vector<1x16xf32>,
        %get3A_863 = arith.index_cast %add3A_802 : i32 to index
        %get3A_864 = arith.constant 96 : index
        %get3A_865 = tpu.vector_load %arg14[%get3A_863, %get3A_864] {strides = array<i32>} : memref<128x128xf32, #tpu.memory_space<vmem>>, vector<1x16xf32>,
        %get3A_866 = vector.shape_cast %get3A_865 : vector<1x16xf32> to vector<16xf32>
        %mul3A_867 = arith.mulf %get3A_866, %gather3A_798 : vector<16xf32>
        %swap3A_868 = arith.index_cast %add3A_802 : i32 to index
        %swap3A_869 = arith.constant 96 : index
        %swap3A_870 = tpu.vector_load %arg14[%swap3A_868, %swap3A_869] {strides = array<i32>} : memref<128x128xf32, #tpu.memory_space<vmem>>, vector<1x16xf32>,
        %swap3A_871 = vector.shape_cast %swap3A_870 : vector<1x16xf32> to vector<16xf32>
        %swap3A_872 = vector.shape_cast %mul3A_867 : vector<16xf32> to vector<1x16xf32>
        tpu.vector_store %arg14[%swap3A_868, %swap3A_869], %swap3A_872 {strides = array<i32>} : memref<128x128xf32, #tpu.memory_space<vmem>>, vector<1x16xf32>,
        %get3A_873 = arith.index_cast %add3A_802 : i32 to index
        %get3A_874 = arith.constant 112 : index
        %get3A_875 = tpu.vector_load %arg14[%get3A_873, %get3A_874] {strides = array<i32>} : memref<128x128xf32, #tpu.memory_space<vmem>>, vector<1x16xf32>,
        %get3A_876 = vector.shape_cast %get3A_875 : vector<1x16xf32> to vector<16xf32>
        %mul3A_877 = arith.mulf %get3A_876, %gather3A_798 : vector<16xf32>
        %swap3A_878 = arith.index_cast %add3A_802 : i32 to index
        %swap3A_879 = arith.constant 112 : index
        %swap3A_880 = tpu.vector_load %arg14[%swap3A_878, %swap3A_879] {strides = array<i32>} : memref<128x128xf32, #tpu.memory_space<vmem>>, vector<1x16xf32>,
        %swap3A_881 = vector.shape_cast %swap3A_880 : vector<1x16xf32> to vector<16xf32>
        %swap3A_882 = vector.shape_cast %mul3A_877 : vector<16xf32> to vector<1x16xf32>
        tpu.vector_store %arg14[%swap3A_878, %swap3A_879], %swap3A_882 {strides = array<i32>} : memref<128x128xf32, #tpu.memory_space<vmem>>, vector<1x16xf32>,
        %broadcast_in_dim3A_883 = arith.constant 8 : i32
        %broadcast_in_dim3A_884 = vector.broadcast %broadcast_in_dim3A_883 : i32 to vector<16xi32>
        %lt3A_885 = arith.constant 0 : i32
        %lt3A_886 = vector.broadcast %lt3A_885 : i32 to vector<16xi32>
        %lt3A_887 = arith.cmpi slt, %broadcast_in_dim3A_884, %lt3A_886 : vector<16xi32>
        %add3A_888 = arith.constant 16 : i32
        %add3A_889 = vector.broadcast %add3A_888 : i32 to vector<16xi32>
        %add3A_890 = arith.addi %broadcast_in_dim3A_884, %add3A_889 : vector<16xi32>
        %select_n3A_891 = arith.select %lt3A_887, %add3A_890, %broadcast_in_dim3A_884 : vector<16xi1>, vector<16xi32>
        %reshape3A_892 = vector.shape_cast %select_n3A_891 : vector<16xi32> to vector<16x1xi32>
        %gather3A_893 = vector.shape_cast %reshape3A_892 : vector<16x1xi32> to vector<16xi32>
        %gather3A_894 = tpu.dynamic_gather %get3A_119[%gather3A_893] in [0] : vector<16xf32>, vector<16xi32> -> vector<16xf32>
        %mul3A_895 = arith.constant 16 : i32
        %mul3A_896 = arith.muli %mul3A_895, %scan3A_115 : i32
        %add3A_897 = arith.constant 8 : i32
        %add3A_898 = arith.addi %mul3A_896, %add3A_897 : i32
        %get3A_899 = arith.index_cast %add3A_898 : i32 to index
        %get3A_900 = arith.constant 0 : index
        %get3A_901 = tpu.vector_load %arg14[%get3A_899, %get3A_900] {strides = array<i32>} : memref<128x128xf32, #tpu.memory_space<vmem>>, vector<1x16xf32>,
        %get3A_902 = vector.shape_cast %get3A_901 : vector<1x16xf32> to vector<16xf32>
        %mul3A_903 = arith.mulf %get3A_902, %gather3A_894 : vector<16xf32>
        %swap3A_904 = arith.index_cast %add3A_898 : i32 to index
        %swap3A_905 = arith.constant 0 : index
        %swap3A_906 = tpu.vector_load %arg14[%swap3A_904, %swap3A_905] {strides = array<i32>} : memref<128x128xf32, #tpu.memory_space<vmem>>, vector<1x16xf32>,
        %swap3A_907 = vector.shape_cast %swap3A_906 : vector<1x16xf32> to vector<16xf32>
        %swap3A_908 = vector.shape_cast %mul3A_903 : vector<16xf32> to vector<1x16xf32>
        tpu.vector_store %arg14[%swap3A_904, %swap3A_905], %swap3A_908 {strides = array<i32>} : memref<128x128xf32, #tpu.memory_space<vmem>>, vector<1x16xf32>,
        %get3A_909 = arith.index_cast %add3A_898 : i32 to index
        %get3A_910 = arith.constant 16 : index
        %get3A_911 = tpu.vector_load %arg14[%get3A_909, %get3A_910] {strides = array<i32>} : memref<128x128xf32, #tpu.memory_space<vmem>>, vector<1x16xf32>,
        %get3A_912 = vector.shape_cast %get3A_911 : vector<1x16xf32> to vector<16xf32>
        %mul3A_913 = arith.mulf %get3A_912, %gather3A_894 : vector<16xf32>
        %swap3A_914 = arith.index_cast %add3A_898 : i32 to index
        %swap3A_915 = arith.constant 16 : index
        %swap3A_916 = tpu.vector_load %arg14[%swap3A_914, %swap3A_915] {strides = array<i32>} : memref<128x128xf32, #tpu.memory_space<vmem>>, vector<1x16xf32>,
        %swap3A_917 = vector.shape_cast %swap3A_916 : vector<1x16xf32> to vector<16xf32>
        %swap3A_918 = vector.shape_cast %mul3A_913 : vector<16xf32> to vector<1x16xf32>
        tpu.vector_store %arg14[%swap3A_914, %swap3A_915], %swap3A_918 {strides = array<i32>} : memref<128x128xf32, #tpu.memory_space<vmem>>, vector<1x16xf32>,
        %get3A_919 = arith.index_cast %add3A_898 : i32 to index
        %get3A_920 = arith.constant 32 : index
        %get3A_921 = tpu.vector_load %arg14[%get3A_919, %get3A_920] {strides = array<i32>} : memref<128x128xf32, #tpu.memory_space<vmem>>, vector<1x16xf32>,
        %get3A_922 = vector.shape_cast %get3A_921 : vector<1x16xf32> to vector<16xf32>
        %mul3A_923 = arith.mulf %get3A_922, %gather3A_894 : vector<16xf32>
        %swap3A_924 = arith.index_cast %add3A_898 : i32 to index
        %swap3A_925 = arith.constant 32 : index
        %swap3A_926 = tpu.vector_load %arg14[%swap3A_924, %swap3A_925] {strides = array<i32>} : memref<128x128xf32, #tpu.memory_space<vmem>>, vector<1x16xf32>,
        %swap3A_927 = vector.shape_cast %swap3A_926 : vector<1x16xf32> to vector<16xf32>
        %swap3A_928 = vector.shape_cast %mul3A_923 : vector<16xf32> to vector<1x16xf32>
        tpu.vector_store %arg14[%swap3A_924, %swap3A_925], %swap3A_928 {strides = array<i32>} : memref<128x128xf32, #tpu.memory_space<vmem>>, vector<1x16xf32>,
        %get3A_929 = arith.index_cast %add3A_898 : i32 to index
        %get3A_930 = arith.constant 48 : index
        %get3A_931 = tpu.vector_load %arg14[%get3A_929, %get3A_930] {strides = array<i32>} : memref<128x128xf32, #tpu.memory_space<vmem>>, vector<1x16xf32>,
        %get3A_932 = vector.shape_cast %get3A_931 : vector<1x16xf32> to vector<16xf32>
        %mul3A_933 = arith.mulf %get3A_932, %gather3A_894 : vector<16xf32>
        %swap3A_934 = arith.index_cast %add3A_898 : i32 to index
        %swap3A_935 = arith.constant 48 : index
        %swap3A_936 = tpu.vector_load %arg14[%swap3A_934, %swap3A_935] {strides = array<i32>} : memref<128x128xf32, #tpu.memory_space<vmem>>, vector<1x16xf32>,
        %swap3A_937 = vector.shape_cast %swap3A_936 : vector<1x16xf32> to vector<16xf32>
        %swap3A_938 = vector.shape_cast %mul3A_933 : vector<16xf32> to vector<1x16xf32>
        tpu.vector_store %arg14[%swap3A_934, %swap3A_935], %swap3A_938 {strides = array<i32>} : memref<128x128xf32, #tpu.memory_space<vmem>>, vector<1x16xf32>,
        %get3A_939 = arith.index_cast %add3A_898 : i32 to index
        %get3A_940 = arith.constant 64 : index
        %get3A_941 = tpu.vector_load %arg14[%get3A_939, %get3A_940] {strides = array<i32>} : memref<128x128xf32, #tpu.memory_space<vmem>>, vector<1x16xf32>,
        %get3A_942 = vector.shape_cast %get3A_941 : vector<1x16xf32> to vector<16xf32>
        %mul3A_943 = arith.mulf %get3A_942, %gather3A_894 : vector<16xf32>
        %swap3A_944 = arith.index_cast %add3A_898 : i32 to index
        %swap3A_945 = arith.constant 64 : index
        %swap3A_946 = tpu.vector_load %arg14[%swap3A_944, %swap3A_945] {strides = array<i32>} : memref<128x128xf32, #tpu.memory_space<vmem>>, vector<1x16xf32>,
        %swap3A_947 = vector.shape_cast %swap3A_946 : vector<1x16xf32> to vector<16xf32>
        %swap3A_948 = vector.shape_cast %mul3A_943 : vector<16xf32> to vector<1x16xf32>
        tpu.vector_store %arg14[%swap3A_944, %swap3A_945], %swap3A_948 {strides = array<i32>} : memref<128x128xf32, #tpu.memory_space<vmem>>, vector<1x16xf32>,
        %get3A_949 = arith.index_cast %add3A_898 : i32 to index
        %get3A_950 = arith.constant 80 : index
        %get3A_951 = tpu.vector_load %arg14[%get3A_949, %get3A_950] {strides = array<i32>} : memref<128x128xf32, #tpu.memory_space<vmem>>, vector<1x16xf32>,
        %get3A_952 = vector.shape_cast %get3A_951 : vector<1x16xf32> to vector<16xf32>
        %mul3A_953 = arith.mulf %get3A_952, %gather3A_894 : vector<16xf32>
        %swap3A_954 = arith.index_cast %add3A_898 : i32 to index
        %swap3A_955 = arith.constant 80 : index
        %swap3A_956 = tpu.vector_load %arg14[%swap3A_954, %swap3A_955] {strides = array<i32>} : memref<128x128xf32, #tpu.memory_space<vmem>>, vector<1x16xf32>,
        %swap3A_957 = vector.shape_cast %swap3A_956 : vector<1x16xf32> to vector<16xf32>
        %swap3A_958 = vector.shape_cast %mul3A_953 : vector<16xf32> to vector<1x16xf32>
        tpu.vector_store %arg14[%swap3A_954, %swap3A_955], %swap3A_958 {strides = array<i32>} : memref<128x128xf32, #tpu.memory_space<vmem>>, vector<1x16xf32>,
        %get3A_959 = arith.index_cast %add3A_898 : i32 to index
        %get3A_960 = arith.constant 96 : index
        %get3A_961 = tpu.vector_load %arg14[%get3A_959, %get3A_960] {strides = array<i32>} : memref<128x128xf32, #tpu.memory_space<vmem>>, vector<1x16xf32>,
        %get3A_962 = vector.shape_cast %get3A_961 : vector<1x16xf32> to vector<16xf32>
        %mul3A_963 = arith.mulf %get3A_962, %gather3A_894 : vector<16xf32>
        %swap3A_964 = arith.index_cast %add3A_898 : i32 to index
        %swap3A_965 = arith.constant 96 : index
        %swap3A_966 = tpu.vector_load %arg14[%swap3A_964, %swap3A_965] {strides = array<i32>} : memref<128x128xf32, #tpu.memory_space<vmem>>, vector<1x16xf32>,
        %swap3A_967 = vector.shape_cast %swap3A_966 : vector<1x16xf32> to vector<16xf32>
        %swap3A_968 = vector.shape_cast %mul3A_963 : vector<16xf32> to vector<1x16xf32>
        tpu.vector_store %arg14[%swap3A_964, %swap3A_965], %swap3A_968 {strides = array<i32>} : memref<128x128xf32, #tpu.memory_space<vmem>>, vector<1x16xf32>,
        %get3A_969 = arith.index_cast %add3A_898 : i32 to index
        %get3A_970 = arith.constant 112 : index
        %get3A_971 = tpu.vector_load %arg14[%get3A_969, %get3A_970] {strides = array<i32>} : memref<128x128xf32, #tpu.memory_space<vmem>>, vector<1x16xf32>,
        %get3A_972 = vector.shape_cast %get3A_971 : vector<1x16xf32> to vector<16xf32>
        %mul3A_973 = arith.mulf %get3A_972, %gather3A_894 : vector<16xf32>
        %swap3A_974 = arith.index_cast %add3A_898 : i32 to index
        %swap3A_975 = arith.constant 112 : index
        %swap3A_976 = tpu.vector_load %arg14[%swap3A_974, %swap3A_975] {strides = array<i32>} : memref<128x128xf32, #tpu.memory_space<vmem>>, vector<1x16xf32>,
        %swap3A_977 = vector.shape_cast %swap3A_976 : vector<1x16xf32> to vector<16xf32>
        %swap3A_978 = vector.shape_cast %mul3A_973 : vector<16xf32> to vector<1x16xf32>
        tpu.vector_store %arg14[%swap3A_974, %swap3A_975], %swap3A_978 {strides = array<i32>} : memref<128x128xf32, #tpu.memory_space<vmem>>, vector<1x16xf32>,
        %broadcast_in_dim3A_979 = arith.constant 9 : i32
        %broadcast_in_dim3A_980 = vector.broadcast %broadcast_in_dim3A_979 : i32 to vector<16xi32>
        %lt3A_981 = arith.constant 0 : i32
        %lt3A_982 = vector.broadcast %lt3A_981 : i32 to vector<16xi32>
        %lt3A_983 = arith.cmpi slt, %broadcast_in_dim3A_980, %lt3A_982 : vector<16xi32>
        %add3A_984 = arith.constant 16 : i32
        %add3A_985 = vector.broadcast %add3A_984 : i32 to vector<16xi32>
        %add3A_986 = arith.addi %broadcast_in_dim3A_980, %add3A_985 : vector<16xi32>
        %select_n3A_987 = arith.select %lt3A_983, %add3A_986, %broadcast_in_dim3A_980 : vector<16xi1>, vector<16xi32>
        %reshape3A_988 = vector.shape_cast %select_n3A_987 : vector<16xi32> to vector<16x1xi32>
        %gather3A_989 = vector.shape_cast %reshape3A_988 : vector<16x1xi32> to vector<16xi32>
        %gather3A_990 = tpu.dynamic_gather %get3A_119[%gather3A_989] in [0] : vector<16xf32>, vector<16xi32> -> vector<16xf32>
        %mul3A_991 = arith.constant 16 : i32
        %mul3A_992 = arith.muli %mul3A_991, %scan3A_115 : i32
        %add3A_993 = arith.constant 9 : i32
        %add3A_994 = arith.addi %mul3A_992, %add3A_993 : i32
        %get3A_995 = arith.index_cast %add3A_994 : i32 to index
        %get3A_996 = arith.constant 0 : index
        %get3A_997 = tpu.vector_load %arg14[%get3A_995, %get3A_996] {strides = array<i32>} : memref<128x128xf32, #tpu.memory_space<vmem>>, vector<1x16xf32>,
        %get3A_998 = vector.shape_cast %get3A_997 : vector<1x16xf32> to vector<16xf32>
        %mul3A_999 = arith.mulf %get3A_998, %gather3A_990 : vector<16xf32>
        %swap3A_1000 = arith.index_cast %add3A_994 : i32 to index
        %swap3A_1001 = arith.constant 0 : index
        %swap3A_1002 = tpu.vector_load %arg14[%swap3A_1000, %swap3A_1001] {strides = array<i32>} : memref<128x128xf32, #tpu.memory_space<vmem>>, vector<1x16xf32>,
        %swap3A_1003 = vector.shape_cast %swap3A_1002 : vector<1x16xf32> to vector<16xf32>
        %swap3A_1004 = vector.shape_cast %mul3A_999 : vector<16xf32> to vector<1x16xf32>
        tpu.vector_store %arg14[%swap3A_1000, %swap3A_1001], %swap3A_1004 {strides = array<i32>} : memref<128x128xf32, #tpu.memory_space<vmem>>, vector<1x16xf32>,
        %get3A_1005 = arith.index_cast %add3A_994 : i32 to index
        %get3A_1006 = arith.constant 16 : index
        %get3A_1007 = tpu.vector_load %arg14[%get3A_1005, %get3A_1006] {strides = array<i32>} : memref<128x128xf32, #tpu.memory_space<vmem>>, vector<1x16xf32>,
        %get3A_1008 = vector.shape_cast %get3A_1007 : vector<1x16xf32> to vector<16xf32>
        %mul3A_1009 = arith.mulf %get3A_1008, %gather3A_990 : vector<16xf32>
        %swap3A_1010 = arith.index_cast %add3A_994 : i32 to index
        %swap3A_1011 = arith.constant 16 : index
        %swap3A_1012 = tpu.vector_load %arg14[%swap3A_1010, %swap3A_1011] {strides = array<i32>} : memref<128x128xf32, #tpu.memory_space<vmem>>, vector<1x16xf32>,
        %swap3A_1013 = vector.shape_cast %swap3A_1012 : vector<1x16xf32> to vector<16xf32>
        %swap3A_1014 = vector.shape_cast %mul3A_1009 : vector<16xf32> to vector<1x16xf32>
        tpu.vector_store %arg14[%swap3A_1010, %swap3A_1011], %swap3A_1014 {strides = array<i32>} : memref<128x128xf32, #tpu.memory_space<vmem>>, vector<1x16xf32>,
        %get3A_1015 = arith.index_cast %add3A_994 : i32 to index
        %get3A_1016 = arith.constant 32 : index
        %get3A_1017 = tpu.vector_load %arg14[%get3A_1015, %get3A_1016] {strides = array<i32>} : memref<128x128xf32, #tpu.memory_space<vmem>>, vector<1x16xf32>,
        %get3A_1018 = vector.shape_cast %get3A_1017 : vector<1x16xf32> to vector<16xf32>
        %mul3A_1019 = arith.mulf %get3A_1018, %gather3A_990 : vector<16xf32>
        %swap3A_1020 = arith.index_cast %add3A_994 : i32 to index
        %swap3A_1021 = arith.constant 32 : index
        %swap3A_1022 = tpu.vector_load %arg14[%swap3A_1020, %swap3A_1021] {strides = array<i32>} : memref<128x128xf32, #tpu.memory_space<vmem>>, vector<1x16xf32>,
        %swap3A_1023 = vector.shape_cast %swap3A_1022 : vector<1x16xf32> to vector<16xf32>
        %swap3A_1024 = vector.shape_cast %mul3A_1019 : vector<16xf32> to vector<1x16xf32>
        tpu.vector_store %arg14[%swap3A_1020, %swap3A_1021], %swap3A_1024 {strides = array<i32>} : memref<128x128xf32, #tpu.memory_space<vmem>>, vector<1x16xf32>,
        %get3A_1025 = arith.index_cast %add3A_994 : i32 to index
        %get3A_1026 = arith.constant 48 : index
        %get3A_1027 = tpu.vector_load %arg14[%get3A_1025, %get3A_1026] {strides = array<i32>} : memref<128x128xf32, #tpu.memory_space<vmem>>, vector<1x16xf32>,
        %get3A_1028 = vector.shape_cast %get3A_1027 : vector<1x16xf32> to vector<16xf32>
        %mul3A_1029 = arith.mulf %get3A_1028, %gather3A_990 : vector<16xf32>
        %swap3A_1030 = arith.index_cast %add3A_994 : i32 to index
        %swap3A_1031 = arith.constant 48 : index
        %swap3A_1032 = tpu.vector_load %arg14[%swap3A_1030, %swap3A_1031] {strides = array<i32>} : memref<128x128xf32, #tpu.memory_space<vmem>>, vector<1x16xf32>,
        %swap3A_1033 = vector.shape_cast %swap3A_1032 : vector<1x16xf32> to vector<16xf32>
        %swap3A_1034 = vector.shape_cast %mul3A_1029 : vector<16xf32> to vector<1x16xf32>
        tpu.vector_store %arg14[%swap3A_1030, %swap3A_1031], %swap3A_1034 {strides = array<i32>} : memref<128x128xf32, #tpu.memory_space<vmem>>, vector<1x16xf32>,
        %get3A_1035 = arith.index_cast %add3A_994 : i32 to index
        %get3A_1036 = arith.constant 64 : index
        %get3A_1037 = tpu.vector_load %arg14[%get3A_1035, %get3A_1036] {strides = array<i32>} : memref<128x128xf32, #tpu.memory_space<vmem>>, vector<1x16xf32>,
        %get3A_1038 = vector.shape_cast %get3A_1037 : vector<1x16xf32> to vector<16xf32>
        %mul3A_1039 = arith.mulf %get3A_1038, %gather3A_990 : vector<16xf32>
        %swap3A_1040 = arith.index_cast %add3A_994 : i32 to index
        %swap3A_1041 = arith.constant 64 : index
        %swap3A_1042 = tpu.vector_load %arg14[%swap3A_1040, %swap3A_1041] {strides = array<i32>} : memref<128x128xf32, #tpu.memory_space<vmem>>, vector<1x16xf32>,
        %swap3A_1043 = vector.shape_cast %swap3A_1042 : vector<1x16xf32> to vector<16xf32>
        %swap3A_1044 = vector.shape_cast %mul3A_1039 : vector<16xf32> to vector<1x16xf32>
        tpu.vector_store %arg14[%swap3A_1040, %swap3A_1041], %swap3A_1044 {strides = array<i32>} : memref<128x128xf32, #tpu.memory_space<vmem>>, vector<1x16xf32>,
        %get3A_1045 = arith.index_cast %add3A_994 : i32 to index
        %get3A_1046 = arith.constant 80 : index
        %get3A_1047 = tpu.vector_load %arg14[%get3A_1045, %get3A_1046] {strides = array<i32>} : memref<128x128xf32, #tpu.memory_space<vmem>>, vector<1x16xf32>,
        %get3A_1048 = vector.shape_cast %get3A_1047 : vector<1x16xf32> to vector<16xf32>
        %mul3A_1049 = arith.mulf %get3A_1048, %gather3A_990 : vector<16xf32>
        %swap3A_1050 = arith.index_cast %add3A_994 : i32 to index
        %swap3A_1051 = arith.constant 80 : index
        %swap3A_1052 = tpu.vector_load %arg14[%swap3A_1050, %swap3A_1051] {strides = array<i32>} : memref<128x128xf32, #tpu.memory_space<vmem>>, vector<1x16xf32>,
        %swap3A_1053 = vector.shape_cast %swap3A_1052 : vector<1x16xf32> to vector<16xf32>
        %swap3A_1054 = vector.shape_cast %mul3A_1049 : vector<16xf32> to vector<1x16xf32>
        tpu.vector_store %arg14[%swap3A_1050, %swap3A_1051], %swap3A_1054 {strides = array<i32>} : memref<128x128xf32, #tpu.memory_space<vmem>>, vector<1x16xf32>,
        %get3A_1055 = arith.index_cast %add3A_994 : i32 to index
        %get3A_1056 = arith.constant 96 : index
        %get3A_1057 = tpu.vector_load %arg14[%get3A_1055, %get3A_1056] {strides = array<i32>} : memref<128x128xf32, #tpu.memory_space<vmem>>, vector<1x16xf32>,
        %get3A_1058 = vector.shape_cast %get3A_1057 : vector<1x16xf32> to vector<16xf32>
        %mul3A_1059 = arith.mulf %get3A_1058, %gather3A_990 : vector<16xf32>
        %swap3A_1060 = arith.index_cast %add3A_994 : i32 to index
        %swap3A_1061 = arith.constant 96 : index
        %swap3A_1062 = tpu.vector_load %arg14[%swap3A_1060, %swap3A_1061] {strides = array<i32>} : memref<128x128xf32, #tpu.memory_space<vmem>>, vector<1x16xf32>,
        %swap3A_1063 = vector.shape_cast %swap3A_1062 : vector<1x16xf32> to vector<16xf32>
        %swap3A_1064 = vector.shape_cast %mul3A_1059 : vector<16xf32> to vector<1x16xf32>
        tpu.vector_store %arg14[%swap3A_1060, %swap3A_1061], %swap3A_1064 {strides = array<i32>} : memref<128x128xf32, #tpu.memory_space<vmem>>, vector<1x16xf32>,
        %get3A_1065 = arith.index_cast %add3A_994 : i32 to index
        %get3A_1066 = arith.constant 112 : index
        %get3A_1067 = tpu.vector_load %arg14[%get3A_1065, %get3A_1066] {strides = array<i32>} : memref<128x128xf32, #tpu.memory_space<vmem>>, vector<1x16xf32>,
        %get3A_1068 = vector.shape_cast %get3A_1067 : vector<1x16xf32> to vector<16xf32>
        %mul3A_1069 = arith.mulf %get3A_1068, %gather3A_990 : vector<16xf32>
        %swap3A_1070 = arith.index_cast %add3A_994 : i32 to index
        %swap3A_1071 = arith.constant 112 : index
        %swap3A_1072 = tpu.vector_load %arg14[%swap3A_1070, %swap3A_1071] {strides = array<i32>} : memref<128x128xf32, #tpu.memory_space<vmem>>, vector<1x16xf32>,
        %swap3A_1073 = vector.shape_cast %swap3A_1072 : vector<1x16xf32> to vector<16xf32>
        %swap3A_1074 = vector.shape_cast %mul3A_1069 : vector<16xf32> to vector<1x16xf32>
        tpu.vector_store %arg14[%swap3A_1070, %swap3A_1071], %swap3A_1074 {strides = array<i32>} : memref<128x128xf32, #tpu.memory_space<vmem>>, vector<1x16xf32>,
        %broadcast_in_dim3A_1075 = arith.constant 10 : i32
        %broadcast_in_dim3A_1076 = vector.broadcast %broadcast_in_dim3A_1075 : i32 to vector<16xi32>
        %lt3A_1077 = arith.constant 0 : i32
        %lt3A_1078 = vector.broadcast %lt3A_1077 : i32 to vector<16xi32>
        %lt3A_1079 = arith.cmpi slt, %broadcast_in_dim3A_1076, %lt3A_1078 : vector<16xi32>
        %add3A_1080 = arith.constant 16 : i32
        %add3A_1081 = vector.broadcast %add3A_1080 : i32 to vector<16xi32>
        %add3A_1082 = arith.addi %broadcast_in_dim3A_1076, %add3A_1081 : vector<16xi32>
        %select_n3A_1083 = arith.select %lt3A_1079, %add3A_1082, %broadcast_in_dim3A_1076 : vector<16xi1>, vector<16xi32>
        %reshape3A_1084 = vector.shape_cast %select_n3A_1083 : vector<16xi32> to vector<16x1xi32>
        %gather3A_1085 = vector.shape_cast %reshape3A_1084 : vector<16x1xi32> to vector<16xi32>
        %gather3A_1086 = tpu.dynamic_gather %get3A_119[%gather3A_1085] in [0] : vector<16xf32>, vector<16xi32> -> vector<16xf32>
        %mul3A_1087 = arith.constant 16 : i32
        %mul3A_1088 = arith.muli %mul3A_1087, %scan3A_115 : i32
        %add3A_1089 = arith.constant 10 : i32
        %add3A_1090 = arith.addi %mul3A_1088, %add3A_1089 : i32
        %get3A_1091 = arith.index_cast %add3A_1090 : i32 to index
        %get3A_1092 = arith.constant 0 : index
        %get3A_1093 = tpu.vector_load %arg14[%get3A_1091, %get3A_1092] {strides = array<i32>} : memref<128x128xf32, #tpu.memory_space<vmem>>, vector<1x16xf32>,
        %get3A_1094 = vector.shape_cast %get3A_1093 : vector<1x16xf32> to vector<16xf32>
        %mul3A_1095 = arith.mulf %get3A_1094, %gather3A_1086 : vector<16xf32>
        %swap3A_1096 = arith.index_cast %add3A_1090 : i32 to index
        %swap3A_1097 = arith.constant 0 : index
        %swap3A_1098 = tpu.vector_load %arg14[%swap3A_1096, %swap3A_1097] {strides = array<i32>} : memref<128x128xf32, #tpu.memory_space<vmem>>, vector<1x16xf32>,
        %swap3A_1099 = vector.shape_cast %swap3A_1098 : vector<1x16xf32> to vector<16xf32>
        %swap3A_1100 = vector.shape_cast %mul3A_1095 : vector<16xf32> to vector<1x16xf32>
        tpu.vector_store %arg14[%swap3A_1096, %swap3A_1097], %swap3A_1100 {strides = array<i32>} : memref<128x128xf32, #tpu.memory_space<vmem>>, vector<1x16xf32>,
        %get3A_1101 = arith.index_cast %add3A_1090 : i32 to index
        %get3A_1102 = arith.constant 16 : index
        %get3A_1103 = tpu.vector_load %arg14[%get3A_1101, %get3A_1102] {strides = array<i32>} : memref<128x128xf32, #tpu.memory_space<vmem>>, vector<1x16xf32>,
        %get3A_1104 = vector.shape_cast %get3A_1103 : vector<1x16xf32> to vector<16xf32>
        %mul3A_1105 = arith.mulf %get3A_1104, %gather3A_1086 : vector<16xf32>
        %swap3A_1106 = arith.index_cast %add3A_1090 : i32 to index
        %swap3A_1107 = arith.constant 16 : index
        %swap3A_1108 = tpu.vector_load %arg14[%swap3A_1106, %swap3A_1107] {strides = array<i32>} : memref<128x128xf32, #tpu.memory_space<vmem>>, vector<1x16xf32>,
        %swap3A_1109 = vector.shape_cast %swap3A_1108 : vector<1x16xf32> to vector<16xf32>
        %swap3A_1110 = vector.shape_cast %mul3A_1105 : vector<16xf32> to vector<1x16xf32>
        tpu.vector_store %arg14[%swap3A_1106, %swap3A_1107], %swap3A_1110 {strides = array<i32>} : memref<128x128xf32, #tpu.memory_space<vmem>>, vector<1x16xf32>,
        %get3A_1111 = arith.index_cast %add3A_1090 : i32 to index
        %get3A_1112 = arith.constant 32 : index
        %get3A_1113 = tpu.vector_load %arg14[%get3A_1111, %get3A_1112] {strides = array<i32>} : memref<128x128xf32, #tpu.memory_space<vmem>>, vector<1x16xf32>,
        %get3A_1114 = vector.shape_cast %get3A_1113 : vector<1x16xf32> to vector<16xf32>
        %mul3A_1115 = arith.mulf %get3A_1114, %gather3A_1086 : vector<16xf32>
        %swap3A_1116 = arith.index_cast %add3A_1090 : i32 to index
        %swap3A_1117 = arith.constant 32 : index
        %swap3A_1118 = tpu.vector_load %arg14[%swap3A_1116, %swap3A_1117] {strides = array<i32>} : memref<128x128xf32, #tpu.memory_space<vmem>>, vector<1x16xf32>,
        %swap3A_1119 = vector.shape_cast %swap3A_1118 : vector<1x16xf32> to vector<16xf32>
        %swap3A_1120 = vector.shape_cast %mul3A_1115 : vector<16xf32> to vector<1x16xf32>
        tpu.vector_store %arg14[%swap3A_1116, %swap3A_1117], %swap3A_1120 {strides = array<i32>} : memref<128x128xf32, #tpu.memory_space<vmem>>, vector<1x16xf32>,
        %get3A_1121 = arith.index_cast %add3A_1090 : i32 to index
        %get3A_1122 = arith.constant 48 : index
        %get3A_1123 = tpu.vector_load %arg14[%get3A_1121, %get3A_1122] {strides = array<i32>} : memref<128x128xf32, #tpu.memory_space<vmem>>, vector<1x16xf32>,
        %get3A_1124 = vector.shape_cast %get3A_1123 : vector<1x16xf32> to vector<16xf32>
        %mul3A_1125 = arith.mulf %get3A_1124, %gather3A_1086 : vector<16xf32>
        %swap3A_1126 = arith.index_cast %add3A_1090 : i32 to index
        %swap3A_1127 = arith.constant 48 : index
        %swap3A_1128 = tpu.vector_load %arg14[%swap3A_1126, %swap3A_1127] {strides = array<i32>} : memref<128x128xf32, #tpu.memory_space<vmem>>, vector<1x16xf32>,
        %swap3A_1129 = vector.shape_cast %swap3A_1128 : vector<1x16xf32> to vector<16xf32>
        %swap3A_1130 = vector.shape_cast %mul3A_1125 : vector<16xf32> to vector<1x16xf32>
        tpu.vector_store %arg14[%swap3A_1126, %swap3A_1127], %swap3A_1130 {strides = array<i32>} : memref<128x128xf32, #tpu.memory_space<vmem>>, vector<1x16xf32>,
        %get3A_1131 = arith.index_cast %add3A_1090 : i32 to index
        %get3A_1132 = arith.constant 64 : index
        %get3A_1133 = tpu.vector_load %arg14[%get3A_1131, %get3A_1132] {strides = array<i32>} : memref<128x128xf32, #tpu.memory_space<vmem>>, vector<1x16xf32>,
        %get3A_1134 = vector.shape_cast %get3A_1133 : vector<1x16xf32> to vector<16xf32>
        %mul3A_1135 = arith.mulf %get3A_1134, %gather3A_1086 : vector<16xf32>
        %swap3A_1136 = arith.index_cast %add3A_1090 : i32 to index
        %swap3A_1137 = arith.constant 64 : index
        %swap3A_1138 = tpu.vector_load %arg14[%swap3A_1136, %swap3A_1137] {strides = array<i32>} : memref<128x128xf32, #tpu.memory_space<vmem>>, vector<1x16xf32>,
        %swap3A_1139 = vector.shape_cast %swap3A_1138 : vector<1x16xf32> to vector<16xf32>
        %swap3A_1140 = vector.shape_cast %mul3A_1135 : vector<16xf32> to vector<1x16xf32>
        tpu.vector_store %arg14[%swap3A_1136, %swap3A_1137], %swap3A_1140 {strides = array<i32>} : memref<128x128xf32, #tpu.memory_space<vmem>>, vector<1x16xf32>,
        %get3A_1141 = arith.index_cast %add3A_1090 : i32 to index
        %get3A_1142 = arith.constant 80 : index
        %get3A_1143 = tpu.vector_load %arg14[%get3A_1141, %get3A_1142] {strides = array<i32>} : memref<128x128xf32, #tpu.memory_space<vmem>>, vector<1x16xf32>,
        %get3A_1144 = vector.shape_cast %get3A_1143 : vector<1x16xf32> to vector<16xf32>
        %mul3A_1145 = arith.mulf %get3A_1144, %gather3A_1086 : vector<16xf32>
        %swap3A_1146 = arith.index_cast %add3A_1090 : i32 to index
        %swap3A_1147 = arith.constant 80 : index
        %swap3A_1148 = tpu.vector_load %arg14[%swap3A_1146, %swap3A_1147] {strides = array<i32>} : memref<128x128xf32, #tpu.memory_space<vmem>>, vector<1x16xf32>,
        %swap3A_1149 = vector.shape_cast %swap3A_1148 : vector<1x16xf32> to vector<16xf32>
        %swap3A_1150 = vector.shape_cast %mul3A_1145 : vector<16xf32> to vector<1x16xf32>
        tpu.vector_store %arg14[%swap3A_1146, %swap3A_1147], %swap3A_1150 {strides = array<i32>} : memref<128x128xf32, #tpu.memory_space<vmem>>, vector<1x16xf32>,
        %get3A_1151 = arith.index_cast %add3A_1090 : i32 to index
        %get3A_1152 = arith.constant 96 : index
        %get3A_1153 = tpu.vector_load %arg14[%get3A_1151, %get3A_1152] {strides = array<i32>} : memref<128x128xf32, #tpu.memory_space<vmem>>, vector<1x16xf32>,
        %get3A_1154 = vector.shape_cast %get3A_1153 : vector<1x16xf32> to vector<16xf32>
        %mul3A_1155 = arith.mulf %get3A_1154, %gather3A_1086 : vector<16xf32>
        %swap3A_1156 = arith.index_cast %add3A_1090 : i32 to index
        %swap3A_1157 = arith.constant 96 : index
        %swap3A_1158 = tpu.vector_load %arg14[%swap3A_1156, %swap3A_1157] {strides = array<i32>} : memref<128x128xf32, #tpu.memory_space<vmem>>, vector<1x16xf32>,
        %swap3A_1159 = vector.shape_cast %swap3A_1158 : vector<1x16xf32> to vector<16xf32>
        %swap3A_1160 = vector.shape_cast %mul3A_1155 : vector<16xf32> to vector<1x16xf32>
        tpu.vector_store %arg14[%swap3A_1156, %swap3A_1157], %swap3A_1160 {strides = array<i32>} : memref<128x128xf32, #tpu.memory_space<vmem>>, vector<1x16xf32>,
        %get3A_1161 = arith.index_cast %add3A_1090 : i32 to index
        %get3A_1162 = arith.constant 112 : index
        %get3A_1163 = tpu.vector_load %arg14[%get3A_1161, %get3A_1162] {strides = array<i32>} : memref<128x128xf32, #tpu.memory_space<vmem>>, vector<1x16xf32>,
        %get3A_1164 = vector.shape_cast %get3A_1163 : vector<1x16xf32> to vector<16xf32>
        %mul3A_1165 = arith.mulf %get3A_1164, %gather3A_1086 : vector<16xf32>
        %swap3A_1166 = arith.index_cast %add3A_1090 : i32 to index
        %swap3A_1167 = arith.constant 112 : index
        %swap3A_1168 = tpu.vector_load %arg14[%swap3A_1166, %swap3A_1167] {strides = array<i32>} : memref<128x128xf32, #tpu.memory_space<vmem>>, vector<1x16xf32>,
        %swap3A_1169 = vector.shape_cast %swap3A_1168 : vector<1x16xf32> to vector<16xf32>
        %swap3A_1170 = vector.shape_cast %mul3A_1165 : vector<16xf32> to vector<1x16xf32>
        tpu.vector_store %arg14[%swap3A_1166, %swap3A_1167], %swap3A_1170 {strides = array<i32>} : memref<128x128xf32, #tpu.memory_space<vmem>>, vector<1x16xf32>,
        %broadcast_in_dim3A_1171 = arith.constant 11 : i32
        %broadcast_in_dim3A_1172 = vector.broadcast %broadcast_in_dim3A_1171 : i32 to vector<16xi32>
        %lt3A_1173 = arith.constant 0 : i32
        %lt3A_1174 = vector.broadcast %lt3A_1173 : i32 to vector<16xi32>
        %lt3A_1175 = arith.cmpi slt, %broadcast_in_dim3A_1172, %lt3A_1174 : vector<16xi32>
        %add3A_1176 = arith.constant 16 : i32
        %add3A_1177 = vector.broadcast %add3A_1176 : i32 to vector<16xi32>
        %add3A_1178 = arith.addi %broadcast_in_dim3A_1172, %add3A_1177 : vector<16xi32>
        %select_n3A_1179 = arith.select %lt3A_1175, %add3A_1178, %broadcast_in_dim3A_1172 : vector<16xi1>, vector<16xi32>
        %reshape3A_1180 = vector.shape_cast %select_n3A_1179 : vector<16xi32> to vector<16x1xi32>
        %gather3A_1181 = vector.shape_cast %reshape3A_1180 : vector<16x1xi32> to vector<16xi32>
        %gather3A_1182 = tpu.dynamic_gather %get3A_119[%gather3A_1181] in [0] : vector<16xf32>, vector<16xi32> -> vector<16xf32>
        %mul3A_1183 = arith.constant 16 : i32
        %mul3A_1184 = arith.muli %mul3A_1183, %scan3A_115 : i32
        %add3A_1185 = arith.constant 11 : i32
        %add3A_1186 = arith.addi %mul3A_1184, %add3A_1185 : i32
        %get3A_1187 = arith.index_cast %add3A_1186 : i32 to index
        %get3A_1188 = arith.constant 0 : index
        %get3A_1189 = tpu.vector_load %arg14[%get3A_1187, %get3A_1188] {strides = array<i32>} : memref<128x128xf32, #tpu.memory_space<vmem>>, vector<1x16xf32>,
        %get3A_1190 = vector.shape_cast %get3A_1189 : vector<1x16xf32> to vector<16xf32>
        %mul3A_1191 = arith.mulf %get3A_1190, %gather3A_1182 : vector<16xf32>
        %swap3A_1192 = arith.index_cast %add3A_1186 : i32 to index
        %swap3A_1193 = arith.constant 0 : index
        %swap3A_1194 = tpu.vector_load %arg14[%swap3A_1192, %swap3A_1193] {strides = array<i32>} : memref<128x128xf32, #tpu.memory_space<vmem>>, vector<1x16xf32>,
        %swap3A_1195 = vector.shape_cast %swap3A_1194 : vector<1x16xf32> to vector<16xf32>
        %swap3A_1196 = vector.shape_cast %mul3A_1191 : vector<16xf32> to vector<1x16xf32>
        tpu.vector_store %arg14[%swap3A_1192, %swap3A_1193], %swap3A_1196 {strides = array<i32>} : memref<128x128xf32, #tpu.memory_space<vmem>>, vector<1x16xf32>,
        %get3A_1197 = arith.index_cast %add3A_1186 : i32 to index
        %get3A_1198 = arith.constant 16 : index
        %get3A_1199 = tpu.vector_load %arg14[%get3A_1197, %get3A_1198] {strides = array<i32>} : memref<128x128xf32, #tpu.memory_space<vmem>>, vector<1x16xf32>,
        %get3A_1200 = vector.shape_cast %get3A_1199 : vector<1x16xf32> to vector<16xf32>
        %mul3A_1201 = arith.mulf %get3A_1200, %gather3A_1182 : vector<16xf32>
        %swap3A_1202 = arith.index_cast %add3A_1186 : i32 to index
        %swap3A_1203 = arith.constant 16 : index
        %swap3A_1204 = tpu.vector_load %arg14[%swap3A_1202, %swap3A_1203] {strides = array<i32>} : memref<128x128xf32, #tpu.memory_space<vmem>>, vector<1x16xf32>,
        %swap3A_1205 = vector.shape_cast %swap3A_1204 : vector<1x16xf32> to vector<16xf32>
        %swap3A_1206 = vector.shape_cast %mul3A_1201 : vector<16xf32> to vector<1x16xf32>
        tpu.vector_store %arg14[%swap3A_1202, %swap3A_1203], %swap3A_1206 {strides = array<i32>} : memref<128x128xf32, #tpu.memory_space<vmem>>, vector<1x16xf32>,
        %get3A_1207 = arith.index_cast %add3A_1186 : i32 to index
        %get3A_1208 = arith.constant 32 : index
        %get3A_1209 = tpu.vector_load %arg14[%get3A_1207, %get3A_1208] {strides = array<i32>} : memref<128x128xf32, #tpu.memory_space<vmem>>, vector<1x16xf32>,
        %get3A_1210 = vector.shape_cast %get3A_1209 : vector<1x16xf32> to vector<16xf32>
        %mul3A_1211 = arith.mulf %get3A_1210, %gather3A_1182 : vector<16xf32>
        %swap3A_1212 = arith.index_cast %add3A_1186 : i32 to index
        %swap3A_1213 = arith.constant 32 : index
        %swap3A_1214 = tpu.vector_load %arg14[%swap3A_1212, %swap3A_1213] {strides = array<i32>} : memref<128x128xf32, #tpu.memory_space<vmem>>, vector<1x16xf32>,
        %swap3A_1215 = vector.shape_cast %swap3A_1214 : vector<1x16xf32> to vector<16xf32>
        %swap3A_1216 = vector.shape_cast %mul3A_1211 : vector<16xf32> to vector<1x16xf32>
        tpu.vector_store %arg14[%swap3A_1212, %swap3A_1213], %swap3A_1216 {strides = array<i32>} : memref<128x128xf32, #tpu.memory_space<vmem>>, vector<1x16xf32>,
        %get3A_1217 = arith.index_cast %add3A_1186 : i32 to index
        %get3A_1218 = arith.constant 48 : index
        %get3A_1219 = tpu.vector_load %arg14[%get3A_1217, %get3A_1218] {strides = array<i32>} : memref<128x128xf32, #tpu.memory_space<vmem>>, vector<1x16xf32>,
        %get3A_1220 = vector.shape_cast %get3A_1219 : vector<1x16xf32> to vector<16xf32>
        %mul3A_1221 = arith.mulf %get3A_1220, %gather3A_1182 : vector<16xf32>
        %swap3A_1222 = arith.index_cast %add3A_1186 : i32 to index
        %swap3A_1223 = arith.constant 48 : index
        %swap3A_1224 = tpu.vector_load %arg14[%swap3A_1222, %swap3A_1223] {strides = array<i32>} : memref<128x128xf32, #tpu.memory_space<vmem>>, vector<1x16xf32>,
        %swap3A_1225 = vector.shape_cast %swap3A_1224 : vector<1x16xf32> to vector<16xf32>
        %swap3A_1226 = vector.shape_cast %mul3A_1221 : vector<16xf32> to vector<1x16xf32>
        tpu.vector_store %arg14[%swap3A_1222, %swap3A_1223], %swap3A_1226 {strides = array<i32>} : memref<128x128xf32, #tpu.memory_space<vmem>>, vector<1x16xf32>,
        %get3A_1227 = arith.index_cast %add3A_1186 : i32 to index
        %get3A_1228 = arith.constant 64 : index
        %get3A_1229 = tpu.vector_load %arg14[%get3A_1227, %get3A_1228] {strides = array<i32>} : memref<128x128xf32, #tpu.memory_space<vmem>>, vector<1x16xf32>,
        %get3A_1230 = vector.shape_cast %get3A_1229 : vector<1x16xf32> to vector<16xf32>
        %mul3A_1231 = arith.mulf %get3A_1230, %gather3A_1182 : vector<16xf32>
        %swap3A_1232 = arith.index_cast %add3A_1186 : i32 to index
        %swap3A_1233 = arith.constant 64 : index
        %swap3A_1234 = tpu.vector_load %arg14[%swap3A_1232, %swap3A_1233] {strides = array<i32>} : memref<128x128xf32, #tpu.memory_space<vmem>>, vector<1x16xf32>,
        %swap3A_1235 = vector.shape_cast %swap3A_1234 : vector<1x16xf32> to vector<16xf32>
        %swap3A_1236 = vector.shape_cast %mul3A_1231 : vector<16xf32> to vector<1x16xf32>
        tpu.vector_store %arg14[%swap3A_1232, %swap3A_1233], %swap3A_1236 {strides = array<i32>} : memref<128x128xf32, #tpu.memory_space<vmem>>, vector<1x16xf32>,
        %get3A_1237 = arith.index_cast %add3A_1186 : i32 to index
        %get3A_1238 = arith.constant 80 : index
        %get3A_1239 = tpu.vector_load %arg14[%get3A_1237, %get3A_1238] {strides = array<i32>} : memref<128x128xf32, #tpu.memory_space<vmem>>, vector<1x16xf32>,
        %get3A_1240 = vector.shape_cast %get3A_1239 : vector<1x16xf32> to vector<16xf32>
        %mul3A_1241 = arith.mulf %get3A_1240, %gather3A_1182 : vector<16xf32>
        %swap3A_1242 = arith.index_cast %add3A_1186 : i32 to index
        %swap3A_1243 = arith.constant 80 : index
        %swap3A_1244 = tpu.vector_load %arg14[%swap3A_1242, %swap3A_1243] {strides = array<i32>} : memref<128x128xf32, #tpu.memory_space<vmem>>, vector<1x16xf32>,
        %swap3A_1245 = vector.shape_cast %swap3A_1244 : vector<1x16xf32> to vector<16xf32>
        %swap3A_1246 = vector.shape_cast %mul3A_1241 : vector<16xf32> to vector<1x16xf32>
        tpu.vector_store %arg14[%swap3A_1242, %swap3A_1243], %swap3A_1246 {strides = array<i32>} : memref<128x128xf32, #tpu.memory_space<vmem>>, vector<1x16xf32>,
        %get3A_1247 = arith.index_cast %add3A_1186 : i32 to index
        %get3A_1248 = arith.constant 96 : index
        %get3A_1249 = tpu.vector_load %arg14[%get3A_1247, %get3A_1248] {strides = array<i32>} : memref<128x128xf32, #tpu.memory_space<vmem>>, vector<1x16xf32>,
        %get3A_1250 = vector.shape_cast %get3A_1249 : vector<1x16xf32> to vector<16xf32>
        %mul3A_1251 = arith.mulf %get3A_1250, %gather3A_1182 : vector<16xf32>
        %swap3A_1252 = arith.index_cast %add3A_1186 : i32 to index
        %swap3A_1253 = arith.constant 96 : index
        %swap3A_1254 = tpu.vector_load %arg14[%swap3A_1252, %swap3A_1253] {strides = array<i32>} : memref<128x128xf32, #tpu.memory_space<vmem>>, vector<1x16xf32>,
        %swap3A_1255 = vector.shape_cast %swap3A_1254 : vector<1x16xf32> to vector<16xf32>
        %swap3A_1256 = vector.shape_cast %mul3A_1251 : vector<16xf32> to vector<1x16xf32>
        tpu.vector_store %arg14[%swap3A_1252, %swap3A_1253], %swap3A_1256 {strides = array<i32>} : memref<128x128xf32, #tpu.memory_space<vmem>>, vector<1x16xf32>,
        %get3A_1257 = arith.index_cast %add3A_1186 : i32 to index
        %get3A_1258 = arith.constant 112 : index
        %get3A_1259 = tpu.vector_load %arg14[%get3A_1257, %get3A_1258] {strides = array<i32>} : memref<128x128xf32, #tpu.memory_space<vmem>>, vector<1x16xf32>,
        %get3A_1260 = vector.shape_cast %get3A_1259 : vector<1x16xf32> to vector<16xf32>
        %mul3A_1261 = arith.mulf %get3A_1260, %gather3A_1182 : vector<16xf32>
        %swap3A_1262 = arith.index_cast %add3A_1186 : i32 to index
        %swap3A_1263 = arith.constant 112 : index
        %swap3A_1264 = tpu.vector_load %arg14[%swap3A_1262, %swap3A_1263] {strides = array<i32>} : memref<128x128xf32, #tpu.memory_space<vmem>>, vector<1x16xf32>,
        %swap3A_1265 = vector.shape_cast %swap3A_1264 : vector<1x16xf32> to vector<16xf32>
        %swap3A_1266 = vector.shape_cast %mul3A_1261 : vector<16xf32> to vector<1x16xf32>
        tpu.vector_store %arg14[%swap3A_1262, %swap3A_1263], %swap3A_1266 {strides = array<i32>} : memref<128x128xf32, #tpu.memory_space<vmem>>, vector<1x16xf32>,
        %broadcast_in_dim3A_1267 = arith.constant 12 : i32
        %broadcast_in_dim3A_1268 = vector.broadcast %broadcast_in_dim3A_1267 : i32 to vector<16xi32>
        %lt3A_1269 = arith.constant 0 : i32
        %lt3A_1270 = vector.broadcast %lt3A_1269 : i32 to vector<16xi32>
        %lt3A_1271 = arith.cmpi slt, %broadcast_in_dim3A_1268, %lt3A_1270 : vector<16xi32>
        %add3A_1272 = arith.constant 16 : i32
        %add3A_1273 = vector.broadcast %add3A_1272 : i32 to vector<16xi32>
        %add3A_1274 = arith.addi %broadcast_in_dim3A_1268, %add3A_1273 : vector<16xi32>
        %select_n3A_1275 = arith.select %lt3A_1271, %add3A_1274, %broadcast_in_dim3A_1268 : vector<16xi1>, vector<16xi32>
        %reshape3A_1276 = vector.shape_cast %select_n3A_1275 : vector<16xi32> to vector<16x1xi32>
        %gather3A_1277 = vector.shape_cast %reshape3A_1276 : vector<16x1xi32> to vector<16xi32>
        %gather3A_1278 = tpu.dynamic_gather %get3A_119[%gather3A_1277] in [0] : vector<16xf32>, vector<16xi32> -> vector<16xf32>
        %mul3A_1279 = arith.constant 16 : i32
        %mul3A_1280 = arith.muli %mul3A_1279, %scan3A_115 : i32
        %add3A_1281 = arith.constant 12 : i32
        %add3A_1282 = arith.addi %mul3A_1280, %add3A_1281 : i32
        %get3A_1283 = arith.index_cast %add3A_1282 : i32 to index
        %get3A_1284 = arith.constant 0 : index
        %get3A_1285 = tpu.vector_load %arg14[%get3A_1283, %get3A_1284] {strides = array<i32>} : memref<128x128xf32, #tpu.memory_space<vmem>>, vector<1x16xf32>,
        %get3A_1286 = vector.shape_cast %get3A_1285 : vector<1x16xf32> to vector<16xf32>
        %mul3A_1287 = arith.mulf %get3A_1286, %gather3A_1278 : vector<16xf32>
        %swap3A_1288 = arith.index_cast %add3A_1282 : i32 to index
        %swap3A_1289 = arith.constant 0 : index
        %swap3A_1290 = tpu.vector_load %arg14[%swap3A_1288, %swap3A_1289] {strides = array<i32>} : memref<128x128xf32, #tpu.memory_space<vmem>>, vector<1x16xf32>,
        %swap3A_1291 = vector.shape_cast %swap3A_1290 : vector<1x16xf32> to vector<16xf32>
        %swap3A_1292 = vector.shape_cast %mul3A_1287 : vector<16xf32> to vector<1x16xf32>
        tpu.vector_store %arg14[%swap3A_1288, %swap3A_1289], %swap3A_1292 {strides = array<i32>} : memref<128x128xf32, #tpu.memory_space<vmem>>, vector<1x16xf32>,
        %get3A_1293 = arith.index_cast %add3A_1282 : i32 to index
        %get3A_1294 = arith.constant 16 : index
        %get3A_1295 = tpu.vector_load %arg14[%get3A_1293, %get3A_1294] {strides = array<i32>} : memref<128x128xf32, #tpu.memory_space<vmem>>, vector<1x16xf32>,
        %get3A_1296 = vector.shape_cast %get3A_1295 : vector<1x16xf32> to vector<16xf32>
        %mul3A_1297 = arith.mulf %get3A_1296, %gather3A_1278 : vector<16xf32>
        %swap3A_1298 = arith.index_cast %add3A_1282 : i32 to index
        %swap3A_1299 = arith.constant 16 : index
        %swap3A_1300 = tpu.vector_load %arg14[%swap3A_1298, %swap3A_1299] {strides = array<i32>} : memref<128x128xf32, #tpu.memory_space<vmem>>, vector<1x16xf32>,
        %swap3A_1301 = vector.shape_cast %swap3A_1300 : vector<1x16xf32> to vector<16xf32>
        %swap3A_1302 = vector.shape_cast %mul3A_1297 : vector<16xf32> to vector<1x16xf32>
        tpu.vector_store %arg14[%swap3A_1298, %swap3A_1299], %swap3A_1302 {strides = array<i32>} : memref<128x128xf32, #tpu.memory_space<vmem>>, vector<1x16xf32>,
        %get3A_1303 = arith.index_cast %add3A_1282 : i32 to index
        %get3A_1304 = arith.constant 32 : index
        %get3A_1305 = tpu.vector_load %arg14[%get3A_1303, %get3A_1304] {strides = array<i32>} : memref<128x128xf32, #tpu.memory_space<vmem>>, vector<1x16xf32>,
        %get3A_1306 = vector.shape_cast %get3A_1305 : vector<1x16xf32> to vector<16xf32>
        %mul3A_1307 = arith.mulf %get3A_1306, %gather3A_1278 : vector<16xf32>
        %swap3A_1308 = arith.index_cast %add3A_1282 : i32 to index
        %swap3A_1309 = arith.constant 32 : index
        %swap3A_1310 = tpu.vector_load %arg14[%swap3A_1308, %swap3A_1309] {strides = array<i32>} : memref<128x128xf32, #tpu.memory_space<vmem>>, vector<1x16xf32>,
        %swap3A_1311 = vector.shape_cast %swap3A_1310 : vector<1x16xf32> to vector<16xf32>
        %swap3A_1312 = vector.shape_cast %mul3A_1307 : vector<16xf32> to vector<1x16xf32>
        tpu.vector_store %arg14[%swap3A_1308, %swap3A_1309], %swap3A_1312 {strides = array<i32>} : memref<128x128xf32, #tpu.memory_space<vmem>>, vector<1x16xf32>,
        %get3A_1313 = arith.index_cast %add3A_1282 : i32 to index
        %get3A_1314 = arith.constant 48 : index
        %get3A_1315 = tpu.vector_load %arg14[%get3A_1313, %get3A_1314] {strides = array<i32>} : memref<128x128xf32, #tpu.memory_space<vmem>>, vector<1x16xf32>,
        %get3A_1316 = vector.shape_cast %get3A_1315 : vector<1x16xf32> to vector<16xf32>
        %mul3A_1317 = arith.mulf %get3A_1316, %gather3A_1278 : vector<16xf32>
        %swap3A_1318 = arith.index_cast %add3A_1282 : i32 to index
        %swap3A_1319 = arith.constant 48 : index
        %swap3A_1320 = tpu.vector_load %arg14[%swap3A_1318, %swap3A_1319] {strides = array<i32>} : memref<128x128xf32, #tpu.memory_space<vmem>>, vector<1x16xf32>,
        %swap3A_1321 = vector.shape_cast %swap3A_1320 : vector<1x16xf32> to vector<16xf32>
        %swap3A_1322 = vector.shape_cast %mul3A_1317 : vector<16xf32> to vector<1x16xf32>
        tpu.vector_store %arg14[%swap3A_1318, %swap3A_1319], %swap3A_1322 {strides = array<i32>} : memref<128x128xf32, #tpu.memory_space<vmem>>, vector<1x16xf32>,
        %get3A_1323 = arith.index_cast %add3A_1282 : i32 to index
        %get3A_1324 = arith.constant 64 : index
        %get3A_1325 = tpu.vector_load %arg14[%get3A_1323, %get3A_1324] {strides = array<i32>} : memref<128x128xf32, #tpu.memory_space<vmem>>, vector<1x16xf32>,
        %get3A_1326 = vector.shape_cast %get3A_1325 : vector<1x16xf32> to vector<16xf32>
        %mul3A_1327 = arith.mulf %get3A_1326, %gather3A_1278 : vector<16xf32>
        %swap3A_1328 = arith.index_cast %add3A_1282 : i32 to index
        %swap3A_1329 = arith.constant 64 : index
        %swap3A_1330 = tpu.vector_load %arg14[%swap3A_1328, %swap3A_1329] {strides = array<i32>} : memref<128x128xf32, #tpu.memory_space<vmem>>, vector<1x16xf32>,
        %swap3A_1331 = vector.shape_cast %swap3A_1330 : vector<1x16xf32> to vector<16xf32>
        %swap3A_1332 = vector.shape_cast %mul3A_1327 : vector<16xf32> to vector<1x16xf32>
        tpu.vector_store %arg14[%swap3A_1328, %swap3A_1329], %swap3A_1332 {strides = array<i32>} : memref<128x128xf32, #tpu.memory_space<vmem>>, vector<1x16xf32>,
        %get3A_1333 = arith.index_cast %add3A_1282 : i32 to index
        %get3A_1334 = arith.constant 80 : index
        %get3A_1335 = tpu.vector_load %arg14[%get3A_1333, %get3A_1334] {strides = array<i32>} : memref<128x128xf32, #tpu.memory_space<vmem>>, vector<1x16xf32>,
        %get3A_1336 = vector.shape_cast %get3A_1335 : vector<1x16xf32> to vector<16xf32>
        %mul3A_1337 = arith.mulf %get3A_1336, %gather3A_1278 : vector<16xf32>
        %swap3A_1338 = arith.index_cast %add3A_1282 : i32 to index
        %swap3A_1339 = arith.constant 80 : index
        %swap3A_1340 = tpu.vector_load %arg14[%swap3A_1338, %swap3A_1339] {strides = array<i32>} : memref<128x128xf32, #tpu.memory_space<vmem>>, vector<1x16xf32>,
        %swap3A_1341 = vector.shape_cast %swap3A_1340 : vector<1x16xf32> to vector<16xf32>
        %swap3A_1342 = vector.shape_cast %mul3A_1337 : vector<16xf32> to vector<1x16xf32>
        tpu.vector_store %arg14[%swap3A_1338, %swap3A_1339], %swap3A_1342 {strides = array<i32>} : memref<128x128xf32, #tpu.memory_space<vmem>>, vector<1x16xf32>,
        %get3A_1343 = arith.index_cast %add3A_1282 : i32 to index
        %get3A_1344 = arith.constant 96 : index
        %get3A_1345 = tpu.vector_load %arg14[%get3A_1343, %get3A_1344] {strides = array<i32>} : memref<128x128xf32, #tpu.memory_space<vmem>>, vector<1x16xf32>,
        %get3A_1346 = vector.shape_cast %get3A_1345 : vector<1x16xf32> to vector<16xf32>
        %mul3A_1347 = arith.mulf %get3A_1346, %gather3A_1278 : vector<16xf32>
        %swap3A_1348 = arith.index_cast %add3A_1282 : i32 to index
        %swap3A_1349 = arith.constant 96 : index
        %swap3A_1350 = tpu.vector_load %arg14[%swap3A_1348, %swap3A_1349] {strides = array<i32>} : memref<128x128xf32, #tpu.memory_space<vmem>>, vector<1x16xf32>,
        %swap3A_1351 = vector.shape_cast %swap3A_1350 : vector<1x16xf32> to vector<16xf32>
        %swap3A_1352 = vector.shape_cast %mul3A_1347 : vector<16xf32> to vector<1x16xf32>
        tpu.vector_store %arg14[%swap3A_1348, %swap3A_1349], %swap3A_1352 {strides = array<i32>} : memref<128x128xf32, #tpu.memory_space<vmem>>, vector<1x16xf32>,
        %get3A_1353 = arith.index_cast %add3A_1282 : i32 to index
        %get3A_1354 = arith.constant 112 : index
        %get3A_1355 = tpu.vector_load %arg14[%get3A_1353, %get3A_1354] {strides = array<i32>} : memref<128x128xf32, #tpu.memory_space<vmem>>, vector<1x16xf32>,
        %get3A_1356 = vector.shape_cast %get3A_1355 : vector<1x16xf32> to vector<16xf32>
        %mul3A_1357 = arith.mulf %get3A_1356, %gather3A_1278 : vector<16xf32>
        %swap3A_1358 = arith.index_cast %add3A_1282 : i32 to index
        %swap3A_1359 = arith.constant 112 : index
        %swap3A_1360 = tpu.vector_load %arg14[%swap3A_1358, %swap3A_1359] {strides = array<i32>} : memref<128x128xf32, #tpu.memory_space<vmem>>, vector<1x16xf32>,
        %swap3A_1361 = vector.shape_cast %swap3A_1360 : vector<1x16xf32> to vector<16xf32>
        %swap3A_1362 = vector.shape_cast %mul3A_1357 : vector<16xf32> to vector<1x16xf32>
        tpu.vector_store %arg14[%swap3A_1358, %swap3A_1359], %swap3A_1362 {strides = array<i32>} : memref<128x128xf32, #tpu.memory_space<vmem>>, vector<1x16xf32>,
        %broadcast_in_dim3A_1363 = arith.constant 13 : i32
        %broadcast_in_dim3A_1364 = vector.broadcast %broadcast_in_dim3A_1363 : i32 to vector<16xi32>
        %lt3A_1365 = arith.constant 0 : i32
        %lt3A_1366 = vector.broadcast %lt3A_1365 : i32 to vector<16xi32>
        %lt3A_1367 = arith.cmpi slt, %broadcast_in_dim3A_1364, %lt3A_1366 : vector<16xi32>
        %add3A_1368 = arith.constant 16 : i32
        %add3A_1369 = vector.broadcast %add3A_1368 : i32 to vector<16xi32>
        %add3A_1370 = arith.addi %broadcast_in_dim3A_1364, %add3A_1369 : vector<16xi32>
        %select_n3A_1371 = arith.select %lt3A_1367, %add3A_1370, %broadcast_in_dim3A_1364 : vector<16xi1>, vector<16xi32>
        %reshape3A_1372 = vector.shape_cast %select_n3A_1371 : vector<16xi32> to vector<16x1xi32>
        %gather3A_1373 = vector.shape_cast %reshape3A_1372 : vector<16x1xi32> to vector<16xi32>
        %gather3A_1374 = tpu.dynamic_gather %get3A_119[%gather3A_1373] in [0] : vector<16xf32>, vector<16xi32> -> vector<16xf32>
        %mul3A_1375 = arith.constant 16 : i32
        %mul3A_1376 = arith.muli %mul3A_1375, %scan3A_115 : i32
        %add3A_1377 = arith.constant 13 : i32
        %add3A_1378 = arith.addi %mul3A_1376, %add3A_1377 : i32
        %get3A_1379 = arith.index_cast %add3A_1378 : i32 to index
        %get3A_1380 = arith.constant 0 : index
        %get3A_1381 = tpu.vector_load %arg14[%get3A_1379, %get3A_1380] {strides = array<i32>} : memref<128x128xf32, #tpu.memory_space<vmem>>, vector<1x16xf32>,
        %get3A_1382 = vector.shape_cast %get3A_1381 : vector<1x16xf32> to vector<16xf32>
        %mul3A_1383 = arith.mulf %get3A_1382, %gather3A_1374 : vector<16xf32>
        %swap3A_1384 = arith.index_cast %add3A_1378 : i32 to index
        %swap3A_1385 = arith.constant 0 : index
        %swap3A_1386 = tpu.vector_load %arg14[%swap3A_1384, %swap3A_1385] {strides = array<i32>} : memref<128x128xf32, #tpu.memory_space<vmem>>, vector<1x16xf32>,
        %swap3A_1387 = vector.shape_cast %swap3A_1386 : vector<1x16xf32> to vector<16xf32>
        %swap3A_1388 = vector.shape_cast %mul3A_1383 : vector<16xf32> to vector<1x16xf32>
        tpu.vector_store %arg14[%swap3A_1384, %swap3A_1385], %swap3A_1388 {strides = array<i32>} : memref<128x128xf32, #tpu.memory_space<vmem>>, vector<1x16xf32>,
        %get3A_1389 = arith.index_cast %add3A_1378 : i32 to index
        %get3A_1390 = arith.constant 16 : index
        %get3A_1391 = tpu.vector_load %arg14[%get3A_1389, %get3A_1390] {strides = array<i32>} : memref<128x128xf32, #tpu.memory_space<vmem>>, vector<1x16xf32>,
        %get3A_1392 = vector.shape_cast %get3A_1391 : vector<1x16xf32> to vector<16xf32>
        %mul3A_1393 = arith.mulf %get3A_1392, %gather3A_1374 : vector<16xf32>
        %swap3A_1394 = arith.index_cast %add3A_1378 : i32 to index
        %swap3A_1395 = arith.constant 16 : index
        %swap3A_1396 = tpu.vector_load %arg14[%swap3A_1394, %swap3A_1395] {strides = array<i32>} : memref<128x128xf32, #tpu.memory_space<vmem>>, vector<1x16xf32>,
        %swap3A_1397 = vector.shape_cast %swap3A_1396 : vector<1x16xf32> to vector<16xf32>
        %swap3A_1398 = vector.shape_cast %mul3A_1393 : vector<16xf32> to vector<1x16xf32>
        tpu.vector_store %arg14[%swap3A_1394, %swap3A_1395], %swap3A_1398 {strides = array<i32>} : memref<128x128xf32, #tpu.memory_space<vmem>>, vector<1x16xf32>,
        %get3A_1399 = arith.index_cast %add3A_1378 : i32 to index
        %get3A_1400 = arith.constant 32 : index
        %get3A_1401 = tpu.vector_load %arg14[%get3A_1399, %get3A_1400] {strides = array<i32>} : memref<128x128xf32, #tpu.memory_space<vmem>>, vector<1x16xf32>,
        %get3A_1402 = vector.shape_cast %get3A_1401 : vector<1x16xf32> to vector<16xf32>
        %mul3A_1403 = arith.mulf %get3A_1402, %gather3A_1374 : vector<16xf32>
        %swap3A_1404 = arith.index_cast %add3A_1378 : i32 to index
        %swap3A_1405 = arith.constant 32 : index
        %swap3A_1406 = tpu.vector_load %arg14[%swap3A_1404, %swap3A_1405] {strides = array<i32>} : memref<128x128xf32, #tpu.memory_space<vmem>>, vector<1x16xf32>,
        %swap3A_1407 = vector.shape_cast %swap3A_1406 : vector<1x16xf32> to vector<16xf32>
        %swap3A_1408 = vector.shape_cast %mul3A_1403 : vector<16xf32> to vector<1x16xf32>
        tpu.vector_store %arg14[%swap3A_1404, %swap3A_1405], %swap3A_1408 {strides = array<i32>} : memref<128x128xf32, #tpu.memory_space<vmem>>, vector<1x16xf32>,
        %get3A_1409 = arith.index_cast %add3A_1378 : i32 to index
        %get3A_1410 = arith.constant 48 : index
        %get3A_1411 = tpu.vector_load %arg14[%get3A_1409, %get3A_1410] {strides = array<i32>} : memref<128x128xf32, #tpu.memory_space<vmem>>, vector<1x16xf32>,
        %get3A_1412 = vector.shape_cast %get3A_1411 : vector<1x16xf32> to vector<16xf32>
        %mul3A_1413 = arith.mulf %get3A_1412, %gather3A_1374 : vector<16xf32>
        %swap3A_1414 = arith.index_cast %add3A_1378 : i32 to index
        %swap3A_1415 = arith.constant 48 : index
        %swap3A_1416 = tpu.vector_load %arg14[%swap3A_1414, %swap3A_1415] {strides = array<i32>} : memref<128x128xf32, #tpu.memory_space<vmem>>, vector<1x16xf32>,
        %swap3A_1417 = vector.shape_cast %swap3A_1416 : vector<1x16xf32> to vector<16xf32>
        %swap3A_1418 = vector.shape_cast %mul3A_1413 : vector<16xf32> to vector<1x16xf32>
        tpu.vector_store %arg14[%swap3A_1414, %swap3A_1415], %swap3A_1418 {strides = array<i32>} : memref<128x128xf32, #tpu.memory_space<vmem>>, vector<1x16xf32>,
        %get3A_1419 = arith.index_cast %add3A_1378 : i32 to index
        %get3A_1420 = arith.constant 64 : index
        %get3A_1421 = tpu.vector_load %arg14[%get3A_1419, %get3A_1420] {strides = array<i32>} : memref<128x128xf32, #tpu.memory_space<vmem>>, vector<1x16xf32>,
        %get3A_1422 = vector.shape_cast %get3A_1421 : vector<1x16xf32> to vector<16xf32>
        %mul3A_1423 = arith.mulf %get3A_1422, %gather3A_1374 : vector<16xf32>
        %swap3A_1424 = arith.index_cast %add3A_1378 : i32 to index
        %swap3A_1425 = arith.constant 64 : index
        %swap3A_1426 = tpu.vector_load %arg14[%swap3A_1424, %swap3A_1425] {strides = array<i32>} : memref<128x128xf32, #tpu.memory_space<vmem>>, vector<1x16xf32>,
        %swap3A_1427 = vector.shape_cast %swap3A_1426 : vector<1x16xf32> to vector<16xf32>
        %swap3A_1428 = vector.shape_cast %mul3A_1423 : vector<16xf32> to vector<1x16xf32>
        tpu.vector_store %arg14[%swap3A_1424, %swap3A_1425], %swap3A_1428 {strides = array<i32>} : memref<128x128xf32, #tpu.memory_space<vmem>>, vector<1x16xf32>,
        %get3A_1429 = arith.index_cast %add3A_1378 : i32 to index
        %get3A_1430 = arith.constant 80 : index
        %get3A_1431 = tpu.vector_load %arg14[%get3A_1429, %get3A_1430] {strides = array<i32>} : memref<128x128xf32, #tpu.memory_space<vmem>>, vector<1x16xf32>,
        %get3A_1432 = vector.shape_cast %get3A_1431 : vector<1x16xf32> to vector<16xf32>
        %mul3A_1433 = arith.mulf %get3A_1432, %gather3A_1374 : vector<16xf32>
        %swap3A_1434 = arith.index_cast %add3A_1378 : i32 to index
        %swap3A_1435 = arith.constant 80 : index
        %swap3A_1436 = tpu.vector_load %arg14[%swap3A_1434, %swap3A_1435] {strides = array<i32>} : memref<128x128xf32, #tpu.memory_space<vmem>>, vector<1x16xf32>,
        %swap3A_1437 = vector.shape_cast %swap3A_1436 : vector<1x16xf32> to vector<16xf32>
        %swap3A_1438 = vector.shape_cast %mul3A_1433 : vector<16xf32> to vector<1x16xf32>
        tpu.vector_store %arg14[%swap3A_1434, %swap3A_1435], %swap3A_1438 {strides = array<i32>} : memref<128x128xf32, #tpu.memory_space<vmem>>, vector<1x16xf32>,
        %get3A_1439 = arith.index_cast %add3A_1378 : i32 to index
        %get3A_1440 = arith.constant 96 : index
        %get3A_1441 = tpu.vector_load %arg14[%get3A_1439, %get3A_1440] {strides = array<i32>} : memref<128x128xf32, #tpu.memory_space<vmem>>, vector<1x16xf32>,
        %get3A_1442 = vector.shape_cast %get3A_1441 : vector<1x16xf32> to vector<16xf32>
        %mul3A_1443 = arith.mulf %get3A_1442, %gather3A_1374 : vector<16xf32>
        %swap3A_1444 = arith.index_cast %add3A_1378 : i32 to index
        %swap3A_1445 = arith.constant 96 : index
        %swap3A_1446 = tpu.vector_load %arg14[%swap3A_1444, %swap3A_1445] {strides = array<i32>} : memref<128x128xf32, #tpu.memory_space<vmem>>, vector<1x16xf32>,
        %swap3A_1447 = vector.shape_cast %swap3A_1446 : vector<1x16xf32> to vector<16xf32>
        %swap3A_1448 = vector.shape_cast %mul3A_1443 : vector<16xf32> to vector<1x16xf32>
        tpu.vector_store %arg14[%swap3A_1444, %swap3A_1445], %swap3A_1448 {strides = array<i32>} : memref<128x128xf32, #tpu.memory_space<vmem>>, vector<1x16xf32>,
        %get3A_1449 = arith.index_cast %add3A_1378 : i32 to index
        %get3A_1450 = arith.constant 112 : index
        %get3A_1451 = tpu.vector_load %arg14[%get3A_1449, %get3A_1450] {strides = array<i32>} : memref<128x128xf32, #tpu.memory_space<vmem>>, vector<1x16xf32>,
        %get3A_1452 = vector.shape_cast %get3A_1451 : vector<1x16xf32> to vector<16xf32>
        %mul3A_1453 = arith.mulf %get3A_1452, %gather3A_1374 : vector<16xf32>
        %swap3A_1454 = arith.index_cast %add3A_1378 : i32 to index
        %swap3A_1455 = arith.constant 112 : index
        %swap3A_1456 = tpu.vector_load %arg14[%swap3A_1454, %swap3A_1455] {strides = array<i32>} : memref<128x128xf32, #tpu.memory_space<vmem>>, vector<1x16xf32>,
        %swap3A_1457 = vector.shape_cast %swap3A_1456 : vector<1x16xf32> to vector<16xf32>
        %swap3A_1458 = vector.shape_cast %mul3A_1453 : vector<16xf32> to vector<1x16xf32>
        tpu.vector_store %arg14[%swap3A_1454, %swap3A_1455], %swap3A_1458 {strides = array<i32>} : memref<128x128xf32, #tpu.memory_space<vmem>>, vector<1x16xf32>,
        %broadcast_in_dim3A_1459 = arith.constant 14 : i32
        %broadcast_in_dim3A_1460 = vector.broadcast %broadcast_in_dim3A_1459 : i32 to vector<16xi32>
        %lt3A_1461 = arith.constant 0 : i32
        %lt3A_1462 = vector.broadcast %lt3A_1461 : i32 to vector<16xi32>
        %lt3A_1463 = arith.cmpi slt, %broadcast_in_dim3A_1460, %lt3A_1462 : vector<16xi32>
        %add3A_1464 = arith.constant 16 : i32
        %add3A_1465 = vector.broadcast %add3A_1464 : i32 to vector<16xi32>
        %add3A_1466 = arith.addi %broadcast_in_dim3A_1460, %add3A_1465 : vector<16xi32>
        %select_n3A_1467 = arith.select %lt3A_1463, %add3A_1466, %broadcast_in_dim3A_1460 : vector<16xi1>, vector<16xi32>
        %reshape3A_1468 = vector.shape_cast %select_n3A_1467 : vector<16xi32> to vector<16x1xi32>
        %gather3A_1469 = vector.shape_cast %reshape3A_1468 : vector<16x1xi32> to vector<16xi32>
        %gather3A_1470 = tpu.dynamic_gather %get3A_119[%gather3A_1469] in [0] : vector<16xf32>, vector<16xi32> -> vector<16xf32>
        %mul3A_1471 = arith.constant 16 : i32
        %mul3A_1472 = arith.muli %mul3A_1471, %scan3A_115 : i32
        %add3A_1473 = arith.constant 14 : i32
        %add3A_1474 = arith.addi %mul3A_1472, %add3A_1473 : i32
        %get3A_1475 = arith.index_cast %add3A_1474 : i32 to index
        %get3A_1476 = arith.constant 0 : index
        %get3A_1477 = tpu.vector_load %arg14[%get3A_1475, %get3A_1476] {strides = array<i32>} : memref<128x128xf32, #tpu.memory_space<vmem>>, vector<1x16xf32>,
        %get3A_1478 = vector.shape_cast %get3A_1477 : vector<1x16xf32> to vector<16xf32>
        %mul3A_1479 = arith.mulf %get3A_1478, %gather3A_1470 : vector<16xf32>
        %swap3A_1480 = arith.index_cast %add3A_1474 : i32 to index
        %swap3A_1481 = arith.constant 0 : index
        %swap3A_1482 = tpu.vector_load %arg14[%swap3A_1480, %swap3A_1481] {strides = array<i32>} : memref<128x128xf32, #tpu.memory_space<vmem>>, vector<1x16xf32>,
        %swap3A_1483 = vector.shape_cast %swap3A_1482 : vector<1x16xf32> to vector<16xf32>
        %swap3A_1484 = vector.shape_cast %mul3A_1479 : vector<16xf32> to vector<1x16xf32>
        tpu.vector_store %arg14[%swap3A_1480, %swap3A_1481], %swap3A_1484 {strides = array<i32>} : memref<128x128xf32, #tpu.memory_space<vmem>>, vector<1x16xf32>,
        %get3A_1485 = arith.index_cast %add3A_1474 : i32 to index
        %get3A_1486 = arith.constant 16 : index
        %get3A_1487 = tpu.vector_load %arg14[%get3A_1485, %get3A_1486] {strides = array<i32>} : memref<128x128xf32, #tpu.memory_space<vmem>>, vector<1x16xf32>,
        %get3A_1488 = vector.shape_cast %get3A_1487 : vector<1x16xf32> to vector<16xf32>
        %mul3A_1489 = arith.mulf %get3A_1488, %gather3A_1470 : vector<16xf32>
        %swap3A_1490 = arith.index_cast %add3A_1474 : i32 to index
        %swap3A_1491 = arith.constant 16 : index
        %swap3A_1492 = tpu.vector_load %arg14[%swap3A_1490, %swap3A_1491] {strides = array<i32>} : memref<128x128xf32, #tpu.memory_space<vmem>>, vector<1x16xf32>,
        %swap3A_1493 = vector.shape_cast %swap3A_1492 : vector<1x16xf32> to vector<16xf32>
        %swap3A_1494 = vector.shape_cast %mul3A_1489 : vector<16xf32> to vector<1x16xf32>
        tpu.vector_store %arg14[%swap3A_1490, %swap3A_1491], %swap3A_1494 {strides = array<i32>} : memref<128x128xf32, #tpu.memory_space<vmem>>, vector<1x16xf32>,
        %get3A_1495 = arith.index_cast %add3A_1474 : i32 to index
        %get3A_1496 = arith.constant 32 : index
        %get3A_1497 = tpu.vector_load %arg14[%get3A_1495, %get3A_1496] {strides = array<i32>} : memref<128x128xf32, #tpu.memory_space<vmem>>, vector<1x16xf32>,
        %get3A_1498 = vector.shape_cast %get3A_1497 : vector<1x16xf32> to vector<16xf32>
        %mul3A_1499 = arith.mulf %get3A_1498, %gather3A_1470 : vector<16xf32>
        %swap3A_1500 = arith.index_cast %add3A_1474 : i32 to index
        %swap3A_1501 = arith.constant 32 : index
        %swap3A_1502 = tpu.vector_load %arg14[%swap3A_1500, %swap3A_1501] {strides = array<i32>} : memref<128x128xf32, #tpu.memory_space<vmem>>, vector<1x16xf32>,
        %swap3A_1503 = vector.shape_cast %swap3A_1502 : vector<1x16xf32> to vector<16xf32>
        %swap3A_1504 = vector.shape_cast %mul3A_1499 : vector<16xf32> to vector<1x16xf32>
        tpu.vector_store %arg14[%swap3A_1500, %swap3A_1501], %swap3A_1504 {strides = array<i32>} : memref<128x128xf32, #tpu.memory_space<vmem>>, vector<1x16xf32>,
        %get3A_1505 = arith.index_cast %add3A_1474 : i32 to index
        %get3A_1506 = arith.constant 48 : index
        %get3A_1507 = tpu.vector_load %arg14[%get3A_1505, %get3A_1506] {strides = array<i32>} : memref<128x128xf32, #tpu.memory_space<vmem>>, vector<1x16xf32>,
        %get3A_1508 = vector.shape_cast %get3A_1507 : vector<1x16xf32> to vector<16xf32>
        %mul3A_1509 = arith.mulf %get3A_1508, %gather3A_1470 : vector<16xf32>
        %swap3A_1510 = arith.index_cast %add3A_1474 : i32 to index
        %swap3A_1511 = arith.constant 48 : index
        %swap3A_1512 = tpu.vector_load %arg14[%swap3A_1510, %swap3A_1511] {strides = array<i32>} : memref<128x128xf32, #tpu.memory_space<vmem>>, vector<1x16xf32>,
        %swap3A_1513 = vector.shape_cast %swap3A_1512 : vector<1x16xf32> to vector<16xf32>
        %swap3A_1514 = vector.shape_cast %mul3A_1509 : vector<16xf32> to vector<1x16xf32>
        tpu.vector_store %arg14[%swap3A_1510, %swap3A_1511], %swap3A_1514 {strides = array<i32>} : memref<128x128xf32, #tpu.memory_space<vmem>>, vector<1x16xf32>,
        %get3A_1515 = arith.index_cast %add3A_1474 : i32 to index
        %get3A_1516 = arith.constant 64 : index
        %get3A_1517 = tpu.vector_load %arg14[%get3A_1515, %get3A_1516] {strides = array<i32>} : memref<128x128xf32, #tpu.memory_space<vmem>>, vector<1x16xf32>,
        %get3A_1518 = vector.shape_cast %get3A_1517 : vector<1x16xf32> to vector<16xf32>
        %mul3A_1519 = arith.mulf %get3A_1518, %gather3A_1470 : vector<16xf32>
        %swap3A_1520 = arith.index_cast %add3A_1474 : i32 to index
        %swap3A_1521 = arith.constant 64 : index
        %swap3A_1522 = tpu.vector_load %arg14[%swap3A_1520, %swap3A_1521] {strides = array<i32>} : memref<128x128xf32, #tpu.memory_space<vmem>>, vector<1x16xf32>,
        %swap3A_1523 = vector.shape_cast %swap3A_1522 : vector<1x16xf32> to vector<16xf32>
        %swap3A_1524 = vector.shape_cast %mul3A_1519 : vector<16xf32> to vector<1x16xf32>
        tpu.vector_store %arg14[%swap3A_1520, %swap3A_1521], %swap3A_1524 {strides = array<i32>} : memref<128x128xf32, #tpu.memory_space<vmem>>, vector<1x16xf32>,
        %get3A_1525 = arith.index_cast %add3A_1474 : i32 to index
        %get3A_1526 = arith.constant 80 : index
        %get3A_1527 = tpu.vector_load %arg14[%get3A_1525, %get3A_1526] {strides = array<i32>} : memref<128x128xf32, #tpu.memory_space<vmem>>, vector<1x16xf32>,
        %get3A_1528 = vector.shape_cast %get3A_1527 : vector<1x16xf32> to vector<16xf32>
        %mul3A_1529 = arith.mulf %get3A_1528, %gather3A_1470 : vector<16xf32>
        %swap3A_1530 = arith.index_cast %add3A_1474 : i32 to index
        %swap3A_1531 = arith.constant 80 : index
        %swap3A_1532 = tpu.vector_load %arg14[%swap3A_1530, %swap3A_1531] {strides = array<i32>} : memref<128x128xf32, #tpu.memory_space<vmem>>, vector<1x16xf32>,
        %swap3A_1533 = vector.shape_cast %swap3A_1532 : vector<1x16xf32> to vector<16xf32>
        %swap3A_1534 = vector.shape_cast %mul3A_1529 : vector<16xf32> to vector<1x16xf32>
        tpu.vector_store %arg14[%swap3A_1530, %swap3A_1531], %swap3A_1534 {strides = array<i32>} : memref<128x128xf32, #tpu.memory_space<vmem>>, vector<1x16xf32>,
        %get3A_1535 = arith.index_cast %add3A_1474 : i32 to index
        %get3A_1536 = arith.constant 96 : index
        %get3A_1537 = tpu.vector_load %arg14[%get3A_1535, %get3A_1536] {strides = array<i32>} : memref<128x128xf32, #tpu.memory_space<vmem>>, vector<1x16xf32>,
        %get3A_1538 = vector.shape_cast %get3A_1537 : vector<1x16xf32> to vector<16xf32>
        %mul3A_1539 = arith.mulf %get3A_1538, %gather3A_1470 : vector<16xf32>
        %swap3A_1540 = arith.index_cast %add3A_1474 : i32 to index
        %swap3A_1541 = arith.constant 96 : index
        %swap3A_1542 = tpu.vector_load %arg14[%swap3A_1540, %swap3A_1541] {strides = array<i32>} : memref<128x128xf32, #tpu.memory_space<vmem>>, vector<1x16xf32>,
        %swap3A_1543 = vector.shape_cast %swap3A_1542 : vector<1x16xf32> to vector<16xf32>
        %swap3A_1544 = vector.shape_cast %mul3A_1539 : vector<16xf32> to vector<1x16xf32>
        tpu.vector_store %arg14[%swap3A_1540, %swap3A_1541], %swap3A_1544 {strides = array<i32>} : memref<128x128xf32, #tpu.memory_space<vmem>>, vector<1x16xf32>,
        %get3A_1545 = arith.index_cast %add3A_1474 : i32 to index
        %get3A_1546 = arith.constant 112 : index
        %get3A_1547 = tpu.vector_load %arg14[%get3A_1545, %get3A_1546] {strides = array<i32>} : memref<128x128xf32, #tpu.memory_space<vmem>>, vector<1x16xf32>,
        %get3A_1548 = vector.shape_cast %get3A_1547 : vector<1x16xf32> to vector<16xf32>
        %mul3A_1549 = arith.mulf %get3A_1548, %gather3A_1470 : vector<16xf32>
        %swap3A_1550 = arith.index_cast %add3A_1474 : i32 to index
        %swap3A_1551 = arith.constant 112 : index
        %swap3A_1552 = tpu.vector_load %arg14[%swap3A_1550, %swap3A_1551] {strides = array<i32>} : memref<128x128xf32, #tpu.memory_space<vmem>>, vector<1x16xf32>,
        %swap3A_1553 = vector.shape_cast %swap3A_1552 : vector<1x16xf32> to vector<16xf32>
        %swap3A_1554 = vector.shape_cast %mul3A_1549 : vector<16xf32> to vector<1x16xf32>
        tpu.vector_store %arg14[%swap3A_1550, %swap3A_1551], %swap3A_1554 {strides = array<i32>} : memref<128x128xf32, #tpu.memory_space<vmem>>, vector<1x16xf32>,
        %broadcast_in_dim3A_1555 = arith.constant 15 : i32
        %broadcast_in_dim3A_1556 = vector.broadcast %broadcast_in_dim3A_1555 : i32 to vector<16xi32>
        %lt3A_1557 = arith.constant 0 : i32
        %lt3A_1558 = vector.broadcast %lt3A_1557 : i32 to vector<16xi32>
        %lt3A_1559 = arith.cmpi slt, %broadcast_in_dim3A_1556, %lt3A_1558 : vector<16xi32>
        %add3A_1560 = arith.constant 16 : i32
        %add3A_1561 = vector.broadcast %add3A_1560 : i32 to vector<16xi32>
        %add3A_1562 = arith.addi %broadcast_in_dim3A_1556, %add3A_1561 : vector<16xi32>
        %select_n3A_1563 = arith.select %lt3A_1559, %add3A_1562, %broadcast_in_dim3A_1556 : vector<16xi1>, vector<16xi32>
        %reshape3A_1564 = vector.shape_cast %select_n3A_1563 : vector<16xi32> to vector<16x1xi32>
        %gather3A_1565 = vector.shape_cast %reshape3A_1564 : vector<16x1xi32> to vector<16xi32>
        %gather3A_1566 = tpu.dynamic_gather %get3A_119[%gather3A_1565] in [0] : vector<16xf32>, vector<16xi32> -> vector<16xf32>
        %mul3A_1567 = arith.constant 16 : i32
        %mul3A_1568 = arith.muli %mul3A_1567, %scan3A_115 : i32
        %add3A_1569 = arith.constant 15 : i32
        %add3A_1570 = arith.addi %mul3A_1568, %add3A_1569 : i32
        %get3A_1571 = arith.index_cast %add3A_1570 : i32 to index
        %get3A_1572 = arith.constant 0 : index
        %get3A_1573 = tpu.vector_load %arg14[%get3A_1571, %get3A_1572] {strides = array<i32>} : memref<128x128xf32, #tpu.memory_space<vmem>>, vector<1x16xf32>,
        %get3A_1574 = vector.shape_cast %get3A_1573 : vector<1x16xf32> to vector<16xf32>
        %mul3A_1575 = arith.mulf %get3A_1574, %gather3A_1566 : vector<16xf32>
        %swap3A_1576 = arith.index_cast %add3A_1570 : i32 to index
        %swap3A_1577 = arith.constant 0 : index
        %swap3A_1578 = tpu.vector_load %arg14[%swap3A_1576, %swap3A_1577] {strides = array<i32>} : memref<128x128xf32, #tpu.memory_space<vmem>>, vector<1x16xf32>,
        %swap3A_1579 = vector.shape_cast %swap3A_1578 : vector<1x16xf32> to vector<16xf32>
        %swap3A_1580 = vector.shape_cast %mul3A_1575 : vector<16xf32> to vector<1x16xf32>
        tpu.vector_store %arg14[%swap3A_1576, %swap3A_1577], %swap3A_1580 {strides = array<i32>} : memref<128x128xf32, #tpu.memory_space<vmem>>, vector<1x16xf32>,
        %get3A_1581 = arith.index_cast %add3A_1570 : i32 to index
        %get3A_1582 = arith.constant 16 : index
        %get3A_1583 = tpu.vector_load %arg14[%get3A_1581, %get3A_1582] {strides = array<i32>} : memref<128x128xf32, #tpu.memory_space<vmem>>, vector<1x16xf32>,
        %get3A_1584 = vector.shape_cast %get3A_1583 : vector<1x16xf32> to vector<16xf32>
        %mul3A_1585 = arith.mulf %get3A_1584, %gather3A_1566 : vector<16xf32>
        %swap3A_1586 = arith.index_cast %add3A_1570 : i32 to index
        %swap3A_1587 = arith.constant 16 : index
        %swap3A_1588 = tpu.vector_load %arg14[%swap3A_1586, %swap3A_1587] {strides = array<i32>} : memref<128x128xf32, #tpu.memory_space<vmem>>, vector<1x16xf32>,
        %swap3A_1589 = vector.shape_cast %swap3A_1588 : vector<1x16xf32> to vector<16xf32>
        %swap3A_1590 = vector.shape_cast %mul3A_1585 : vector<16xf32> to vector<1x16xf32>
        tpu.vector_store %arg14[%swap3A_1586, %swap3A_1587], %swap3A_1590 {strides = array<i32>} : memref<128x128xf32, #tpu.memory_space<vmem>>, vector<1x16xf32>,
        %get3A_1591 = arith.index_cast %add3A_1570 : i32 to index
        %get3A_1592 = arith.constant 32 : index
        %get3A_1593 = tpu.vector_load %arg14[%get3A_1591, %get3A_1592] {strides = array<i32>} : memref<128x128xf32, #tpu.memory_space<vmem>>, vector<1x16xf32>,
        %get3A_1594 = vector.shape_cast %get3A_1593 : vector<1x16xf32> to vector<16xf32>
        %mul3A_1595 = arith.mulf %get3A_1594, %gather3A_1566 : vector<16xf32>
        %swap3A_1596 = arith.index_cast %add3A_1570 : i32 to index
        %swap3A_1597 = arith.constant 32 : index
        %swap3A_1598 = tpu.vector_load %arg14[%swap3A_1596, %swap3A_1597] {strides = array<i32>} : memref<128x128xf32, #tpu.memory_space<vmem>>, vector<1x16xf32>,
        %swap3A_1599 = vector.shape_cast %swap3A_1598 : vector<1x16xf32> to vector<16xf32>
        %swap3A_1600 = vector.shape_cast %mul3A_1595 : vector<16xf32> to vector<1x16xf32>
        tpu.vector_store %arg14[%swap3A_1596, %swap3A_1597], %swap3A_1600 {strides = array<i32>} : memref<128x128xf32, #tpu.memory_space<vmem>>, vector<1x16xf32>,
        %get3A_1601 = arith.index_cast %add3A_1570 : i32 to index
        %get3A_1602 = arith.constant 48 : index
        %get3A_1603 = tpu.vector_load %arg14[%get3A_1601, %get3A_1602] {strides = array<i32>} : memref<128x128xf32, #tpu.memory_space<vmem>>, vector<1x16xf32>,
        %get3A_1604 = vector.shape_cast %get3A_1603 : vector<1x16xf32> to vector<16xf32>
        %mul3A_1605 = arith.mulf %get3A_1604, %gather3A_1566 : vector<16xf32>
        %swap3A_1606 = arith.index_cast %add3A_1570 : i32 to index
        %swap3A_1607 = arith.constant 48 : index
        %swap3A_1608 = tpu.vector_load %arg14[%swap3A_1606, %swap3A_1607] {strides = array<i32>} : memref<128x128xf32, #tpu.memory_space<vmem>>, vector<1x16xf32>,
        %swap3A_1609 = vector.shape_cast %swap3A_1608 : vector<1x16xf32> to vector<16xf32>
        %swap3A_1610 = vector.shape_cast %mul3A_1605 : vector<16xf32> to vector<1x16xf32>
        tpu.vector_store %arg14[%swap3A_1606, %swap3A_1607], %swap3A_1610 {strides = array<i32>} : memref<128x128xf32, #tpu.memory_space<vmem>>, vector<1x16xf32>,
        %get3A_1611 = arith.index_cast %add3A_1570 : i32 to index
        %get3A_1612 = arith.constant 64 : index
        %get3A_1613 = tpu.vector_load %arg14[%get3A_1611, %get3A_1612] {strides = array<i32>} : memref<128x128xf32, #tpu.memory_space<vmem>>, vector<1x16xf32>,
        %get3A_1614 = vector.shape_cast %get3A_1613 : vector<1x16xf32> to vector<16xf32>
        %mul3A_1615 = arith.mulf %get3A_1614, %gather3A_1566 : vector<16xf32>
        %swap3A_1616 = arith.index_cast %add3A_1570 : i32 to index
        %swap3A_1617 = arith.constant 64 : index
        %swap3A_1618 = tpu.vector_load %arg14[%swap3A_1616, %swap3A_1617] {strides = array<i32>} : memref<128x128xf32, #tpu.memory_space<vmem>>, vector<1x16xf32>,
        %swap3A_1619 = vector.shape_cast %swap3A_1618 : vector<1x16xf32> to vector<16xf32>
        %swap3A_1620 = vector.shape_cast %mul3A_1615 : vector<16xf32> to vector<1x16xf32>
        tpu.vector_store %arg14[%swap3A_1616, %swap3A_1617], %swap3A_1620 {strides = array<i32>} : memref<128x128xf32, #tpu.memory_space<vmem>>, vector<1x16xf32>,
        %get3A_1621 = arith.index_cast %add3A_1570 : i32 to index
        %get3A_1622 = arith.constant 80 : index
        %get3A_1623 = tpu.vector_load %arg14[%get3A_1621, %get3A_1622] {strides = array<i32>} : memref<128x128xf32, #tpu.memory_space<vmem>>, vector<1x16xf32>,
        %get3A_1624 = vector.shape_cast %get3A_1623 : vector<1x16xf32> to vector<16xf32>
        %mul3A_1625 = arith.mulf %get3A_1624, %gather3A_1566 : vector<16xf32>
        %swap3A_1626 = arith.index_cast %add3A_1570 : i32 to index
        %swap3A_1627 = arith.constant 80 : index
        %swap3A_1628 = tpu.vector_load %arg14[%swap3A_1626, %swap3A_1627] {strides = array<i32>} : memref<128x128xf32, #tpu.memory_space<vmem>>, vector<1x16xf32>,
        %swap3A_1629 = vector.shape_cast %swap3A_1628 : vector<1x16xf32> to vector<16xf32>
        %swap3A_1630 = vector.shape_cast %mul3A_1625 : vector<16xf32> to vector<1x16xf32>
        tpu.vector_store %arg14[%swap3A_1626, %swap3A_1627], %swap3A_1630 {strides = array<i32>} : memref<128x128xf32, #tpu.memory_space<vmem>>, vector<1x16xf32>,
        %get3A_1631 = arith.index_cast %add3A_1570 : i32 to index
        %get3A_1632 = arith.constant 96 : index
        %get3A_1633 = tpu.vector_load %arg14[%get3A_1631, %get3A_1632] {strides = array<i32>} : memref<128x128xf32, #tpu.memory_space<vmem>>, vector<1x16xf32>,
        %get3A_1634 = vector.shape_cast %get3A_1633 : vector<1x16xf32> to vector<16xf32>
        %mul3A_1635 = arith.mulf %get3A_1634, %gather3A_1566 : vector<16xf32>
        %swap3A_1636 = arith.index_cast %add3A_1570 : i32 to index
        %swap3A_1637 = arith.constant 96 : index
        %swap3A_1638 = tpu.vector_load %arg14[%swap3A_1636, %swap3A_1637] {strides = array<i32>} : memref<128x128xf32, #tpu.memory_space<vmem>>, vector<1x16xf32>,
        %swap3A_1639 = vector.shape_cast %swap3A_1638 : vector<1x16xf32> to vector<16xf32>
        %swap3A_1640 = vector.shape_cast %mul3A_1635 : vector<16xf32> to vector<1x16xf32>
        tpu.vector_store %arg14[%swap3A_1636, %swap3A_1637], %swap3A_1640 {strides = array<i32>} : memref<128x128xf32, #tpu.memory_space<vmem>>, vector<1x16xf32>,
        %get3A_1641 = arith.index_cast %add3A_1570 : i32 to index
        %get3A_1642 = arith.constant 112 : index
        %get3A_1643 = tpu.vector_load %arg14[%get3A_1641, %get3A_1642] {strides = array<i32>} : memref<128x128xf32, #tpu.memory_space<vmem>>, vector<1x16xf32>,
        %get3A_1644 = vector.shape_cast %get3A_1643 : vector<1x16xf32> to vector<16xf32>
        %mul3A_1645 = arith.mulf %get3A_1644, %gather3A_1566 : vector<16xf32>
        %swap3A_1646 = arith.index_cast %add3A_1570 : i32 to index
        %swap3A_1647 = arith.constant 112 : index
        %swap3A_1648 = tpu.vector_load %arg14[%swap3A_1646, %swap3A_1647] {strides = array<i32>} : memref<128x128xf32, #tpu.memory_space<vmem>>, vector<1x16xf32>,
        %swap3A_1649 = vector.shape_cast %swap3A_1648 : vector<1x16xf32> to vector<16xf32>
        %swap3A_1650 = vector.shape_cast %mul3A_1645 : vector<16xf32> to vector<1x16xf32>
        tpu.vector_store %arg14[%swap3A_1646, %swap3A_1647], %swap3A_1650 {strides = array<i32>} : memref<128x128xf32, #tpu.memory_space<vmem>>, vector<1x16xf32>,
      }
      %scan3A_107 = arith.constant 8 : i32
      "tpu.region"() ({
        %run_scoped3A = tpu.sem_alloc : memref<!tpu.dma_semaphore, #tpu.memory_space<semaphore_mem>>
        %dma_start3A_115 = arith.constant 0 : i32
        %dma_start3A_116 = arith.constant 0 : i32
        %dma_start3A_117 = tpu.memref_slice %arg15[%dma_start3A_115, %dma_start3A_116] : memref<10240x128xf32, #tpu.memory_space<vmem_shared>> -> memref<10240x128xf32, #tpu.memory_space<vmem_shared>>
        tpu.enqueue_indirect_dma source(%arg14 : memref<128x128xf32, #tpu.memory_space<vmem>>) target(%dma_start3A_117 : memref<10240x128xf32, #tpu.memory_space<vmem_shared>>) offsets(%arg10 : memref<128xi32, #tpu.memory_space<vmem>>) semaphore(%run_scoped3A : memref<!tpu.dma_semaphore, #tpu.memory_space<semaphore_mem>>) {add = true}
        %dma_wait3A_118 = arith.constant 0 : i32
        %dma_wait3A_119 = arith.constant 0 : i32
        %dma_wait3A_120 = tpu.memref_slice %arg15[%dma_wait3A_118, %dma_wait3A_119] : memref<10240x128xf32, #tpu.memory_space<vmem_shared>> -> memref<10240x128xf32, #tpu.memory_space<vmem_shared>>
        tpu.wait_indirect_dma semaphore(%run_scoped3A : memref<!tpu.dma_semaphore, #tpu.memory_space<semaphore_mem>>) src(%arg14 : memref<128x128xf32, #tpu.memory_space<vmem>>) dst(%dma_wait3A_120 : memref<10240x128xf32, #tpu.memory_space<vmem_shared>>)
        tpu.yield
      }) : () -> ()
      %add3A_108 = arith.constant 3 : i32
      %add3A_109 = arith.addi %mul3A_85, %add3A_108 : i32
      %lt3A_110 = arith.constant 236 : i32
      %lt3A_111 = arith.cmpi slt, %add3A_109, %lt3A_110 : i32
      %convert_element_type3A_112 = arith.extui %lt3A_111 : i1 to i32
      %cond3A_113 = arith.constant 0 : i32
      %cond3A_114 = arith.cmpi ne, %convert_element_type3A_112, %cond3A_113 : i32
      scf.if %cond3A_114 {
        %add3A_115 = arith.constant 3 : i32
        %add3A_116 = arith.addi %mul3A_85, %add3A_115 : i32
        %mul3A_117 = arith.constant 128 : i32
        %mul3A_118 = arith.muli %add3A_116, %mul3A_117 : i32
        %add3A_119 = arith.addi %mul3A_27, %mul3A_118 : i32
        %dma_start3A_120 = tpu.memref_slice %arg3[%add3A_119] : memref<966656xi32, #tpu.memory_space<hbm>> -> memref<128xi32, #tpu.memory_space<hbm>>
        %dma_start3A_121 = tpu.memref_slice %arg3[%add3A_119] : memref<966656xi32, #tpu.memory_space<hbm>> -> memref<128xi32, #tpu.memory_space<hbm>>
        tpu.enqueue_dma source(%dma_start3A_121 : memref<128xi32, #tpu.memory_space<hbm>>) target(%arg10 : memref<128xi32, #tpu.memory_space<vmem>>) target_semaphore(%arg19 : memref<!tpu.dma_semaphore, #tpu.memory_space<semaphore_mem>>)
        %dma_start3A_122 = tpu.memref_slice %arg4[%add3A_119] : memref<966656xi32, #tpu.memory_space<hbm>> -> memref<128xi32, #tpu.memory_space<hbm>>
        %dma_start3A_123 = tpu.memref_slice %arg4[%add3A_119] : memref<966656xi32, #tpu.memory_space<hbm>> -> memref<128xi32, #tpu.memory_space<hbm>>
        tpu.enqueue_dma source(%dma_start3A_123 : memref<128xi32, #tpu.memory_space<hbm>>) target(%arg11 : memref<128xi32, #tpu.memory_space<vmem>>) target_semaphore(%arg19 : memref<!tpu.dma_semaphore, #tpu.memory_space<semaphore_mem>>)
        %dma_start3A_124 = tpu.memref_slice %arg5[%add3A_119] : memref<966656xf32, #tpu.memory_space<hbm>> -> memref<128xf32, #tpu.memory_space<hbm>>
        %dma_start3A_125 = tpu.memref_slice %arg5[%add3A_119] : memref<966656xf32, #tpu.memory_space<hbm>> -> memref<128xf32, #tpu.memory_space<hbm>>
        tpu.enqueue_dma source(%dma_start3A_125 : memref<128xf32, #tpu.memory_space<hbm>>) target(%arg12 : memref<128xf32, #tpu.memory_space<vmem>>) target_semaphore(%arg19 : memref<!tpu.dma_semaphore, #tpu.memory_space<semaphore_mem>>)
        %dma_wait3A_126 = arith.constant 0 : i32
        %dma_wait3A_127 = tpu.memref_slice %arg3[%dma_wait3A_126] : memref<966656xi32, #tpu.memory_space<hbm>> -> memref<128xi32, #tpu.memory_space<hbm>>
        %dma_wait3A_128 = arith.constant 0 : i32
        %dma_wait3A_129 = tpu.memref_slice %arg3[%dma_wait3A_128] : memref<966656xi32, #tpu.memory_space<hbm>> -> memref<128xi32, #tpu.memory_space<hbm>>
        tpu.wait_dma2 semaphore(%arg19 : memref<!tpu.dma_semaphore, #tpu.memory_space<semaphore_mem>>) src(%dma_wait3A_129 : memref<128xi32, #tpu.memory_space<hbm>>) dst(%arg10 : memref<128xi32, #tpu.memory_space<vmem>>)
        %dma_wait3A_130 = arith.constant 0 : i32
        %dma_wait3A_131 = tpu.memref_slice %arg4[%dma_wait3A_130] : memref<966656xi32, #tpu.memory_space<hbm>> -> memref<128xi32, #tpu.memory_space<hbm>>
        %dma_wait3A_132 = arith.constant 0 : i32
        %dma_wait3A_133 = tpu.memref_slice %arg4[%dma_wait3A_132] : memref<966656xi32, #tpu.memory_space<hbm>> -> memref<128xi32, #tpu.memory_space<hbm>>
        tpu.wait_dma2 semaphore(%arg19 : memref<!tpu.dma_semaphore, #tpu.memory_space<semaphore_mem>>) src(%dma_wait3A_133 : memref<128xi32, #tpu.memory_space<hbm>>) dst(%arg11 : memref<128xi32, #tpu.memory_space<vmem>>)
        %dma_wait3A_134 = arith.constant 0 : i32
        %dma_wait3A_135 = tpu.memref_slice %arg5[%dma_wait3A_134] : memref<966656xf32, #tpu.memory_space<hbm>> -> memref<128xf32, #tpu.memory_space<hbm>>
        %dma_wait3A_136 = arith.constant 0 : i32
        %dma_wait3A_137 = tpu.memref_slice %arg5[%dma_wait3A_136] : memref<966656xf32, #tpu.memory_space<hbm>> -> memref<128xf32, #tpu.memory_space<hbm>>
        tpu.wait_dma2 semaphore(%arg19 : memref<!tpu.dma_semaphore, #tpu.memory_space<semaphore_mem>>) src(%dma_wait3A_137 : memref<128xf32, #tpu.memory_space<hbm>>) dst(%arg12 : memref<128xf32, #tpu.memory_space<vmem>>)
        %dma_start3A_138 = arith.constant 0 : i32
        %dma_start3A_139 = arith.constant 0 : i32
        %dma_start3A_140 = tpu.memref_slice %arg2[%dma_start3A_138, %dma_start3A_139] : memref<20000x128xf32, #tpu.memory_space<hbm>> -> memref<20000x128xf32, #tpu.memory_space<hbm>>
        tpu.enqueue_indirect_dma source(%dma_start3A_140 : memref<20000x128xf32, #tpu.memory_space<hbm>>) target(%arg14 : memref<128x128xf32, #tpu.memory_space<vmem>>) offsets(%arg11 : memref<128xi32, #tpu.memory_space<vmem>>) semaphore(%arg17 : memref<!tpu.dma_semaphore, #tpu.memory_space<semaphore_mem>>)
      } else {
      }
    }
    %scan3A_77 = arith.constant 118 : i32
    %barrier3A_78 = arith.constant 0 : index
    tpu.barrier barrier_id(%barrier3A_78)
    %mul3A_79 = arith.constant 640 : i32
    %mul3A_80 = arith.muli %mul3A_79, %arg1 : i32
    %mul3A_81 = arith.constant 640 : i32
    %mul3A_82 = arith.muli %mul3A_81, %arg1 : i32
    "tpu.region"() ({
      %run_scoped3A = tpu.sem_alloc : memref<!tpu.dma_semaphore, #tpu.memory_space<semaphore_mem>>
      %dma_start3A_83 = arith.constant 0 : i32
      %dma_start3A_84 = tpu.memref_slice %arg6[%arg0, %mul3A_82, %dma_start3A_83] : memref<2x10240x128xf32, #tpu.memory_space<hbm>> -> memref<1x640x128xf32, #tpu.memory_space<hbm>>
      %dma_start3A_85 = tpu.memref_squeeze %dma_start3A_84 : memref<1x640x128xf32, #tpu.memory_space<hbm>> -> memref<640x128xf32, #tpu.memory_space<hbm>>
      %dma_start3A_86 = arith.constant 0 : i32
      %dma_start3A_87 = tpu.memref_slice %arg15[%mul3A_80, %dma_start3A_86] : memref<10240x128xf32, #tpu.memory_space<vmem_shared>> -> memref<640x128xf32, #tpu.memory_space<vmem_shared>>
      tpu.enqueue_dma source(%dma_start3A_87 : memref<640x128xf32, #tpu.memory_space<vmem_shared>>) target(%dma_start3A_85 : memref<640x128xf32, #tpu.memory_space<hbm>>) target_semaphore(%run_scoped3A : memref<!tpu.dma_semaphore, #tpu.memory_space<semaphore_mem>>)
      %dma_wait3A_88 = arith.constant 0 : i32
      %dma_wait3A_89 = tpu.memref_slice %arg6[%arg0, %mul3A_82, %dma_wait3A_88] : memref<2x10240x128xf32, #tpu.memory_space<hbm>> -> memref<1x640x128xf32, #tpu.memory_space<hbm>>
      %dma_wait3A_90 = tpu.memref_squeeze %dma_wait3A_89 : memref<1x640x128xf32, #tpu.memory_space<hbm>> -> memref<640x128xf32, #tpu.memory_space<hbm>>
      %dma_wait3A_91 = arith.constant 0 : i32
      %dma_wait3A_92 = tpu.memref_slice %arg15[%mul3A_80, %dma_wait3A_91] : memref<10240x128xf32, #tpu.memory_space<vmem_shared>> -> memref<640x128xf32, #tpu.memory_space<vmem_shared>>
      tpu.wait_dma2 semaphore(%run_scoped3A : memref<!tpu.dma_semaphore, #tpu.memory_space<semaphore_mem>>) src(%dma_wait3A_92 : memref<640x128xf32, #tpu.memory_space<vmem_shared>>) dst(%dma_wait3A_90 : memref<640x128xf32, #tpu.memory_space<hbm>>)
      tpu.yield
    }) : () -> ()
    return
  }
}

module attributes {stable_mosaic.version = 14 : i64} {
  func.func @_mm_body(%arg0: i32, %arg1: i32, %arg2: memref<1000x128xf32, #tpu.memory_space<vmem>>, %arg3: memref<1x128x128xf32, #tpu.memory_space<vmem>>, %arg4: memref<1x1000x128xf32, #tpu.memory_space<vmem>>) attributes {dimension_semantics = [#tpu.dimension_semantics<arbitrary>, #tpu.dimension_semantics<arbitrary>], iteration_bounds = array<i64: 2, 10>, scalar_prefetch = 0 : i64, scratch_operands = 0 : i64, tpu.core_type = #tpu.core_type<tc>, window_params = [{transform_indices = @transform_0, window_bounds = array<i64: 1000, 128>}, {transform_indices = @transform_1, window_bounds = array<i64: 1, 128, 128>}, {transform_indices = @transform_2, window_bounds = array<i64: 1, 1000, 128>}]} {
    %get3A = arith.constant 0 : index
    %get3A_0 = arith.constant 0 : index
    %get3A_1 = vector.load %arg2[%get3A, %get3A_0] : memref<1000x128xf32, #tpu.memory_space<vmem>>, vector<1000x128xf32>
    %get3A_2 = arith.constant 0 : index
    %get3A_3 = arith.constant 0 : index
    %get3A_4 = arith.constant 0 : index
    %get3A_5 = vector.load %arg3[%get3A_2, %get3A_3, %get3A_4] : memref<1x128x128xf32, #tpu.memory_space<vmem>>, vector<1x128x128xf32>
    %get3A_6 = vector.shape_cast %get3A_5 : vector<1x128x128xf32> to vector<128x128xf32>
    %dot_general3A = arith.constant dense<0.000000e+00> : vector<1000x128xf32>
    %dot_general3A_7 = tpu.matmul %get3A_1, %get3A_6, %dot_general3A {dimension_numbers = #tpu.dot_dimension_numbers<[1], [0], [0], [1], [0, 0, 1, 1], [], []>, transpose_lhs_hint = false} : vector<1000x128xf32>, vector<128x128xf32>, vector<1000x128xf32> -> vector<1000x128xf32>
    %swap3A = arith.constant 0 : index
    %swap3A_8 = arith.constant 0 : index
    %swap3A_9 = arith.constant 0 : index
    %swap3A_10 = vector.load %arg4[%swap3A, %swap3A_8, %swap3A_9] : memref<1x1000x128xf32, #tpu.memory_space<vmem>>, vector<1x1000x128xf32>
    %swap3A_11 = vector.shape_cast %swap3A_10 : vector<1x1000x128xf32> to vector<1000x128xf32>
    %swap3A_12 = vector.shape_cast %dot_general3A_7 : vector<1000x128xf32> to vector<1x1000x128xf32>
    tpu.vector_store %arg4[%swap3A, %swap3A_8, %swap3A_9], %swap3A_12 {strides = array<i32>} : memref<1x1000x128xf32, #tpu.memory_space<vmem>>, vector<1x1000x128xf32>,
    return
  }
  func.func @transform_0(%arg0: i32, %arg1: i32) -> (i32, i32) {
    %c0_i32 = arith.constant 0 : i32
    %c0_i32_0 = arith.constant 0 : i32
    return %arg1, %c0_i32 : i32, i32
  }
  func.func @transform_1(%arg0: i32, %arg1: i32) -> (i32, i32, i32) {
    %c0_i32 = arith.constant 0 : i32
    %c0_i32_0 = arith.constant 0 : i32
    %c0_i32_1 = arith.constant 0 : i32
    return %arg0, %c0_i32, %c0_i32_0 : i32, i32, i32
  }
  func.func @transform_2(%arg0: i32, %arg1: i32) -> (i32, i32, i32) {
    %c0_i32 = arith.constant 0 : i32
    %c0_i32_0 = arith.constant 0 : i32
    return %arg0, %arg1, %c0_i32 : i32, i32, i32
  }
}

module attributes {stable_mosaic.version = 14 : i64} {
  func.func @_fin_body(%arg0: i32, %arg1: memref<2x1000x128xf32, #tpu.memory_space<vmem>>, %arg2: memref<1x128xf32, #tpu.memory_space<vmem>>, %arg3: memref<1000x128xf32, #tpu.memory_space<vmem>>) attributes {dimension_semantics = [#tpu.dimension_semantics<arbitrary>], iteration_bounds = array<i64: 10>, scalar_prefetch = 0 : i64, scratch_operands = 0 : i64, tpu.core_type = #tpu.core_type<tc>, window_params = [{transform_indices = @transform_0, window_bounds = array<i64: 2, 1000, 128>}, {pipeline_mode = #tpu.pipeline_mode<synchronous>, transform_indices = @transform_1, window_bounds = array<i64: 1, 128>}, {transform_indices = @transform_2, window_bounds = array<i64: 1000, 128>}]} {
    %get3A = arith.constant 0 : index
    %get3A_0 = arith.constant 0 : index
    %get3A_1 = arith.constant 0 : index
    %get3A_2 = vector.load %arg1[%get3A, %get3A_0, %get3A_1] : memref<2x1000x128xf32, #tpu.memory_space<vmem>>, vector<1x1000x128xf32>
    %get3A_3 = vector.shape_cast %get3A_2 : vector<1x1000x128xf32> to vector<1000x128xf32>
    %get3A_4 = arith.constant 1 : index
    %get3A_5 = arith.constant 0 : index
    %get3A_6 = arith.constant 0 : index
    %get3A_7 = vector.load %arg1[%get3A_4, %get3A_5, %get3A_6] : memref<2x1000x128xf32, #tpu.memory_space<vmem>>, vector<1x1000x128xf32>
    %get3A_8 = vector.shape_cast %get3A_7 : vector<1x1000x128xf32> to vector<1000x128xf32>
    %add3A = arith.addf %get3A_3, %get3A_8 : vector<1000x128xf32>
    %get3A_9 = arith.constant 0 : index
    %get3A_10 = arith.constant 0 : index
    %get3A_11 = vector.load %arg2[%get3A_9, %get3A_10] : memref<1x128xf32, #tpu.memory_space<vmem>>, vector<1x128xf32>
    %add3A_12 = vector.broadcast %get3A_11 : vector<1x128xf32> to vector<1000x128xf32>
    %add3A_13 = arith.addf %add3A, %add3A_12 : vector<1000x128xf32>
    %max3A = arith.constant 0.000000e+00 : f32
    %max3A_14 = vector.broadcast %max3A : f32 to vector<1000x128xf32>
    %max3A_15 = arith.maximumf %add3A_13, %max3A_14 : vector<1000x128xf32>
    %swap3A = arith.constant 0 : index
    %swap3A_16 = arith.constant 0 : index
    %swap3A_17 = vector.load %arg3[%swap3A, %swap3A_16] : memref<1000x128xf32, #tpu.memory_space<vmem>>, vector<1000x128xf32>
    tpu.vector_store %arg3[%swap3A, %swap3A_16], %max3A_15 {strides = array<i32>} : memref<1000x128xf32, #tpu.memory_space<vmem>>, vector<1000x128xf32>,
    return
  }
  func.func @transform_0(%arg0: i32) -> (i32, i32, i32) {
    %c0_i32 = arith.constant 0 : i32
    %c0_i32_0 = arith.constant 0 : i32
    %c0_i32_1 = arith.constant 0 : i32
    return %c0_i32, %arg0, %c0_i32_0 : i32, i32, i32
  }
  func.func @transform_1(%arg0: i32) -> (i32, i32) {
    %c0_i32 = arith.constant 0 : i32
    %c0_i32_0 = arith.constant 0 : i32
    %c0_i32_1 = arith.constant 0 : i32
    return %c0_i32, %c0_i32_0 : i32, i32
  }
  func.func @transform_2(%arg0: i32) -> (i32, i32) {
    %c0_i32 = arith.constant 0 : i32
    %c0_i32_0 = arith.constant 0 : i32
    return %arg0, %c0_i32 : i32, i32
  }
}

</mosaic_0001>

<sc_bundles>
// kernel: kernel.5.cloned.1.call-start
scs
__scs_entry_jumppad:
0x0: {  	(pc) =	sbr.rel $0x88, $3  }
0x1: {  	(tag) =	ssettag $0x0;
	lr =	simm.s32 $0x1  }
0x2: {  	[smem:$0x3F98] =	sst lr;
	_ =	strace $0xD0000000  }
0x3: {  	_ = 	snop  }
0x4: {  	_ = 	snop  }
0x5: {  	_ = 	snop  }
0x6: {  	_ = 	snop  }
0x7: {  	_ = 	snop  }
__scs_overlays_trampoline_lowered:
0x8: {  	[smem:$0x3FA7] =	sst s0  }
0x9: {  	[smem:$0x3FA8] =	sst s1  }
0xa: {  	[smem:$0x3FA9] =	sst s2  }
0xb: {  	[smem:$0x3FAA] =	sst s3  }
0xc: {  	[smem:$0x3FAB] =	sst s4  }
0xd: {  	[smem:$0x3FAC] =	sst s5  }
0xe: {  	[smem:$0x3FAD] =	sst s6  }
0xf: {  	[smem:$0x3FAE] =	sst s7  }
0x10: {  	[smem:$0x3FAF] =	sst s8  }
0x11: {  	[smem:$0x3FB0] =	sst s9;
	s0 =	simm.s32 @!p0 $0x0  }
0x12: {  	s1 =	sld [smem:$0x3F96];
	s0 =	simm.s32 @p0 $0x1  }
0x13: {  	[smem:$0x3FB1] =	sst s0;
	s0 =	simm.s32 @!p1 $0x0  }
0x14: {  	s2 =	sld [smem:$0x3F95];
	s0 =	simm.s32 @p1 $0x1  }
0x15: {  	[smem:$0x3FB2] =	sst s0;
	s0 =	simm.s32 @!p2 $0x0  }
0x16: {  	s3 =	sld [smem:$0x3FDB];
	s0 =	simm.s32 @p2 $0x1  }
0x17: {  	s4 =	simm.s32 $0x1BF5;
	[smem:$0x3FB4] =	sst s0  }
0x18: {  	s0 =	sld [smem:$0x3F97];
	_ =	swait.ge [sflag:s4], $0x0  }
0x19: {  	s7 =	sld [smem:$0x3F98]  }
0x1a: {  	s8 =	sadd.s32 $0xFFFFE003, lr  }
0x1b: {  	s9 =	sadd.s32 $0xFFFFFEF7, lr;
	s5 =	simm.s32 $0xFFFFFFFF;
	p2 =	slt.u32 s8, $0xFFFFF086  }
0x1c: {  	p1 =	slt.u32 s9, $0xF7A;
	s5 =	simm.s32 @!p2 $0x0  }
0x1d: {  	s5 =	simm.s32 @p1 $0x1;
	p0 =	seq.s32 s7, s2  }
0x1e: {  	s7 =	smul.u32 @!p0 $0xF7A, s2;
	p2 =	seq.s32 @!p0 s5, $0x0  }
0x1f: {  	s9 =	smul.u32 $0xF7A, s1;
	s8 =	simm.s32 @!p0 $0x1BF5;
	p2 =	por !p2, p0  }
0x20: {  	[sflag:s8] =	ssyncset.s32 @!p0 $0xFFFFF086;
	s6 =	sadd.s32 @!p0 s3, s7;
	s7 =	simm.s32 @!p0 $0x108  }
0x21: {  	s3 =	sadd.s32 s3, s9;
	s6 =	sadd.s32 @!p0 $0x88, s6;
	s7 =	simm.s32 @p2 $0x1082  }
0x22: {  	[simem:s7], [sflag:s8] =	dma.local @!p0 [hbm:s6], $0xF7A  }
0x23: {  	s9 =	sor.u32 $0xD0000000, s2;
	s6 =	simm.s32 $0x108;
	_ =	swait.ge @!p0 [sflag:s8], $0x0  }
0x24: {  	s3 =	sadd.s32 $0x88, s3;
	s6 =	simm.s32 @!p1 $0x1082;
	[sflag:s4] =	ssyncset.s32 $0xFFFFF086  }
0x25: {  	[simem:s6], [sflag:s4] =	dma.local [hbm:s3], $0xF7A  }
0x26: {  	[smem:$0x3F98] =	sst s1;
	(tag) =	ssettag s2;
	_ =	strace s9  }
0x27: {  	s1 =	sld [smem:$0x3FA8]  }
0x28: {  	s2 =	sld [smem:$0x3FA9]  }
0x29: {  	s4 =	sld [smem:$0x3FAB]  }
0x2a: {  	p0 =	seq.s32 s5, $0x0;
	s5 =	sld [smem:$0x3FAC]  }
0x2b: {  	s6 =	sld [smem:$0x3FAD]  }
0x2c: {  	s7 =	sld [smem:$0x3FAE]  }
0x2d: {  	s3 =	simm.s32 $0x108;
	s8 =	sld [smem:$0x3FAF]  }
0x2e: {  	s3 =	simm.s32 @!p0 $0x1082;
	s9 =	sld [smem:$0x3FB0]  }
0x2f: {  	lr =	sadd.s32 s0, s3;
	s0 =	sld [smem:$0x3FA7]  }
0x30: {  	s3 =	sld [smem:$0x3FAA]  }
0x31: {  	[smem:$0x3FB3] =	sst s10  }
0x32: {  	s10 =	sld [smem:$0x3FB1];
	_ =	sdelay $0x3  }
0x33: {  	p0 =	seq.s32 s10, $0x1;
	s10 =	sld [smem:$0x3FB3];
	_ =	sdelay $0x3  }
0x34: {  	[smem:$0x3FB3] =	sst s10  }
0x35: {  	s10 =	sld [smem:$0x3FB2];
	_ =	sdelay $0x3  }
0x36: {  	p1 =	seq.s32 s10, $0x1;
	s10 =	sld [smem:$0x3FB3];
	_ =	sdelay $0x3  }
0x37: {  	[smem:$0x3FB3] =	sst s10  }
0x38: {  	s10 =	sld [smem:$0x3FB4]  }
0x39: {  	_ = 	snop;
	(pc) =	sbr.ind lr, $3  }
0x3a: {  	_ = 	snop  }
0x3b: {  	_ = 	snop  }
0x3c: {  	p2 =	seq.s32 s10, $0x1;
	s10 =	sld [smem:$0x3FB3]  }
0x3d: {  	_ =	shalt  }
0x3e: {  	_ =	shalt  }
0x3f: {  	_ =	shalt  }
0x40: {  	_ =	shalt  }
0x41: {  	_ =	shalt  }
0x42: {  	_ =	shalt  }
0x43: {  	_ =	shalt  }
0x44: {  	_ =	shalt  }
0x45: {  	_ =	shalt  }
0x46: {  	_ =	shalt  }
0x47: {  	_ =	shalt  }
0x48: {  	_ =	shalt  }
0x49: {  	_ =	shalt  }
0x4a: {  	_ =	shalt  }
0x4b: {  	_ =	shalt  }
0x4c: {  	_ =	shalt  }
0x4d: {  	_ =	shalt  }
0x4e: {  	_ =	shalt  }
0x4f: {  	_ =	shalt  }
0x50: {  	_ =	shalt  }
0x51: {  	_ =	shalt  }
0x52: {  	_ =	shalt  }
0x53: {  	_ =	shalt  }
0x54: {  	_ =	shalt  }
0x55: {  	_ =	shalt  }
0x56: {  	_ =	shalt  }
0x57: {  	_ =	shalt  }
0x58: {  	_ =	shalt  }
0x59: {  	_ =	shalt  }
0x5a: {  	_ =	shalt  }
0x5b: {  	_ =	shalt  }
0x5c: {  	_ =	shalt  }
0x5d: {  	_ =	shalt  }
0x5e: {  	_ =	shalt  }
0x5f: {  	_ =	shalt  }
0x60: {  	_ =	shalt  }
0x61: {  	_ =	shalt  }
0x62: {  	_ =	shalt  }
0x63: {  	_ =	shalt  }
0x64: {  	_ =	shalt  }
0x65: {  	_ =	shalt  }
0x66: {  	_ =	shalt  }
0x67: {  	_ =	shalt  }
0x68: {  	_ =	shalt  }
0x69: {  	_ =	shalt  }
0x6a: {  	_ =	shalt  }
0x6b: {  	_ =	shalt  }
0x6c: {  	_ =	shalt  }
0x6d: {  	_ =	shalt  }
0x6e: {  	_ =	shalt  }
0x6f: {  	_ =	shalt  }
0x70: {  	_ =	shalt  }
0x71: {  	_ =	shalt  }
0x72: {  	_ =	shalt  }
0x73: {  	_ =	shalt  }
0x74: {  	_ =	shalt  }
0x75: {  	_ =	shalt  }
0x76: {  	_ =	shalt  }
0x77: {  	_ =	shalt  }
0x78: {  	_ =	shalt  }
0x79: {  	_ =	shalt  }
0x7a: {  	_ =	shalt  }
0x7b: {  	_ =	shalt  }
0x7c: {  	_ =	shalt  }
0x7d: {  	_ =	shalt  }
0x7e: {  	_ =	shalt  }
0x7f: {  	_ =	shalt  }
0x80: {  	_ =	shalt  }
0x81: {  	_ =	shalt  }
0x82: {  	_ =	shalt  }
0x83: {  	_ =	shalt  }
0x84: {  	_ =	shalt  }
0x85: {  	_ =	shalt  }
0x86: {  	_ =	shalt  }
0x87: {  	_ =	shalt  }
.Lfunc_end0:
.L_simem_size_0:
called_computation_lowered:
.L_overlay_start_0:
0x88: {  	s2 =	sld [smem:$0x3FD9]  }
0x89: {  	s3 =	sld [smem:$0x3FFE];
	_ =	sdelay $0x1  }
0x8a: {  	s1 =	srdreg.scid  }
0x8b: {  	s0 =	sand.u32 $0x1, s1  }
0x8c: {  	s17 =	sshll.u32 s0, $0xA;
	s2 =	sadd.s32 s3, s2  }
0x8d: {  	s2 =	sadd.s32 s2, s17  }
0x8e: {  	[smem:$0x3FBF] =	sst s2  }
0x8f: {  	_ = 	snop  }
0x90: {  	s2 =	sld [smem:$0x3FD0];
	(tm) =	ssettm $0x1  }
0x91: {  	s18 =	sld [smem:$0x3FFB];
	_ =	sdelay $0x3  }
0x92: {  	_ =	strace s18  }
0x93: {  	s3 =	sld [smem:$0x3FFC];
	_ =	sdelay $0x3  }
0x94: {  	_ =	strace s3  }
0x95: {  	s3 =	sld [smem:$0x3FFD];
	_ =	sdelay $0x3  }
0x96: {  	_ =	strace s3  }
0x97: {  	_ =	strace $0x8FFFFFFF  }
0x98: {  	s19 =	sld [smem:$0x3FDB];
	_ =	sdelay $0x1  }
0x99: {  	s4 =	simm.s32 $_scs_section_size  }
0x9a: {  	s5 =	simm.s32 $_size__tile_overlayer_lowered;
	s6 =	simm.s32 $_tile_overlayer_lowered  }
0x9b: {  	s22 =	simm.s32 $0x1BFF;
	s21 =	sshll.u32 s6, $0x1;
	s3 =	sadd.s32 s4, s19  }
0x9c: {  	s7 =	simm.s32 $0x0;
	s20 =	sshll.u32 s5, $0x1;
	s5 =	sadd.s32 s21, s3  }
0x9d: {  	[timem:s7], [sflag:s22] =	dma.local [hbm:s5], s20  }
0x9e: {  	_ =	swait.ge [sflag:s22], s20  }
0x9f: {  	s4 =	ssub.s32 $0x0, s20;
	[sflag:s22] =	ssyncset.done $0x0  }
0xa0: {  	[sflag:s22] =	ssyncadd.s32 s4;
	_ =	sdelay $0x1  }
0xa1: {  	s23 =	simm.s32 $0x1B8B  }
0xa2: {  	_ =	swait.ge [sflag:s23], $0x1  }
0xa3: {  	[sflag:s23] =	ssyncset.done $0x0  }
0xa4: {  	s25 =	simm.s32 $0x1B8E;
	s24 =	sld [smem:$0x3FFE];
	[sflag:s23] =	ssyncadd.s32 $0xFFFFFFFF  }
0xa5: {  	s26 =	simm.s32 $execute0_lowered;
	[smem:$0x3FD2] =	sst s25  }
0xa6: {  	s5 =	sshll.u32 s26, $0x1;
	_ =	strace $0x80000046;
	[dreg:$0x1] =	wrdreg $0xFFFFFFFF  }
0xa7: {  	s28 =	simm.s32 $_size_execute0_lowered;
	s3 =	sadd.s32 s3, s5;
	[dreg:$0x0] =	wrdreg $0x0  }
0xa8: {  	s5 =	sshll.u32 s28, $0x1;
	[dreg:$0x2] =	wrdreg s3  }
0xa9: {  	[dreg:$0x3] =	wrdreg s5  }
0xaa: {  	[dreg:$0x4] =	wrdreg $0xC0  }
0xab: {  	_ =	task [dreg:s7], $0x5FFFF  }
0xac: {  	[dreg:$0x1] =	wrdreg $0xFFFFFFFF  }
0xad: {  	[dreg:$0x0] =	wrdreg $0x60  }
0xae: {  	[dreg:$0x2] =	wrdreg s24  }
0xaf: {  	[dreg:$0x3] =	wrdreg s2  }
0xb0: {  	[dreg:$0x4] =	wrdreg $0x83000  }
0xb1: {  	[dreg:$0x5] =	wrdreg $0x9  }
0xb2: {  	_ =	task.clear_ibuf [dreg:s7], $0x6FFFF;
	_ =	strace $0x90000046  }
0xb3: {  	s29 =	simm.s32 $0x9;
	_ =	strace $0x80000048  }
0xb4: {  	_ =	swait.ge [sflag:s29], $0x1  }
0xb5: {  	[sflag:s29] =	ssyncadd.s32 $0xFFFFFFFF  }
0xb6: {  	_ =	strace $0x90000048  }
0xb7: {  	_ =	sfence  }
0xb8: {  	s30 =	sld [smem:$0x0];
	_ =	sdelay $0x2  }
0xb9: {  	s31 =	sshll.u32 s1, $0xD;
	s1 =	sshrl.u32 s1, $0x2  }
0xba: {  	s3 =	sand.u32 $0x4000, s31;
	s1 =	sadd.s32 s1, s30  }
0xbb: {  	s0 =	sor.u32 s3, s0;
	s1 =	sshll.u32 s1, $0x11  }
0xbc: {  	s0 =	sor.u32 s1, s0  }
0xbd: {  	s0 =	sadd.s32 $0x8F2B, s0  }
0xbe: {  	[sflag:s0] =	ssyncadd.remote.s32 $0x1  }
0xbf: {  	_ =	sfence.sel $0xFFFF  }
0xc0: {  	[dreg:$0x0] =	wrdreg $0xFFFFFFFF;
	(pc) =	sbr.abs _section_cstart, $3  }
0xc1: {  	[dreg:$0x1] =	wrdreg $0xFFFFFFFF  }
0xc2: {  	_ =	task.clear_ibuf [dreg:s7], $0x2FFFF;
	_ =	strace $0x9FFFFFFF  }
0xc3: {  	(tm) =	ssettm $0x7FFFFFFF  }
tec
execute0_lowered:
.L_overlay_start_1:
0x0: {  	(tag) =	ssettag $0x1  }
0x1: {  	s0 =	rddreg [dreg:$0x0]  }
0x2: {  	s2 =	rddreg [dreg:$0x1];
	s1 =	srdreg.scid  }
0x3: {  	s3 =	rddreg [dreg:$0x2];
	s10 =	stileid.u32;
	s4 =	simm.s32 $0x0  }
0x4: {  	s28 =	simm.s32 $0x3;
	s1 =	sand.u32 $0x1, s1;
	s7 =	smul.u32 $0x14000, s10  }
0x5: {  	s29 =	simm.s32 $0x180;
	s30 =	simm.s32 $0x200;
	s6 =	smul.u32 $0x140000, s1  }
0x6: {  	s31 =	simm.s32 $0x280;
	[smem:$0x7FF] =	sst s4;
	s9 =	smul.u32 $0x50000, s10  }
0x7: {  	s5 =	sadd.s32 $0x200, s0;
	s16 =	sshll.u32 s1, $0x4;
	s7 =	sadd.s32 s7, s6  }
0x8: {  	s17 =	sshrl.u32 s9, $0x2;
	s6 =	sadd.s32 $0x6BC00, s0;
	s8 =	sshrl.u32 s7, $0x3  }
0x9: {  	s7 =	sadd.s32 $0x4E400, s0;
	s0 =	sadd.s32 s8, s0;
	s8 =	sadd.s32 s17, s3  }
0xa: {  	_ =	strace $0x80000047;
	s10 =	sor.u32 s10, s16;
	s19 =	sadd.s32 $0x4000, s8  }
0xb: {  	s10 =	smul.u32 $0x7600, s10;
	s20 =	sadd.s32 $0x8000, s8;
	[dreg:$0x4] =	wrdreg s19  }
0xc: {  	s1 =	ssub.s32 $0x2, s1;
	s21 =	sadd.s32 $0xC000, s8;
	[dreg:$0x5] =	wrdreg s20  }
0xd: {  	s23 =	sshrl.u32 s10, $0x3;
	s22 =	sadd.s32 $0x10000, s8;
	[dreg:$0x6] =	wrdreg s21  }
0xe: {  	s18 =	sshrl.u32 s1, $0x1;
	s11 =	sadd.s32 s6, s23;
	[dreg:$0x7] =	wrdreg s22  }
0xf: {  	s1 =	ssub.s32 s1, s18;
	s24 =	sadd.s32 s2, s23;
	[dreg:$0x8] =	wrdreg s11  }
0x10: {  	s25 =	sor.u32 $0x10, s23;
	s9 =	sadd.s32 s7, s23;
	[dreg:$0x9] =	wrdreg s24  }
0x11: {  	v0 =	vimm.f32 $0.0e+00;
	v1 =	vimm.s32 $0x0;
	s23 =	simm.s32 $0x300;
	[dreg:$0xa] =	wrdreg s9;
	s26 =	sadd.s32 s6, s25  }
.Ltmp0:
0x12: {  	v2 =	vimm.s32 $0x1;
	v3 =	vimm.s32 $0x2;
	v4 =	vimm.s32 $0x3;
	s17 =	sadd.s32 s2, s25;
	s18 =	sadd.s32 s7, s25;
	(pc) =	sbr.rel .LBB2_1-.Ltmp0, $4  }
0x13: {  	v5 =	vimm.s32 $0x4;
	v6 =	vimm.s32 $0x5;
	v7 =	vimm.s32 $0x6;
	s19 =	sor.u32 $0x100, s10;
	s20 =	sor.u32 $0x180, s10;
	s21 =	sadd.s32 $0x89400, s0  }
0x14: {  	v8 =	vimm.s32 $0x7;
	v9 =	vimm.s32 $0x8;
	v10 =	vimm.s32 $0x9;
	s22 =	smax.u32 s1, $0x1;
	s24 =	simm.s32 $0x5;
	s25 =	simm.s32 $0x80  }
0x15: {  	v11 =	vimm.s32 $0xA;
	v12 =	vimm.s32 $0xB;
	v13 =	vimm.s32 $0xC;
	s0 =	simm.s32 $0x4;
	s1 =	simm.s32 $0x1;
	s9 =	simm.s32 $0x2  }
0x16: {  	v14 =	vimm.s32 $0xD;
	v15 =	vimm.s32 $0xE;
	v16 =	vimm.s32 $0xF;
	s10 =	simm.s32 $0x0;
	[dreg:$0xb] =	wrdreg s26;
	s26 =	simm.s32 $0x4300  }
.LBB2_10:
0x17: {  	s11 =	stileid.u32;
	s10 =	sadd.s32 $0x1, s10  }
0x18: {  	[bflag:$0x0] =	sbarrier.arrive $0xFFFF;
	s11 =	sshll.u32 s11, $0x6;
	p0 =	sne.s32 s10, s22  }
.Ltmp1:
0x19: {  	s12 =	sshrl.u32 s8, $0x3;
	s11 =	sor.u32 $0x1C05, s11;
	(pc) =	sbr.rel @!p0 .LBB2_11-.Ltmp1, $4  }
0x1a: {  	[hbm:s21], [sflag:s11] =	dma.local [spmem:s12], $0x2800  }
0x1b: {  	_ =	swait.ge [sflag:s24], $0x2800  }
0x1c: {  	[sflag:s24] =	ssyncset.done $0x0  }
0x1d: {  	[sflag:s24] =	ssyncadd.s32 $0xFFFFD800  }
.LBB2_1:
0x1e: {  	s11 =	simm.s32 $0x0;
	s12 =	simm.s32 $0x200  }
.LBB2_2:
0x1f: {  	p0 =	sne.s32 s12, $0xFE00;
	[tilespmem:s11+$0x370] =	vst v0  }
0x20: {  	[tilespmem:s11+$0x300] =	vst v0  }
0x21: {  	[tilespmem:s11+$0x310] =	vst v0  }
.Ltmp2:
0x22: {  	[tilespmem:s11+$0x320] =	vst v0;
	(pc) =	sbr.rel @p0 .LBB2_2-.Ltmp2, $4  }
0x23: {  	[tilespmem:s11+$0x330] =	vst v0  }
0x24: {  	[tilespmem:s11+$0x340] =	vst v0  }
0x25: {  	[tilespmem:s11+$0x350] =	vst v0  }
0x26: {  	[tilespmem:s11+$0x360] =	vst v0;
	s11 =	sshra.s32 s12, $0x2;
	s12 =	sadd.s32 $0x200, s12  }
0x27: {  	[tilespmem:s11+$0x370] =	vst v0  }
0x28: {  	[tilespmem:s11+$0x300] =	vst v0  }
0x29: {  	[tilespmem:s11+$0x310] =	vst v0  }
0x2a: {  	[tilespmem:s11+$0x320] =	vst v0  }
0x2b: {  	[tilespmem:s11+$0x330] =	vst v0  }
0x2c: {  	[tilespmem:s11+$0x340] =	vst v0  }
0x2d: {  	[tilespmem:s11+$0x350] =	vst v0  }
0x2e: {  	[tilespmem:s11+$0x360] =	vst v0  }
0x2f: {  	[spmem:s8] =	stream.linear.scatter [tilespmem:s23], [sflag:$0x5], $0x4000, $0x38;
	[tilespmem:$0x1C300] =	vst v63  }
0x30: {  	_ =	swait.ge [sflag:s24], $0x4000  }
0x31: {  	[sflag:s24] =	ssyncset.done $0x0  }
0x32: {  	s15 =	rddreg [dreg:$0x4];
	[sflag:s24] =	ssyncadd.s32 $0xFFFFC000  }
0x33: {  	[spmem:s15] =	stream.linear.scatter [tilespmem:s23], [sflag:$0x5], $0x4000, $0x38;
	[tilespmem:$0x1C300] =	vst v63  }
0x34: {  	_ =	swait.ge [sflag:s24], $0x4000  }
0x35: {  	[sflag:s24] =	ssyncset.done $0x0  }
0x36: {  	s16 =	rddreg [dreg:$0x5];
	[sflag:s24] =	ssyncadd.s32 $0xFFFFC000  }
0x37: {  	[spmem:s16] =	stream.linear.scatter [tilespmem:s23], [sflag:$0x5], $0x4000, $0x38;
	[tilespmem:$0x1C300] =	vst v63  }
0x38: {  	_ =	swait.ge [sflag:s24], $0x4000  }
0x39: {  	[sflag:s24] =	ssyncset.done $0x0  }
0x3a: {  	s12 =	rddreg [dreg:$0x6];
	[sflag:s24] =	ssyncadd.s32 $0xFFFFC000  }
0x3b: {  	[spmem:s12] =	stream.linear.scatter [tilespmem:s23], [sflag:$0x5], $0x4000, $0x38;
	[tilespmem:$0x1C300] =	vst v63  }
0x3c: {  	_ =	swait.ge [sflag:s24], $0x4000  }
0x3d: {  	[sflag:s24] =	ssyncset.done $0x0  }
0x3e: {  	s13 =	rddreg [dreg:$0x7];
	[sflag:s24] =	ssyncadd.s32 $0xFFFFC000  }
0x3f: {  	[spmem:s13] =	stream.linear.scatter [tilespmem:s23], [sflag:$0x5], $0x4000, $0x38;
	[tilespmem:$0x1C300] =	vst v63  }
0x40: {  	_ =	swait.ge [sflag:s24], $0x4000  }
0x41: {  	[sflag:s24] =	ssyncset.done $0x0  }
0x42: {  	[sflag:s24] =	ssyncadd.s32 $0xFFFFC000  }
0x43: {  	[bflag:$0x0] =	sbarrier.arrive $0xFFFF  }
0x44: {  	s11 =	simm.s32 $0x0;
	s12 =	rddreg [dreg:$0x8]  }
0x45: {  	[tilespmem:s11], [sflag:$0x3] =	stream.linear.gather [hbm4b:s12+s11], $0x80, $0x38;
	[tilespmem:$0x1C300] =	vst v63  }
0x46: {  	s14 =	rddreg [dreg:$0x9]  }
0x47: {  	[tilespmem:s25], [sflag:$0x3] =	stream.linear.gather [hbm4b:s14+s11], $0x80, $0x38;
	[tilespmem:$0x1C300] =	vst v63  }
0x48: {  	s13 =	simm.s32 $0x100;
	s15 =	rddreg [dreg:$0xa]  }
0x49: {  	[tilespmem:s13], [sflag:$0x3] =	stream.linear.gather [hbm4b:s15+s11], $0x80, $0x38;
	[tilespmem:$0x1C300] =	vst v63  }
0x4a: {  	_ =	swait.ge [sflag:s28], $0x80  }
0x4b: {  	[sflag:s28] =	ssyncset.done $0x0  }
0x4c: {  	[sflag:s28] =	ssyncadd.s32 $0xFFFFFF80  }
0x4d: {  	_ =	swait.ge [sflag:s28], $0x80  }
0x4e: {  	[sflag:s28] =	ssyncset.done $0x0  }
0x4f: {  	[sflag:s28] =	ssyncadd.s32 $0xFFFFFF80  }
0x50: {  	_ =	swait.ge [sflag:s28], $0x80  }
0x51: {  	[sflag:s28] =	ssyncset.done $0x0  }
0x52: {  	[sflag:s28] =	ssyncadd.s32 $0xFFFFFF80  }
0x53: {  	[tilespmem:s23], [sflag:$0x1] =	stream.indirect.gather [hbm4b:s5+s25], $0x80, s25, s25, $0xb8;
	[tilespmem:$0x1C300] =	vst v63  }
0x54: {  	s16 =	rddreg [dreg:$0xb]  }
0x55: {  	[tilespmem:s29], [sflag:$0x4] =	stream.linear.gather [hbm4b:s16+s11], $0x80, $0x38;
	[tilespmem:$0x1C300] =	vst v63  }
0x56: {  	_ = 	snop  }
0x57: {  	[tilespmem:s30], [sflag:$0x4] =	stream.linear.gather [hbm4b:s17+s11], $0x80, $0x38;
	[tilespmem:$0x1C300] =	vst v63  }
0x58: {  	_ = 	snop  }
0x59: {  	[tilespmem:s31], [sflag:$0x4] =	stream.linear.gather [hbm4b:s18+s11], $0x80, $0x38;
	[tilespmem:$0x1C300] =	vst v63  }
0x5a: {  	_ =	swait.ge [sflag:s0], $0x80  }
0x5b: {  	[sflag:s0] =	ssyncset.done $0x0  }
0x5c: {  	[sflag:s0] =	ssyncadd.s32 $0xFFFFFF80  }
0x5d: {  	_ =	swait.ge [sflag:s0], $0x80  }
0x5e: {  	[sflag:s0] =	ssyncset.done $0x0  }
0x5f: {  	[sflag:s0] =	ssyncadd.s32 $0xFFFFFF80  }
0x60: {  	_ =	swait.ge [sflag:s0], $0x80  }
0x61: {  	[sflag:s0] =	ssyncset.done $0x0  }
0x62: {  	[sflag:s0] =	ssyncadd.s32 $0xFFFFFF80  }
0x63: {  	[tilespmem:s26], [sflag:$0x2] =	stream.indirect.gather [hbm4b:s5+s25], $0x80, s30, s25, $0xb8;
	[tilespmem:$0x1C300] =	vst v63  }
.LBB2_4:
0x64: {  	_ =	swait.ge [sflag:s1], $0x4000  }
0x65: {  	[sflag:s1] =	ssyncset.done $0x0  }
0x66: {  	s12 =	simm.s32 $0x0;
	[sflag:s1] =	ssyncadd.s32 $0xFFFFC000  }
.LBB2_5:
0x67: {  	s13 =	sshll.u32 s12, $0x4  }
0x68: {  	s13 =	sand.u32 $0x3FFFFFF0, s13  }
0x69: {  	s16 =	sshll.u32 s12, $0xB;
	v17 =	vld [tilespmem:s13+$0x100]  }
0x6a: {  	s13 =	sand.u32 $0x3FFFF800, s16  }
0x6b: {  	v18 =	vld [tilespmem:s13+$0x300]  }
0x6c: {  	v19 =	vld [tilespmem:s13+$0x310]  }
0x6d: {  	v20 =	vld [tilespmem:s13+$0x320]  }
0x6e: {  	v22 =	vld [tilespmem:s13+$0x330];
	v21 =	vperm.xlane v17, v1  }
0x6f: {  	v23 =	vld [tilespmem:s13+$0x340]  }
0x70: {  	v24 =	vld [tilespmem:s13+$0x350];
	v18 =	vmul.f32 v18, v21  }
0x71: {  	v25 =	vld [tilespmem:s13+$0x360];
	v19 =	vmul.f32 v19, v21  }
0x72: {  	v38 =	vld [tilespmem:s13+$0x370];
	[tilespmem:s13+$0x300] =	vst v18;
	v18 =	vmul.f32 v20, v21  }
0x73: {  	v39 =	vld [tilespmem:s13+$0x380];
	[tilespmem:s13+$0x310] =	vst v19;
	v19 =	vmul.f32 v22, v21  }
0x74: {  	v40 =	vld [tilespmem:s13+$0x390];
	[tilespmem:s13+$0x320] =	vst v18;
	v18 =	vmul.f32 v23, v21  }
0x75: {  	v41 =	vld [tilespmem:s13+$0x3A0];
	[tilespmem:s13+$0x330] =	vst v19;
	v19 =	vmul.f32 v24, v21  }
0x76: {  	v26 =	vld [tilespmem:s13+$0x3B0];
	v42 =	vperm.xlane v17, v2;
	[tilespmem:s13+$0x340] =	vst v18;
	v18 =	vmul.f32 v25, v21  }
0x77: {  	v43 =	vld [tilespmem:s13+$0x3C0];
	[tilespmem:s13+$0x350] =	vst v19;
	v19 =	vmul.f32 v38, v21  }
0x78: {  	v44 =	vld [tilespmem:s13+$0x3D0];
	[tilespmem:s13+$0x360] =	vst v18;
	v18 =	vmul.f32 v39, v42  }
0x79: {  	v45 =	vld [tilespmem:s13+$0x3E0];
	[tilespmem:s13+$0x370] =	vst v19;
	v19 =	vmul.f32 v40, v42  }
0x7a: {  	v46 =	vld [tilespmem:s13+$0x3F0];
	[tilespmem:s13+$0x380] =	vst v18;
	v18 =	vmul.f32 v41, v42  }
0x7b: {  	v47 =	vld [tilespmem:s13+$0x400];
	[tilespmem:s13+$0x390] =	vst v19;
	v19 =	vmul.f32 v26, v42  }
0x7c: {  	v48 =	vld [tilespmem:s13+$0x410];
	[tilespmem:s13+$0x3A0] =	vst v18;
	v18 =	vmul.f32 v43, v42  }
0x7d: {  	v49 =	vld [tilespmem:s13+$0x420];
	[tilespmem:s13+$0x3B0] =	vst v19;
	v19 =	vmul.f32 v44, v42  }
0x7e: {  	v51 =	vld [tilespmem:s13+$0x430];
	v50 =	vperm.xlane v17, v3;
	[tilespmem:s13+$0x3C0] =	vst v18;
	v18 =	vmul.f32 v45, v42  }
0x7f: {  	v52 =	vld [tilespmem:s13+$0x440];
	[tilespmem:s13+$0x3D0] =	vst v19;
	v19 =	vmul.f32 v46, v42  }
0x80: {  	v53 =	vld [tilespmem:s13+$0x450];
	[tilespmem:s13+$0x3E0] =	vst v18;
	v18 =	vmul.f32 v47, v50  }
0x81: {  	v54 =	vld [tilespmem:s13+$0x460];
	[tilespmem:s13+$0x3F0] =	vst v19;
	v19 =	vmul.f32 v48, v50  }
0x82: {  	v55 =	vld [tilespmem:s13+$0x470];
	[tilespmem:s13+$0x400] =	vst v18;
	v18 =	vmul.f32 v49, v50  }
0x83: {  	v56 =	vld [tilespmem:s13+$0x480];
	[tilespmem:s13+$0x410] =	vst v19;
	v19 =	vmul.f32 v51, v50  }
0x84: {  	v57 =	vld [tilespmem:s13+$0x490];
	[tilespmem:s13+$0x420] =	vst v18;
	v18 =	vmul.f32 v52, v50  }
0x85: {  	v58 =	vld [tilespmem:s13+$0x4A0];
	[tilespmem:s13+$0x430] =	vst v19;
	v19 =	vmul.f32 v53, v50  }
0x86: {  	v60 =	vld [tilespmem:s13+$0x4B0];
	v59 =	vperm.xlane v17, v4;
	[tilespmem:s13+$0x440] =	vst v18;
	v18 =	vmul.f32 v54, v50  }
0x87: {  	v61 =	vld [tilespmem:s13+$0x4C0];
	[tilespmem:s13+$0x450] =	vst v19;
	v19 =	vmul.f32 v55, v50  }
0x88: {  	v62 =	vld [tilespmem:s13+$0x4D0];
	[tilespmem:s13+$0x460] =	vst v18;
	v18 =	vmul.f32 v56, v59  }
0x89: {  	v63 =	vld [tilespmem:s13+$0x4E0];
	[tilespmem:s13+$0x470] =	vst v19;
	v19 =	vmul.f32 v57, v59  }
0x8a: {  	v28 =	vld [tilespmem:s13+$0x4F0];
	[tilespmem:s13+$0x480] =	vst v18;
	v18 =	vmul.f32 v58, v59  }
0x8b: {  	v29 =	vld [tilespmem:s13+$0x500];
	[tilespmem:s13+$0x490] =	vst v19;
	v19 =	vmul.f32 v60, v59  }
0x8c: {  	v30 =	vld [tilespmem:s13+$0x510];
	[tilespmem:s13+$0x4A0] =	vst v18;
	v18 =	vmul.f32 v61, v59  }
0x8d: {  	v31 =	vld [tilespmem:s13+$0x520];
	[tilespmem:s13+$0x4B0] =	vst v19;
	v19 =	vmul.f32 v62, v59  }
0x8e: {  	v33 =	vld [tilespmem:s13+$0x530];
	v32 =	vperm.xlane v17, v5;
	[tilespmem:s13+$0x4C0] =	vst v18;
	v18 =	vmul.f32 v63, v59  }
0x8f: {  	v34 =	vld [tilespmem:s13+$0x540];
	[tilespmem:s13+$0x4D0] =	vst v19;
	v19 =	vmul.f32 v28, v59  }
0x90: {  	v35 =	vld [tilespmem:s13+$0x550];
	[tilespmem:s13+$0x4E0] =	vst v18;
	v18 =	vmul.f32 v29, v32  }
0x91: {  	v36 =	vld [tilespmem:s13+$0x560];
	[tilespmem:s13+$0x4F0] =	vst v19;
	v19 =	vmul.f32 v30, v32  }
0x92: {  	v37 =	vld [tilespmem:s13+$0x570];
	[tilespmem:s13+$0x500] =	vst v18;
	v18 =	vmul.f32 v31, v32  }
0x93: {  	v38 =	vld [tilespmem:s13+$0x580];
	[tilespmem:s13+$0x510] =	vst v19;
	v19 =	vmul.f32 v33, v32  }
0x94: {  	v39 =	vld [tilespmem:s13+$0x590];
	[tilespmem:s13+$0x520] =	vst v18;
	v18 =	vmul.f32 v34, v32  }
0x95: {  	v40 =	vld [tilespmem:s13+$0x5A0];
	[tilespmem:s13+$0x530] =	vst v19;
	v19 =	vmul.f32 v35, v32  }
0x96: {  	v41 =	vperm.xlane v17, v6;
	v42 =	vld [tilespmem:s13+$0x5B0];
	[tilespmem:s13+$0x540] =	vst v18;
	v18 =	vmul.f32 v36, v32  }
0x97: {  	v43 =	vld [tilespmem:s13+$0x5C0];
	[tilespmem:s13+$0x550] =	vst v19;
	v19 =	vmul.f32 v37, v32  }
0x98: {  	v44 =	vld [tilespmem:s13+$0x5D0];
	[tilespmem:s13+$0x560] =	vst v18;
	v18 =	vmul.f32 v38, v41  }
0x99: {  	v45 =	vld [tilespmem:s13+$0x5E0];
	[tilespmem:s13+$0x570] =	vst v19;
	v19 =	vmul.f32 v39, v41  }
0x9a: {  	v46 =	vld [tilespmem:s13+$0x5F0];
	[tilespmem:s13+$0x580] =	vst v18;
	v18 =	vmul.f32 v40, v41  }
0x9b: {  	v47 =	vld [tilespmem:s13+$0x600];
	[tilespmem:s13+$0x590] =	vst v19;
	v19 =	vmul.f32 v42, v41  }
0x9c: {  	v48 =	vld [tilespmem:s13+$0x610];
	[tilespmem:s13+$0x5A0] =	vst v18;
	v18 =	vmul.f32 v43, v41  }
0x9d: {  	v49 =	vld [tilespmem:s13+$0x620];
	[tilespmem:s13+$0x5B0] =	vst v19;
	v19 =	vmul.f32 v44, v41  }
0x9e: {  	v51 =	vld [tilespmem:s13+$0x630];
	v50 =	vperm.xlane v17, v7;
	[tilespmem:s13+$0x5C0] =	vst v18;
	v18 =	vmul.f32 v45, v41  }
0x9f: {  	v52 =	vld [tilespmem:s13+$0x640];
	[tilespmem:s13+$0x5D0] =	vst v19;
	v19 =	vmul.f32 v46, v41  }
0xa0: {  	v53 =	vld [tilespmem:s13+$0x650];
	[tilespmem:s13+$0x5E0] =	vst v18;
	v18 =	vmul.f32 v47, v50  }
0xa1: {  	v54 =	vld [tilespmem:s13+$0x660];
	[tilespmem:s13+$0x5F0] =	vst v19;
	v19 =	vmul.f32 v48, v50  }
0xa2: {  	v55 =	vld [tilespmem:s13+$0x670];
	[tilespmem:s13+$0x600] =	vst v18;
	v18 =	vmul.f32 v49, v50  }
0xa3: {  	v56 =	vld [tilespmem:s13+$0x680];
	[tilespmem:s13+$0x610] =	vst v19;
	v19 =	vmul.f32 v51, v50  }
0xa4: {  	v57 =	vld [tilespmem:s13+$0x690];
	[tilespmem:s13+$0x620] =	vst v18;
	v18 =	vmul.f32 v52, v50  }
0xa5: {  	v58 =	vld [tilespmem:s13+$0x6A0];
	[tilespmem:s13+$0x630] =	vst v19;
	v19 =	vmul.f32 v53, v50  }
0xa6: {  	v60 =	vld [tilespmem:s13+$0x6B0];
	v59 =	vperm.xlane v17, v8;
	[tilespmem:s13+$0x640] =	vst v18;
	v18 =	vmul.f32 v54, v50  }
0xa7: {  	v61 =	vld [tilespmem:s13+$0x6C0];
	[tilespmem:s13+$0x650] =	vst v19;
	v19 =	vmul.f32 v55, v50  }
0xa8: {  	v62 =	vld [tilespmem:s13+$0x6D0];
	[tilespmem:s13+$0x660] =	vst v18;
	v18 =	vmul.f32 v56, v59  }
0xa9: {  	v63 =	vld [tilespmem:s13+$0x6E0];
	[tilespmem:s13+$0x670] =	vst v19;
	v19 =	vmul.f32 v57, v59  }
0xaa: {  	v28 =	vld [tilespmem:s13+$0x6F0];
	[tilespmem:s13+$0x680] =	vst v18;
	v18 =	vmul.f32 v58, v59  }
0xab: {  	v29 =	vld [tilespmem:s13+$0x700];
	[tilespmem:s13+$0x690] =	vst v19;
	v19 =	vmul.f32 v60, v59  }
0xac: {  	v30 =	vld [tilespmem:s13+$0x710];
	[tilespmem:s13+$0x6A0] =	vst v18;
	v18 =	vmul.f32 v61, v59  }
0xad: {  	v31 =	vld [tilespmem:s13+$0x720];
	[tilespmem:s13+$0x6B0] =	vst v19;
	v19 =	vmul.f32 v62, v59  }
0xae: {  	v33 =	vld [tilespmem:s13+$0x730];
	v32 =	vperm.xlane v17, v9;
	[tilespmem:s13+$0x6C0] =	vst v18;
	v18 =	vmul.f32 v63, v59  }
0xaf: {  	v34 =	vld [tilespmem:s13+$0x740];
	[tilespmem:s13+$0x6D0] =	vst v19;
	v19 =	vmul.f32 v28, v59  }
0xb0: {  	v35 =	vld [tilespmem:s13+$0x750];
	[tilespmem:s13+$0x6E0] =	vst v18;
	v18 =	vmul.f32 v29, v32  }
0xb1: {  	v36 =	vld [tilespmem:s13+$0x760];
	[tilespmem:s13+$0x6F0] =	vst v19;
	v19 =	vmul.f32 v30, v32  }
0xb2: {  	v37 =	vld [tilespmem:s13+$0x770];
	[tilespmem:s13+$0x700] =	vst v18;
	v18 =	vmul.f32 v31, v32  }
0xb3: {  	v38 =	vld [tilespmem:s13+$0x780];
	[tilespmem:s13+$0x710] =	vst v19;
	v19 =	vmul.f32 v33, v32  }
0xb4: {  	v39 =	vld [tilespmem:s13+$0x790];
	[tilespmem:s13+$0x720] =	vst v18;
	v18 =	vmul.f32 v34, v32  }
0xb5: {  	v40 =	vld [tilespmem:s13+$0x7A0];
	[tilespmem:s13+$0x730] =	vst v19;
	v19 =	vmul.f32 v35, v32  }
0xb6: {  	v42 =	vld [tilespmem:s13+$0x7B0];
	v41 =	vperm.xlane v17, v10;
	[tilespmem:s13+$0x740] =	vst v18;
	v18 =	vmul.f32 v36, v32  }
0xb7: {  	v43 =	vld [tilespmem:s13+$0x7C0];
	[tilespmem:s13+$0x750] =	vst v19;
	v19 =	vmul.f32 v37, v32  }
0xb8: {  	v44 =	vld [tilespmem:s13+$0x7D0];
	[tilespmem:s13+$0x760] =	vst v18;
	v18 =	vmul.f32 v38, v41  }
0xb9: {  	v45 =	vld [tilespmem:s13+$0x7E0];
	[tilespmem:s13+$0x770] =	vst v19;
	v19 =	vmul.f32 v39, v41  }
0xba: {  	v46 =	vld [tilespmem:s13+$0x7F0];
	[tilespmem:s13+$0x780] =	vst v18;
	v18 =	vmul.f32 v40, v41  }
0xbb: {  	v47 =	vld [tilespmem:s13+$0x800];
	[tilespmem:s13+$0x790] =	vst v19;
	v19 =	vmul.f32 v42, v41  }
0xbc: {  	v48 =	vld [tilespmem:s13+$0x810];
	[tilespmem:s13+$0x7A0] =	vst v18;
	v18 =	vmul.f32 v43, v41  }
0xbd: {  	v49 =	vld [tilespmem:s13+$0x820];
	[tilespmem:s13+$0x7B0] =	vst v19;
	v19 =	vmul.f32 v44, v41  }
0xbe: {  	v51 =	vld [tilespmem:s13+$0x830];
	v50 =	vperm.xlane v17, v11;
	[tilespmem:s13+$0x7C0] =	vst v18;
	v18 =	vmul.f32 v45, v41  }
0xbf: {  	v52 =	vld [tilespmem:s13+$0x840];
	[tilespmem:s13+$0x7D0] =	vst v19;
	v19 =	vmul.f32 v46, v41  }
0xc0: {  	v53 =	vld [tilespmem:s13+$0x850];
	[tilespmem:s13+$0x7E0] =	vst v18;
	v18 =	vmul.f32 v47, v50  }
0xc1: {  	v54 =	vld [tilespmem:s13+$0x860];
	[tilespmem:s13+$0x7F0] =	vst v19;
	v19 =	vmul.f32 v48, v50  }
0xc2: {  	v55 =	vld [tilespmem:s13+$0x870];
	[tilespmem:s13+$0x800] =	vst v18;
	v18 =	vmul.f32 v49, v50  }
0xc3: {  	v56 =	vld [tilespmem:s13+$0x880];
	[tilespmem:s13+$0x810] =	vst v19;
	v19 =	vmul.f32 v51, v50  }
0xc4: {  	v57 =	vld [tilespmem:s13+$0x890];
	[tilespmem:s13+$0x820] =	vst v18;
	v18 =	vmul.f32 v52, v50  }
0xc5: {  	v58 =	vld [tilespmem:s13+$0x8A0];
	[tilespmem:s13+$0x830] =	vst v19;
	v19 =	vmul.f32 v53, v50  }
0xc6: {  	v60 =	vld [tilespmem:s13+$0x8B0];
	v59 =	vperm.xlane v17, v12;
	[tilespmem:s13+$0x840] =	vst v18;
	v18 =	vmul.f32 v54, v50  }
0xc7: {  	v61 =	vld [tilespmem:s13+$0x8C0];
	[tilespmem:s13+$0x850] =	vst v19;
	v19 =	vmul.f32 v55, v50  }
0xc8: {  	v62 =	vld [tilespmem:s13+$0x8D0];
	[tilespmem:s13+$0x860] =	vst v18;
	v18 =	vmul.f32 v56, v59  }
0xc9: {  	v63 =	vld [tilespmem:s13+$0x8E0];
	[tilespmem:s13+$0x870] =	vst v19;
	v19 =	vmul.f32 v57, v59  }
0xca: {  	v28 =	vld [tilespmem:s13+$0x8F0];
	[tilespmem:s13+$0x880] =	vst v18;
	v18 =	vmul.f32 v58, v59  }
0xcb: {  	v29 =	vld [tilespmem:s13+$0x900];
	[tilespmem:s13+$0x890] =	vst v19;
	v19 =	vmul.f32 v60, v59  }
0xcc: {  	v30 =	vld [tilespmem:s13+$0x910];
	[tilespmem:s13+$0x8A0] =	vst v18;
	v18 =	vmul.f32 v61, v59  }
0xcd: {  	v31 =	vld [tilespmem:s13+$0x920];
	[tilespmem:s13+$0x8B0] =	vst v19;
	v19 =	vmul.f32 v62, v59  }
0xce: {  	v33 =	vld [tilespmem:s13+$0x930];
	v32 =	vperm.xlane v17, v13;
	[tilespmem:s13+$0x8C0] =	vst v18;
	v18 =	vmul.f32 v63, v59  }
0xcf: {  	v34 =	vld [tilespmem:s13+$0x940];
	[tilespmem:s13+$0x8D0] =	vst v19;
	v19 =	vmul.f32 v28, v59  }
0xd0: {  	v35 =	vld [tilespmem:s13+$0x950];
	[tilespmem:s13+$0x8E0] =	vst v18;
	v18 =	vmul.f32 v29, v32  }
0xd1: {  	v36 =	vld [tilespmem:s13+$0x960];
	[tilespmem:s13+$0x8F0] =	vst v19;
	v19 =	vmul.f32 v30, v32  }
0xd2: {  	v37 =	vld [tilespmem:s13+$0x970];
	[tilespmem:s13+$0x900] =	vst v18;
	v18 =	vmul.f32 v31, v32  }
0xd3: {  	v38 =	vld [tilespmem:s13+$0x980];
	[tilespmem:s13+$0x910] =	vst v19;
	v19 =	vmul.f32 v33, v32  }
0xd4: {  	v39 =	vld [tilespmem:s13+$0x990];
	[tilespmem:s13+$0x920] =	vst v18;
	v18 =	vmul.f32 v34, v32  }
0xd5: {  	v40 =	vld [tilespmem:s13+$0x9A0];
	[tilespmem:s13+$0x930] =	vst v19;
	v19 =	vmul.f32 v35, v32  }
0xd6: {  	v42 =	vld [tilespmem:s13+$0x9B0];
	v41 =	vperm.xlane v17, v14;
	[tilespmem:s13+$0x940] =	vst v18;
	v18 =	vmul.f32 v36, v32  }
0xd7: {  	v43 =	vld [tilespmem:s13+$0x9C0];
	[tilespmem:s13+$0x950] =	vst v19;
	v19 =	vmul.f32 v37, v32  }
0xd8: {  	v44 =	vld [tilespmem:s13+$0x9D0];
	[tilespmem:s13+$0x960] =	vst v18;
	v18 =	vmul.f32 v38, v41  }
0xd9: {  	v45 =	vld [tilespmem:s13+$0x9E0];
	[tilespmem:s13+$0x970] =	vst v19;
	v19 =	vmul.f32 v39, v41  }
0xda: {  	v46 =	vld [tilespmem:s13+$0x9F0];
	[tilespmem:s13+$0x980] =	vst v18;
	v18 =	vmul.f32 v40, v41  }
0xdb: {  	v47 =	vld [tilespmem:s13+$0xA00];
	[tilespmem:s13+$0x990] =	vst v19;
	v19 =	vmul.f32 v42, v41  }
0xdc: {  	v48 =	vld [tilespmem:s13+$0xA10];
	[tilespmem:s13+$0x9A0] =	vst v18;
	v18 =	vmul.f32 v43, v41  }
0xdd: {  	v49 =	vld [tilespmem:s13+$0xA20];
	[tilespmem:s13+$0x9B0] =	vst v19;
	v19 =	vmul.f32 v44, v41  }
0xde: {  	v51 =	vld [tilespmem:s13+$0xA30];
	v50 =	vperm.xlane v17, v15;
	[tilespmem:s13+$0x9C0] =	vst v18;
	v18 =	vmul.f32 v45, v41  }
0xdf: {  	v52 =	vld [tilespmem:s13+$0xA40];
	[tilespmem:s13+$0x9D0] =	vst v19;
	v19 =	vmul.f32 v46, v41  }
0xe0: {  	v53 =	vld [tilespmem:s13+$0xA50];
	[tilespmem:s13+$0x9E0] =	vst v18;
	v18 =	vmul.f32 v47, v50  }
0xe1: {  	v54 =	vld [tilespmem:s13+$0xA60];
	[tilespmem:s13+$0x9F0] =	vst v19;
	v19 =	vmul.f32 v48, v50  }
0xe2: {  	v55 =	vld [tilespmem:s13+$0xA70];
	[tilespmem:s13+$0xA00] =	vst v18;
	v18 =	vmul.f32 v49, v50  }
0xe3: {  	v56 =	vld [tilespmem:s13+$0xA80];
	[tilespmem:s13+$0xA10] =	vst v19;
	v19 =	vmul.f32 v51, v50  }
0xe4: {  	v57 =	vld [tilespmem:s13+$0xA90];
	[tilespmem:s13+$0xA20] =	vst v18;
	v18 =	vmul.f32 v52, v50  }
0xe5: {  	v58 =	vld [tilespmem:s13+$0xAA0];
	[tilespmem:s13+$0xA30] =	vst v19;
	v19 =	vmul.f32 v53, v50  }
0xe6: {  	v17 =	vperm.xlane v17, v16;
	v59 =	vld [tilespmem:s13+$0xAB0];
	[tilespmem:s13+$0xA40] =	vst v18;
	v18 =	vmul.f32 v54, v50  }
0xe7: {  	v60 =	vld [tilespmem:s13+$0xAC0];
	[tilespmem:s13+$0xA50] =	vst v19;
	v19 =	vmul.f32 v55, v50  }
0xe8: {  	v61 =	vld [tilespmem:s13+$0xAD0];
	[tilespmem:s13+$0xA60] =	vst v18;
	v18 =	vmul.f32 v56, v17  }
0xe9: {  	v62 =	vld [tilespmem:s13+$0xAE0];
	[tilespmem:s13+$0xA70] =	vst v19;
	v19 =	vmul.f32 v57, v17  }
0xea: {  	v63 =	vld [tilespmem:s13+$0xAF0];
	[tilespmem:s13+$0xA80] =	vst v18;
	v18 =	vmul.f32 v58, v17  }
0xeb: {  	[tilespmem:s13+$0xA90] =	vst v19;
	v19 =	vmul.f32 v59, v17  }
0xec: {  	p0 =	sne.s32 s12, $0x7;
	[tilespmem:s13+$0xAA0] =	vst v18;
	v18 =	vmul.f32 v60, v17  }
.Ltmp3:
0xed: {  	[tilespmem:s13+$0xAB0] =	vst v19;
	v19 =	vmul.f32 v61, v17;
	(pc) =	sbr.rel @p0 .LBB2_5-.Ltmp3, $4  }
0xee: {  	[tilespmem:s13+$0xAC0] =	vst v18;
	v18 =	vmul.f32 v62, v17  }
0xef: {  	[tilespmem:s13+$0xAD0] =	vst v19;
	v17 =	vmul.f32 v63, v17  }
0xf0: {  	[tilespmem:s13+$0xAE0] =	vst v18  }
0xf1: {  	s12 =	sadd.s32 $0x1, s12;
	[tilespmem:s13+$0xAF0] =	vst v17  }
0xf2: {  	[spmem:s3] =	stream.indirect.scatter.add.f32 [tilespmem:s23], [sflag:$0x5], $0x80, s4, s25, $0xb8;
	[tilespmem:$0x1C300] =	vst v63  }
0xf3: {  	s12 =	sshll.u32 s11, $0x8;
	p0 =	seq.s32 s11, $0x75  }
0xf4: {  	_ =	swait.ge [sflag:s24], $0x4000;
	s13 =	sadd.s32 @!p0 s12, s19  }
0xf5: {  	[sflag:s24] =	ssyncset.done $0x0;
	s13 =	sshrl.u32 @!p0 s13, $0x3  }
0xf6: {  	s15 =	simm.s32 @!p0 $0x0;
	[sflag:s24] =	ssyncadd.s32 $0xFFFFC000;
	s14 =	sadd.s32 @!p0 s6, s13  }
0xf7: {  	[tilespmem:s15], [sflag:$0x3] =	stream.linear.gather @!p0 [hbm4b:s14+s15], $0x80, $0x38;
	[tilespmem:$0x1C300] =	vst v63  }
0xf8: {  	s16 =	simm.s32 @!p0 $0x80;
	s14 =	sadd.s32 @!p0 s2, s13  }
0xf9: {  	[tilespmem:s16], [sflag:$0x3] =	stream.linear.gather @!p0 [hbm4b:s14+s15], $0x80, $0x38;
	[tilespmem:$0x1C300] =	vst v63  }
0xfa: {  	s13 =	sadd.s32 @!p0 s7, s13;
	s14 =	simm.s32 @!p0 $0x100  }
0xfb: {  	[tilespmem:s14], [sflag:$0x3] =	stream.linear.gather @!p0 [hbm4b:s13+s15], $0x80, $0x38;
	[tilespmem:$0x1C300] =	vst v63  }
0xfc: {  	s13 =	simm.s32 @!p0 $0x3  }
0xfd: {  	_ =	swait.ge @!p0 [sflag:s13], $0x80  }
0xfe: {  	[sflag:s13] =	ssyncset.done @!p0 $0x0  }
0xff: {  	[sflag:s13] =	ssyncadd.s32 @!p0 $0xFFFFFF80  }
0x100: {  	_ =	swait.ge @!p0 [sflag:s13], $0x80  }
0x101: {  	[sflag:s13] =	ssyncset.done @!p0 $0x0  }
0x102: {  	[sflag:s13] =	ssyncadd.s32 @!p0 $0xFFFFFF80  }
0x103: {  	_ =	swait.ge @!p0 [sflag:s13], $0x80  }
0x104: {  	[sflag:s13] =	ssyncset.done @!p0 $0x0  }
0x105: {  	[sflag:s13] =	ssyncadd.s32 @!p0 $0xFFFFFF80;
	s13 =	simm.s32 @!p0 $0x300  }
0x106: {  	[tilespmem:s13], [sflag:$0x1] =	stream.indirect.gather @!p0 [hbm4b:s5+s16], $0x80, s16, s16, $0xb8;
	[tilespmem:$0x1C300] =	vst v63  }
0x107: {  	_ =	swait.ge [sflag:s9], $0x4000  }
0x108: {  	[sflag:s9] =	ssyncset.done $0x0  }
0x109: {  	s13 =	simm.s32 $0x0;
	[sflag:s9] =	ssyncadd.s32 $0xFFFFC000  }
.LBB2_7:
0x10a: {  	s14 =	sshll.u32 s13, $0x4  }
0x10b: {  	s14 =	sand.u32 $0x3FFFFFF0, s14  }
0x10c: {  	s16 =	sshll.u32 s13, $0xB;
	v17 =	vld [tilespmem:s14+$0x280]  }
0x10d: {  	s14 =	sand.u32 $0x3FFFF800, s16  }
0x10e: {  	v18 =	vld [tilespmem:s14+$0x4300]  }
0x10f: {  	v19 =	vld [tilespmem:s14+$0x4310]  }
0x110: {  	v20 =	vld [tilespmem:s14+$0x4320]  }
0x111: {  	v22 =	vld [tilespmem:s14+$0x4330];
	v21 =	vperm.xlane v17, v1  }
0x112: {  	v23 =	vld [tilespmem:s14+$0x4340]  }
0x113: {  	v24 =	vld [tilespmem:s14+$0x4350];
	v18 =	vmul.f32 v18, v21  }
0x114: {  	v25 =	vld [tilespmem:s14+$0x4360];
	v19 =	vmul.f32 v19, v21  }
0x115: {  	v38 =	vld [tilespmem:s14+$0x4370];
	[tilespmem:s14+$0x4300] =	vst v18;
	v18 =	vmul.f32 v20, v21  }
0x116: {  	v39 =	vld [tilespmem:s14+$0x4380];
	[tilespmem:s14+$0x4310] =	vst v19;
	v19 =	vmul.f32 v22, v21  }
0x117: {  	v40 =	vld [tilespmem:s14+$0x4390];
	[tilespmem:s14+$0x4320] =	vst v18;
	v18 =	vmul.f32 v23, v21  }
0x118: {  	v41 =	vld [tilespmem:s14+$0x43A0];
	[tilespmem:s14+$0x4330] =	vst v19;
	v19 =	vmul.f32 v24, v21  }
0x119: {  	v26 =	vld [tilespmem:s14+$0x43B0];
	v42 =	vperm.xlane v17, v2;
	[tilespmem:s14+$0x4340] =	vst v18;
	v18 =	vmul.f32 v25, v21  }
0x11a: {  	v43 =	vld [tilespmem:s14+$0x43C0];
	[tilespmem:s14+$0x4350] =	vst v19;
	v19 =	vmul.f32 v38, v21  }
0x11b: {  	v44 =	vld [tilespmem:s14+$0x43D0];
	[tilespmem:s14+$0x4360] =	vst v18;
	v18 =	vmul.f32 v39, v42  }
0x11c: {  	v45 =	vld [tilespmem:s14+$0x43E0];
	[tilespmem:s14+$0x4370] =	vst v19;
	v19 =	vmul.f32 v40, v42  }
0x11d: {  	v46 =	vld [tilespmem:s14+$0x43F0];
	[tilespmem:s14+$0x4380] =	vst v18;
	v18 =	vmul.f32 v41, v42  }
0x11e: {  	v47 =	vld [tilespmem:s14+$0x4400];
	[tilespmem:s14+$0x4390] =	vst v19;
	v19 =	vmul.f32 v26, v42  }
0x11f: {  	v48 =	vld [tilespmem:s14+$0x4410];
	[tilespmem:s14+$0x43A0] =	vst v18;
	v18 =	vmul.f32 v43, v42  }
0x120: {  	v49 =	vld [tilespmem:s14+$0x4420];
	[tilespmem:s14+$0x43B0] =	vst v19;
	v19 =	vmul.f32 v44, v42  }
0x121: {  	v51 =	vld [tilespmem:s14+$0x4430];
	v50 =	vperm.xlane v17, v3;
	[tilespmem:s14+$0x43C0] =	vst v18;
	v18 =	vmul.f32 v45, v42  }
0x122: {  	v52 =	vld [tilespmem:s14+$0x4440];
	[tilespmem:s14+$0x43D0] =	vst v19;
	v19 =	vmul.f32 v46, v42  }
0x123: {  	v53 =	vld [tilespmem:s14+$0x4450];
	[tilespmem:s14+$0x43E0] =	vst v18;
	v18 =	vmul.f32 v47, v50  }
0x124: {  	v54 =	vld [tilespmem:s14+$0x4460];
	[tilespmem:s14+$0x43F0] =	vst v19;
	v19 =	vmul.f32 v48, v50  }
0x125: {  	v55 =	vld [tilespmem:s14+$0x4470];
	[tilespmem:s14+$0x4400] =	vst v18;
	v18 =	vmul.f32 v49, v50  }
0x126: {  	v56 =	vld [tilespmem:s14+$0x4480];
	[tilespmem:s14+$0x4410] =	vst v19;
	v19 =	vmul.f32 v51, v50  }
0x127: {  	v57 =	vld [tilespmem:s14+$0x4490];
	[tilespmem:s14+$0x4420] =	vst v18;
	v18 =	vmul.f32 v52, v50  }
0x128: {  	v58 =	vld [tilespmem:s14+$0x44A0];
	[tilespmem:s14+$0x4430] =	vst v19;
	v19 =	vmul.f32 v53, v50  }
0x129: {  	v60 =	vld [tilespmem:s14+$0x44B0];
	v59 =	vperm.xlane v17, v4;
	[tilespmem:s14+$0x4440] =	vst v18;
	v18 =	vmul.f32 v54, v50  }
0x12a: {  	v61 =	vld [tilespmem:s14+$0x44C0];
	[tilespmem:s14+$0x4450] =	vst v19;
	v19 =	vmul.f32 v55, v50  }
0x12b: {  	v62 =	vld [tilespmem:s14+$0x44D0];
	[tilespmem:s14+$0x4460] =	vst v18;
	v18 =	vmul.f32 v56, v59  }
0x12c: {  	v63 =	vld [tilespmem:s14+$0x44E0];
	[tilespmem:s14+$0x4470] =	vst v19;
	v19 =	vmul.f32 v57, v59  }
0x12d: {  	v28 =	vld [tilespmem:s14+$0x44F0];
	[tilespmem:s14+$0x4480] =	vst v18;
	v18 =	vmul.f32 v58, v59  }
0x12e: {  	v29 =	vld [tilespmem:s14+$0x4500];
	[tilespmem:s14+$0x4490] =	vst v19;
	v19 =	vmul.f32 v60, v59  }
0x12f: {  	v30 =	vld [tilespmem:s14+$0x4510];
	[tilespmem:s14+$0x44A0] =	vst v18;
	v18 =	vmul.f32 v61, v59  }
0x130: {  	v31 =	vld [tilespmem:s14+$0x4520];
	[tilespmem:s14+$0x44B0] =	vst v19;
	v19 =	vmul.f32 v62, v59  }
0x131: {  	v33 =	vld [tilespmem:s14+$0x4530];
	v32 =	vperm.xlane v17, v5;
	[tilespmem:s14+$0x44C0] =	vst v18;
	v18 =	vmul.f32 v63, v59  }
0x132: {  	v34 =	vld [tilespmem:s14+$0x4540];
	[tilespmem:s14+$0x44D0] =	vst v19;
	v19 =	vmul.f32 v28, v59  }
0x133: {  	v35 =	vld [tilespmem:s14+$0x4550];
	[tilespmem:s14+$0x44E0] =	vst v18;
	v18 =	vmul.f32 v29, v32  }
0x134: {  	v36 =	vld [tilespmem:s14+$0x4560];
	[tilespmem:s14+$0x44F0] =	vst v19;
	v19 =	vmul.f32 v30, v32  }
0x135: {  	v37 =	vld [tilespmem:s14+$0x4570];
	[tilespmem:s14+$0x4500] =	vst v18;
	v18 =	vmul.f32 v31, v32  }
0x136: {  	v38 =	vld [tilespmem:s14+$0x4580];
	[tilespmem:s14+$0x4510] =	vst v19;
	v19 =	vmul.f32 v33, v32  }
0x137: {  	v39 =	vld [tilespmem:s14+$0x4590];
	[tilespmem:s14+$0x4520] =	vst v18;
	v18 =	vmul.f32 v34, v32  }
0x138: {  	v40 =	vld [tilespmem:s14+$0x45A0];
	[tilespmem:s14+$0x4530] =	vst v19;
	v19 =	vmul.f32 v35, v32  }
0x139: {  	v41 =	vperm.xlane v17, v6;
	v42 =	vld [tilespmem:s14+$0x45B0];
	[tilespmem:s14+$0x4540] =	vst v18;
	v18 =	vmul.f32 v36, v32  }
0x13a: {  	v43 =	vld [tilespmem:s14+$0x45C0];
	[tilespmem:s14+$0x4550] =	vst v19;
	v19 =	vmul.f32 v37, v32  }
0x13b: {  	v44 =	vld [tilespmem:s14+$0x45D0];
	[tilespmem:s14+$0x4560] =	vst v18;
	v18 =	vmul.f32 v38, v41  }
0x13c: {  	v45 =	vld [tilespmem:s14+$0x45E0];
	[tilespmem:s14+$0x4570] =	vst v19;
	v19 =	vmul.f32 v39, v41  }
0x13d: {  	v46 =	vld [tilespmem:s14+$0x45F0];
	[tilespmem:s14+$0x4580] =	vst v18;
	v18 =	vmul.f32 v40, v41  }
0x13e: {  	v47 =	vld [tilespmem:s14+$0x4600];
	[tilespmem:s14+$0x4590] =	vst v19;
	v19 =	vmul.f32 v42, v41  }
0x13f: {  	v48 =	vld [tilespmem:s14+$0x4610];
	[tilespmem:s14+$0x45A0] =	vst v18;
	v18 =	vmul.f32 v43, v41  }
0x140: {  	v49 =	vld [tilespmem:s14+$0x4620];
	[tilespmem:s14+$0x45B0] =	vst v19;
	v19 =	vmul.f32 v44, v41  }
0x141: {  	v51 =	vld [tilespmem:s14+$0x4630];
	v50 =	vperm.xlane v17, v7;
	[tilespmem:s14+$0x45C0] =	vst v18;
	v18 =	vmul.f32 v45, v41  }
0x142: {  	v52 =	vld [tilespmem:s14+$0x4640];
	[tilespmem:s14+$0x45D0] =	vst v19;
	v19 =	vmul.f32 v46, v41  }
0x143: {  	v53 =	vld [tilespmem:s14+$0x4650];
	[tilespmem:s14+$0x45E0] =	vst v18;
	v18 =	vmul.f32 v47, v50  }
0x144: {  	v54 =	vld [tilespmem:s14+$0x4660];
	[tilespmem:s14+$0x45F0] =	vst v19;
	v19 =	vmul.f32 v48, v50  }
0x145: {  	v55 =	vld [tilespmem:s14+$0x4670];
	[tilespmem:s14+$0x4600] =	vst v18;
	v18 =	vmul.f32 v49, v50  }
0x146: {  	v56 =	vld [tilespmem:s14+$0x4680];
	[tilespmem:s14+$0x4610] =	vst v19;
	v19 =	vmul.f32 v51, v50  }
0x147: {  	v57 =	vld [tilespmem:s14+$0x4690];
	[tilespmem:s14+$0x4620] =	vst v18;
	v18 =	vmul.f32 v52, v50  }
0x148: {  	v58 =	vld [tilespmem:s14+$0x46A0];
	[tilespmem:s14+$0x4630] =	vst v19;
	v19 =	vmul.f32 v53, v50  }
0x149: {  	v60 =	vld [tilespmem:s14+$0x46B0];
	v59 =	vperm.xlane v17, v8;
	[tilespmem:s14+$0x4640] =	vst v18;
	v18 =	vmul.f32 v54, v50  }
0x14a: {  	v61 =	vld [tilespmem:s14+$0x46C0];
	[tilespmem:s14+$0x4650] =	vst v19;
	v19 =	vmul.f32 v55, v50  }
0x14b: {  	v62 =	vld [tilespmem:s14+$0x46D0];
	[tilespmem:s14+$0x4660] =	vst v18;
	v18 =	vmul.f32 v56, v59  }
0x14c: {  	v63 =	vld [tilespmem:s14+$0x46E0];
	[tilespmem:s14+$0x4670] =	vst v19;
	v19 =	vmul.f32 v57, v59  }
0x14d: {  	v28 =	vld [tilespmem:s14+$0x46F0];
	[tilespmem:s14+$0x4680] =	vst v18;
	v18 =	vmul.f32 v58, v59  }
0x14e: {  	v29 =	vld [tilespmem:s14+$0x4700];
	[tilespmem:s14+$0x4690] =	vst v19;
	v19 =	vmul.f32 v60, v59  }
0x14f: {  	v30 =	vld [tilespmem:s14+$0x4710];
	[tilespmem:s14+$0x46A0] =	vst v18;
	v18 =	vmul.f32 v61, v59  }
0x150: {  	v31 =	vld [tilespmem:s14+$0x4720];
	[tilespmem:s14+$0x46B0] =	vst v19;
	v19 =	vmul.f32 v62, v59  }
0x151: {  	v33 =	vld [tilespmem:s14+$0x4730];
	v32 =	vperm.xlane v17, v9;
	[tilespmem:s14+$0x46C0] =	vst v18;
	v18 =	vmul.f32 v63, v59  }
0x152: {  	v34 =	vld [tilespmem:s14+$0x4740];
	[tilespmem:s14+$0x46D0] =	vst v19;
	v19 =	vmul.f32 v28, v59  }
0x153: {  	v35 =	vld [tilespmem:s14+$0x4750];
	[tilespmem:s14+$0x46E0] =	vst v18;
	v18 =	vmul.f32 v29, v32  }
0x154: {  	v36 =	vld [tilespmem:s14+$0x4760];
	[tilespmem:s14+$0x46F0] =	vst v19;
	v19 =	vmul.f32 v30, v32  }
0x155: {  	v37 =	vld [tilespmem:s14+$0x4770];
	[tilespmem:s14+$0x4700] =	vst v18;
	v18 =	vmul.f32 v31, v32  }
0x156: {  	v38 =	vld [tilespmem:s14+$0x4780];
	[tilespmem:s14+$0x4710] =	vst v19;
	v19 =	vmul.f32 v33, v32  }
0x157: {  	v39 =	vld [tilespmem:s14+$0x4790];
	[tilespmem:s14+$0x4720] =	vst v18;
	v18 =	vmul.f32 v34, v32  }
0x158: {  	v40 =	vld [tilespmem:s14+$0x47A0];
	[tilespmem:s14+$0x4730] =	vst v19;
	v19 =	vmul.f32 v35, v32  }
0x159: {  	v42 =	vld [tilespmem:s14+$0x47B0];
	v41 =	vperm.xlane v17, v10;
	[tilespmem:s14+$0x4740] =	vst v18;
	v18 =	vmul.f32 v36, v32  }
0x15a: {  	v43 =	vld [tilespmem:s14+$0x47C0];
	[tilespmem:s14+$0x4750] =	vst v19;
	v19 =	vmul.f32 v37, v32  }
0x15b: {  	v44 =	vld [tilespmem:s14+$0x47D0];
	[tilespmem:s14+$0x4760] =	vst v18;
	v18 =	vmul.f32 v38, v41  }
0x15c: {  	v45 =	vld [tilespmem:s14+$0x47E0];
	[tilespmem:s14+$0x4770] =	vst v19;
	v19 =	vmul.f32 v39, v41  }
0x15d: {  	v46 =	vld [tilespmem:s14+$0x47F0];
	[tilespmem:s14+$0x4780] =	vst v18;
	v18 =	vmul.f32 v40, v41  }
0x15e: {  	v47 =	vld [tilespmem:s14+$0x4800];
	[tilespmem:s14+$0x4790] =	vst v19;
	v19 =	vmul.f32 v42, v41  }
0x15f: {  	v48 =	vld [tilespmem:s14+$0x4810];
	[tilespmem:s14+$0x47A0] =	vst v18;
	v18 =	vmul.f32 v43, v41  }
0x160: {  	v49 =	vld [tilespmem:s14+$0x4820];
	[tilespmem:s14+$0x47B0] =	vst v19;
	v19 =	vmul.f32 v44, v41  }
0x161: {  	v51 =	vld [tilespmem:s14+$0x4830];
	v50 =	vperm.xlane v17, v11;
	[tilespmem:s14+$0x47C0] =	vst v18;
	v18 =	vmul.f32 v45, v41  }
0x162: {  	v52 =	vld [tilespmem:s14+$0x4840];
	[tilespmem:s14+$0x47D0] =	vst v19;
	v19 =	vmul.f32 v46, v41  }
0x163: {  	v53 =	vld [tilespmem:s14+$0x4850];
	[tilespmem:s14+$0x47E0] =	vst v18;
	v18 =	vmul.f32 v47, v50  }
0x164: {  	v54 =	vld [tilespmem:s14+$0x4860];
	[tilespmem:s14+$0x47F0] =	vst v19;
	v19 =	vmul.f32 v48, v50  }
0x165: {  	v55 =	vld [tilespmem:s14+$0x4870];
	[tilespmem:s14+$0x4800] =	vst v18;
	v18 =	vmul.f32 v49, v50  }
0x166: {  	v56 =	vld [tilespmem:s14+$0x4880];
	[tilespmem:s14+$0x4810] =	vst v19;
	v19 =	vmul.f32 v51, v50  }
0x167: {  	v57 =	vld [tilespmem:s14+$0x4890];
	[tilespmem:s14+$0x4820] =	vst v18;
	v18 =	vmul.f32 v52, v50  }
0x168: {  	v58 =	vld [tilespmem:s14+$0x48A0];
	[tilespmem:s14+$0x4830] =	vst v19;
	v19 =	vmul.f32 v53, v50  }
0x169: {  	v60 =	vld [tilespmem:s14+$0x48B0];
	v59 =	vperm.xlane v17, v12;
	[tilespmem:s14+$0x4840] =	vst v18;
	v18 =	vmul.f32 v54, v50  }
0x16a: {  	v61 =	vld [tilespmem:s14+$0x48C0];
	[tilespmem:s14+$0x4850] =	vst v19;
	v19 =	vmul.f32 v55, v50  }
0x16b: {  	v62 =	vld [tilespmem:s14+$0x48D0];
	[tilespmem:s14+$0x4860] =	vst v18;
	v18 =	vmul.f32 v56, v59  }
0x16c: {  	v63 =	vld [tilespmem:s14+$0x48E0];
	[tilespmem:s14+$0x4870] =	vst v19;
	v19 =	vmul.f32 v57, v59  }
0x16d: {  	v28 =	vld [tilespmem:s14+$0x48F0];
	[tilespmem:s14+$0x4880] =	vst v18;
	v18 =	vmul.f32 v58, v59  }
0x16e: {  	v29 =	vld [tilespmem:s14+$0x4900];
	[tilespmem:s14+$0x4890] =	vst v19;
	v19 =	vmul.f32 v60, v59  }
0x16f: {  	v30 =	vld [tilespmem:s14+$0x4910];
	[tilespmem:s14+$0x48A0] =	vst v18;
	v18 =	vmul.f32 v61, v59  }
0x170: {  	v31 =	vld [tilespmem:s14+$0x4920];
	[tilespmem:s14+$0x48B0] =	vst v19;
	v19 =	vmul.f32 v62, v59  }
0x171: {  	v33 =	vld [tilespmem:s14+$0x4930];
	v32 =	vperm.xlane v17, v13;
	[tilespmem:s14+$0x48C0] =	vst v18;
	v18 =	vmul.f32 v63, v59  }
0x172: {  	v34 =	vld [tilespmem:s14+$0x4940];
	[tilespmem:s14+$0x48D0] =	vst v19;
	v19 =	vmul.f32 v28, v59  }
0x173: {  	v35 =	vld [tilespmem:s14+$0x4950];
	[tilespmem:s14+$0x48E0] =	vst v18;
	v18 =	vmul.f32 v29, v32  }
0x174: {  	v36 =	vld [tilespmem:s14+$0x4960];
	[tilespmem:s14+$0x48F0] =	vst v19;
	v19 =	vmul.f32 v30, v32  }
0x175: {  	v37 =	vld [tilespmem:s14+$0x4970];
	[tilespmem:s14+$0x4900] =	vst v18;
	v18 =	vmul.f32 v31, v32  }
0x176: {  	v38 =	vld [tilespmem:s14+$0x4980];
	[tilespmem:s14+$0x4910] =	vst v19;
	v19 =	vmul.f32 v33, v32  }
0x177: {  	v39 =	vld [tilespmem:s14+$0x4990];
	[tilespmem:s14+$0x4920] =	vst v18;
	v18 =	vmul.f32 v34, v32  }
0x178: {  	v40 =	vld [tilespmem:s14+$0x49A0];
	[tilespmem:s14+$0x4930] =	vst v19;
	v19 =	vmul.f32 v35, v32  }
0x179: {  	v42 =	vld [tilespmem:s14+$0x49B0];
	v41 =	vperm.xlane v17, v14;
	[tilespmem:s14+$0x4940] =	vst v18;
	v18 =	vmul.f32 v36, v32  }
0x17a: {  	v43 =	vld [tilespmem:s14+$0x49C0];
	[tilespmem:s14+$0x4950] =	vst v19;
	v19 =	vmul.f32 v37, v32  }
0x17b: {  	v44 =	vld [tilespmem:s14+$0x49D0];
	[tilespmem:s14+$0x4960] =	vst v18;
	v18 =	vmul.f32 v38, v41  }
0x17c: {  	v45 =	vld [tilespmem:s14+$0x49E0];
	[tilespmem:s14+$0x4970] =	vst v19;
	v19 =	vmul.f32 v39, v41  }
0x17d: {  	v46 =	vld [tilespmem:s14+$0x49F0];
	[tilespmem:s14+$0x4980] =	vst v18;
	v18 =	vmul.f32 v40, v41  }
0x17e: {  	v47 =	vld [tilespmem:s14+$0x4A00];
	[tilespmem:s14+$0x4990] =	vst v19;
	v19 =	vmul.f32 v42, v41  }
0x17f: {  	v48 =	vld [tilespmem:s14+$0x4A10];
	[tilespmem:s14+$0x49A0] =	vst v18;
	v18 =	vmul.f32 v43, v41  }
0x180: {  	v49 =	vld [tilespmem:s14+$0x4A20];
	[tilespmem:s14+$0x49B0] =	vst v19;
	v19 =	vmul.f32 v44, v41  }
0x181: {  	v51 =	vld [tilespmem:s14+$0x4A30];
	v50 =	vperm.xlane v17, v15;
	[tilespmem:s14+$0x49C0] =	vst v18;
	v18 =	vmul.f32 v45, v41  }
0x182: {  	v52 =	vld [tilespmem:s14+$0x4A40];
	[tilespmem:s14+$0x49D0] =	vst v19;
	v19 =	vmul.f32 v46, v41  }
0x183: {  	v53 =	vld [tilespmem:s14+$0x4A50];
	[tilespmem:s14+$0x49E0] =	vst v18;
	v18 =	vmul.f32 v47, v50  }
0x184: {  	v54 =	vld [tilespmem:s14+$0x4A60];
	[tilespmem:s14+$0x49F0] =	vst v19;
	v19 =	vmul.f32 v48, v50  }
0x185: {  	v55 =	vld [tilespmem:s14+$0x4A70];
	[tilespmem:s14+$0x4A00] =	vst v18;
	v18 =	vmul.f32 v49, v50  }
0x186: {  	v56 =	vld [tilespmem:s14+$0x4A80];
	[tilespmem:s14+$0x4A10] =	vst v19;
	v19 =	vmul.f32 v51, v50  }
0x187: {  	v57 =	vld [tilespmem:s14+$0x4A90];
	[tilespmem:s14+$0x4A20] =	vst v18;
	v18 =	vmul.f32 v52, v50  }
0x188: {  	v58 =	vld [tilespmem:s14+$0x4AA0];
	[tilespmem:s14+$0x4A30] =	vst v19;
	v19 =	vmul.f32 v53, v50  }
0x189: {  	v17 =	vperm.xlane v17, v16;
	v59 =	vld [tilespmem:s14+$0x4AB0];
	[tilespmem:s14+$0x4A40] =	vst v18;
	v18 =	vmul.f32 v54, v50  }
0x18a: {  	v60 =	vld [tilespmem:s14+$0x4AC0];
	[tilespmem:s14+$0x4A50] =	vst v19;
	v19 =	vmul.f32 v55, v50  }
0x18b: {  	v61 =	vld [tilespmem:s14+$0x4AD0];
	[tilespmem:s14+$0x4A60] =	vst v18;
	v18 =	vmul.f32 v56, v17  }
0x18c: {  	v62 =	vld [tilespmem:s14+$0x4AE0];
	[tilespmem:s14+$0x4A70] =	vst v19;
	v19 =	vmul.f32 v57, v17  }
0x18d: {  	v63 =	vld [tilespmem:s14+$0x4AF0];
	[tilespmem:s14+$0x4A80] =	vst v18;
	v18 =	vmul.f32 v58, v17  }
0x18e: {  	[tilespmem:s14+$0x4A90] =	vst v19;
	v19 =	vmul.f32 v59, v17  }
0x18f: {  	p1 =	sne.s32 s13, $0x7;
	[tilespmem:s14+$0x4AA0] =	vst v18;
	v18 =	vmul.f32 v60, v17  }
.Ltmp4:
0x190: {  	[tilespmem:s14+$0x4AB0] =	vst v19;
	v19 =	vmul.f32 v61, v17;
	(pc) =	sbr.rel @p1 .LBB2_7-.Ltmp4, $4  }
0x191: {  	[tilespmem:s14+$0x4AC0] =	vst v18;
	v18 =	vmul.f32 v62, v17  }
0x192: {  	[tilespmem:s14+$0x4AD0] =	vst v19;
	v17 =	vmul.f32 v63, v17  }
0x193: {  	[tilespmem:s14+$0x4AE0] =	vst v18  }
0x194: {  	s13 =	sadd.s32 $0x1, s13;
	[tilespmem:s14+$0x4AF0] =	vst v17  }
.Ltmp5:
0x195: {  	(pc) =	sbr.rel @p0 .LBB2_10-.Ltmp5, $4  }
0x196: {  	[spmem:s3] =	stream.indirect.scatter.add.f32 [tilespmem:s26], [sflag:$0x5], $0x80, s29, s25, $0xb8;
	[tilespmem:$0x1C300] =	vst v63  }
0x197: {  	_ =	swait.ge [sflag:s24], $0x4000  }
0x198: {  	[sflag:s24] =	ssyncset.done $0x0  }
0x199: {  	[sflag:s24] =	ssyncadd.s32 $0xFFFFC000  }
0x19a: {  	s12 =	sadd.s32 s12, s20  }
0x19b: {  	s12 =	sshrl.u32 s12, $0x3  }
0x19c: {  	s13 =	sadd.s32 s6, s12  }
0x19d: {  	[tilespmem:s29], [sflag:$0x4] =	stream.linear.gather [hbm4b:s13+s4], $0x80, $0x38;
	[tilespmem:$0x1C300] =	vst v63  }
0x19e: {  	s16 =	sadd.s32 s2, s12  }
0x19f: {  	[tilespmem:s30], [sflag:$0x4] =	stream.linear.gather [hbm4b:s16+s4], $0x80, $0x38;
	[tilespmem:$0x1C300] =	vst v63  }
0x1a0: {  	s12 =	sadd.s32 s7, s12  }
0x1a1: {  	[tilespmem:s31], [sflag:$0x4] =	stream.linear.gather [hbm4b:s12+s4], $0x80, $0x38;
	[tilespmem:$0x1C300] =	vst v63  }
0x1a2: {  	_ =	swait.ge [sflag:s0], $0x80  }
0x1a3: {  	[sflag:s0] =	ssyncset.done $0x0  }
0x1a4: {  	[sflag:s0] =	ssyncadd.s32 $0xFFFFFF80  }
0x1a5: {  	_ =	swait.ge [sflag:s0], $0x80  }
0x1a6: {  	[sflag:s0] =	ssyncset.done $0x0  }
.Ltmp6:
0x1a7: {  	[sflag:s0] =	ssyncadd.s32 $0xFFFFFF80;
	(pc) =	sbr.rel .LBB2_4-.Ltmp6, $4  }
0x1a8: {  	_ =	swait.ge [sflag:s0], $0x80  }
0x1a9: {  	[sflag:s0] =	ssyncset.done $0x0  }
0x1aa: {  	s11 =	sadd.s32 $0x1, s11;
	[sflag:s0] =	ssyncadd.s32 $0xFFFFFF80  }
0x1ab: {  	[tilespmem:s26], [sflag:$0x2] =	stream.indirect.gather [hbm4b:s5+s25], $0x80, s30, s25, $0xb8;
	[tilespmem:$0x1C300] =	vst v63  }
.LBB2_11:
0x1ac: {  	_ =	sfence.sel $0x180000  }
0x1ad: {  	[bflag:$0x0] =	sbarrier.arrive $0xFFFF  }
0x1ae: {  	_ =	strace $0x90000047  }
0x1af: {  	s0 =	stileid.u32;
	[bflag:$0x2] =	sbarrier.arrive $0xFFFF  }
0x1b0: {  	p0 =	sne.s32 s0, $0x0;
	s0 =	rddreg [dreg:$0x3]  }
0x1b1: {  	s0 =	sadd.s32 @!p0 $0x100000, s0  }
0x1b2: {  	[sflag:s0] =	ssyncadd.tile.s32 @!p0 $0x1;
	_ =	shalt  }
.Lfunc_end2:
_tile_overlayer_lowered:
.L_overlay_start_2:
0x1b3: {  	(tag) =	ssettag $0x2  }
0x1b4: {  	s0 =	rddreg [dreg:$0x0];
	s2 =	stileid.u32  }
0x1b5: {  	s1 =	rddreg [dreg:$0x1];
	p0 =	sne.s32 s2, $0x0  }
0x1b6: {  	s3 =	rddreg [dreg:$0x2];
	[bflag:$0x3] =	sbarrier.arrive $0xFFFF;
	s2 =	simm.s32 @!p0 $0x1C05  }
0x1b7: {  	[timem:s3], [sflag:s2] =	dma.local @!p0 [hbm:s0], s1  }
0x1b8: {  	s0 =	simm.s32 @!p0 $0x5  }
0x1b9: {  	_ =	swait.ge @!p0 [sflag:s0], s1  }
0x1ba: {  	s1 =	ssub.s32 @!p0 $0x0, s1;
	[sflag:s0] =	ssyncset.done @!p0 $0x0  }
0x1bb: {  	[sflag:s0] =	ssyncadd.s32 @!p0 s1  }
0x1bc: {  	[bflag:$0x3] =	sbarrier.arrive $0xFFFF  }
0x1bd: {  	_ =	shalt  }

</sc_bundles>
